<compile_context>
chip_gen: v7x
topology: tpu7x:2x2x1
jax: 0.10.2.dev20260603
libtpu: 0.0.44.dev20260713+nightly
codegen_flags: <defaults>
</compile_context>

<pallas_src>
import functools

import jax
import jax.numpy as jnp
from jax import lax
from jax.experimental import pallas as pl
from jax.experimental.pallas import tpu as pltpu
from jax.experimental.pallas import tpu_sc as plsc

N = 10000
E = 320000
D = 128
G = 32
C = 10
EPS = 1e-5

NC = 2
NS = 16
NW = NC * NS
K = 128
CHUNKS = 80
CHUNKS2 = 160
E_PAD = NW * CHUNKS * K
DH = D // 2
PAD_ROWS = 8
RPT = 632
N_PAD = NS * RPT
RPT1 = 1024
N_PAD1 = NS * RPT1

BLK = 1000
NBLK = N // BLK



def _make_edge_kernel():
    mesh = plsc.VectorSubcoreMesh(core_axis_name="c", subcore_axis_name="s")

    nbuf = 4
    half = nbuf // 2

    @functools.partial(
        pl.kernel,
        out_type=jax.ShapeDtypeStruct((NC, N_PAD, DH), jnp.float32),
        mesh=mesh,
        scratch_types=[
            pltpu.VMEM((CHUNKS2, K), jnp.int32),
            pltpu.VMEM((CHUNKS2, K), jnp.int32),
            [pltpu.VMEM((K, DH), jnp.float32)] * nbuf,
            [pltpu.SemaphoreType.DMA] * nbuf,
            pltpu.VMEM_SHARED((N_PAD, DH), jnp.float32),
        ],
        compiler_params=pltpu.CompilerParams(use_tc_tiling_on_sc=False),
    )
    def edge_kernel(hs2, srcg, dstg, zblk, out, srcv, dstv, bufs, sems, acc):
        c = lax.axis_index("c")
        s = lax.axis_index("s")
        pltpu.sync_copy(srcg.at[c, s], srcv)
        pltpu.sync_copy(dstg.at[s], dstv)
        pltpu.sync_copy(zblk, acc.at[pl.ds(s * RPT, RPT)])
        plsc.subcore_barrier()

        for q in range(half):
            pltpu.async_copy(hs2.at[srcv.at[q]], bufs[q], sems[q])

        def body(i, carry):
            for q in range(nbuf):
                j = nbuf * i + q
                pltpu.make_async_copy(hs2.at[srcv.at[j]], bufs[q],
                                      sems[q]).wait()
                pltpu.async_copy(bufs[q], acc.at[dstv.at[j]], sems[q],
                                 add=True)
                p = (q + half) % nbuf
                jp = j + half

                def _wait_prev(p=p, j=j):
                    pltpu.make_async_copy(
                        bufs[p], acc.at[dstv.at[j - half]], sems[p]).wait()

                if q < half:
                    pl.when(i > 0)(_wait_prev)
                else:
                    _wait_prev()

                @pl.when(jp < CHUNKS2)
                def _(p=p, jp=jp):
                    pltpu.async_copy(hs2.at[srcv.at[jp]], bufs[p], sems[p])
            return carry

        lax.fori_loop(0, CHUNKS2 // nbuf, body, 0)
        for q in range(half, nbuf):
            pltpu.make_async_copy(
                bufs[q], acc.at[dstv.at[CHUNKS2 - nbuf + q]], sems[q]).wait()
        plsc.subcore_barrier()
        pltpu.sync_copy(acc.at[pl.ds(s * RPT, RPT)],
                        out.at[c, pl.ds(s * RPT, RPT)])

    return edge_kernel


def _make_deg_kernel():
    mesh = plsc.VectorSubcoreMesh(core_axis_name="c", subcore_axis_name="s")

    @functools.partial(
        pl.kernel,
        out_type=jax.ShapeDtypeStruct((NC * N_PAD1,), jnp.float32),
        mesh=mesh,
        scratch_types=[
            pltpu.VMEM((CHUNKS, K), jnp.int32),
            pltpu.VMEM((K,), jnp.float32),
            pltpu.VMEM_SHARED((N_PAD1,), jnp.float32),
        ],
        compiler_params=pltpu.CompilerParams(use_tc_tiling_on_sc=False),
    )
    def deg_kernel(dstg, z1, out, dstv, onesv, dacc):
        c = lax.axis_index("c")
        s = lax.axis_index("s")
        wid = c * NS + s
        pltpu.sync_copy(dstg.at[wid], dstv)
        for i in range(K // 16):
            onesv[pl.ds(16 * i, 16)] = jnp.full((16,), 1.0, jnp.float32)
        pltpu.sync_copy(z1, dacc.at[pl.ds(s * RPT1, RPT1)])
        plsc.subcore_barrier()

        def body(j, carry):
            pltpu.sync_copy(onesv, dacc.at[dstv.at[j]], add=True)
            return carry

        lax.fori_loop(0, CHUNKS, body, 0)
        plsc.subcore_barrier()
        pltpu.sync_copy(dacc.at[pl.ds(s * RPT1, RPT1)],
                        out.at[pl.ds(c * N_PAD1 + s * RPT1, RPT1)])

    return deg_kernel


_edge_call = _make_edge_kernel()
_deg_call = _make_deg_kernel()



def _mm_body(h_ref, w_ref, b_ref, d0_ref, d1_ref, hs_ref, selfb_ref):
    deg = d0_ref[...] + d1_ref[...] + 1.0
    inv = lax.rsqrt(deg)
    hw = jnp.dot(h_ref[...], w_ref[...], preferred_element_type=jnp.float32)
    hs_ref[...] = hw * inv
    selfb_ref[...] = hw * (inv * inv) + b_ref[...]


def _mm_call(h, w, b, d0, d1):
    return pl.pallas_call(
        _mm_body,
        grid=(NBLK,),
        in_specs=[
            pl.BlockSpec((BLK, D), lambda i: (i, 0)),
            pl.BlockSpec((D, D), lambda i: (0, 0)),
            pl.BlockSpec((1, D), lambda i: (0, 0)),
            pl.BlockSpec((BLK, 1), lambda i: (i, 0)),
            pl.BlockSpec((BLK, 1), lambda i: (i, 0)),
        ],
        out_specs=[
            pl.BlockSpec((BLK, D), lambda i: (i, 0)),
            pl.BlockSpec((BLK, D), lambda i: (i, 0)),
        ],
        out_shape=[
            jax.ShapeDtypeStruct((N, D), jnp.float32),
            jax.ShapeDtypeStruct((N, D), jnp.float32),
        ],
    )(h, w, b, d0, d1)


def _sum_body(a0_ref, a1_ref, selfb_ref, d0_ref, d1_ref, out_ref, st_ref):
    i = pl.program_id(0)
    deg = d0_ref[...] + d1_ref[...] + 1.0
    inv = lax.rsqrt(deg)
    a0 = a0_ref[...].reshape(BLK, DH)
    a1 = a1_ref[...].reshape(BLK, DH)
    o = jnp.concatenate([a0, a1], axis=1) * inv + selfb_ref[...]
    out_ref[...] = o

    @pl.when(i == 0)
    def _():
        st_ref[...] = jnp.zeros_like(st_ref)

    s1 = jnp.sum(o, axis=0, keepdims=True)
    s2 = jnp.sum(o * o, axis=0, keepdims=True)
    st_ref[...] += jnp.concatenate([s1, s2], axis=0)


def _sum_call(accp, selfb, d0, d1):
    return pl.pallas_call(
        _sum_body,
        grid=(NBLK,),
        in_specs=[
            pl.BlockSpec((1, BLK, DH), lambda i: (0, i, 0)),
            pl.BlockSpec((1, BLK, DH), lambda i: (1, i, 0)),
            pl.BlockSpec((BLK, D), lambda i: (i, 0)),
            pl.BlockSpec((BLK, 1), lambda i: (i, 0)),
            pl.BlockSpec((BLK, 1), lambda i: (i, 0)),
        ],
        out_specs=[
            pl.BlockSpec((BLK, D), lambda i: (i, 0)),
            pl.BlockSpec((2, D), lambda i: (0, 0)),
        ],
        out_shape=[
            jax.ShapeDtypeStruct((N, D), jnp.float32),
            jax.ShapeDtypeStruct((2, D), jnp.float32),
        ],
    )(accp, accp, selfb, d0, d1)


def _bn_from_stats(o, st, g, be):
    mean = st[0:1, :] * (1.0 / N)
    var = st[1:2, :] * (1.0 / N) - mean * mean
    scale = lax.rsqrt(var + EPS) * g
    return jnp.maximum((o - mean) * scale + be, 0.0)


def _pool_accumulate(i, h, br_ref, bc_ref, mx_ref, sm_ref, cnt_ref):
    neg_inf = jnp.float32(-jnp.inf)

    @pl.when(i == 0)
    def _():
        mx_ref[...] = jnp.full((G, D), neg_inf, jnp.float32)
        sm_ref[...] = jnp.zeros((G, D), jnp.float32)
        if cnt_ref is not None:
            cnt_ref[...] = jnp.zeros((G, 1), jnp.float32)

    bc = bc_ref[...].reshape(1, BLK)
    masks = (lax.broadcasted_iota(jnp.int32, (G, BLK), 0) == bc
             ).astype(jnp.float32)
    sm_ref[...] += jnp.dot(masks, h, preferred_element_type=jnp.float32)
    if cnt_ref is not None:
        cnt_ref[...] += jnp.sum(masks, axis=1, keepdims=True)
    br = br_ref[...]
    bmin = jnp.min(br)
    bmax = jnp.max(br)
    for gi in range(G):
        @pl.when((bmin <= gi) & (gi <= bmax))
        def _(gi=gi):
            m = br == gi
            blk_max = jnp.max(jnp.where(m, h, neg_inf), axis=0,
                              keepdims=True)
            mx_ref[gi:gi + 1, :] = jnp.maximum(mx_ref[gi:gi + 1, :], blk_max)


def _bn_pool_mm_body(o_ref, st_ref, g_ref, be_ref, br_ref, bc_ref, w_ref,
                     b_ref, d0_ref, d1_ref, hs_ref, selfb_ref, mx_ref,
                     sm_ref, cnt_ref):
    i = pl.program_id(0)
    h = _bn_from_stats(o_ref[...], st_ref[...], g_ref[...], be_ref[...])
    _pool_accumulate(i, h, br_ref, bc_ref, mx_ref, sm_ref, cnt_ref)
    deg = d0_ref[...] + d1_ref[...] + 1.0
    inv = lax.rsqrt(deg)
    hw = jnp.dot(h, w_ref[...], preferred_element_type=jnp.float32)
    hs_ref[...] = hw * inv
    selfb_ref[...] = hw * (inv * inv) + b_ref[...]


def _bn_pool_mm_call(o, st, g, be, br, bc, w, b, d0, d1):
    return pl.pallas_call(
        _bn_pool_mm_body,
        grid=(NBLK,),
        in_specs=[
            pl.BlockSpec((BLK, D), lambda i: (i, 0)),
            pl.BlockSpec((2, D), lambda i: (0, 0)),
            pl.BlockSpec((1, D), lambda i: (0, 0)),
            pl.BlockSpec((1, D), lambda i: (0, 0)),
            pl.BlockSpec((BLK, 1), lambda i: (i, 0)),
            pl.BlockSpec((1, 1, BLK), lambda i: (i, 0, 0)),
            pl.BlockSpec((D, D), lambda i: (0, 0)),
            pl.BlockSpec((1, D), lambda i: (0, 0)),
            pl.BlockSpec((BLK, 1), lambda i: (i, 0)),
            pl.BlockSpec((BLK, 1), lambda i: (i, 0)),
        ],
        out_specs=[
            pl.BlockSpec((BLK, D), lambda i: (i, 0)),
            pl.BlockSpec((BLK, D), lambda i: (i, 0)),
            pl.BlockSpec((G, D), lambda i: (0, 0)),
            pl.BlockSpec((G, D), lambda i: (0, 0)),
            pl.BlockSpec((G, 1), lambda i: (0, 0)),
        ],
        out_shape=[
            jax.ShapeDtypeStruct((N, D), jnp.float32),
            jax.ShapeDtypeStruct((N, D), jnp.float32),
            jax.ShapeDtypeStruct((G, D), jnp.float32),
            jax.ShapeDtypeStruct((G, D), jnp.float32),
            jax.ShapeDtypeStruct((G, 1), jnp.float32),
        ],
    )(o, st, g, be, br, bc, w, b, d0, d1)


def _pool_only_body(o_ref, st_ref, g_ref, be_ref, br_ref, bc_ref,
                    mx_ref, sm_ref):
    i = pl.program_id(0)
    h = _bn_from_stats(o_ref[...], st_ref[...], g_ref[...], be_ref[...])
    _pool_accumulate(i, h, br_ref, bc_ref, mx_ref, sm_ref, None)


def _pool_only_call(o, st, g, be, br, bc):
    return pl.pallas_call(
        _pool_only_body,
        grid=(NBLK,),
        in_specs=[
            pl.BlockSpec((BLK, D), lambda i: (i, 0)),
            pl.BlockSpec((2, D), lambda i: (0, 0)),
            pl.BlockSpec((1, D), lambda i: (0, 0)),
            pl.BlockSpec((1, D), lambda i: (0, 0)),
            pl.BlockSpec((BLK, 1), lambda i: (i, 0)),
            pl.BlockSpec((1, 1, BLK), lambda i: (i, 0, 0)),
        ],
        out_specs=[
            pl.BlockSpec((G, D), lambda i: (0, 0)),
            pl.BlockSpec((G, D), lambda i: (0, 0)),
        ],
        out_shape=[
            jax.ShapeDtypeStruct((G, D), jnp.float32),
            jax.ShapeDtypeStruct((G, D), jnp.float32),
        ],
    )(o, st, g, be, br, bc)


def _fin_body(mx0_ref, sm0_ref, mx1_ref, sm1_ref, cnt_ref, wl_ref, bl_ref,
              out_ref):
    c = jnp.maximum(cnt_ref[...], 1.0)
    mean = (sm0_ref[...] + sm1_ref[...]) / c
    mxs = mx0_ref[...] + mx1_ref[...]
    acc = jnp.concatenate([mxs, mean], axis=1)
    out_ref[...] = jnp.dot(acc, wl_ref[...],
                           preferred_element_type=jnp.float32) + bl_ref[...]


def _fin_call(mx0, sm0, mx1, sm1, cnt, wlin, blin):
    return pl.pallas_call(
        _fin_body,
        out_shape=jax.ShapeDtypeStruct((G, C), jnp.float32),
    )(mx0, sm0, mx1, sm1, cnt, wlin, blin)



def kernel(x, edge_index, batch, W0, b0, W1, b1, W2, b2,
           g0, be0, g1, be1, g2, be2, Wlin, blin):
    src = edge_index[0]
    dst = edge_index[1]
    pad = E_PAD - E
    ar = jnp.arange(pad, dtype=jnp.int32)
    src_p = jnp.concatenate([src, ar])
    dst_p = jnp.concatenate([dst, N + (ar & (PAD_ROWS - 1))])
    srcg = jnp.stack([2 * src_p, 2 * src_p + 1]).reshape(NC, NS, CHUNKS2, K)
    dstg = dst_p.reshape(NS, CHUNKS2, K)
    dstgd = dstg.reshape(NW, CHUNKS, K)

    zblk = jnp.zeros((RPT, DH), jnp.float32)
    z1 = jnp.zeros((RPT1,), jnp.float32)

    degf = _deg_call(dstgd, z1)
    d0 = degf[:N].reshape(N, 1)
    d1 = degf[N_PAD1:N_PAD1 + N].reshape(N, 1)

    br = batch.reshape(N, 1)
    bc = batch.reshape(NBLK, 1, BLK)

    hs0, selfb0 = _mm_call(x, W0, b0.reshape(1, D), d0, d1)
    acc0 = _edge_call(hs0.reshape(2 * N, DH), srcg, dstg, zblk)
    o0, st0 = _sum_call(acc0, selfb0, d0, d1)
    hs1, selfb1, mx0, sm0, cnt = _bn_pool_mm_call(
        o0, st0, g0.reshape(1, D), be0.reshape(1, D), br, bc,
        W1, b1.reshape(1, D), d0, d1)
    acc1 = _edge_call(hs1.reshape(2 * N, DH), srcg, dstg, zblk)
    o1, st1 = _sum_call(acc1, selfb1, d0, d1)
    mx1, sm1 = _pool_only_call(o1, st1, g1.reshape(1, D),
                               be1.reshape(1, D), br, bc)
    return _fin_call(mx0, sm0, mx1, sm1, cnt, Wlin, blin.reshape(1, C))

# --- scband reference (transcript-rebuilt; emitter-appended) ---
"""Pipeline reference for scband-motif-pool-88175678587455 (READ-ONLY COPY).

The authoritative reference and input builder live on the scoring server;
editing this copy changes nothing except your own understanding.
"""

import jax, jax.numpy as jnp
import numpy as np

N = 10000
E = 320000
D = 128
H = 128
G = 32
C = 10
EPS = 1e-5
NUM_POOL_LAYERS = 2


def setup_inputs(seed: int = 0) -> dict:
    key = jax.random.key(seed)
    ks = jax.random.split(key, 12)
    x = jax.random.normal(ks[0], (N, D), dtype=jnp.float32)
    edge_index = jax.random.randint(ks[1], (2, E), 0, N, dtype=jnp.int32)
    batch = jnp.sort(jax.random.randint(ks[2], (N,), 0, G, dtype=jnp.int32))

    def w(k, shape):
        return (jax.random.normal(k, shape, dtype=jnp.float32) * 0.05).astype(jnp.float32)

    W0 = w(ks[3], (D, H)); b0 = jnp.zeros((H,), jnp.float32)
    W1 = w(ks[4], (H, H)); b1 = jnp.zeros((H,), jnp.float32)
    W2 = w(ks[5], (H, H)); b2 = jnp.zeros((H,), jnp.float32)
    g0 = jnp.ones((H,), jnp.float32); be0 = jnp.zeros((H,), jnp.float32)
    g1 = jnp.ones((H,), jnp.float32); be1 = jnp.zeros((H,), jnp.float32)
    g2 = jnp.ones((H,), jnp.float32); be2 = jnp.zeros((H,), jnp.float32)
    Wlin = w(ks[6], (2 * H, C)); blin = jnp.zeros((C,), jnp.float32)
    return {
        'x': x, 'edge_index': edge_index, 'batch': batch,
        'W0': W0, 'b0': b0, 'W1': W1, 'b1': b1, 'W2': W2, 'b2': b2,
        'g0': g0, 'be0': be0, 'g1': g1, 'be1': be1, 'g2': g2, 'be2': be2,
        'Wlin': Wlin, 'blin': blin,
    }


def _gcn_conv(h_in, W, b, src, dst, n):
    # GCNConv with self-loops: D^{-1/2} (A+I) D^{-1/2} (X W) + b
    h = h_in @ W
    deg = jnp.zeros((n,), jnp.float32).at[dst].add(1.0) + 1.0
    inv = jax.lax.rsqrt(deg)
    coef = inv[src] * inv[dst]
    msg = h[src] * coef[:, None]
    out = jnp.zeros_like(h).at[dst].add(msg)
    out = out + h * (inv * inv)[:, None]
    return out + b


def _bn(x, g, b):
    m = jnp.mean(x, axis=0)
    v = jnp.var(x, axis=0)
    return (x - m) * jax.lax.rsqrt(v + EPS) * g + b


def reference(x, edge_index, batch, W0, b0, W1, b1, W2, b2, g0, be0, g1, be1, g2, be2, Wlin, blin):
    src = edge_index[0]
    dst = edge_index[1]
    params = [(W0, b0, g0, be0), (W1, b1, g1, be1), (W2, b2, g2, be2)]
    hidden_rep = []
    h = x
    for layer in range(NUM_POOL_LAYERS + 1):
        Wl, bl, gl, bel = params[layer]
        h = jax.nn.relu(_bn(_gcn_conv(h, Wl, bl, src, dst, N), gl, bel))
        if layer < NUM_POOL_LAYERS:
            mx = jax.ops.segment_max(h, batch, num_segments=G)
            cnt = jax.ops.segment_sum(jnp.ones((N,), jnp.float32), batch, num_segments=G)
            mean = jax.ops.segment_sum(h, batch, num_segments=G) / jnp.clip(cnt, 1.0)[:, None]
            hidden_rep.append(jnp.concatenate([mx, mean], axis=1))
    acc = hidden_rep[0]
    for rep in hidden_rep[1:]:
        acc = acc + rep
    return acc @ Wlin + blin

if __name__ == "__main__":
    import jax
    _d = setup_inputs()
    print(jax.jit(kernel)(*tuple(_d.values())))

</pallas_src>

<mosaic_0001>
#map = affine_map<(d0, d1) -> (0, 0)>
#map1 = affine_map<(d0, d1) -> (0, 0, 0, 0)>
#map2 = affine_map<(d0, d1) -> (0, 0, 0)>
module attributes {stable_mosaic.version = 14 : i64} {
  func.func @edge_kernel(%arg0: i32, %arg1: i32, %arg2: memref<20000x64xf32, #tpu.memory_space<hbm>>, %arg3: memref<2x16x160x128xi32, #tpu.memory_space<hbm>>, %arg4: memref<16x160x128xi32, #tpu.memory_space<hbm>>, %arg5: memref<632x64xf32, #tpu.memory_space<hbm>>, %arg6: memref<2x10112x64xf32, #tpu.memory_space<hbm>>, %arg7: memref<160x128xi32, #tpu.memory_space<vmem>>, %arg8: memref<160x128xi32, #tpu.memory_space<vmem>>, %arg9: memref<128x64xf32, #tpu.memory_space<vmem>>, %arg10: memref<128x64xf32, #tpu.memory_space<vmem>>, %arg11: memref<128x64xf32, #tpu.memory_space<vmem>>, %arg12: memref<128x64xf32, #tpu.memory_space<vmem>>, %arg13: memref<!tpu.dma_semaphore, #tpu.memory_space<semaphore_mem>>, %arg14: memref<!tpu.dma_semaphore, #tpu.memory_space<semaphore_mem>>, %arg15: memref<!tpu.dma_semaphore, #tpu.memory_space<semaphore_mem>>, %arg16: memref<!tpu.dma_semaphore, #tpu.memory_space<semaphore_mem>>, %arg17: memref<10112x64xf32, #tpu.memory_space<vmem_shared>>) attributes {dimension_semantics = [#tpu.dimension_semantics<core_parallel>, #tpu.dimension_semantics<subcore_parallel>], iteration_bounds = array<i64: 2, 16>, scalar_prefetch = 0 : i64, scratch_operands = 11 : i64, tpu.core_type = #tpu.core_type<sc_vector_subcore>, window_params = [{transform_indices = #map}, {transform_indices = #map1}, {transform_indices = #map2}, {transform_indices = #map}, {transform_indices = #map2}]} {
    "tpu.region"() ({
      %run_scoped3A = tpu.sem_alloc : memref<!tpu.dma_semaphore, #tpu.memory_space<semaphore_mem>>
      %dma_start3A_37 = arith.constant 0 : i32
      %dma_start3A_38 = arith.constant 0 : i32
      %dma_start3A_39 = tpu.memref_slice %arg3[%arg0, %arg1, %dma_start3A_37, %dma_start3A_38] : memref<2x16x160x128xi32, #tpu.memory_space<hbm>> -> memref<1x1x160x128xi32, #tpu.memory_space<hbm>>
      %dma_start3A_40 = tpu.memref_squeeze %dma_start3A_39 : memref<1x1x160x128xi32, #tpu.memory_space<hbm>> -> memref<160x128xi32, #tpu.memory_space<hbm>>
      %dma_start3A_41 = arith.constant 0 : i32
      %dma_start3A_42 = arith.constant 0 : i32
      %dma_start3A_43 = tpu.memref_slice %arg3[%arg0, %arg1, %dma_start3A_41, %dma_start3A_42] : memref<2x16x160x128xi32, #tpu.memory_space<hbm>> -> memref<1x1x160x128xi32, #tpu.memory_space<hbm>>
      %dma_start3A_44 = tpu.memref_squeeze %dma_start3A_43 : memref<1x1x160x128xi32, #tpu.memory_space<hbm>> -> memref<160x128xi32, #tpu.memory_space<hbm>>
      tpu.enqueue_dma source(%dma_start3A_44 : memref<160x128xi32, #tpu.memory_space<hbm>>) target(%arg7 : memref<160x128xi32, #tpu.memory_space<vmem>>) target_semaphore(%run_scoped3A : memref<!tpu.dma_semaphore, #tpu.memory_space<semaphore_mem>>)
      %dma_wait3A_45 = arith.constant 0 : i32
      %dma_wait3A_46 = arith.constant 0 : i32
      %dma_wait3A_47 = tpu.memref_slice %arg3[%arg0, %arg1, %dma_wait3A_45, %dma_wait3A_46] : memref<2x16x160x128xi32, #tpu.memory_space<hbm>> -> memref<1x1x160x128xi32, #tpu.memory_space<hbm>>
      %dma_wait3A_48 = tpu.memref_squeeze %dma_wait3A_47 : memref<1x1x160x128xi32, #tpu.memory_space<hbm>> -> memref<160x128xi32, #tpu.memory_space<hbm>>
      %dma_wait3A_49 = arith.constant 0 : i32
      %dma_wait3A_50 = arith.constant 0 : i32
      %dma_wait3A_51 = tpu.memref_slice %arg3[%arg0, %arg1, %dma_wait3A_49, %dma_wait3A_50] : memref<2x16x160x128xi32, #tpu.memory_space<hbm>> -> memref<1x1x160x128xi32, #tpu.memory_space<hbm>>
      %dma_wait3A_52 = tpu.memref_squeeze %dma_wait3A_51 : memref<1x1x160x128xi32, #tpu.memory_space<hbm>> -> memref<160x128xi32, #tpu.memory_space<hbm>>
      tpu.wait_dma2 semaphore(%run_scoped3A : memref<!tpu.dma_semaphore, #tpu.memory_space<semaphore_mem>>) src(%dma_wait3A_52 : memref<160x128xi32, #tpu.memory_space<hbm>>) dst(%arg7 : memref<160x128xi32, #tpu.memory_space<vmem>>)
      tpu.yield
    }) : () -> ()
    "tpu.region"() ({
      %run_scoped3A = tpu.sem_alloc : memref<!tpu.dma_semaphore, #tpu.memory_space<semaphore_mem>>
      %dma_start3A_37 = arith.constant 0 : i32
      %dma_start3A_38 = arith.constant 0 : i32
      %dma_start3A_39 = tpu.memref_slice %arg4[%arg1, %dma_start3A_37, %dma_start3A_38] : memref<16x160x128xi32, #tpu.memory_space<hbm>> -> memref<1x160x128xi32, #tpu.memory_space<hbm>>
      %dma_start3A_40 = tpu.memref_squeeze %dma_start3A_39 : memref<1x160x128xi32, #tpu.memory_space<hbm>> -> memref<160x128xi32, #tpu.memory_space<hbm>>
      %dma_start3A_41 = arith.constant 0 : i32
      %dma_start3A_42 = arith.constant 0 : i32
      %dma_start3A_43 = tpu.memref_slice %arg4[%arg1, %dma_start3A_41, %dma_start3A_42] : memref<16x160x128xi32, #tpu.memory_space<hbm>> -> memref<1x160x128xi32, #tpu.memory_space<hbm>>
      %dma_start3A_44 = tpu.memref_squeeze %dma_start3A_43 : memref<1x160x128xi32, #tpu.memory_space<hbm>> -> memref<160x128xi32, #tpu.memory_space<hbm>>
      tpu.enqueue_dma source(%dma_start3A_44 : memref<160x128xi32, #tpu.memory_space<hbm>>) target(%arg8 : memref<160x128xi32, #tpu.memory_space<vmem>>) target_semaphore(%run_scoped3A : memref<!tpu.dma_semaphore, #tpu.memory_space<semaphore_mem>>)
      %dma_wait3A_45 = arith.constant 0 : i32
      %dma_wait3A_46 = arith.constant 0 : i32
      %dma_wait3A_47 = tpu.memref_slice %arg4[%arg1, %dma_wait3A_45, %dma_wait3A_46] : memref<16x160x128xi32, #tpu.memory_space<hbm>> -> memref<1x160x128xi32, #tpu.memory_space<hbm>>
      %dma_wait3A_48 = tpu.memref_squeeze %dma_wait3A_47 : memref<1x160x128xi32, #tpu.memory_space<hbm>> -> memref<160x128xi32, #tpu.memory_space<hbm>>
      %dma_wait3A_49 = arith.constant 0 : i32
      %dma_wait3A_50 = arith.constant 0 : i32
      %dma_wait3A_51 = tpu.memref_slice %arg4[%arg1, %dma_wait3A_49, %dma_wait3A_50] : memref<16x160x128xi32, #tpu.memory_space<hbm>> -> memref<1x160x128xi32, #tpu.memory_space<hbm>>
      %dma_wait3A_52 = tpu.memref_squeeze %dma_wait3A_51 : memref<1x160x128xi32, #tpu.memory_space<hbm>> -> memref<160x128xi32, #tpu.memory_space<hbm>>
      tpu.wait_dma2 semaphore(%run_scoped3A : memref<!tpu.dma_semaphore, #tpu.memory_space<semaphore_mem>>) src(%dma_wait3A_52 : memref<160x128xi32, #tpu.memory_space<hbm>>) dst(%arg8 : memref<160x128xi32, #tpu.memory_space<vmem>>)
      tpu.yield
    }) : () -> ()
    %mul3A = arith.constant 632 : i32
    %mul3A_0 = arith.muli %arg1, %mul3A : i32
    "tpu.region"() ({
      %run_scoped3A = tpu.sem_alloc : memref<!tpu.dma_semaphore, #tpu.memory_space<semaphore_mem>>
      %dma_start3A_37 = arith.constant 0 : i32
      %dma_start3A_38 = tpu.memref_slice %arg17[%mul3A_0, %dma_start3A_37] : memref<10112x64xf32, #tpu.memory_space<vmem_shared>> -> memref<632x64xf32, #tpu.memory_space<vmem_shared>>
      tpu.enqueue_dma source(%arg5 : memref<632x64xf32, #tpu.memory_space<hbm>>) target(%dma_start3A_38 : memref<632x64xf32, #tpu.memory_space<vmem_shared>>) target_semaphore(%run_scoped3A : memref<!tpu.dma_semaphore, #tpu.memory_space<semaphore_mem>>)
      %dma_wait3A_39 = arith.constant 0 : i32
      %dma_wait3A_40 = tpu.memref_slice %arg17[%mul3A_0, %dma_wait3A_39] : memref<10112x64xf32, #tpu.memory_space<vmem_shared>> -> memref<632x64xf32, #tpu.memory_space<vmem_shared>>
      tpu.wait_dma2 semaphore(%run_scoped3A : memref<!tpu.dma_semaphore, #tpu.memory_space<semaphore_mem>>) src(%arg5 : memref<632x64xf32, #tpu.memory_space<hbm>>) dst(%dma_wait3A_40 : memref<632x64xf32, #tpu.memory_space<vmem_shared>>)
      tpu.yield
    }) : () -> ()
    %barrier3A = arith.constant 0 : index
    tpu.barrier barrier_id(%barrier3A)
    %dma_start3A = arith.constant 0 : i32
    %dma_start3A_1 = arith.constant 0 : i32
    %dma_start3A_2 = tpu.memref_slice %arg7[%dma_start3A, %dma_start3A_1] : memref<160x128xi32, #tpu.memory_space<vmem>> -> memref<1x128xi32, #tpu.memory_space<vmem>>
    %dma_start3A_3 = tpu.memref_squeeze %dma_start3A_2 : memref<1x128xi32, #tpu.memory_space<vmem>> -> memref<128xi32, #tpu.memory_space<vmem>>
    %dma_start3A_4 = arith.constant 0 : i32
    %dma_start3A_5 = arith.constant 0 : i32
    %dma_start3A_6 = tpu.memref_slice %arg2[%dma_start3A_4, %dma_start3A_5] : memref<20000x64xf32, #tpu.memory_space<hbm>> -> memref<20000x64xf32, #tpu.memory_space<hbm>>
    tpu.enqueue_indirect_dma source(%dma_start3A_6 : memref<20000x64xf32, #tpu.memory_space<hbm>>) target(%arg9 : memref<128x64xf32, #tpu.memory_space<vmem>>) offsets(%dma_start3A_3 : memref<128xi32, #tpu.memory_space<vmem>>) semaphore(%arg13 : memref<!tpu.dma_semaphore, #tpu.memory_space<semaphore_mem>>)
    %dma_start3A_7 = arith.constant 1 : i32
    %dma_start3A_8 = arith.constant 0 : i32
    %dma_start3A_9 = tpu.memref_slice %arg7[%dma_start3A_7, %dma_start3A_8] : memref<160x128xi32, #tpu.memory_space<vmem>> -> memref<1x128xi32, #tpu.memory_space<vmem>>
    %dma_start3A_10 = tpu.memref_squeeze %dma_start3A_9 : memref<1x128xi32, #tpu.memory_space<vmem>> -> memref<128xi32, #tpu.memory_space<vmem>>
    %dma_start3A_11 = arith.constant 0 : i32
    %dma_start3A_12 = arith.constant 0 : i32
    %dma_start3A_13 = tpu.memref_slice %arg2[%dma_start3A_11, %dma_start3A_12] : memref<20000x64xf32, #tpu.memory_space<hbm>> -> memref<20000x64xf32, #tpu.memory_space<hbm>>
    tpu.enqueue_indirect_dma source(%dma_start3A_13 : memref<20000x64xf32, #tpu.memory_space<hbm>>) target(%arg10 : memref<128x64xf32, #tpu.memory_space<vmem>>) offsets(%dma_start3A_10 : memref<128xi32, #tpu.memory_space<vmem>>) semaphore(%arg14 : memref<!tpu.dma_semaphore, #tpu.memory_space<semaphore_mem>>)
    %scan3A = arith.constant 0 : i32
    %scan3A_14 = arith.constant 0 : i32
    %scan3A_15 = arith.constant 40 : i32
    %scan3A_16 = arith.addi %scan3A_14, %scan3A_15 : i32
    %scan3A_17 = arith.constant 1 : i32
    scf.for %scan3A_37 = %scan3A_14 to %scan3A_16 step %scan3A_17  : i32 {
      %mul3A_38 = arith.constant 4 : i32
      %mul3A_39 = arith.muli %mul3A_38, %scan3A_37 : i32
      %add3A = arith.constant 0 : i32
      %add3A_40 = arith.addi %mul3A_39, %add3A : i32
      %dma_wait3A_41 = arith.constant 0 : i32
      %dma_wait3A_42 = tpu.memref_slice %arg7[%add3A_40, %dma_wait3A_41] : memref<160x128xi32, #tpu.memory_space<vmem>> -> memref<1x128xi32, #tpu.memory_space<vmem>>
      %dma_wait3A_43 = tpu.memref_squeeze %dma_wait3A_42 : memref<1x128xi32, #tpu.memory_space<vmem>> -> memref<128xi32, #tpu.memory_space<vmem>>
      %dma_wait3A_44 = arith.constant 0 : i32
      %dma_wait3A_45 = arith.constant 0 : i32
      %dma_wait3A_46 = tpu.memref_slice %arg2[%dma_wait3A_44, %dma_wait3A_45] : memref<20000x64xf32, #tpu.memory_space<hbm>> -> memref<20000x64xf32, #tpu.memory_space<hbm>>
      tpu.wait_indirect_dma semaphore(%arg13 : memref<!tpu.dma_semaphore, #tpu.memory_space<semaphore_mem>>) src(%dma_wait3A_46 : memref<20000x64xf32, #tpu.memory_space<hbm>>) dst(%arg9 : memref<128x64xf32, #tpu.memory_space<vmem>>)
      %dma_start3A_47 = arith.constant 0 : i32
      %dma_start3A_48 = tpu.memref_slice %arg8[%add3A_40, %dma_start3A_47] : memref<160x128xi32, #tpu.memory_space<vmem>> -> memref<1x128xi32, #tpu.memory_space<vmem>>
      %dma_start3A_49 = tpu.memref_squeeze %dma_start3A_48 : memref<1x128xi32, #tpu.memory_space<vmem>> -> memref<128xi32, #tpu.memory_space<vmem>>
      %dma_start3A_50 = arith.constant 0 : i32
      %dma_start3A_51 = arith.constant 0 : i32
      %dma_start3A_52 = tpu.memref_slice %arg17[%dma_start3A_50, %dma_start3A_51] : memref<10112x64xf32, #tpu.memory_space<vmem_shared>> -> memref<10112x64xf32, #tpu.memory_space<vmem_shared>>
      tpu.enqueue_indirect_dma source(%arg9 : memref<128x64xf32, #tpu.memory_space<vmem>>) target(%dma_start3A_52 : memref<10112x64xf32, #tpu.memory_space<vmem_shared>>) offsets(%dma_start3A_49 : memref<128xi32, #tpu.memory_space<vmem>>) semaphore(%arg13 : memref<!tpu.dma_semaphore, #tpu.memory_space<semaphore_mem>>) {add = true}
      %add3A_53 = arith.constant 2 : i32
      %add3A_54 = arith.addi %add3A_40, %add3A_53 : i32
      %gt3A = arith.constant 0 : i32
      %gt3A_55 = arith.cmpi sgt, %scan3A_37, %gt3A : i32
      %convert_element_type3A = arith.extui %gt3A_55 : i1 to i32
      %cond3A = arith.constant 0 : i32
      %cond3A_56 = arith.cmpi ne, %convert_element_type3A, %cond3A : i32
      scf.if %cond3A_56 {
        %sub3A_150 = arith.constant 2 : i32
        %sub3A_151 = arith.subi %add3A_40, %sub3A_150 : i32
        %dma_wait3A_152 = arith.constant 0 : i32
        %dma_wait3A_153 = tpu.memref_slice %arg8[%sub3A_151, %dma_wait3A_152] : memref<160x128xi32, #tpu.memory_space<vmem>> -> memref<1x128xi32, #tpu.memory_space<vmem>>
        %dma_wait3A_154 = tpu.memref_squeeze %dma_wait3A_153 : memref<1x128xi32, #tpu.memory_space<vmem>> -> memref<128xi32, #tpu.memory_space<vmem>>
        %dma_wait3A_155 = arith.constant 0 : i32
        %dma_wait3A_156 = arith.constant 0 : i32
        %dma_wait3A_157 = tpu.memref_slice %arg17[%dma_wait3A_155, %dma_wait3A_156] : memref<10112x64xf32, #tpu.memory_space<vmem_shared>> -> memref<10112x64xf32, #tpu.memory_space<vmem_shared>>
        tpu.wait_indirect_dma semaphore(%arg15 : memref<!tpu.dma_semaphore, #tpu.memory_space<semaphore_mem>>) src(%arg11 : memref<128x64xf32, #tpu.memory_space<vmem>>) dst(%dma_wait3A_157 : memref<10112x64xf32, #tpu.memory_space<vmem_shared>>)
      } else {
      }
      %lt3A = arith.constant 160 : i32
      %lt3A_57 = arith.cmpi slt, %add3A_54, %lt3A : i32
      %convert_element_type3A_58 = arith.extui %lt3A_57 : i1 to i32
      %cond3A_59 = arith.constant 0 : i32
      %cond3A_60 = arith.cmpi ne, %convert_element_type3A_58, %cond3A_59 : i32
      scf.if %cond3A_60 {
        %dma_start3A_150 = arith.constant 0 : i32
        %dma_start3A_151 = tpu.memref_slice %arg7[%add3A_54, %dma_start3A_150] : memref<160x128xi32, #tpu.memory_space<vmem>> -> memref<1x128xi32, #tpu.memory_space<vmem>>
        %dma_start3A_152 = tpu.memref_squeeze %dma_start3A_151 : memref<1x128xi32, #tpu.memory_space<vmem>> -> memref<128xi32, #tpu.memory_space<vmem>>
        %dma_start3A_153 = arith.constant 0 : i32
        %dma_start3A_154 = arith.constant 0 : i32
        %dma_start3A_155 = tpu.memref_slice %arg2[%dma_start3A_153, %dma_start3A_154] : memref<20000x64xf32, #tpu.memory_space<hbm>> -> memref<20000x64xf32, #tpu.memory_space<hbm>>
        tpu.enqueue_indirect_dma source(%dma_start3A_155 : memref<20000x64xf32, #tpu.memory_space<hbm>>) target(%arg11 : memref<128x64xf32, #tpu.memory_space<vmem>>) offsets(%dma_start3A_152 : memref<128xi32, #tpu.memory_space<vmem>>) semaphore(%arg15 : memref<!tpu.dma_semaphore, #tpu.memory_space<semaphore_mem>>)
      } else {
      }
      %mul3A_61 = arith.constant 4 : i32
      %mul3A_62 = arith.muli %mul3A_61, %scan3A_37 : i32
      %add3A_63 = arith.constant 1 : i32
      %add3A_64 = arith.addi %mul3A_62, %add3A_63 : i32
      %dma_wait3A_65 = arith.constant 0 : i32
      %dma_wait3A_66 = tpu.memref_slice %arg7[%add3A_64, %dma_wait3A_65] : memref<160x128xi32, #tpu.memory_space<vmem>> -> memref<1x128xi32, #tpu.memory_space<vmem>>
      %dma_wait3A_67 = tpu.memref_squeeze %dma_wait3A_66 : memref<1x128xi32, #tpu.memory_space<vmem>> -> memref<128xi32, #tpu.memory_space<vmem>>
      %dma_wait3A_68 = arith.constant 0 : i32
      %dma_wait3A_69 = arith.constant 0 : i32
      %dma_wait3A_70 = tpu.memref_slice %arg2[%dma_wait3A_68, %dma_wait3A_69] : memref<20000x64xf32, #tpu.memory_space<hbm>> -> memref<20000x64xf32, #tpu.memory_space<hbm>>
      tpu.wait_indirect_dma semaphore(%arg14 : memref<!tpu.dma_semaphore, #tpu.memory_space<semaphore_mem>>) src(%dma_wait3A_70 : memref<20000x64xf32, #tpu.memory_space<hbm>>) dst(%arg10 : memref<128x64xf32, #tpu.memory_space<vmem>>)
      %dma_start3A_71 = arith.constant 0 : i32
      %dma_start3A_72 = tpu.memref_slice %arg8[%add3A_64, %dma_start3A_71] : memref<160x128xi32, #tpu.memory_space<vmem>> -> memref<1x128xi32, #tpu.memory_space<vmem>>
      %dma_start3A_73 = tpu.memref_squeeze %dma_start3A_72 : memref<1x128xi32, #tpu.memory_space<vmem>> -> memref<128xi32, #tpu.memory_space<vmem>>
      %dma_start3A_74 = arith.constant 0 : i32
      %dma_start3A_75 = arith.constant 0 : i32
      %dma_start3A_76 = tpu.memref_slice %arg17[%dma_start3A_74, %dma_start3A_75] : memref<10112x64xf32, #tpu.memory_space<vmem_shared>> -> memref<10112x64xf32, #tpu.memory_space<vmem_shared>>
      tpu.enqueue_indirect_dma source(%arg10 : memref<128x64xf32, #tpu.memory_space<vmem>>) target(%dma_start3A_76 : memref<10112x64xf32, #tpu.memory_space<vmem_shared>>) offsets(%dma_start3A_73 : memref<128xi32, #tpu.memory_space<vmem>>) semaphore(%arg14 : memref<!tpu.dma_semaphore, #tpu.memory_space<semaphore_mem>>) {add = true}
      %add3A_77 = arith.constant 2 : i32
      %add3A_78 = arith.addi %add3A_64, %add3A_77 : i32
      %gt3A_79 = arith.constant 0 : i32
      %gt3A_80 = arith.cmpi sgt, %scan3A_37, %gt3A_79 : i32
      %convert_element_type3A_81 = arith.extui %gt3A_80 : i1 to i32
      %cond3A_82 = arith.constant 0 : i32
      %cond3A_83 = arith.cmpi ne, %convert_element_type3A_81, %cond3A_82 : i32
      scf.if %cond3A_83 {
        %sub3A_150 = arith.constant 2 : i32
        %sub3A_151 = arith.subi %add3A_64, %sub3A_150 : i32
        %dma_wait3A_152 = arith.constant 0 : i32
        %dma_wait3A_153 = tpu.memref_slice %arg8[%sub3A_151, %dma_wait3A_152] : memref<160x128xi32, #tpu.memory_space<vmem>> -> memref<1x128xi32, #tpu.memory_space<vmem>>
        %dma_wait3A_154 = tpu.memref_squeeze %dma_wait3A_153 : memref<1x128xi32, #tpu.memory_space<vmem>> -> memref<128xi32, #tpu.memory_space<vmem>>
        %dma_wait3A_155 = arith.constant 0 : i32
        %dma_wait3A_156 = arith.constant 0 : i32
        %dma_wait3A_157 = tpu.memref_slice %arg17[%dma_wait3A_155, %dma_wait3A_156] : memref<10112x64xf32, #tpu.memory_space<vmem_shared>> -> memref<10112x64xf32, #tpu.memory_space<vmem_shared>>
        tpu.wait_indirect_dma semaphore(%arg16 : memref<!tpu.dma_semaphore, #tpu.memory_space<semaphore_mem>>) src(%arg12 : memref<128x64xf32, #tpu.memory_space<vmem>>) dst(%dma_wait3A_157 : memref<10112x64xf32, #tpu.memory_space<vmem_shared>>)
      } else {
      }
      %lt3A_84 = arith.constant 160 : i32
      %lt3A_85 = arith.cmpi slt, %add3A_78, %lt3A_84 : i32
      %convert_element_type3A_86 = arith.extui %lt3A_85 : i1 to i32
      %cond3A_87 = arith.constant 0 : i32
      %cond3A_88 = arith.cmpi ne, %convert_element_type3A_86, %cond3A_87 : i32
      scf.if %cond3A_88 {
        %dma_start3A_150 = arith.constant 0 : i32
        %dma_start3A_151 = tpu.memref_slice %arg7[%add3A_78, %dma_start3A_150] : memref<160x128xi32, #tpu.memory_space<vmem>> -> memref<1x128xi32, #tpu.memory_space<vmem>>
        %dma_start3A_152 = tpu.memref_squeeze %dma_start3A_151 : memref<1x128xi32, #tpu.memory_space<vmem>> -> memref<128xi32, #tpu.memory_space<vmem>>
        %dma_start3A_153 = arith.constant 0 : i32
        %dma_start3A_154 = arith.constant 0 : i32
        %dma_start3A_155 = tpu.memref_slice %arg2[%dma_start3A_153, %dma_start3A_154] : memref<20000x64xf32, #tpu.memory_space<hbm>> -> memref<20000x64xf32, #tpu.memory_space<hbm>>
        tpu.enqueue_indirect_dma source(%dma_start3A_155 : memref<20000x64xf32, #tpu.memory_space<hbm>>) target(%arg12 : memref<128x64xf32, #tpu.memory_space<vmem>>) offsets(%dma_start3A_152 : memref<128xi32, #tpu.memory_space<vmem>>) semaphore(%arg16 : memref<!tpu.dma_semaphore, #tpu.memory_space<semaphore_mem>>)
      } else {
      }
      %mul3A_89 = arith.constant 4 : i32
      %mul3A_90 = arith.muli %mul3A_89, %scan3A_37 : i32
      %add3A_91 = arith.constant 2 : i32
      %add3A_92 = arith.addi %mul3A_90, %add3A_91 : i32
      %dma_wait3A_93 = arith.constant 0 : i32
      %dma_wait3A_94 = tpu.memref_slice %arg7[%add3A_92, %dma_wait3A_93] : memref<160x128xi32, #tpu.memory_space<vmem>> -> memref<1x128xi32, #tpu.memory_space<vmem>>
      %dma_wait3A_95 = tpu.memref_squeeze %dma_wait3A_94 : memref<1x128xi32, #tpu.memory_space<vmem>> -> memref<128xi32, #tpu.memory_space<vmem>>
      %dma_wait3A_96 = arith.constant 0 : i32
      %dma_wait3A_97 = arith.constant 0 : i32
      %dma_wait3A_98 = tpu.memref_slice %arg2[%dma_wait3A_96, %dma_wait3A_97] : memref<20000x64xf32, #tpu.memory_space<hbm>> -> memref<20000x64xf32, #tpu.memory_space<hbm>>
      tpu.wait_indirect_dma semaphore(%arg15 : memref<!tpu.dma_semaphore, #tpu.memory_space<semaphore_mem>>) src(%dma_wait3A_98 : memref<20000x64xf32, #tpu.memory_space<hbm>>) dst(%arg11 : memref<128x64xf32, #tpu.memory_space<vmem>>)
      %dma_start3A_99 = arith.constant 0 : i32
      %dma_start3A_100 = tpu.memref_slice %arg8[%add3A_92, %dma_start3A_99] : memref<160x128xi32, #tpu.memory_space<vmem>> -> memref<1x128xi32, #tpu.memory_space<vmem>>
      %dma_start3A_101 = tpu.memref_squeeze %dma_start3A_100 : memref<1x128xi32, #tpu.memory_space<vmem>> -> memref<128xi32, #tpu.memory_space<vmem>>
      %dma_start3A_102 = arith.constant 0 : i32
      %dma_start3A_103 = arith.constant 0 : i32
      %dma_start3A_104 = tpu.memref_slice %arg17[%dma_start3A_102, %dma_start3A_103] : memref<10112x64xf32, #tpu.memory_space<vmem_shared>> -> memref<10112x64xf32, #tpu.memory_space<vmem_shared>>
      tpu.enqueue_indirect_dma source(%arg11 : memref<128x64xf32, #tpu.memory_space<vmem>>) target(%dma_start3A_104 : memref<10112x64xf32, #tpu.memory_space<vmem_shared>>) offsets(%dma_start3A_101 : memref<128xi32, #tpu.memory_space<vmem>>) semaphore(%arg15 : memref<!tpu.dma_semaphore, #tpu.memory_space<semaphore_mem>>) {add = true}
      %add3A_105 = arith.constant 2 : i32
      %add3A_106 = arith.addi %add3A_92, %add3A_105 : i32
      %sub3A = arith.constant 2 : i32
      %sub3A_107 = arith.subi %add3A_92, %sub3A : i32
      %dma_wait3A_108 = arith.constant 0 : i32
      %dma_wait3A_109 = tpu.memref_slice %arg8[%sub3A_107, %dma_wait3A_108] : memref<160x128xi32, #tpu.memory_space<vmem>> -> memref<1x128xi32, #tpu.memory_space<vmem>>
      %dma_wait3A_110 = tpu.memref_squeeze %dma_wait3A_109 : memref<1x128xi32, #tpu.memory_space<vmem>> -> memref<128xi32, #tpu.memory_space<vmem>>
      %dma_wait3A_111 = arith.constant 0 : i32
      %dma_wait3A_112 = arith.constant 0 : i32
      %dma_wait3A_113 = tpu.memref_slice %arg17[%dma_wait3A_111, %dma_wait3A_112] : memref<10112x64xf32, #tpu.memory_space<vmem_shared>> -> memref<10112x64xf32, #tpu.memory_space<vmem_shared>>
      tpu.wait_indirect_dma semaphore(%arg13 : memref<!tpu.dma_semaphore, #tpu.memory_space<semaphore_mem>>) src(%arg9 : memref<128x64xf32, #tpu.memory_space<vmem>>) dst(%dma_wait3A_113 : memref<10112x64xf32, #tpu.memory_space<vmem_shared>>)
      %lt3A_114 = arith.constant 160 : i32
      %lt3A_115 = arith.cmpi slt, %add3A_106, %lt3A_114 : i32
      %convert_element_type3A_116 = arith.extui %lt3A_115 : i1 to i32
      %cond3A_117 = arith.constant 0 : i32
      %cond3A_118 = arith.cmpi ne, %convert_element_type3A_116, %cond3A_117 : i32
      scf.if %cond3A_118 {
        %dma_start3A_150 = arith.constant 0 : i32
        %dma_start3A_151 = tpu.memref_slice %arg7[%add3A_106, %dma_start3A_150] : memref<160x128xi32, #tpu.memory_space<vmem>> -> memref<1x128xi32, #tpu.memory_space<vmem>>
        %dma_start3A_152 = tpu.memref_squeeze %dma_start3A_151 : memref<1x128xi32, #tpu.memory_space<vmem>> -> memref<128xi32, #tpu.memory_space<vmem>>
        %dma_start3A_153 = arith.constant 0 : i32
        %dma_start3A_154 = arith.constant 0 : i32
        %dma_start3A_155 = tpu.memref_slice %arg2[%dma_start3A_153, %dma_start3A_154] : memref<20000x64xf32, #tpu.memory_space<hbm>> -> memref<20000x64xf32, #tpu.memory_space<hbm>>
        tpu.enqueue_indirect_dma source(%dma_start3A_155 : memref<20000x64xf32, #tpu.memory_space<hbm>>) target(%arg9 : memref<128x64xf32, #tpu.memory_space<vmem>>) offsets(%dma_start3A_152 : memref<128xi32, #tpu.memory_space<vmem>>) semaphore(%arg13 : memref<!tpu.dma_semaphore, #tpu.memory_space<semaphore_mem>>)
      } else {
      }
      %mul3A_119 = arith.constant 4 : i32
      %mul3A_120 = arith.muli %mul3A_119, %scan3A_37 : i32
      %add3A_121 = arith.constant 3 : i32
      %add3A_122 = arith.addi %mul3A_120, %add3A_121 : i32
      %dma_wait3A_123 = arith.constant 0 : i32
      %dma_wait3A_124 = tpu.memref_slice %arg7[%add3A_122, %dma_wait3A_123] : memref<160x128xi32, #tpu.memory_space<vmem>> -> memref<1x128xi32, #tpu.memory_space<vmem>>
      %dma_wait3A_125 = tpu.memref_squeeze %dma_wait3A_124 : memref<1x128xi32, #tpu.memory_space<vmem>> -> memref<128xi32, #tpu.memory_space<vmem>>
      %dma_wait3A_126 = arith.constant 0 : i32
      %dma_wait3A_127 = arith.constant 0 : i32
      %dma_wait3A_128 = tpu.memref_slice %arg2[%dma_wait3A_126, %dma_wait3A_127] : memref<20000x64xf32, #tpu.memory_space<hbm>> -> memref<20000x64xf32, #tpu.memory_space<hbm>>
      tpu.wait_indirect_dma semaphore(%arg16 : memref<!tpu.dma_semaphore, #tpu.memory_space<semaphore_mem>>) src(%dma_wait3A_128 : memref<20000x64xf32, #tpu.memory_space<hbm>>) dst(%arg12 : memref<128x64xf32, #tpu.memory_space<vmem>>)
      %dma_start3A_129 = arith.constant 0 : i32
      %dma_start3A_130 = tpu.memref_slice %arg8[%add3A_122, %dma_start3A_129] : memref<160x128xi32, #tpu.memory_space<vmem>> -> memref<1x128xi32, #tpu.memory_space<vmem>>
      %dma_start3A_131 = tpu.memref_squeeze %dma_start3A_130 : memref<1x128xi32, #tpu.memory_space<vmem>> -> memref<128xi32, #tpu.memory_space<vmem>>
      %dma_start3A_132 = arith.constant 0 : i32
      %dma_start3A_133 = arith.constant 0 : i32
      %dma_start3A_134 = tpu.memref_slice %arg17[%dma_start3A_132, %dma_start3A_133] : memref<10112x64xf32, #tpu.memory_space<vmem_shared>> -> memref<10112x64xf32, #tpu.memory_space<vmem_shared>>
      tpu.enqueue_indirect_dma source(%arg12 : memref<128x64xf32, #tpu.memory_space<vmem>>) target(%dma_start3A_134 : memref<10112x64xf32, #tpu.memory_space<vmem_shared>>) offsets(%dma_start3A_131 : memref<128xi32, #tpu.memory_space<vmem>>) semaphore(%arg16 : memref<!tpu.dma_semaphore, #tpu.memory_space<semaphore_mem>>) {add = true}
      %add3A_135 = arith.constant 2 : i32
      %add3A_136 = arith.addi %add3A_122, %add3A_135 : i32
      %sub3A_137 = arith.constant 2 : i32
      %sub3A_138 = arith.subi %add3A_122, %sub3A_137 : i32
      %dma_wait3A_139 = arith.constant 0 : i32
      %dma_wait3A_140 = tpu.memref_slice %arg8[%sub3A_138, %dma_wait3A_139] : memref<160x128xi32, #tpu.memory_space<vmem>> -> memref<1x128xi32, #tpu.memory_space<vmem>>
      %dma_wait3A_141 = tpu.memref_squeeze %dma_wait3A_140 : memref<1x128xi32, #tpu.memory_space<vmem>> -> memref<128xi32, #tpu.memory_space<vmem>>
      %dma_wait3A_142 = arith.constant 0 : i32
      %dma_wait3A_143 = arith.constant 0 : i32
      %dma_wait3A_144 = tpu.memref_slice %arg17[%dma_wait3A_142, %dma_wait3A_143] : memref<10112x64xf32, #tpu.memory_space<vmem_shared>> -> memref<10112x64xf32, #tpu.memory_space<vmem_shared>>
      tpu.wait_indirect_dma semaphore(%arg14 : memref<!tpu.dma_semaphore, #tpu.memory_space<semaphore_mem>>) src(%arg10 : memref<128x64xf32, #tpu.memory_space<vmem>>) dst(%dma_wait3A_144 : memref<10112x64xf32, #tpu.memory_space<vmem_shared>>)
      %lt3A_145 = arith.constant 160 : i32
      %lt3A_146 = arith.cmpi slt, %add3A_136, %lt3A_145 : i32
      %convert_element_type3A_147 = arith.extui %lt3A_146 : i1 to i32
      %cond3A_148 = arith.constant 0 : i32
      %cond3A_149 = arith.cmpi ne, %convert_element_type3A_147, %cond3A_148 : i32
      scf.if %cond3A_149 {
        %dma_start3A_150 = arith.constant 0 : i32
        %dma_start3A_151 = tpu.memref_slice %arg7[%add3A_136, %dma_start3A_150] : memref<160x128xi32, #tpu.memory_space<vmem>> -> memref<1x128xi32, #tpu.memory_space<vmem>>
        %dma_start3A_152 = tpu.memref_squeeze %dma_start3A_151 : memref<1x128xi32, #tpu.memory_space<vmem>> -> memref<128xi32, #tpu.memory_space<vmem>>
        %dma_start3A_153 = arith.constant 0 : i32
        %dma_start3A_154 = arith.constant 0 : i32
        %dma_start3A_155 = tpu.memref_slice %arg2[%dma_start3A_153, %dma_start3A_154] : memref<20000x64xf32, #tpu.memory_space<hbm>> -> memref<20000x64xf32, #tpu.memory_space<hbm>>
        tpu.enqueue_indirect_dma source(%dma_start3A_155 : memref<20000x64xf32, #tpu.memory_space<hbm>>) target(%arg10 : memref<128x64xf32, #tpu.memory_space<vmem>>) offsets(%dma_start3A_152 : memref<128xi32, #tpu.memory_space<vmem>>) semaphore(%arg14 : memref<!tpu.dma_semaphore, #tpu.memory_space<semaphore_mem>>)
      } else {
      }
    }
    %scan3A_18 = arith.constant 40 : i32
    %dma_wait3A = arith.constant 158 : i32
    %dma_wait3A_19 = arith.constant 0 : i32
    %dma_wait3A_20 = tpu.memref_slice %arg8[%dma_wait3A, %dma_wait3A_19] : memref<160x128xi32, #tpu.memory_space<vmem>> -> memref<1x128xi32, #tpu.memory_space<vmem>>
    %dma_wait3A_21 = tpu.memref_squeeze %dma_wait3A_20 : memref<1x128xi32, #tpu.memory_space<vmem>> -> memref<128xi32, #tpu.memory_space<vmem>>
    %dma_wait3A_22 = arith.constant 0 : i32
    %dma_wait3A_23 = arith.constant 0 : i32
    %dma_wait3A_24 = tpu.memref_slice %arg17[%dma_wait3A_22, %dma_wait3A_23] : memref<10112x64xf32, #tpu.memory_space<vmem_shared>> -> memref<10112x64xf32, #tpu.memory_space<vmem_shared>>
    tpu.wait_indirect_dma semaphore(%arg15 : memref<!tpu.dma_semaphore, #tpu.memory_space<semaphore_mem>>) src(%arg11 : memref<128x64xf32, #tpu.memory_space<vmem>>) dst(%dma_wait3A_24 : memref<10112x64xf32, #tpu.memory_space<vmem_shared>>)
    %dma_wait3A_25 = arith.constant 159 : i32
    %dma_wait3A_26 = arith.constant 0 : i32
    %dma_wait3A_27 = tpu.memref_slice %arg8[%dma_wait3A_25, %dma_wait3A_26] : memref<160x128xi32, #tpu.memory_space<vmem>> -> memref<1x128xi32, #tpu.memory_space<vmem>>
    %dma_wait3A_28 = tpu.memref_squeeze %dma_wait3A_27 : memref<1x128xi32, #tpu.memory_space<vmem>> -> memref<128xi32, #tpu.memory_space<vmem>>
    %dma_wait3A_29 = arith.constant 0 : i32
    %dma_wait3A_30 = arith.constant 0 : i32
    %dma_wait3A_31 = tpu.memref_slice %arg17[%dma_wait3A_29, %dma_wait3A_30] : memref<10112x64xf32, #tpu.memory_space<vmem_shared>> -> memref<10112x64xf32, #tpu.memory_space<vmem_shared>>
    tpu.wait_indirect_dma semaphore(%arg16 : memref<!tpu.dma_semaphore, #tpu.memory_space<semaphore_mem>>) src(%arg12 : memref<128x64xf32, #tpu.memory_space<vmem>>) dst(%dma_wait3A_31 : memref<10112x64xf32, #tpu.memory_space<vmem_shared>>)
    %barrier3A_32 = arith.constant 0 : index
    tpu.barrier barrier_id(%barrier3A_32)
    %mul3A_33 = arith.constant 632 : i32
    %mul3A_34 = arith.muli %arg1, %mul3A_33 : i32
    %mul3A_35 = arith.constant 632 : i32
    %mul3A_36 = arith.muli %arg1, %mul3A_35 : i32
    "tpu.region"() ({
      %run_scoped3A = tpu.sem_alloc : memref<!tpu.dma_semaphore, #tpu.memory_space<semaphore_mem>>
      %dma_start3A_37 = arith.constant 0 : i32
      %dma_start3A_38 = tpu.memref_slice %arg6[%arg0, %mul3A_36, %dma_start3A_37] : memref<2x10112x64xf32, #tpu.memory_space<hbm>> -> memref<1x632x64xf32, #tpu.memory_space<hbm>>
      %dma_start3A_39 = tpu.memref_squeeze %dma_start3A_38 : memref<1x632x64xf32, #tpu.memory_space<hbm>> -> memref<632x64xf32, #tpu.memory_space<hbm>>
      %dma_start3A_40 = arith.constant 0 : i32
      %dma_start3A_41 = tpu.memref_slice %arg17[%mul3A_34, %dma_start3A_40] : memref<10112x64xf32, #tpu.memory_space<vmem_shared>> -> memref<632x64xf32, #tpu.memory_space<vmem_shared>>
      tpu.enqueue_dma source(%dma_start3A_41 : memref<632x64xf32, #tpu.memory_space<vmem_shared>>) target(%dma_start3A_39 : memref<632x64xf32, #tpu.memory_space<hbm>>) target_semaphore(%run_scoped3A : memref<!tpu.dma_semaphore, #tpu.memory_space<semaphore_mem>>)
      %dma_wait3A_42 = arith.constant 0 : i32
      %dma_wait3A_43 = tpu.memref_slice %arg6[%arg0, %mul3A_36, %dma_wait3A_42] : memref<2x10112x64xf32, #tpu.memory_space<hbm>> -> memref<1x632x64xf32, #tpu.memory_space<hbm>>
      %dma_wait3A_44 = tpu.memref_squeeze %dma_wait3A_43 : memref<1x632x64xf32, #tpu.memory_space<hbm>> -> memref<632x64xf32, #tpu.memory_space<hbm>>
      %dma_wait3A_45 = arith.constant 0 : i32
      %dma_wait3A_46 = tpu.memref_slice %arg17[%mul3A_34, %dma_wait3A_45] : memref<10112x64xf32, #tpu.memory_space<vmem_shared>> -> memref<632x64xf32, #tpu.memory_space<vmem_shared>>
      tpu.wait_dma2 semaphore(%run_scoped3A : memref<!tpu.dma_semaphore, #tpu.memory_space<semaphore_mem>>) src(%dma_wait3A_46 : memref<632x64xf32, #tpu.memory_space<vmem_shared>>) dst(%dma_wait3A_44 : memref<632x64xf32, #tpu.memory_space<hbm>>)
      tpu.yield
    }) : () -> ()
    return
  }
}

#map = affine_map<(d0, d1) -> (0, 0, 0)>
#map1 = affine_map<(d0, d1) -> (0)>
module attributes {stable_mosaic.version = 14 : i64} {
  func.func @deg_kernel(%arg0: i32, %arg1: i32, %arg2: memref<32x80x128xi32, #tpu.memory_space<hbm>>, %arg3: memref<1024xf32, #tpu.memory_space<hbm>>, %arg4: memref<32768xf32, #tpu.memory_space<hbm>>, %arg5: memref<80x128xi32, #tpu.memory_space<vmem>>, %arg6: memref<128xf32, #tpu.memory_space<vmem>>, %arg7: memref<16384xf32, #tpu.memory_space<vmem_shared>>) attributes {dimension_semantics = [#tpu.dimension_semantics<core_parallel>, #tpu.dimension_semantics<subcore_parallel>], iteration_bounds = array<i64: 2, 16>, scalar_prefetch = 0 : i64, scratch_operands = 3 : i64, tpu.core_type = #tpu.core_type<sc_vector_subcore>, window_params = [{transform_indices = #map}, {transform_indices = #map1}, {transform_indices = #map1}]} {
    %mul3A = arith.constant 16 : i32
    %mul3A_0 = arith.muli %arg0, %mul3A : i32
    %add3A = arith.addi %mul3A_0, %arg1 : i32
    "tpu.region"() ({
      %run_scoped3A = tpu.sem_alloc : memref<!tpu.dma_semaphore, #tpu.memory_space<semaphore_mem>>
      %dma_start3A = arith.constant 0 : i32
      %dma_start3A_62 = arith.constant 0 : i32
      %dma_start3A_63 = tpu.memref_slice %arg2[%add3A, %dma_start3A, %dma_start3A_62] : memref<32x80x128xi32, #tpu.memory_space<hbm>> -> memref<1x80x128xi32, #tpu.memory_space<hbm>>
      %dma_start3A_64 = tpu.memref_squeeze %dma_start3A_63 : memref<1x80x128xi32, #tpu.memory_space<hbm>> -> memref<80x128xi32, #tpu.memory_space<hbm>>
      %dma_start3A_65 = arith.constant 0 : i32
      %dma_start3A_66 = arith.constant 0 : i32
      %dma_start3A_67 = tpu.memref_slice %arg2[%add3A, %dma_start3A_65, %dma_start3A_66] : memref<32x80x128xi32, #tpu.memory_space<hbm>> -> memref<1x80x128xi32, #tpu.memory_space<hbm>>
      %dma_start3A_68 = tpu.memref_squeeze %dma_start3A_67 : memref<1x80x128xi32, #tpu.memory_space<hbm>> -> memref<80x128xi32, #tpu.memory_space<hbm>>
      tpu.enqueue_dma source(%dma_start3A_68 : memref<80x128xi32, #tpu.memory_space<hbm>>) target(%arg5 : memref<80x128xi32, #tpu.memory_space<vmem>>) target_semaphore(%run_scoped3A : memref<!tpu.dma_semaphore, #tpu.memory_space<semaphore_mem>>)
      %dma_wait3A = arith.constant 0 : i32
      %dma_wait3A_69 = arith.constant 0 : i32
      %dma_wait3A_70 = tpu.memref_slice %arg2[%add3A, %dma_wait3A, %dma_wait3A_69] : memref<32x80x128xi32, #tpu.memory_space<hbm>> -> memref<1x80x128xi32, #tpu.memory_space<hbm>>
      %dma_wait3A_71 = tpu.memref_squeeze %dma_wait3A_70 : memref<1x80x128xi32, #tpu.memory_space<hbm>> -> memref<80x128xi32, #tpu.memory_space<hbm>>
      %dma_wait3A_72 = arith.constant 0 : i32
      %dma_wait3A_73 = arith.constant 0 : i32
      %dma_wait3A_74 = tpu.memref_slice %arg2[%add3A, %dma_wait3A_72, %dma_wait3A_73] : memref<32x80x128xi32, #tpu.memory_space<hbm>> -> memref<1x80x128xi32, #tpu.memory_space<hbm>>
      %dma_wait3A_75 = tpu.memref_squeeze %dma_wait3A_74 : memref<1x80x128xi32, #tpu.memory_space<hbm>> -> memref<80x128xi32, #tpu.memory_space<hbm>>
      tpu.wait_dma2 semaphore(%run_scoped3A : memref<!tpu.dma_semaphore, #tpu.memory_space<semaphore_mem>>) src(%dma_wait3A_75 : memref<80x128xi32, #tpu.memory_space<hbm>>) dst(%arg5 : memref<80x128xi32, #tpu.memory_space<vmem>>)
      tpu.yield
    }) : () -> ()
    %broadcast_in_dim3A = arith.constant 1.000000e+00 : f32
    %broadcast_in_dim3A_1 = vector.broadcast %broadcast_in_dim3A : f32 to vector<16xf32>
    %swap3A = arith.constant 0 : index
    %swap3A_2 = tpu.vector_load %arg6[%swap3A] {strides = array<i32>} : memref<128xf32, #tpu.memory_space<vmem>>, vector<16xf32>,
    %swap3A_3 = vector.shape_cast %swap3A_2 : vector<16xf32> to vector<16xf32>
    %swap3A_4 = vector.shape_cast %broadcast_in_dim3A_1 : vector<16xf32> to vector<16xf32>
    tpu.vector_store %arg6[%swap3A], %swap3A_4 {strides = array<i32>} : memref<128xf32, #tpu.memory_space<vmem>>, vector<16xf32>,
    %broadcast_in_dim3A_5 = arith.constant 1.000000e+00 : f32
    %broadcast_in_dim3A_6 = vector.broadcast %broadcast_in_dim3A_5 : f32 to vector<16xf32>
    %swap3A_7 = arith.constant 16 : index
    %swap3A_8 = tpu.vector_load %arg6[%swap3A_7] {strides = array<i32>} : memref<128xf32, #tpu.memory_space<vmem>>, vector<16xf32>,
    %swap3A_9 = vector.shape_cast %swap3A_8 : vector<16xf32> to vector<16xf32>
    %swap3A_10 = vector.shape_cast %broadcast_in_dim3A_6 : vector<16xf32> to vector<16xf32>
    tpu.vector_store %arg6[%swap3A_7], %swap3A_10 {strides = array<i32>} : memref<128xf32, #tpu.memory_space<vmem>>, vector<16xf32>,
    %broadcast_in_dim3A_11 = arith.constant 1.000000e+00 : f32
    %broadcast_in_dim3A_12 = vector.broadcast %broadcast_in_dim3A_11 : f32 to vector<16xf32>
    %swap3A_13 = arith.constant 32 : index
    %swap3A_14 = tpu.vector_load %arg6[%swap3A_13] {strides = array<i32>} : memref<128xf32, #tpu.memory_space<vmem>>, vector<16xf32>,
    %swap3A_15 = vector.shape_cast %swap3A_14 : vector<16xf32> to vector<16xf32>
    %swap3A_16 = vector.shape_cast %broadcast_in_dim3A_12 : vector<16xf32> to vector<16xf32>
    tpu.vector_store %arg6[%swap3A_13], %swap3A_16 {strides = array<i32>} : memref<128xf32, #tpu.memory_space<vmem>>, vector<16xf32>,
    %broadcast_in_dim3A_17 = arith.constant 1.000000e+00 : f32
    %broadcast_in_dim3A_18 = vector.broadcast %broadcast_in_dim3A_17 : f32 to vector<16xf32>
    %swap3A_19 = arith.constant 48 : index
    %swap3A_20 = tpu.vector_load %arg6[%swap3A_19] {strides = array<i32>} : memref<128xf32, #tpu.memory_space<vmem>>, vector<16xf32>,
    %swap3A_21 = vector.shape_cast %swap3A_20 : vector<16xf32> to vector<16xf32>
    %swap3A_22 = vector.shape_cast %broadcast_in_dim3A_18 : vector<16xf32> to vector<16xf32>
    tpu.vector_store %arg6[%swap3A_19], %swap3A_22 {strides = array<i32>} : memref<128xf32, #tpu.memory_space<vmem>>, vector<16xf32>,
    %broadcast_in_dim3A_23 = arith.constant 1.000000e+00 : f32
    %broadcast_in_dim3A_24 = vector.broadcast %broadcast_in_dim3A_23 : f32 to vector<16xf32>
    %swap3A_25 = arith.constant 64 : index
    %swap3A_26 = tpu.vector_load %arg6[%swap3A_25] {strides = array<i32>} : memref<128xf32, #tpu.memory_space<vmem>>, vector<16xf32>,
    %swap3A_27 = vector.shape_cast %swap3A_26 : vector<16xf32> to vector<16xf32>
    %swap3A_28 = vector.shape_cast %broadcast_in_dim3A_24 : vector<16xf32> to vector<16xf32>
    tpu.vector_store %arg6[%swap3A_25], %swap3A_28 {strides = array<i32>} : memref<128xf32, #tpu.memory_space<vmem>>, vector<16xf32>,
    %broadcast_in_dim3A_29 = arith.constant 1.000000e+00 : f32
    %broadcast_in_dim3A_30 = vector.broadcast %broadcast_in_dim3A_29 : f32 to vector<16xf32>
    %swap3A_31 = arith.constant 80 : index
    %swap3A_32 = tpu.vector_load %arg6[%swap3A_31] {strides = array<i32>} : memref<128xf32, #tpu.memory_space<vmem>>, vector<16xf32>,
    %swap3A_33 = vector.shape_cast %swap3A_32 : vector<16xf32> to vector<16xf32>
    %swap3A_34 = vector.shape_cast %broadcast_in_dim3A_30 : vector<16xf32> to vector<16xf32>
    tpu.vector_store %arg6[%swap3A_31], %swap3A_34 {strides = array<i32>} : memref<128xf32, #tpu.memory_space<vmem>>, vector<16xf32>,
    %broadcast_in_dim3A_35 = arith.constant 1.000000e+00 : f32
    %broadcast_in_dim3A_36 = vector.broadcast %broadcast_in_dim3A_35 : f32 to vector<16xf32>
    %swap3A_37 = arith.constant 96 : index
    %swap3A_38 = tpu.vector_load %arg6[%swap3A_37] {strides = array<i32>} : memref<128xf32, #tpu.memory_space<vmem>>, vector<16xf32>,
    %swap3A_39 = vector.shape_cast %swap3A_38 : vector<16xf32> to vector<16xf32>
    %swap3A_40 = vector.shape_cast %broadcast_in_dim3A_36 : vector<16xf32> to vector<16xf32>
    tpu.vector_store %arg6[%swap3A_37], %swap3A_40 {strides = array<i32>} : memref<128xf32, #tpu.memory_space<vmem>>, vector<16xf32>,
    %broadcast_in_dim3A_41 = arith.constant 1.000000e+00 : f32
    %broadcast_in_dim3A_42 = vector.broadcast %broadcast_in_dim3A_41 : f32 to vector<16xf32>
    %swap3A_43 = arith.constant 112 : index
    %swap3A_44 = tpu.vector_load %arg6[%swap3A_43] {strides = array<i32>} : memref<128xf32, #tpu.memory_space<vmem>>, vector<16xf32>,
    %swap3A_45 = vector.shape_cast %swap3A_44 : vector<16xf32> to vector<16xf32>
    %swap3A_46 = vector.shape_cast %broadcast_in_dim3A_42 : vector<16xf32> to vector<16xf32>
    tpu.vector_store %arg6[%swap3A_43], %swap3A_46 {strides = array<i32>} : memref<128xf32, #tpu.memory_space<vmem>>, vector<16xf32>,
    %mul3A_47 = arith.constant 1024 : i32
    %mul3A_48 = arith.muli %arg1, %mul3A_47 : i32
    "tpu.region"() ({
      %run_scoped3A = tpu.sem_alloc : memref<!tpu.dma_semaphore, #tpu.memory_space<semaphore_mem>>
      %dma_start3A = tpu.memref_slice %arg7[%mul3A_48] : memref<16384xf32, #tpu.memory_space<vmem_shared>> -> memref<1024xf32, #tpu.memory_space<vmem_shared>>
      tpu.enqueue_dma source(%arg3 : memref<1024xf32, #tpu.memory_space<hbm>>) target(%dma_start3A : memref<1024xf32, #tpu.memory_space<vmem_shared>>) target_semaphore(%run_scoped3A : memref<!tpu.dma_semaphore, #tpu.memory_space<semaphore_mem>>)
      %dma_wait3A = tpu.memref_slice %arg7[%mul3A_48] : memref<16384xf32, #tpu.memory_space<vmem_shared>> -> memref<1024xf32, #tpu.memory_space<vmem_shared>>
      tpu.wait_dma2 semaphore(%run_scoped3A : memref<!tpu.dma_semaphore, #tpu.memory_space<semaphore_mem>>) src(%arg3 : memref<1024xf32, #tpu.memory_space<hbm>>) dst(%dma_wait3A : memref<1024xf32, #tpu.memory_space<vmem_shared>>)
      tpu.yield
    }) : () -> ()
    %barrier3A = arith.constant 0 : index
    tpu.barrier barrier_id(%barrier3A)
    %scan3A = arith.constant 0 : i32
    %scan3A_49 = arith.constant 0 : i32
    %scan3A_50 = arith.constant 80 : i32
    %scan3A_51 = arith.addi %scan3A_49, %scan3A_50 : i32
    %scan3A_52 = arith.constant 1 : i32
    scf.for %scan3A_62 = %scan3A_49 to %scan3A_51 step %scan3A_52  : i32 {
      "tpu.region"() ({
        %run_scoped3A = tpu.sem_alloc : memref<!tpu.dma_semaphore, #tpu.memory_space<semaphore_mem>>
        %dma_start3A = arith.constant 0 : i32
        %dma_start3A_63 = tpu.memref_slice %arg5[%scan3A_62, %dma_start3A] : memref<80x128xi32, #tpu.memory_space<vmem>> -> memref<1x128xi32, #tpu.memory_space<vmem>>
        %dma_start3A_64 = tpu.memref_squeeze %dma_start3A_63 : memref<1x128xi32, #tpu.memory_space<vmem>> -> memref<128xi32, #tpu.memory_space<vmem>>
        %dma_start3A_65 = arith.constant 0 : i32
        %dma_start3A_66 = tpu.memref_slice %arg7[%dma_start3A_65] : memref<16384xf32, #tpu.memory_space<vmem_shared>> -> memref<16384xf32, #tpu.memory_space<vmem_shared>>
        tpu.enqueue_indirect_dma source(%arg6 : memref<128xf32, #tpu.memory_space<vmem>>) target(%dma_start3A_66 : memref<16384xf32, #tpu.memory_space<vmem_shared>>) offsets(%dma_start3A_64 : memref<128xi32, #tpu.memory_space<vmem>>) semaphore(%run_scoped3A : memref<!tpu.dma_semaphore, #tpu.memory_space<semaphore_mem>>) {add = true}
        %dma_wait3A = arith.constant 0 : i32
        %dma_wait3A_67 = tpu.memref_slice %arg5[%scan3A_62, %dma_wait3A] : memref<80x128xi32, #tpu.memory_space<vmem>> -> memref<1x128xi32, #tpu.memory_space<vmem>>
        %dma_wait3A_68 = tpu.memref_squeeze %dma_wait3A_67 : memref<1x128xi32, #tpu.memory_space<vmem>> -> memref<128xi32, #tpu.memory_space<vmem>>
        %dma_wait3A_69 = arith.constant 0 : i32
        %dma_wait3A_70 = tpu.memref_slice %arg7[%dma_wait3A_69] : memref<16384xf32, #tpu.memory_space<vmem_shared>> -> memref<16384xf32, #tpu.memory_space<vmem_shared>>
        tpu.wait_indirect_dma semaphore(%run_scoped3A : memref<!tpu.dma_semaphore, #tpu.memory_space<semaphore_mem>>) src(%arg6 : memref<128xf32, #tpu.memory_space<vmem>>) dst(%dma_wait3A_70 : memref<16384xf32, #tpu.memory_space<vmem_shared>>)
        tpu.yield
      }) : () -> ()
    }
    %scan3A_53 = arith.constant 80 : i32
    %barrier3A_54 = arith.constant 0 : index
    tpu.barrier barrier_id(%barrier3A_54)
    %mul3A_55 = arith.constant 1024 : i32
    %mul3A_56 = arith.muli %arg1, %mul3A_55 : i32
    %mul3A_57 = arith.constant 16384 : i32
    %mul3A_58 = arith.muli %arg0, %mul3A_57 : i32
    %mul3A_59 = arith.constant 1024 : i32
    %mul3A_60 = arith.muli %arg1, %mul3A_59 : i32
    %add3A_61 = arith.addi %mul3A_58, %mul3A_60 : i32
    "tpu.region"() ({
      %run_scoped3A = tpu.sem_alloc : memref<!tpu.dma_semaphore, #tpu.memory_space<semaphore_mem>>
      %dma_start3A = tpu.memref_slice %arg4[%add3A_61] : memref<32768xf32, #tpu.memory_space<hbm>> -> memref<1024xf32, #tpu.memory_space<hbm>>
      %dma_start3A_62 = tpu.memref_slice %arg7[%mul3A_56] : memref<16384xf32, #tpu.memory_space<vmem_shared>> -> memref<1024xf32, #tpu.memory_space<vmem_shared>>
      tpu.enqueue_dma source(%dma_start3A_62 : memref<1024xf32, #tpu.memory_space<vmem_shared>>) target(%dma_start3A : memref<1024xf32, #tpu.memory_space<hbm>>) target_semaphore(%run_scoped3A : memref<!tpu.dma_semaphore, #tpu.memory_space<semaphore_mem>>)
      %dma_wait3A = tpu.memref_slice %arg4[%add3A_61] : memref<32768xf32, #tpu.memory_space<hbm>> -> memref<1024xf32, #tpu.memory_space<hbm>>
      %dma_wait3A_63 = tpu.memref_slice %arg7[%mul3A_56] : memref<16384xf32, #tpu.memory_space<vmem_shared>> -> memref<1024xf32, #tpu.memory_space<vmem_shared>>
      tpu.wait_dma2 semaphore(%run_scoped3A : memref<!tpu.dma_semaphore, #tpu.memory_space<semaphore_mem>>) src(%dma_wait3A_63 : memref<1024xf32, #tpu.memory_space<vmem_shared>>) dst(%dma_wait3A : memref<1024xf32, #tpu.memory_space<hbm>>)
      tpu.yield
    }) : () -> ()
    return
  }
}

#map = affine_map<(d0, d1) -> (0, 0)>
#map1 = affine_map<(d0, d1) -> (0, 0, 0, 0)>
#map2 = affine_map<(d0, d1) -> (0, 0, 0)>
module attributes {stable_mosaic.version = 14 : i64} {
  func.func @edge_kernel(%arg0: i32, %arg1: i32, %arg2: memref<20000x64xf32, #tpu.memory_space<hbm>>, %arg3: memref<2x16x160x128xi32, #tpu.memory_space<hbm>>, %arg4: memref<16x160x128xi32, #tpu.memory_space<hbm>>, %arg5: memref<632x64xf32, #tpu.memory_space<hbm>>, %arg6: memref<2x10112x64xf32, #tpu.memory_space<hbm>>, %arg7: memref<160x128xi32, #tpu.memory_space<vmem>>, %arg8: memref<160x128xi32, #tpu.memory_space<vmem>>, %arg9: memref<128x64xf32, #tpu.memory_space<vmem>>, %arg10: memref<128x64xf32, #tpu.memory_space<vmem>>, %arg11: memref<128x64xf32, #tpu.memory_space<vmem>>, %arg12: memref<128x64xf32, #tpu.memory_space<vmem>>, %arg13: memref<!tpu.dma_semaphore, #tpu.memory_space<semaphore_mem>>, %arg14: memref<!tpu.dma_semaphore, #tpu.memory_space<semaphore_mem>>, %arg15: memref<!tpu.dma_semaphore, #tpu.memory_space<semaphore_mem>>, %arg16: memref<!tpu.dma_semaphore, #tpu.memory_space<semaphore_mem>>, %arg17: memref<10112x64xf32, #tpu.memory_space<vmem_shared>>) attributes {dimension_semantics = [#tpu.dimension_semantics<core_parallel>, #tpu.dimension_semantics<subcore_parallel>], iteration_bounds = array<i64: 2, 16>, scalar_prefetch = 0 : i64, scratch_operands = 11 : i64, tpu.core_type = #tpu.core_type<sc_vector_subcore>, window_params = [{transform_indices = #map}, {transform_indices = #map1}, {transform_indices = #map2}, {transform_indices = #map}, {transform_indices = #map2}]} {
    "tpu.region"() ({
      %run_scoped3A = tpu.sem_alloc : memref<!tpu.dma_semaphore, #tpu.memory_space<semaphore_mem>>
      %dma_start3A_37 = arith.constant 0 : i32
      %dma_start3A_38 = arith.constant 0 : i32
      %dma_start3A_39 = tpu.memref_slice %arg3[%arg0, %arg1, %dma_start3A_37, %dma_start3A_38] : memref<2x16x160x128xi32, #tpu.memory_space<hbm>> -> memref<1x1x160x128xi32, #tpu.memory_space<hbm>>
      %dma_start3A_40 = tpu.memref_squeeze %dma_start3A_39 : memref<1x1x160x128xi32, #tpu.memory_space<hbm>> -> memref<160x128xi32, #tpu.memory_space<hbm>>
      %dma_start3A_41 = arith.constant 0 : i32
      %dma_start3A_42 = arith.constant 0 : i32
      %dma_start3A_43 = tpu.memref_slice %arg3[%arg0, %arg1, %dma_start3A_41, %dma_start3A_42] : memref<2x16x160x128xi32, #tpu.memory_space<hbm>> -> memref<1x1x160x128xi32, #tpu.memory_space<hbm>>
      %dma_start3A_44 = tpu.memref_squeeze %dma_start3A_43 : memref<1x1x160x128xi32, #tpu.memory_space<hbm>> -> memref<160x128xi32, #tpu.memory_space<hbm>>
      tpu.enqueue_dma source(%dma_start3A_44 : memref<160x128xi32, #tpu.memory_space<hbm>>) target(%arg7 : memref<160x128xi32, #tpu.memory_space<vmem>>) target_semaphore(%run_scoped3A : memref<!tpu.dma_semaphore, #tpu.memory_space<semaphore_mem>>)
      %dma_wait3A_45 = arith.constant 0 : i32
      %dma_wait3A_46 = arith.constant 0 : i32
      %dma_wait3A_47 = tpu.memref_slice %arg3[%arg0, %arg1, %dma_wait3A_45, %dma_wait3A_46] : memref<2x16x160x128xi32, #tpu.memory_space<hbm>> -> memref<1x1x160x128xi32, #tpu.memory_space<hbm>>
      %dma_wait3A_48 = tpu.memref_squeeze %dma_wait3A_47 : memref<1x1x160x128xi32, #tpu.memory_space<hbm>> -> memref<160x128xi32, #tpu.memory_space<hbm>>
      %dma_wait3A_49 = arith.constant 0 : i32
      %dma_wait3A_50 = arith.constant 0 : i32
      %dma_wait3A_51 = tpu.memref_slice %arg3[%arg0, %arg1, %dma_wait3A_49, %dma_wait3A_50] : memref<2x16x160x128xi32, #tpu.memory_space<hbm>> -> memref<1x1x160x128xi32, #tpu.memory_space<hbm>>
      %dma_wait3A_52 = tpu.memref_squeeze %dma_wait3A_51 : memref<1x1x160x128xi32, #tpu.memory_space<hbm>> -> memref<160x128xi32, #tpu.memory_space<hbm>>
      tpu.wait_dma2 semaphore(%run_scoped3A : memref<!tpu.dma_semaphore, #tpu.memory_space<semaphore_mem>>) src(%dma_wait3A_52 : memref<160x128xi32, #tpu.memory_space<hbm>>) dst(%arg7 : memref<160x128xi32, #tpu.memory_space<vmem>>)
      tpu.yield
    }) : () -> ()
    "tpu.region"() ({
      %run_scoped3A = tpu.sem_alloc : memref<!tpu.dma_semaphore, #tpu.memory_space<semaphore_mem>>
      %dma_start3A_37 = arith.constant 0 : i32
      %dma_start3A_38 = arith.constant 0 : i32
      %dma_start3A_39 = tpu.memref_slice %arg4[%arg1, %dma_start3A_37, %dma_start3A_38] : memref<16x160x128xi32, #tpu.memory_space<hbm>> -> memref<1x160x128xi32, #tpu.memory_space<hbm>>
      %dma_start3A_40 = tpu.memref_squeeze %dma_start3A_39 : memref<1x160x128xi32, #tpu.memory_space<hbm>> -> memref<160x128xi32, #tpu.memory_space<hbm>>
      %dma_start3A_41 = arith.constant 0 : i32
      %dma_start3A_42 = arith.constant 0 : i32
      %dma_start3A_43 = tpu.memref_slice %arg4[%arg1, %dma_start3A_41, %dma_start3A_42] : memref<16x160x128xi32, #tpu.memory_space<hbm>> -> memref<1x160x128xi32, #tpu.memory_space<hbm>>
      %dma_start3A_44 = tpu.memref_squeeze %dma_start3A_43 : memref<1x160x128xi32, #tpu.memory_space<hbm>> -> memref<160x128xi32, #tpu.memory_space<hbm>>
      tpu.enqueue_dma source(%dma_start3A_44 : memref<160x128xi32, #tpu.memory_space<hbm>>) target(%arg8 : memref<160x128xi32, #tpu.memory_space<vmem>>) target_semaphore(%run_scoped3A : memref<!tpu.dma_semaphore, #tpu.memory_space<semaphore_mem>>)
      %dma_wait3A_45 = arith.constant 0 : i32
      %dma_wait3A_46 = arith.constant 0 : i32
      %dma_wait3A_47 = tpu.memref_slice %arg4[%arg1, %dma_wait3A_45, %dma_wait3A_46] : memref<16x160x128xi32, #tpu.memory_space<hbm>> -> memref<1x160x128xi32, #tpu.memory_space<hbm>>
      %dma_wait3A_48 = tpu.memref_squeeze %dma_wait3A_47 : memref<1x160x128xi32, #tpu.memory_space<hbm>> -> memref<160x128xi32, #tpu.memory_space<hbm>>
      %dma_wait3A_49 = arith.constant 0 : i32
      %dma_wait3A_50 = arith.constant 0 : i32
      %dma_wait3A_51 = tpu.memref_slice %arg4[%arg1, %dma_wait3A_49, %dma_wait3A_50] : memref<16x160x128xi32, #tpu.memory_space<hbm>> -> memref<1x160x128xi32, #tpu.memory_space<hbm>>
      %dma_wait3A_52 = tpu.memref_squeeze %dma_wait3A_51 : memref<1x160x128xi32, #tpu.memory_space<hbm>> -> memref<160x128xi32, #tpu.memory_space<hbm>>
      tpu.wait_dma2 semaphore(%run_scoped3A : memref<!tpu.dma_semaphore, #tpu.memory_space<semaphore_mem>>) src(%dma_wait3A_52 : memref<160x128xi32, #tpu.memory_space<hbm>>) dst(%arg8 : memref<160x128xi32, #tpu.memory_space<vmem>>)
      tpu.yield
    }) : () -> ()
    %mul3A = arith.constant 632 : i32
    %mul3A_0 = arith.muli %arg1, %mul3A : i32
    "tpu.region"() ({
      %run_scoped3A = tpu.sem_alloc : memref<!tpu.dma_semaphore, #tpu.memory_space<semaphore_mem>>
      %dma_start3A_37 = arith.constant 0 : i32
      %dma_start3A_38 = tpu.memref_slice %arg17[%mul3A_0, %dma_start3A_37] : memref<10112x64xf32, #tpu.memory_space<vmem_shared>> -> memref<632x64xf32, #tpu.memory_space<vmem_shared>>
      tpu.enqueue_dma source(%arg5 : memref<632x64xf32, #tpu.memory_space<hbm>>) target(%dma_start3A_38 : memref<632x64xf32, #tpu.memory_space<vmem_shared>>) target_semaphore(%run_scoped3A : memref<!tpu.dma_semaphore, #tpu.memory_space<semaphore_mem>>)
      %dma_wait3A_39 = arith.constant 0 : i32
      %dma_wait3A_40 = tpu.memref_slice %arg17[%mul3A_0, %dma_wait3A_39] : memref<10112x64xf32, #tpu.memory_space<vmem_shared>> -> memref<632x64xf32, #tpu.memory_space<vmem_shared>>
      tpu.wait_dma2 semaphore(%run_scoped3A : memref<!tpu.dma_semaphore, #tpu.memory_space<semaphore_mem>>) src(%arg5 : memref<632x64xf32, #tpu.memory_space<hbm>>) dst(%dma_wait3A_40 : memref<632x64xf32, #tpu.memory_space<vmem_shared>>)
      tpu.yield
    }) : () -> ()
    %barrier3A = arith.constant 0 : index
    tpu.barrier barrier_id(%barrier3A)
    %dma_start3A = arith.constant 0 : i32
    %dma_start3A_1 = arith.constant 0 : i32
    %dma_start3A_2 = tpu.memref_slice %arg7[%dma_start3A, %dma_start3A_1] : memref<160x128xi32, #tpu.memory_space<vmem>> -> memref<1x128xi32, #tpu.memory_space<vmem>>
    %dma_start3A_3 = tpu.memref_squeeze %dma_start3A_2 : memref<1x128xi32, #tpu.memory_space<vmem>> -> memref<128xi32, #tpu.memory_space<vmem>>
    %dma_start3A_4 = arith.constant 0 : i32
    %dma_start3A_5 = arith.constant 0 : i32
    %dma_start3A_6 = tpu.memref_slice %arg2[%dma_start3A_4, %dma_start3A_5] : memref<20000x64xf32, #tpu.memory_space<hbm>> -> memref<20000x64xf32, #tpu.memory_space<hbm>>
    tpu.enqueue_indirect_dma source(%dma_start3A_6 : memref<20000x64xf32, #tpu.memory_space<hbm>>) target(%arg9 : memref<128x64xf32, #tpu.memory_space<vmem>>) offsets(%dma_start3A_3 : memref<128xi32, #tpu.memory_space<vmem>>) semaphore(%arg13 : memref<!tpu.dma_semaphore, #tpu.memory_space<semaphore_mem>>)
    %dma_start3A_7 = arith.constant 1 : i32
    %dma_start3A_8 = arith.constant 0 : i32
    %dma_start3A_9 = tpu.memref_slice %arg7[%dma_start3A_7, %dma_start3A_8] : memref<160x128xi32, #tpu.memory_space<vmem>> -> memref<1x128xi32, #tpu.memory_space<vmem>>
    %dma_start3A_10 = tpu.memref_squeeze %dma_start3A_9 : memref<1x128xi32, #tpu.memory_space<vmem>> -> memref<128xi32, #tpu.memory_space<vmem>>
    %dma_start3A_11 = arith.constant 0 : i32
    %dma_start3A_12 = arith.constant 0 : i32
    %dma_start3A_13 = tpu.memref_slice %arg2[%dma_start3A_11, %dma_start3A_12] : memref<20000x64xf32, #tpu.memory_space<hbm>> -> memref<20000x64xf32, #tpu.memory_space<hbm>>
    tpu.enqueue_indirect_dma source(%dma_start3A_13 : memref<20000x64xf32, #tpu.memory_space<hbm>>) target(%arg10 : memref<128x64xf32, #tpu.memory_space<vmem>>) offsets(%dma_start3A_10 : memref<128xi32, #tpu.memory_space<vmem>>) semaphore(%arg14 : memref<!tpu.dma_semaphore, #tpu.memory_space<semaphore_mem>>)
    %scan3A = arith.constant 0 : i32
    %scan3A_14 = arith.constant 0 : i32
    %scan3A_15 = arith.constant 40 : i32
    %scan3A_16 = arith.addi %scan3A_14, %scan3A_15 : i32
    %scan3A_17 = arith.constant 1 : i32
    scf.for %scan3A_37 = %scan3A_14 to %scan3A_16 step %scan3A_17  : i32 {
      %mul3A_38 = arith.constant 4 : i32
      %mul3A_39 = arith.muli %mul3A_38, %scan3A_37 : i32
      %add3A = arith.constant 0 : i32
      %add3A_40 = arith.addi %mul3A_39, %add3A : i32
      %dma_wait3A_41 = arith.constant 0 : i32
      %dma_wait3A_42 = tpu.memref_slice %arg7[%add3A_40, %dma_wait3A_41] : memref<160x128xi32, #tpu.memory_space<vmem>> -> memref<1x128xi32, #tpu.memory_space<vmem>>
      %dma_wait3A_43 = tpu.memref_squeeze %dma_wait3A_42 : memref<1x128xi32, #tpu.memory_space<vmem>> -> memref<128xi32, #tpu.memory_space<vmem>>
      %dma_wait3A_44 = arith.constant 0 : i32
      %dma_wait3A_45 = arith.constant 0 : i32
      %dma_wait3A_46 = tpu.memref_slice %arg2[%dma_wait3A_44, %dma_wait3A_45] : memref<20000x64xf32, #tpu.memory_space<hbm>> -> memref<20000x64xf32, #tpu.memory_space<hbm>>
      tpu.wait_indirect_dma semaphore(%arg13 : memref<!tpu.dma_semaphore, #tpu.memory_space<semaphore_mem>>) src(%dma_wait3A_46 : memref<20000x64xf32, #tpu.memory_space<hbm>>) dst(%arg9 : memref<128x64xf32, #tpu.memory_space<vmem>>)
      %dma_start3A_47 = arith.constant 0 : i32
      %dma_start3A_48 = tpu.memref_slice %arg8[%add3A_40, %dma_start3A_47] : memref<160x128xi32, #tpu.memory_space<vmem>> -> memref<1x128xi32, #tpu.memory_space<vmem>>
      %dma_start3A_49 = tpu.memref_squeeze %dma_start3A_48 : memref<1x128xi32, #tpu.memory_space<vmem>> -> memref<128xi32, #tpu.memory_space<vmem>>
      %dma_start3A_50 = arith.constant 0 : i32
      %dma_start3A_51 = arith.constant 0 : i32
      %dma_start3A_52 = tpu.memref_slice %arg17[%dma_start3A_50, %dma_start3A_51] : memref<10112x64xf32, #tpu.memory_space<vmem_shared>> -> memref<10112x64xf32, #tpu.memory_space<vmem_shared>>
      tpu.enqueue_indirect_dma source(%arg9 : memref<128x64xf32, #tpu.memory_space<vmem>>) target(%dma_start3A_52 : memref<10112x64xf32, #tpu.memory_space<vmem_shared>>) offsets(%dma_start3A_49 : memref<128xi32, #tpu.memory_space<vmem>>) semaphore(%arg13 : memref<!tpu.dma_semaphore, #tpu.memory_space<semaphore_mem>>) {add = true}
      %add3A_53 = arith.constant 2 : i32
      %add3A_54 = arith.addi %add3A_40, %add3A_53 : i32
      %gt3A = arith.constant 0 : i32
      %gt3A_55 = arith.cmpi sgt, %scan3A_37, %gt3A : i32
      %convert_element_type3A = arith.extui %gt3A_55 : i1 to i32
      %cond3A = arith.constant 0 : i32
      %cond3A_56 = arith.cmpi ne, %convert_element_type3A, %cond3A : i32
      scf.if %cond3A_56 {
        %sub3A_150 = arith.constant 2 : i32
        %sub3A_151 = arith.subi %add3A_40, %sub3A_150 : i32
        %dma_wait3A_152 = arith.constant 0 : i32
        %dma_wait3A_153 = tpu.memref_slice %arg8[%sub3A_151, %dma_wait3A_152] : memref<160x128xi32, #tpu.memory_space<vmem>> -> memref<1x128xi32, #tpu.memory_space<vmem>>
        %dma_wait3A_154 = tpu.memref_squeeze %dma_wait3A_153 : memref<1x128xi32, #tpu.memory_space<vmem>> -> memref<128xi32, #tpu.memory_space<vmem>>
        %dma_wait3A_155 = arith.constant 0 : i32
        %dma_wait3A_156 = arith.constant 0 : i32
        %dma_wait3A_157 = tpu.memref_slice %arg17[%dma_wait3A_155, %dma_wait3A_156] : memref<10112x64xf32, #tpu.memory_space<vmem_shared>> -> memref<10112x64xf32, #tpu.memory_space<vmem_shared>>
        tpu.wait_indirect_dma semaphore(%arg15 : memref<!tpu.dma_semaphore, #tpu.memory_space<semaphore_mem>>) src(%arg11 : memref<128x64xf32, #tpu.memory_space<vmem>>) dst(%dma_wait3A_157 : memref<10112x64xf32, #tpu.memory_space<vmem_shared>>)
      } else {
      }
      %lt3A = arith.constant 160 : i32
      %lt3A_57 = arith.cmpi slt, %add3A_54, %lt3A : i32
      %convert_element_type3A_58 = arith.extui %lt3A_57 : i1 to i32
      %cond3A_59 = arith.constant 0 : i32
      %cond3A_60 = arith.cmpi ne, %convert_element_type3A_58, %cond3A_59 : i32
      scf.if %cond3A_60 {
        %dma_start3A_150 = arith.constant 0 : i32
        %dma_start3A_151 = tpu.memref_slice %arg7[%add3A_54, %dma_start3A_150] : memref<160x128xi32, #tpu.memory_space<vmem>> -> memref<1x128xi32, #tpu.memory_space<vmem>>
        %dma_start3A_152 = tpu.memref_squeeze %dma_start3A_151 : memref<1x128xi32, #tpu.memory_space<vmem>> -> memref<128xi32, #tpu.memory_space<vmem>>
        %dma_start3A_153 = arith.constant 0 : i32
        %dma_start3A_154 = arith.constant 0 : i32
        %dma_start3A_155 = tpu.memref_slice %arg2[%dma_start3A_153, %dma_start3A_154] : memref<20000x64xf32, #tpu.memory_space<hbm>> -> memref<20000x64xf32, #tpu.memory_space<hbm>>
        tpu.enqueue_indirect_dma source(%dma_start3A_155 : memref<20000x64xf32, #tpu.memory_space<hbm>>) target(%arg11 : memref<128x64xf32, #tpu.memory_space<vmem>>) offsets(%dma_start3A_152 : memref<128xi32, #tpu.memory_space<vmem>>) semaphore(%arg15 : memref<!tpu.dma_semaphore, #tpu.memory_space<semaphore_mem>>)
      } else {
      }
      %mul3A_61 = arith.constant 4 : i32
      %mul3A_62 = arith.muli %mul3A_61, %scan3A_37 : i32
      %add3A_63 = arith.constant 1 : i32
      %add3A_64 = arith.addi %mul3A_62, %add3A_63 : i32
      %dma_wait3A_65 = arith.constant 0 : i32
      %dma_wait3A_66 = tpu.memref_slice %arg7[%add3A_64, %dma_wait3A_65] : memref<160x128xi32, #tpu.memory_space<vmem>> -> memref<1x128xi32, #tpu.memory_space<vmem>>
      %dma_wait3A_67 = tpu.memref_squeeze %dma_wait3A_66 : memref<1x128xi32, #tpu.memory_space<vmem>> -> memref<128xi32, #tpu.memory_space<vmem>>
      %dma_wait3A_68 = arith.constant 0 : i32
      %dma_wait3A_69 = arith.constant 0 : i32
      %dma_wait3A_70 = tpu.memref_slice %arg2[%dma_wait3A_68, %dma_wait3A_69] : memref<20000x64xf32, #tpu.memory_space<hbm>> -> memref<20000x64xf32, #tpu.memory_space<hbm>>
      tpu.wait_indirect_dma semaphore(%arg14 : memref<!tpu.dma_semaphore, #tpu.memory_space<semaphore_mem>>) src(%dma_wait3A_70 : memref<20000x64xf32, #tpu.memory_space<hbm>>) dst(%arg10 : memref<128x64xf32, #tpu.memory_space<vmem>>)
      %dma_start3A_71 = arith.constant 0 : i32
      %dma_start3A_72 = tpu.memref_slice %arg8[%add3A_64, %dma_start3A_71] : memref<160x128xi32, #tpu.memory_space<vmem>> -> memref<1x128xi32, #tpu.memory_space<vmem>>
      %dma_start3A_73 = tpu.memref_squeeze %dma_start3A_72 : memref<1x128xi32, #tpu.memory_space<vmem>> -> memref<128xi32, #tpu.memory_space<vmem>>
      %dma_start3A_74 = arith.constant 0 : i32
      %dma_start3A_75 = arith.constant 0 : i32
      %dma_start3A_76 = tpu.memref_slice %arg17[%dma_start3A_74, %dma_start3A_75] : memref<10112x64xf32, #tpu.memory_space<vmem_shared>> -> memref<10112x64xf32, #tpu.memory_space<vmem_shared>>
      tpu.enqueue_indirect_dma source(%arg10 : memref<128x64xf32, #tpu.memory_space<vmem>>) target(%dma_start3A_76 : memref<10112x64xf32, #tpu.memory_space<vmem_shared>>) offsets(%dma_start3A_73 : memref<128xi32, #tpu.memory_space<vmem>>) semaphore(%arg14 : memref<!tpu.dma_semaphore, #tpu.memory_space<semaphore_mem>>) {add = true}
      %add3A_77 = arith.constant 2 : i32
      %add3A_78 = arith.addi %add3A_64, %add3A_77 : i32
      %gt3A_79 = arith.constant 0 : i32
      %gt3A_80 = arith.cmpi sgt, %scan3A_37, %gt3A_79 : i32
      %convert_element_type3A_81 = arith.extui %gt3A_80 : i1 to i32
      %cond3A_82 = arith.constant 0 : i32
      %cond3A_83 = arith.cmpi ne, %convert_element_type3A_81, %cond3A_82 : i32
      scf.if %cond3A_83 {
        %sub3A_150 = arith.constant 2 : i32
        %sub3A_151 = arith.subi %add3A_64, %sub3A_150 : i32
        %dma_wait3A_152 = arith.constant 0 : i32
        %dma_wait3A_153 = tpu.memref_slice %arg8[%sub3A_151, %dma_wait3A_152] : memref<160x128xi32, #tpu.memory_space<vmem>> -> memref<1x128xi32, #tpu.memory_space<vmem>>
        %dma_wait3A_154 = tpu.memref_squeeze %dma_wait3A_153 : memref<1x128xi32, #tpu.memory_space<vmem>> -> memref<128xi32, #tpu.memory_space<vmem>>
        %dma_wait3A_155 = arith.constant 0 : i32
        %dma_wait3A_156 = arith.constant 0 : i32
        %dma_wait3A_157 = tpu.memref_slice %arg17[%dma_wait3A_155, %dma_wait3A_156] : memref<10112x64xf32, #tpu.memory_space<vmem_shared>> -> memref<10112x64xf32, #tpu.memory_space<vmem_shared>>
        tpu.wait_indirect_dma semaphore(%arg16 : memref<!tpu.dma_semaphore, #tpu.memory_space<semaphore_mem>>) src(%arg12 : memref<128x64xf32, #tpu.memory_space<vmem>>) dst(%dma_wait3A_157 : memref<10112x64xf32, #tpu.memory_space<vmem_shared>>)
      } else {
      }
      %lt3A_84 = arith.constant 160 : i32
      %lt3A_85 = arith.cmpi slt, %add3A_78, %lt3A_84 : i32
      %convert_element_type3A_86 = arith.extui %lt3A_85 : i1 to i32
      %cond3A_87 = arith.constant 0 : i32
      %cond3A_88 = arith.cmpi ne, %convert_element_type3A_86, %cond3A_87 : i32
      scf.if %cond3A_88 {
        %dma_start3A_150 = arith.constant 0 : i32
        %dma_start3A_151 = tpu.memref_slice %arg7[%add3A_78, %dma_start3A_150] : memref<160x128xi32, #tpu.memory_space<vmem>> -> memref<1x128xi32, #tpu.memory_space<vmem>>
        %dma_start3A_152 = tpu.memref_squeeze %dma_start3A_151 : memref<1x128xi32, #tpu.memory_space<vmem>> -> memref<128xi32, #tpu.memory_space<vmem>>
        %dma_start3A_153 = arith.constant 0 : i32
        %dma_start3A_154 = arith.constant 0 : i32
        %dma_start3A_155 = tpu.memref_slice %arg2[%dma_start3A_153, %dma_start3A_154] : memref<20000x64xf32, #tpu.memory_space<hbm>> -> memref<20000x64xf32, #tpu.memory_space<hbm>>
        tpu.enqueue_indirect_dma source(%dma_start3A_155 : memref<20000x64xf32, #tpu.memory_space<hbm>>) target(%arg12 : memref<128x64xf32, #tpu.memory_space<vmem>>) offsets(%dma_start3A_152 : memref<128xi32, #tpu.memory_space<vmem>>) semaphore(%arg16 : memref<!tpu.dma_semaphore, #tpu.memory_space<semaphore_mem>>)
      } else {
      }
      %mul3A_89 = arith.constant 4 : i32
      %mul3A_90 = arith.muli %mul3A_89, %scan3A_37 : i32
      %add3A_91 = arith.constant 2 : i32
      %add3A_92 = arith.addi %mul3A_90, %add3A_91 : i32
      %dma_wait3A_93 = arith.constant 0 : i32
      %dma_wait3A_94 = tpu.memref_slice %arg7[%add3A_92, %dma_wait3A_93] : memref<160x128xi32, #tpu.memory_space<vmem>> -> memref<1x128xi32, #tpu.memory_space<vmem>>
      %dma_wait3A_95 = tpu.memref_squeeze %dma_wait3A_94 : memref<1x128xi32, #tpu.memory_space<vmem>> -> memref<128xi32, #tpu.memory_space<vmem>>
      %dma_wait3A_96 = arith.constant 0 : i32
      %dma_wait3A_97 = arith.constant 0 : i32
      %dma_wait3A_98 = tpu.memref_slice %arg2[%dma_wait3A_96, %dma_wait3A_97] : memref<20000x64xf32, #tpu.memory_space<hbm>> -> memref<20000x64xf32, #tpu.memory_space<hbm>>
      tpu.wait_indirect_dma semaphore(%arg15 : memref<!tpu.dma_semaphore, #tpu.memory_space<semaphore_mem>>) src(%dma_wait3A_98 : memref<20000x64xf32, #tpu.memory_space<hbm>>) dst(%arg11 : memref<128x64xf32, #tpu.memory_space<vmem>>)
      %dma_start3A_99 = arith.constant 0 : i32
      %dma_start3A_100 = tpu.memref_slice %arg8[%add3A_92, %dma_start3A_99] : memref<160x128xi32, #tpu.memory_space<vmem>> -> memref<1x128xi32, #tpu.memory_space<vmem>>
      %dma_start3A_101 = tpu.memref_squeeze %dma_start3A_100 : memref<1x128xi32, #tpu.memory_space<vmem>> -> memref<128xi32, #tpu.memory_space<vmem>>
      %dma_start3A_102 = arith.constant 0 : i32
      %dma_start3A_103 = arith.constant 0 : i32
      %dma_start3A_104 = tpu.memref_slice %arg17[%dma_start3A_102, %dma_start3A_103] : memref<10112x64xf32, #tpu.memory_space<vmem_shared>> -> memref<10112x64xf32, #tpu.memory_space<vmem_shared>>
      tpu.enqueue_indirect_dma source(%arg11 : memref<128x64xf32, #tpu.memory_space<vmem>>) target(%dma_start3A_104 : memref<10112x64xf32, #tpu.memory_space<vmem_shared>>) offsets(%dma_start3A_101 : memref<128xi32, #tpu.memory_space<vmem>>) semaphore(%arg15 : memref<!tpu.dma_semaphore, #tpu.memory_space<semaphore_mem>>) {add = true}
      %add3A_105 = arith.constant 2 : i32
      %add3A_106 = arith.addi %add3A_92, %add3A_105 : i32
      %sub3A = arith.constant 2 : i32
      %sub3A_107 = arith.subi %add3A_92, %sub3A : i32
      %dma_wait3A_108 = arith.constant 0 : i32
      %dma_wait3A_109 = tpu.memref_slice %arg8[%sub3A_107, %dma_wait3A_108] : memref<160x128xi32, #tpu.memory_space<vmem>> -> memref<1x128xi32, #tpu.memory_space<vmem>>
      %dma_wait3A_110 = tpu.memref_squeeze %dma_wait3A_109 : memref<1x128xi32, #tpu.memory_space<vmem>> -> memref<128xi32, #tpu.memory_space<vmem>>
      %dma_wait3A_111 = arith.constant 0 : i32
      %dma_wait3A_112 = arith.constant 0 : i32
      %dma_wait3A_113 = tpu.memref_slice %arg17[%dma_wait3A_111, %dma_wait3A_112] : memref<10112x64xf32, #tpu.memory_space<vmem_shared>> -> memref<10112x64xf32, #tpu.memory_space<vmem_shared>>
      tpu.wait_indirect_dma semaphore(%arg13 : memref<!tpu.dma_semaphore, #tpu.memory_space<semaphore_mem>>) src(%arg9 : memref<128x64xf32, #tpu.memory_space<vmem>>) dst(%dma_wait3A_113 : memref<10112x64xf32, #tpu.memory_space<vmem_shared>>)
      %lt3A_114 = arith.constant 160 : i32
      %lt3A_115 = arith.cmpi slt, %add3A_106, %lt3A_114 : i32
      %convert_element_type3A_116 = arith.extui %lt3A_115 : i1 to i32
      %cond3A_117 = arith.constant 0 : i32
      %cond3A_118 = arith.cmpi ne, %convert_element_type3A_116, %cond3A_117 : i32
      scf.if %cond3A_118 {
        %dma_start3A_150 = arith.constant 0 : i32
        %dma_start3A_151 = tpu.memref_slice %arg7[%add3A_106, %dma_start3A_150] : memref<160x128xi32, #tpu.memory_space<vmem>> -> memref<1x128xi32, #tpu.memory_space<vmem>>
        %dma_start3A_152 = tpu.memref_squeeze %dma_start3A_151 : memref<1x128xi32, #tpu.memory_space<vmem>> -> memref<128xi32, #tpu.memory_space<vmem>>
        %dma_start3A_153 = arith.constant 0 : i32
        %dma_start3A_154 = arith.constant 0 : i32
        %dma_start3A_155 = tpu.memref_slice %arg2[%dma_start3A_153, %dma_start3A_154] : memref<20000x64xf32, #tpu.memory_space<hbm>> -> memref<20000x64xf32, #tpu.memory_space<hbm>>
        tpu.enqueue_indirect_dma source(%dma_start3A_155 : memref<20000x64xf32, #tpu.memory_space<hbm>>) target(%arg9 : memref<128x64xf32, #tpu.memory_space<vmem>>) offsets(%dma_start3A_152 : memref<128xi32, #tpu.memory_space<vmem>>) semaphore(%arg13 : memref<!tpu.dma_semaphore, #tpu.memory_space<semaphore_mem>>)
      } else {
      }
      %mul3A_119 = arith.constant 4 : i32
      %mul3A_120 = arith.muli %mul3A_119, %scan3A_37 : i32
      %add3A_121 = arith.constant 3 : i32
      %add3A_122 = arith.addi %mul3A_120, %add3A_121 : i32
      %dma_wait3A_123 = arith.constant 0 : i32
      %dma_wait3A_124 = tpu.memref_slice %arg7[%add3A_122, %dma_wait3A_123] : memref<160x128xi32, #tpu.memory_space<vmem>> -> memref<1x128xi32, #tpu.memory_space<vmem>>
      %dma_wait3A_125 = tpu.memref_squeeze %dma_wait3A_124 : memref<1x128xi32, #tpu.memory_space<vmem>> -> memref<128xi32, #tpu.memory_space<vmem>>
      %dma_wait3A_126 = arith.constant 0 : i32
      %dma_wait3A_127 = arith.constant 0 : i32
      %dma_wait3A_128 = tpu.memref_slice %arg2[%dma_wait3A_126, %dma_wait3A_127] : memref<20000x64xf32, #tpu.memory_space<hbm>> -> memref<20000x64xf32, #tpu.memory_space<hbm>>
      tpu.wait_indirect_dma semaphore(%arg16 : memref<!tpu.dma_semaphore, #tpu.memory_space<semaphore_mem>>) src(%dma_wait3A_128 : memref<20000x64xf32, #tpu.memory_space<hbm>>) dst(%arg12 : memref<128x64xf32, #tpu.memory_space<vmem>>)
      %dma_start3A_129 = arith.constant 0 : i32
      %dma_start3A_130 = tpu.memref_slice %arg8[%add3A_122, %dma_start3A_129] : memref<160x128xi32, #tpu.memory_space<vmem>> -> memref<1x128xi32, #tpu.memory_space<vmem>>
      %dma_start3A_131 = tpu.memref_squeeze %dma_start3A_130 : memref<1x128xi32, #tpu.memory_space<vmem>> -> memref<128xi32, #tpu.memory_space<vmem>>
      %dma_start3A_132 = arith.constant 0 : i32
      %dma_start3A_133 = arith.constant 0 : i32
      %dma_start3A_134 = tpu.memref_slice %arg17[%dma_start3A_132, %dma_start3A_133] : memref<10112x64xf32, #tpu.memory_space<vmem_shared>> -> memref<10112x64xf32, #tpu.memory_space<vmem_shared>>
      tpu.enqueue_indirect_dma source(%arg12 : memref<128x64xf32, #tpu.memory_space<vmem>>) target(%dma_start3A_134 : memref<10112x64xf32, #tpu.memory_space<vmem_shared>>) offsets(%dma_start3A_131 : memref<128xi32, #tpu.memory_space<vmem>>) semaphore(%arg16 : memref<!tpu.dma_semaphore, #tpu.memory_space<semaphore_mem>>) {add = true}
      %add3A_135 = arith.constant 2 : i32
      %add3A_136 = arith.addi %add3A_122, %add3A_135 : i32
      %sub3A_137 = arith.constant 2 : i32
      %sub3A_138 = arith.subi %add3A_122, %sub3A_137 : i32
      %dma_wait3A_139 = arith.constant 0 : i32
      %dma_wait3A_140 = tpu.memref_slice %arg8[%sub3A_138, %dma_wait3A_139] : memref<160x128xi32, #tpu.memory_space<vmem>> -> memref<1x128xi32, #tpu.memory_space<vmem>>
      %dma_wait3A_141 = tpu.memref_squeeze %dma_wait3A_140 : memref<1x128xi32, #tpu.memory_space<vmem>> -> memref<128xi32, #tpu.memory_space<vmem>>
      %dma_wait3A_142 = arith.constant 0 : i32
      %dma_wait3A_143 = arith.constant 0 : i32
      %dma_wait3A_144 = tpu.memref_slice %arg17[%dma_wait3A_142, %dma_wait3A_143] : memref<10112x64xf32, #tpu.memory_space<vmem_shared>> -> memref<10112x64xf32, #tpu.memory_space<vmem_shared>>
      tpu.wait_indirect_dma semaphore(%arg14 : memref<!tpu.dma_semaphore, #tpu.memory_space<semaphore_mem>>) src(%arg10 : memref<128x64xf32, #tpu.memory_space<vmem>>) dst(%dma_wait3A_144 : memref<10112x64xf32, #tpu.memory_space<vmem_shared>>)
      %lt3A_145 = arith.constant 160 : i32
      %lt3A_146 = arith.cmpi slt, %add3A_136, %lt3A_145 : i32
      %convert_element_type3A_147 = arith.extui %lt3A_146 : i1 to i32
      %cond3A_148 = arith.constant 0 : i32
      %cond3A_149 = arith.cmpi ne, %convert_element_type3A_147, %cond3A_148 : i32
      scf.if %cond3A_149 {
        %dma_start3A_150 = arith.constant 0 : i32
        %dma_start3A_151 = tpu.memref_slice %arg7[%add3A_136, %dma_start3A_150] : memref<160x128xi32, #tpu.memory_space<vmem>> -> memref<1x128xi32, #tpu.memory_space<vmem>>
        %dma_start3A_152 = tpu.memref_squeeze %dma_start3A_151 : memref<1x128xi32, #tpu.memory_space<vmem>> -> memref<128xi32, #tpu.memory_space<vmem>>
        %dma_start3A_153 = arith.constant 0 : i32
        %dma_start3A_154 = arith.constant 0 : i32
        %dma_start3A_155 = tpu.memref_slice %arg2[%dma_start3A_153, %dma_start3A_154] : memref<20000x64xf32, #tpu.memory_space<hbm>> -> memref<20000x64xf32, #tpu.memory_space<hbm>>
        tpu.enqueue_indirect_dma source(%dma_start3A_155 : memref<20000x64xf32, #tpu.memory_space<hbm>>) target(%arg10 : memref<128x64xf32, #tpu.memory_space<vmem>>) offsets(%dma_start3A_152 : memref<128xi32, #tpu.memory_space<vmem>>) semaphore(%arg14 : memref<!tpu.dma_semaphore, #tpu.memory_space<semaphore_mem>>)
      } else {
      }
    }
    %scan3A_18 = arith.constant 40 : i32
    %dma_wait3A = arith.constant 158 : i32
    %dma_wait3A_19 = arith.constant 0 : i32
    %dma_wait3A_20 = tpu.memref_slice %arg8[%dma_wait3A, %dma_wait3A_19] : memref<160x128xi32, #tpu.memory_space<vmem>> -> memref<1x128xi32, #tpu.memory_space<vmem>>
    %dma_wait3A_21 = tpu.memref_squeeze %dma_wait3A_20 : memref<1x128xi32, #tpu.memory_space<vmem>> -> memref<128xi32, #tpu.memory_space<vmem>>
    %dma_wait3A_22 = arith.constant 0 : i32
    %dma_wait3A_23 = arith.constant 0 : i32
    %dma_wait3A_24 = tpu.memref_slice %arg17[%dma_wait3A_22, %dma_wait3A_23] : memref<10112x64xf32, #tpu.memory_space<vmem_shared>> -> memref<10112x64xf32, #tpu.memory_space<vmem_shared>>
    tpu.wait_indirect_dma semaphore(%arg15 : memref<!tpu.dma_semaphore, #tpu.memory_space<semaphore_mem>>) src(%arg11 : memref<128x64xf32, #tpu.memory_space<vmem>>) dst(%dma_wait3A_24 : memref<10112x64xf32, #tpu.memory_space<vmem_shared>>)
    %dma_wait3A_25 = arith.constant 159 : i32
    %dma_wait3A_26 = arith.constant 0 : i32
    %dma_wait3A_27 = tpu.memref_slice %arg8[%dma_wait3A_25, %dma_wait3A_26] : memref<160x128xi32, #tpu.memory_space<vmem>> -> memref<1x128xi32, #tpu.memory_space<vmem>>
    %dma_wait3A_28 = tpu.memref_squeeze %dma_wait3A_27 : memref<1x128xi32, #tpu.memory_space<vmem>> -> memref<128xi32, #tpu.memory_space<vmem>>
    %dma_wait3A_29 = arith.constant 0 : i32
    %dma_wait3A_30 = arith.constant 0 : i32
    %dma_wait3A_31 = tpu.memref_slice %arg17[%dma_wait3A_29, %dma_wait3A_30] : memref<10112x64xf32, #tpu.memory_space<vmem_shared>> -> memref<10112x64xf32, #tpu.memory_space<vmem_shared>>
    tpu.wait_indirect_dma semaphore(%arg16 : memref<!tpu.dma_semaphore, #tpu.memory_space<semaphore_mem>>) src(%arg12 : memref<128x64xf32, #tpu.memory_space<vmem>>) dst(%dma_wait3A_31 : memref<10112x64xf32, #tpu.memory_space<vmem_shared>>)
    %barrier3A_32 = arith.constant 0 : index
    tpu.barrier barrier_id(%barrier3A_32)
    %mul3A_33 = arith.constant 632 : i32
    %mul3A_34 = arith.muli %arg1, %mul3A_33 : i32
    %mul3A_35 = arith.constant 632 : i32
    %mul3A_36 = arith.muli %arg1, %mul3A_35 : i32
    "tpu.region"() ({
      %run_scoped3A = tpu.sem_alloc : memref<!tpu.dma_semaphore, #tpu.memory_space<semaphore_mem>>
      %dma_start3A_37 = arith.constant 0 : i32
      %dma_start3A_38 = tpu.memref_slice %arg6[%arg0, %mul3A_36, %dma_start3A_37] : memref<2x10112x64xf32, #tpu.memory_space<hbm>> -> memref<1x632x64xf32, #tpu.memory_space<hbm>>
      %dma_start3A_39 = tpu.memref_squeeze %dma_start3A_38 : memref<1x632x64xf32, #tpu.memory_space<hbm>> -> memref<632x64xf32, #tpu.memory_space<hbm>>
      %dma_start3A_40 = arith.constant 0 : i32
      %dma_start3A_41 = tpu.memref_slice %arg17[%mul3A_34, %dma_start3A_40] : memref<10112x64xf32, #tpu.memory_space<vmem_shared>> -> memref<632x64xf32, #tpu.memory_space<vmem_shared>>
      tpu.enqueue_dma source(%dma_start3A_41 : memref<632x64xf32, #tpu.memory_space<vmem_shared>>) target(%dma_start3A_39 : memref<632x64xf32, #tpu.memory_space<hbm>>) target_semaphore(%run_scoped3A : memref<!tpu.dma_semaphore, #tpu.memory_space<semaphore_mem>>)
      %dma_wait3A_42 = arith.constant 0 : i32
      %dma_wait3A_43 = tpu.memref_slice %arg6[%arg0, %mul3A_36, %dma_wait3A_42] : memref<2x10112x64xf32, #tpu.memory_space<hbm>> -> memref<1x632x64xf32, #tpu.memory_space<hbm>>
      %dma_wait3A_44 = tpu.memref_squeeze %dma_wait3A_43 : memref<1x632x64xf32, #tpu.memory_space<hbm>> -> memref<632x64xf32, #tpu.memory_space<hbm>>
      %dma_wait3A_45 = arith.constant 0 : i32
      %dma_wait3A_46 = tpu.memref_slice %arg17[%mul3A_34, %dma_wait3A_45] : memref<10112x64xf32, #tpu.memory_space<vmem_shared>> -> memref<632x64xf32, #tpu.memory_space<vmem_shared>>
      tpu.wait_dma2 semaphore(%run_scoped3A : memref<!tpu.dma_semaphore, #tpu.memory_space<semaphore_mem>>) src(%dma_wait3A_46 : memref<632x64xf32, #tpu.memory_space<vmem_shared>>) dst(%dma_wait3A_44 : memref<632x64xf32, #tpu.memory_space<hbm>>)
      tpu.yield
    }) : () -> ()
    return
  }
}

module attributes {stable_mosaic.version = 14 : i64} {
  func.func @_mm_body(%arg0: i32, %arg1: memref<1000x128xf32, #tpu.memory_space<vmem>>, %arg2: memref<128x128xf32, #tpu.memory_space<vmem>>, %arg3: memref<1x128xf32, #tpu.memory_space<vmem>>, %arg4: memref<1000x1xf32, #tpu.memory_space<vmem>>, %arg5: memref<1000x1xf32, #tpu.memory_space<vmem>>, %arg6: memref<1000x128xf32, #tpu.memory_space<vmem>>, %arg7: memref<1000x128xf32, #tpu.memory_space<vmem>>) attributes {dimension_semantics = [#tpu.dimension_semantics<arbitrary>], iteration_bounds = array<i64: 10>, scalar_prefetch = 0 : i64, scratch_operands = 0 : i64, tpu.core_type = #tpu.core_type<tc>, window_params = [{transform_indices = @transform_0, window_bounds = array<i64: 1000, 128>}, {pipeline_mode = #tpu.pipeline_mode<synchronous>, transform_indices = @transform_1, window_bounds = array<i64: 128, 128>}, {pipeline_mode = #tpu.pipeline_mode<synchronous>, transform_indices = @transform_2, window_bounds = array<i64: 1, 128>}, {transform_indices = @transform_3, window_bounds = array<i64: 1000, 1>}, {transform_indices = @transform_4, window_bounds = array<i64: 1000, 1>}, {transform_indices = @transform_5, window_bounds = array<i64: 1000, 128>}, {transform_indices = @transform_6, window_bounds = array<i64: 1000, 128>}]} {
    %get3A = arith.constant 0 : index
    %get3A_0 = arith.constant 0 : index
    %get3A_1 = vector.load %arg4[%get3A, %get3A_0] : memref<1000x1xf32, #tpu.memory_space<vmem>>, vector<1000x1xf32>
    %get3A_2 = arith.constant 0 : index
    %get3A_3 = arith.constant 0 : index
    %get3A_4 = vector.load %arg5[%get3A_2, %get3A_3] : memref<1000x1xf32, #tpu.memory_space<vmem>>, vector<1000x1xf32>
    %add3A = arith.addf %get3A_1, %get3A_4 : vector<1000x1xf32>
    %add3A_5 = arith.constant 1.000000e+00 : f32
    %add3A_6 = vector.broadcast %add3A_5 : f32 to vector<1000x1xf32>
    %add3A_7 = arith.addf %add3A, %add3A_6 : vector<1000x1xf32>
    %rsqrt3A = math.rsqrt %add3A_7 : vector<1000x1xf32>
    %get3A_8 = arith.constant 0 : index
    %get3A_9 = arith.constant 0 : index
    %get3A_10 = vector.load %arg1[%get3A_8, %get3A_9] : memref<1000x128xf32, #tpu.memory_space<vmem>>, vector<1000x128xf32>
    %get3A_11 = arith.constant 0 : index
    %get3A_12 = arith.constant 0 : index
    %get3A_13 = vector.load %arg2[%get3A_11, %get3A_12] : memref<128x128xf32, #tpu.memory_space<vmem>>, vector<128x128xf32>
    %dot_general3A = arith.constant dense<0.000000e+00> : vector<1000x128xf32>
    %dot_general3A_14 = tpu.matmul %get3A_10, %get3A_13, %dot_general3A {dimension_numbers = #tpu.dot_dimension_numbers<[1], [0], [0], [1], [0, 0, 1, 1], [], []>, transpose_lhs_hint = false} : vector<1000x128xf32>, vector<128x128xf32>, vector<1000x128xf32> -> vector<1000x128xf32>
    %mul3A = vector.broadcast %rsqrt3A : vector<1000x1xf32> to vector<1000x128xf32>
    %mul3A_15 = arith.mulf %dot_general3A_14, %mul3A : vector<1000x128xf32>
    %swap3A = arith.constant 0 : index
    %swap3A_16 = arith.constant 0 : index
    %swap3A_17 = vector.load %arg6[%swap3A, %swap3A_16] : memref<1000x128xf32, #tpu.memory_space<vmem>>, vector<1000x128xf32>
    tpu.vector_store %arg6[%swap3A, %swap3A_16], %mul3A_15 {strides = array<i32>} : memref<1000x128xf32, #tpu.memory_space<vmem>>, vector<1000x128xf32>,
    %mul3A_18 = arith.mulf %rsqrt3A, %rsqrt3A : vector<1000x1xf32>
    %mul3A_19 = vector.broadcast %mul3A_18 : vector<1000x1xf32> to vector<1000x128xf32>
    %mul3A_20 = arith.mulf %dot_general3A_14, %mul3A_19 : vector<1000x128xf32>
    %get3A_21 = arith.constant 0 : index
    %get3A_22 = arith.constant 0 : index
    %get3A_23 = vector.load %arg3[%get3A_21, %get3A_22] : memref<1x128xf32, #tpu.memory_space<vmem>>, vector<1x128xf32>
    %add3A_24 = vector.broadcast %get3A_23 : vector<1x128xf32> to vector<1000x128xf32>
    %add3A_25 = arith.addf %mul3A_20, %add3A_24 : vector<1000x128xf32>
    %swap3A_26 = arith.constant 0 : index
    %swap3A_27 = arith.constant 0 : index
    %swap3A_28 = vector.load %arg7[%swap3A_26, %swap3A_27] : memref<1000x128xf32, #tpu.memory_space<vmem>>, vector<1000x128xf32>
    tpu.vector_store %arg7[%swap3A_26, %swap3A_27], %add3A_25 {strides = array<i32>} : memref<1000x128xf32, #tpu.memory_space<vmem>>, vector<1000x128xf32>,
    return
  }
  func.func @transform_0(%arg0: i32) -> (i32, i32) {
    %c0_i32 = arith.constant 0 : i32
    %c0_i32_0 = arith.constant 0 : i32
    return %arg0, %c0_i32 : i32, i32
  }
  func.func @transform_1(%arg0: i32) -> (i32, i32) {
    %c0_i32 = arith.constant 0 : i32
    %c0_i32_0 = arith.constant 0 : i32
    %c0_i32_1 = arith.constant 0 : i32
    return %c0_i32, %c0_i32_0 : i32, i32
  }
  func.func @transform_2(%arg0: i32) -> (i32, i32) {
    %c0_i32 = arith.constant 0 : i32
    %c0_i32_0 = arith.constant 0 : i32
    %c0_i32_1 = arith.constant 0 : i32
    return %c0_i32, %c0_i32_0 : i32, i32
  }
  func.func @transform_3(%arg0: i32) -> (i32, i32) {
    %c0_i32 = arith.constant 0 : i32
    %c0_i32_0 = arith.constant 0 : i32
    return %arg0, %c0_i32 : i32, i32
  }
  func.func @transform_4(%arg0: i32) -> (i32, i32) {
    %c0_i32 = arith.constant 0 : i32
    %c0_i32_0 = arith.constant 0 : i32
    return %arg0, %c0_i32 : i32, i32
  }
  func.func @transform_5(%arg0: i32) -> (i32, i32) {
    %c0_i32 = arith.constant 0 : i32
    %c0_i32_0 = arith.constant 0 : i32
    return %arg0, %c0_i32 : i32, i32
  }
  func.func @transform_6(%arg0: i32) -> (i32, i32) {
    %c0_i32 = arith.constant 0 : i32
    %c0_i32_0 = arith.constant 0 : i32
    return %arg0, %c0_i32 : i32, i32
  }
}

module attributes {stable_mosaic.version = 14 : i64} {
  func.func @_sum_body(%arg0: i32, %arg1: memref<1x1000x64xf32, #tpu.memory_space<vmem>>, %arg2: memref<1x1000x64xf32, #tpu.memory_space<vmem>>, %arg3: memref<1000x128xf32, #tpu.memory_space<vmem>>, %arg4: memref<1000x1xf32, #tpu.memory_space<vmem>>, %arg5: memref<1000x1xf32, #tpu.memory_space<vmem>>, %arg6: memref<1000x128xf32, #tpu.memory_space<vmem>>, %arg7: memref<2x128xf32, #tpu.memory_space<vmem>>) attributes {dimension_semantics = [#tpu.dimension_semantics<arbitrary>], iteration_bounds = array<i64: 10>, scalar_prefetch = 0 : i64, scratch_operands = 0 : i64, tpu.core_type = #tpu.core_type<tc>, window_params = [{transform_indices = @transform_0, window_bounds = array<i64: 1, 1000, 64>}, {transform_indices = @transform_1, window_bounds = array<i64: 1, 1000, 64>}, {transform_indices = @transform_2, window_bounds = array<i64: 1000, 128>}, {transform_indices = @transform_3, window_bounds = array<i64: 1000, 1>}, {transform_indices = @transform_4, window_bounds = array<i64: 1000, 1>}, {transform_indices = @transform_5, window_bounds = array<i64: 1000, 128>}, {pipeline_mode = #tpu.pipeline_mode<synchronous>, transform_indices = @transform_6, window_bounds = array<i64: 2, 128>}]} {
    %get3A = arith.constant 0 : index
    %get3A_0 = arith.constant 0 : index
    %get3A_1 = vector.load %arg4[%get3A, %get3A_0] : memref<1000x1xf32, #tpu.memory_space<vmem>>, vector<1000x1xf32>
    %get3A_2 = arith.constant 0 : index
    %get3A_3 = arith.constant 0 : index
    %get3A_4 = vector.load %arg5[%get3A_2, %get3A_3] : memref<1000x1xf32, #tpu.memory_space<vmem>>, vector<1000x1xf32>
    %add3A = arith.addf %get3A_1, %get3A_4 : vector<1000x1xf32>
    %add3A_5 = arith.constant 1.000000e+00 : f32
    %add3A_6 = vector.broadcast %add3A_5 : f32 to vector<1000x1xf32>
    %add3A_7 = arith.addf %add3A, %add3A_6 : vector<1000x1xf32>
    %rsqrt3A = math.rsqrt %add3A_7 : vector<1000x1xf32>
    %get3A_8 = arith.constant 0 : index
    %get3A_9 = arith.constant 0 : index
    %get3A_10 = arith.constant 0 : index
    %get3A_11 = vector.load %arg1[%get3A_8, %get3A_9, %get3A_10] : memref<1x1000x64xf32, #tpu.memory_space<vmem>>, vector<1x1000x64xf32>
    %reshape3A = vector.shape_cast %get3A_11 : vector<1x1000x64xf32> to vector<1000x64xf32>
    %get3A_12 = arith.constant 0 : index
    %get3A_13 = arith.constant 0 : index
    %get3A_14 = arith.constant 0 : index
    %get3A_15 = vector.load %arg2[%get3A_12, %get3A_13, %get3A_14] : memref<1x1000x64xf32, #tpu.memory_space<vmem>>, vector<1x1000x64xf32>
    %reshape3A_16 = vector.shape_cast %get3A_15 : vector<1x1000x64xf32> to vector<1000x64xf32>
    %concatenate3A = tpu.concatenate %reshape3A, %reshape3A_16 in 1 : vector<1000x64xf32>, vector<1000x64xf32> -> vector<1000x128xf32>
    %mul3A = vector.broadcast %rsqrt3A : vector<1000x1xf32> to vector<1000x128xf32>
    %mul3A_17 = arith.mulf %concatenate3A, %mul3A : vector<1000x128xf32>
    %get3A_18 = arith.constant 0 : index
    %get3A_19 = arith.constant 0 : index
    %get3A_20 = vector.load %arg3[%get3A_18, %get3A_19] : memref<1000x128xf32, #tpu.memory_space<vmem>>, vector<1000x128xf32>
    %add3A_21 = arith.addf %mul3A_17, %get3A_20 : vector<1000x128xf32>
    %swap3A = arith.constant 0 : index
    %swap3A_22 = arith.constant 0 : index
    %swap3A_23 = vector.load %arg6[%swap3A, %swap3A_22] : memref<1000x128xf32, #tpu.memory_space<vmem>>, vector<1000x128xf32>
    tpu.vector_store %arg6[%swap3A, %swap3A_22], %add3A_21 {strides = array<i32>} : memref<1000x128xf32, #tpu.memory_space<vmem>>, vector<1000x128xf32>,
    %eq3A = arith.constant 0 : i32
    %eq3A_24 = arith.cmpi eq, %arg0, %eq3A : i32
    %convert_element_type3A = arith.extui %eq3A_24 : i1 to i32
    %cond3A = arith.constant 0 : i32
    %cond3A_25 = arith.cmpi ne, %convert_element_type3A, %cond3A : i32
    scf.if %cond3A_25 {
      %broadcast_in_dim3A_39 = arith.constant 0.000000e+00 : f32
      %broadcast_in_dim3A_40 = vector.broadcast %broadcast_in_dim3A_39 : f32 to vector<2x128xf32>
      %swap3A_41 = arith.constant 0 : index
      %swap3A_42 = arith.constant 0 : index
      %swap3A_43 = vector.load %arg7[%swap3A_41, %swap3A_42] : memref<2x128xf32, #tpu.memory_space<vmem>>, vector<2x128xf32>
      tpu.vector_store %arg7[%swap3A_41, %swap3A_42], %broadcast_in_dim3A_40 {strides = array<i32>} : memref<2x128xf32, #tpu.memory_space<vmem>>, vector<2x128xf32>,
    } else {
    }
    %reduce_sum3A = arith.constant dense<0.000000e+00> : vector<128xf32>
    %reduce_sum3A_26 = vector.multi_reduction <add>, %add3A_21, %reduce_sum3A [0] : vector<1000x128xf32> to vector<128xf32>
    %broadcast_in_dim3A = vector.shape_cast %reduce_sum3A_26 : vector<128xf32> to vector<1x128xf32>
    %mul3A_27 = arith.mulf %add3A_21, %add3A_21 : vector<1000x128xf32>
    %reduce_sum3A_28 = arith.constant dense<0.000000e+00> : vector<128xf32>
    %reduce_sum3A_29 = vector.multi_reduction <add>, %mul3A_27, %reduce_sum3A_28 [0] : vector<1000x128xf32> to vector<128xf32>
    %broadcast_in_dim3A_30 = vector.shape_cast %reduce_sum3A_29 : vector<128xf32> to vector<1x128xf32>
    %get3A_31 = arith.constant 0 : index
    %get3A_32 = arith.constant 0 : index
    %get3A_33 = vector.load %arg7[%get3A_31, %get3A_32] : memref<2x128xf32, #tpu.memory_space<vmem>>, vector<2x128xf32>
    %concatenate3A_34 = tpu.concatenate %broadcast_in_dim3A, %broadcast_in_dim3A_30 in 0 : vector<1x128xf32>, vector<1x128xf32> -> vector<2x128xf32>
    %add3A_35 = arith.addf %get3A_33, %concatenate3A_34 : vector<2x128xf32>
    %swap3A_36 = arith.constant 0 : index
    %swap3A_37 = arith.constant 0 : index
    %swap3A_38 = vector.load %arg7[%swap3A_36, %swap3A_37] : memref<2x128xf32, #tpu.memory_space<vmem>>, vector<2x128xf32>
    tpu.vector_store %arg7[%swap3A_36, %swap3A_37], %add3A_35 {strides = array<i32>} : memref<2x128xf32, #tpu.memory_space<vmem>>, vector<2x128xf32>,
    return
  }
  func.func @transform_0(%arg0: i32) -> (i32, i32, i32) {
    %c0_i32 = arith.constant 0 : i32
    %c0_i32_0 = arith.constant 0 : i32
    %c0_i32_1 = arith.constant 0 : i32
    return %c0_i32, %arg0, %c0_i32_0 : i32, i32, i32
  }
  func.func @transform_1(%arg0: i32) -> (i32, i32, i32) {
    %c1_i32 = arith.constant 1 : i32
    %c0_i32 = arith.constant 0 : i32
    %c0_i32_0 = arith.constant 0 : i32
    return %c1_i32, %arg0, %c0_i32 : i32, i32, i32
  }
  func.func @transform_2(%arg0: i32) -> (i32, i32) {
    %c0_i32 = arith.constant 0 : i32
    %c0_i32_0 = arith.constant 0 : i32
    return %arg0, %c0_i32 : i32, i32
  }
  func.func @transform_3(%arg0: i32) -> (i32, i32) {
    %c0_i32 = arith.constant 0 : i32
    %c0_i32_0 = arith.constant 0 : i32
    return %arg0, %c0_i32 : i32, i32
  }
  func.func @transform_4(%arg0: i32) -> (i32, i32) {
    %c0_i32 = arith.constant 0 : i32
    %c0_i32_0 = arith.constant 0 : i32
    return %arg0, %c0_i32 : i32, i32
  }
  func.func @transform_5(%arg0: i32) -> (i32, i32) {
    %c0_i32 = arith.constant 0 : i32
    %c0_i32_0 = arith.constant 0 : i32
    return %arg0, %c0_i32 : i32, i32
  }
  func.func @transform_6(%arg0: i32) -> (i32, i32) {
    %c0_i32 = arith.constant 0 : i32
    %c0_i32_0 = arith.constant 0 : i32
    %c0_i32_1 = arith.constant 0 : i32
    return %c0_i32, %c0_i32_0 : i32, i32
  }
}

module attributes {stable_mosaic.version = 14 : i64} {
  func.func @_bn_pool_mm_body(%arg0: i32, %arg1: memref<1000x128xf32, #tpu.memory_space<vmem>>, %arg2: memref<2x128xf32, #tpu.memory_space<vmem>>, %arg3: memref<1x128xf32, #tpu.memory_space<vmem>>, %arg4: memref<1x128xf32, #tpu.memory_space<vmem>>, %arg5: memref<1000x1xi32, #tpu.memory_space<vmem>>, %arg6: memref<1x1x1000xi32, #tpu.memory_space<vmem>>, %arg7: memref<128x128xf32, #tpu.memory_space<vmem>>, %arg8: memref<1x128xf32, #tpu.memory_space<vmem>>, %arg9: memref<1000x1xf32, #tpu.memory_space<vmem>>, %arg10: memref<1000x1xf32, #tpu.memory_space<vmem>>, %arg11: memref<1000x128xf32, #tpu.memory_space<vmem>>, %arg12: memref<1000x128xf32, #tpu.memory_space<vmem>>, %arg13: memref<32x128xf32, #tpu.memory_space<vmem>>, %arg14: memref<32x128xf32, #tpu.memory_space<vmem>>, %arg15: memref<32x1xf32, #tpu.memory_space<vmem>>) attributes {dimension_semantics = [#tpu.dimension_semantics<arbitrary>], iteration_bounds = array<i64: 10>, scalar_prefetch = 0 : i64, scratch_operands = 0 : i64, tpu.core_type = #tpu.core_type<tc>, window_params = [{transform_indices = @transform_0, window_bounds = array<i64: 1000, 128>}, {pipeline_mode = #tpu.pipeline_mode<synchronous>, transform_indices = @transform_1, window_bounds = array<i64: 2, 128>}, {pipeline_mode = #tpu.pipeline_mode<synchronous>, transform_indices = @transform_2, window_bounds = array<i64: 1, 128>}, {pipeline_mode = #tpu.pipeline_mode<synchronous>, transform_indices = @transform_3, window_bounds = array<i64: 1, 128>}, {transform_indices = @transform_4, window_bounds = array<i64: 1000, 1>}, {transform_indices = @transform_5, window_bounds = array<i64: 1, 1, 1000>}, {pipeline_mode = #tpu.pipeline_mode<synchronous>, transform_indices = @transform_6, window_bounds = array<i64: 128, 128>}, {pipeline_mode = #tpu.pipeline_mode<synchronous>, transform_indices = @transform_7, window_bounds = array<i64: 1, 128>}, {transform_indices = @transform_8, window_bounds = array<i64: 1000, 1>}, {transform_indices = @transform_9, window_bounds = array<i64: 1000, 1>}, {transform_indices = @transform_10, window_bounds = array<i64: 1000, 128>}, {transform_indices = @transform_11, window_bounds = array<i64: 1000, 128>}, {pipeline_mode = #tpu.pipeline_mode<synchronous>, transform_indices = @transform_12, window_bounds = array<i64: 32, 128>}, {pipeline_mode = #tpu.pipeline_mode<synchronous>, transform_indices = @transform_13, window_bounds = array<i64: 32, 128>}, {pipeline_mode = #tpu.pipeline_mode<synchronous>, transform_indices = @transform_14, window_bounds = array<i64: 32, 1>}]} {
    %get3A = arith.constant 0 : index
    %get3A_0 = arith.constant 0 : index
    %get3A_1 = vector.load %arg1[%get3A, %get3A_0] : memref<1000x128xf32, #tpu.memory_space<vmem>>, vector<1000x128xf32>
    %get3A_2 = arith.constant 0 : index
    %get3A_3 = arith.constant 0 : index
    %get3A_4 = vector.load %arg2[%get3A_2, %get3A_3] : memref<2x128xf32, #tpu.memory_space<vmem>>, vector<2x128xf32>
    %get3A_5 = arith.constant 0 : index
    %get3A_6 = arith.constant 0 : index
    %get3A_7 = vector.load %arg3[%get3A_5, %get3A_6] : memref<1x128xf32, #tpu.memory_space<vmem>>, vector<1x128xf32>
    %get3A_8 = arith.constant 0 : index
    %get3A_9 = arith.constant 0 : index
    %get3A_10 = vector.load %arg4[%get3A_8, %get3A_9] : memref<1x128xf32, #tpu.memory_space<vmem>>, vector<1x128xf32>
    %slice3A = vector.extract_strided_slice %get3A_4 {offsets = [0, 0], sizes = [1, 128], strides = [1, 1]} : vector<2x128xf32> to vector<1x128xf32>
    %mul3A = arith.constant 9.99999974E-5 : f32
    %mul3A_11 = vector.broadcast %mul3A : f32 to vector<1x128xf32>
    %mul3A_12 = arith.mulf %slice3A, %mul3A_11 : vector<1x128xf32>
    %slice3A_13 = vector.extract_strided_slice %get3A_4 {offsets = [1, 0], sizes = [1, 128], strides = [1, 1]} : vector<2x128xf32> to vector<1x128xf32>
    %mul3A_14 = arith.constant 9.99999974E-5 : f32
    %mul3A_15 = vector.broadcast %mul3A_14 : f32 to vector<1x128xf32>
    %mul3A_16 = arith.mulf %slice3A_13, %mul3A_15 : vector<1x128xf32>
    %mul3A_17 = arith.mulf %mul3A_12, %mul3A_12 : vector<1x128xf32>
    %sub3A = arith.subf %mul3A_16, %mul3A_17 : vector<1x128xf32>
    %add3A = arith.constant 9.99999974E-6 : f32
    %add3A_18 = vector.broadcast %add3A : f32 to vector<1x128xf32>
    %add3A_19 = arith.addf %sub3A, %add3A_18 : vector<1x128xf32>
    %rsqrt3A = math.rsqrt %add3A_19 : vector<1x128xf32>
    %mul3A_20 = arith.mulf %rsqrt3A, %get3A_7 : vector<1x128xf32>
    %sub3A_21 = vector.broadcast %mul3A_12 : vector<1x128xf32> to vector<1000x128xf32>
    %sub3A_22 = arith.subf %get3A_1, %sub3A_21 : vector<1000x128xf32>
    %mul3A_23 = vector.broadcast %mul3A_20 : vector<1x128xf32> to vector<1000x128xf32>
    %mul3A_24 = arith.mulf %sub3A_22, %mul3A_23 : vector<1000x128xf32>
    %add3A_25 = vector.broadcast %get3A_10 : vector<1x128xf32> to vector<1000x128xf32>
    %add3A_26 = arith.addf %mul3A_24, %add3A_25 : vector<1000x128xf32>
    %max3A = arith.constant 0.000000e+00 : f32
    %max3A_27 = vector.broadcast %max3A : f32 to vector<1000x128xf32>
    %max3A_28 = arith.maximumf %add3A_26, %max3A_27 : vector<1000x128xf32>
    %eq3A = arith.constant 0 : i32
    %eq3A_29 = arith.cmpi eq, %arg0, %eq3A : i32
    %convert_element_type3A = arith.extui %eq3A_29 : i1 to i32
    %cond3A = arith.constant 0xFF800000 : f32
    %cond3A_30 = arith.constant 0 : i32
    %cond3A_31 = arith.cmpi ne, %convert_element_type3A, %cond3A_30 : i32
    scf.if %cond3A_31 {
      %broadcast_in_dim3A_383 = vector.broadcast %cond3A : f32 to vector<32x128xf32>
      %swap3A_384 = arith.constant 0 : index
      %swap3A_385 = arith.constant 0 : index
      %swap3A_386 = vector.load %arg13[%swap3A_384, %swap3A_385] : memref<32x128xf32, #tpu.memory_space<vmem>>, vector<32x128xf32>
      tpu.vector_store %arg13[%swap3A_384, %swap3A_385], %broadcast_in_dim3A_383 {strides = array<i32>} : memref<32x128xf32, #tpu.memory_space<vmem>>, vector<32x128xf32>,
      %broadcast_in_dim3A_387 = arith.constant 0.000000e+00 : f32
      %broadcast_in_dim3A_388 = vector.broadcast %broadcast_in_dim3A_387 : f32 to vector<32x128xf32>
      %swap3A_389 = arith.constant 0 : index
      %swap3A_390 = arith.constant 0 : index
      %swap3A_391 = vector.load %arg14[%swap3A_389, %swap3A_390] : memref<32x128xf32, #tpu.memory_space<vmem>>, vector<32x128xf32>
      tpu.vector_store %arg14[%swap3A_389, %swap3A_390], %broadcast_in_dim3A_388 {strides = array<i32>} : memref<32x128xf32, #tpu.memory_space<vmem>>, vector<32x128xf32>,
      %broadcast_in_dim3A_392 = arith.constant 0.000000e+00 : f32
      %broadcast_in_dim3A_393 = vector.broadcast %broadcast_in_dim3A_392 : f32 to vector<32x1xf32>
      %swap3A_394 = arith.constant 0 : index
      %swap3A_395 = arith.constant 0 : index
      %swap3A_396 = vector.load %arg15[%swap3A_394, %swap3A_395] : memref<32x1xf32, #tpu.memory_space<vmem>>, vector<32x1xf32>
      tpu.vector_store %arg15[%swap3A_394, %swap3A_395], %broadcast_in_dim3A_393 {strides = array<i32>} : memref<32x1xf32, #tpu.memory_space<vmem>>, vector<32x1xf32>,
    } else {
    }
    %get3A_32 = arith.constant 0 : index
    %get3A_33 = arith.constant 0 : index
    %get3A_34 = arith.constant 0 : index
    %get3A_35 = vector.load %arg6[%get3A_32, %get3A_33, %get3A_34] : memref<1x1x1000xi32, #tpu.memory_space<vmem>>, vector<1x1x1000xi32>
    %reshape3A = vector.shape_cast %get3A_35 : vector<1x1x1000xi32> to vector<1x1000xi32>
    %iota3A = tpu.iota {dimensions = array<i32: 0>} : vector<32x1000xi32>
    %eq3A_36 = vector.broadcast %reshape3A : vector<1x1000xi32> to vector<32x1000xi32>
    %eq3A_37 = arith.cmpi eq, %iota3A, %eq3A_36 : vector<32x1000xi32>
    %convert_element_type3A_38 = arith.extui %eq3A_37 : vector<32x1000xi1> to vector<32x1000xi32>
    %convert_element_type3A_39 = arith.sitofp %convert_element_type3A_38 : vector<32x1000xi32> to vector<32x1000xf32>
    %get3A_40 = arith.constant 0 : index
    %get3A_41 = arith.constant 0 : index
    %get3A_42 = vector.load %arg14[%get3A_40, %get3A_41] : memref<32x128xf32, #tpu.memory_space<vmem>>, vector<32x128xf32>
    %dot_general3A = arith.constant dense<0.000000e+00> : vector<32x128xf32>
    %dot_general3A_43 = tpu.matmul %convert_element_type3A_39, %max3A_28, %dot_general3A {dimension_numbers = #tpu.dot_dimension_numbers<[1], [0], [0], [1], [0, 0, 1, 1], [], []>, transpose_lhs_hint = false} : vector<32x1000xf32>, vector<1000x128xf32>, vector<32x128xf32> -> vector<32x128xf32>
    %add3A_44 = arith.addf %get3A_42, %dot_general3A_43 : vector<32x128xf32>
    %swap3A = arith.constant 0 : index
    %swap3A_45 = arith.constant 0 : index
    %swap3A_46 = vector.load %arg14[%swap3A, %swap3A_45] : memref<32x128xf32, #tpu.memory_space<vmem>>, vector<32x128xf32>
    tpu.vector_store %arg14[%swap3A, %swap3A_45], %add3A_44 {strides = array<i32>} : memref<32x128xf32, #tpu.memory_space<vmem>>, vector<32x128xf32>,
    %get3A_47 = arith.constant 0 : index
    %get3A_48 = arith.constant 0 : index
    %get3A_49 = vector.load %arg15[%get3A_47, %get3A_48] : memref<32x1xf32, #tpu.memory_space<vmem>>, vector<32x1xf32>
    %reduce_sum3A = arith.constant dense<0.000000e+00> : vector<32xf32>
    %reduce_sum3A_50 = vector.multi_reduction <add>, %convert_element_type3A_39, %reduce_sum3A [1] : vector<32x1000xf32> to vector<32xf32>
    %broadcast_in_dim3A = vector.shape_cast %reduce_sum3A_50 : vector<32xf32> to vector<32x1xf32>
    %add3A_51 = arith.addf %get3A_49, %broadcast_in_dim3A : vector<32x1xf32>
    %swap3A_52 = arith.constant 0 : index
    %swap3A_53 = arith.constant 0 : index
    %swap3A_54 = vector.load %arg15[%swap3A_52, %swap3A_53] : memref<32x1xf32, #tpu.memory_space<vmem>>, vector<32x1xf32>
    tpu.vector_store %arg15[%swap3A_52, %swap3A_53], %add3A_51 {strides = array<i32>} : memref<32x1xf32, #tpu.memory_space<vmem>>, vector<32x1xf32>,
    %get3A_55 = arith.constant 0 : index
    %get3A_56 = arith.constant 0 : index
    %get3A_57 = vector.load %arg5[%get3A_55, %get3A_56] : memref<1000x1xi32, #tpu.memory_space<vmem>>, vector<1000x1xi32>
    %reduce_min3A = vector.shape_cast %get3A_57 : vector<1000x1xi32> to vector<1x1000x1xi32>
    %reduce_min3A_58 = arith.constant dense<2147483647> : vector<1xi32>
    %reduce_min3A_59 = vector.multi_reduction <minsi>, %reduce_min3A, %reduce_min3A_58 [1, 2] : vector<1x1000x1xi32> to vector<1xi32>
    %reduce_min3A_60 = vector.shape_cast %reduce_min3A_59 : vector<1xi32> to vector<1x1x1xi32>
    %reduce_min3A_61 = vector.extract %reduce_min3A_60[0, 0, 0] : i32 from vector<1x1x1xi32>
    %reduce_max3A = vector.shape_cast %get3A_57 : vector<1000x1xi32> to vector<1x1000x1xi32>
    %reduce_max3A_62 = arith.constant dense<-2147483648> : vector<1xi32>
    %reduce_max3A_63 = vector.multi_reduction <maxsi>, %reduce_max3A, %reduce_max3A_62 [1, 2] : vector<1x1000x1xi32> to vector<1xi32>
    %reduce_max3A_64 = vector.shape_cast %reduce_max3A_63 : vector<1xi32> to vector<1x1x1xi32>
    %reduce_max3A_65 = vector.extract %reduce_max3A_64[0, 0, 0] : i32 from vector<1x1x1xi32>
    %le3A = arith.constant 0 : i32
    %le3A_66 = arith.cmpi sle, %reduce_min3A_61, %le3A : i32
    %ge3A = arith.constant 0 : i32
    %ge3A_67 = arith.cmpi sge, %reduce_max3A_65, %ge3A : i32
    %and3A = arith.andi %le3A_66, %ge3A_67 : i1
    %convert_element_type3A_68 = arith.extui %and3A : i1 to i32
    %cond3A_69 = arith.constant 0xFF800000 : f32
    %cond3A_70 = arith.constant 0 : i32
    %cond3A_71 = arith.cmpi ne, %convert_element_type3A_68, %cond3A_70 : i32
    scf.if %cond3A_71 {
      %eq3A_383 = arith.constant 0 : i32
      %eq3A_384 = vector.broadcast %eq3A_383 : i32 to vector<1000x1xi32>
      %eq3A_385 = arith.cmpi eq, %get3A_57, %eq3A_384 : vector<1000x1xi32>
      %broadcast_in_dim3A_386 = vector.shape_cast %eq3A_385 : vector<1000x1xi1> to vector<1000x1xi1>
      %broadcast_in_dim3A_387 = vector.broadcast %broadcast_in_dim3A_386 : vector<1000x1xi1> to vector<1000x128xi1>
      %broadcast_in_dim3A_388 = vector.broadcast %cond3A_69 : f32 to vector<1000x128xf32>
      %select_n3A = arith.select %broadcast_in_dim3A_387, %max3A_28, %broadcast_in_dim3A_388 : vector<1000x128xi1>, vector<1000x128xf32>
      %reduce_max3A_389 = arith.constant dense<0xFF800000> : vector<128xf32>
      %reduce_max3A_390 = vector.multi_reduction <maximumf>, %select_n3A, %reduce_max3A_389 [0] : vector<1000x128xf32> to vector<128xf32>
      %broadcast_in_dim3A_391 = vector.shape_cast %reduce_max3A_390 : vector<128xf32> to vector<1x128xf32>
      %get3A_392 = arith.constant 0 : index
      %get3A_393 = arith.constant 0 : index
      %get3A_394 = vector.load %arg13[%get3A_392, %get3A_393] : memref<32x128xf32, #tpu.memory_space<vmem>>, vector<1x128xf32>
      %max3A_395 = arith.maximumf %get3A_394, %broadcast_in_dim3A_391 : vector<1x128xf32>
      %swap3A_396 = arith.constant 0 : index
      %swap3A_397 = arith.constant 0 : index
      %swap3A_398 = vector.load %arg13[%swap3A_396, %swap3A_397] : memref<32x128xf32, #tpu.memory_space<vmem>>, vector<1x128xf32>
      tpu.vector_store %arg13[%swap3A_396, %swap3A_397], %max3A_395 {strides = array<i32>} : memref<32x128xf32, #tpu.memory_space<vmem>>, vector<1x128xf32>,
    } else {
    }
    %le3A_72 = arith.constant 1 : i32
    %le3A_73 = arith.cmpi sle, %reduce_min3A_61, %le3A_72 : i32
    %ge3A_74 = arith.constant 1 : i32
    %ge3A_75 = arith.cmpi sge, %reduce_max3A_65, %ge3A_74 : i32
    %and3A_76 = arith.andi %le3A_73, %ge3A_75 : i1
    %convert_element_type3A_77 = arith.extui %and3A_76 : i1 to i32
    %cond3A_78 = arith.constant 0xFF800000 : f32
    %cond3A_79 = arith.constant 0 : i32
    %cond3A_80 = arith.cmpi ne, %convert_element_type3A_77, %cond3A_79 : i32
    scf.if %cond3A_80 {
      %eq3A_383 = arith.constant 1 : i32
      %eq3A_384 = vector.broadcast %eq3A_383 : i32 to vector<1000x1xi32>
      %eq3A_385 = arith.cmpi eq, %get3A_57, %eq3A_384 : vector<1000x1xi32>
      %broadcast_in_dim3A_386 = vector.shape_cast %eq3A_385 : vector<1000x1xi1> to vector<1000x1xi1>
      %broadcast_in_dim3A_387 = vector.broadcast %broadcast_in_dim3A_386 : vector<1000x1xi1> to vector<1000x128xi1>
      %broadcast_in_dim3A_388 = vector.broadcast %cond3A_78 : f32 to vector<1000x128xf32>
      %select_n3A = arith.select %broadcast_in_dim3A_387, %max3A_28, %broadcast_in_dim3A_388 : vector<1000x128xi1>, vector<1000x128xf32>
      %reduce_max3A_389 = arith.constant dense<0xFF800000> : vector<128xf32>
      %reduce_max3A_390 = vector.multi_reduction <maximumf>, %select_n3A, %reduce_max3A_389 [0] : vector<1000x128xf32> to vector<128xf32>
      %broadcast_in_dim3A_391 = vector.shape_cast %reduce_max3A_390 : vector<128xf32> to vector<1x128xf32>
      %get3A_392 = arith.constant 1 : index
      %get3A_393 = arith.constant 0 : index
      %get3A_394 = vector.load %arg13[%get3A_392, %get3A_393] : memref<32x128xf32, #tpu.memory_space<vmem>>, vector<1x128xf32>
      %max3A_395 = arith.maximumf %get3A_394, %broadcast_in_dim3A_391 : vector<1x128xf32>
      %swap3A_396 = arith.constant 1 : index
      %swap3A_397 = arith.constant 0 : index
      %swap3A_398 = vector.load %arg13[%swap3A_396, %swap3A_397] : memref<32x128xf32, #tpu.memory_space<vmem>>, vector<1x128xf32>
      tpu.vector_store %arg13[%swap3A_396, %swap3A_397], %max3A_395 {strides = array<i32>} : memref<32x128xf32, #tpu.memory_space<vmem>>, vector<1x128xf32>,
    } else {
    }
    %le3A_81 = arith.constant 2 : i32
    %le3A_82 = arith.cmpi sle, %reduce_min3A_61, %le3A_81 : i32
    %ge3A_83 = arith.constant 2 : i32
    %ge3A_84 = arith.cmpi sge, %reduce_max3A_65, %ge3A_83 : i32
    %and3A_85 = arith.andi %le3A_82, %ge3A_84 : i1
    %convert_element_type3A_86 = arith.extui %and3A_85 : i1 to i32
    %cond3A_87 = arith.constant 0xFF800000 : f32
    %cond3A_88 = arith.constant 0 : i32
    %cond3A_89 = arith.cmpi ne, %convert_element_type3A_86, %cond3A_88 : i32
    scf.if %cond3A_89 {
      %eq3A_383 = arith.constant 2 : i32
      %eq3A_384 = vector.broadcast %eq3A_383 : i32 to vector<1000x1xi32>
      %eq3A_385 = arith.cmpi eq, %get3A_57, %eq3A_384 : vector<1000x1xi32>
      %broadcast_in_dim3A_386 = vector.shape_cast %eq3A_385 : vector<1000x1xi1> to vector<1000x1xi1>
      %broadcast_in_dim3A_387 = vector.broadcast %broadcast_in_dim3A_386 : vector<1000x1xi1> to vector<1000x128xi1>
      %broadcast_in_dim3A_388 = vector.broadcast %cond3A_87 : f32 to vector<1000x128xf32>
      %select_n3A = arith.select %broadcast_in_dim3A_387, %max3A_28, %broadcast_in_dim3A_388 : vector<1000x128xi1>, vector<1000x128xf32>
      %reduce_max3A_389 = arith.constant dense<0xFF800000> : vector<128xf32>
      %reduce_max3A_390 = vector.multi_reduction <maximumf>, %select_n3A, %reduce_max3A_389 [0] : vector<1000x128xf32> to vector<128xf32>
      %broadcast_in_dim3A_391 = vector.shape_cast %reduce_max3A_390 : vector<128xf32> to vector<1x128xf32>
      %get3A_392 = arith.constant 2 : index
      %get3A_393 = arith.constant 0 : index
      %get3A_394 = vector.load %arg13[%get3A_392, %get3A_393] : memref<32x128xf32, #tpu.memory_space<vmem>>, vector<1x128xf32>
      %max3A_395 = arith.maximumf %get3A_394, %broadcast_in_dim3A_391 : vector<1x128xf32>
      %swap3A_396 = arith.constant 2 : index
      %swap3A_397 = arith.constant 0 : index
      %swap3A_398 = vector.load %arg13[%swap3A_396, %swap3A_397] : memref<32x128xf32, #tpu.memory_space<vmem>>, vector<1x128xf32>
      tpu.vector_store %arg13[%swap3A_396, %swap3A_397], %max3A_395 {strides = array<i32>} : memref<32x128xf32, #tpu.memory_space<vmem>>, vector<1x128xf32>,
    } else {
    }
    %le3A_90 = arith.constant 3 : i32
    %le3A_91 = arith.cmpi sle, %reduce_min3A_61, %le3A_90 : i32
    %ge3A_92 = arith.constant 3 : i32
    %ge3A_93 = arith.cmpi sge, %reduce_max3A_65, %ge3A_92 : i32
    %and3A_94 = arith.andi %le3A_91, %ge3A_93 : i1
    %convert_element_type3A_95 = arith.extui %and3A_94 : i1 to i32
    %cond3A_96 = arith.constant 0xFF800000 : f32
    %cond3A_97 = arith.constant 0 : i32
    %cond3A_98 = arith.cmpi ne, %convert_element_type3A_95, %cond3A_97 : i32
    scf.if %cond3A_98 {
      %eq3A_383 = arith.constant 3 : i32
      %eq3A_384 = vector.broadcast %eq3A_383 : i32 to vector<1000x1xi32>
      %eq3A_385 = arith.cmpi eq, %get3A_57, %eq3A_384 : vector<1000x1xi32>
      %broadcast_in_dim3A_386 = vector.shape_cast %eq3A_385 : vector<1000x1xi1> to vector<1000x1xi1>
      %broadcast_in_dim3A_387 = vector.broadcast %broadcast_in_dim3A_386 : vector<1000x1xi1> to vector<1000x128xi1>
      %broadcast_in_dim3A_388 = vector.broadcast %cond3A_96 : f32 to vector<1000x128xf32>
      %select_n3A = arith.select %broadcast_in_dim3A_387, %max3A_28, %broadcast_in_dim3A_388 : vector<1000x128xi1>, vector<1000x128xf32>
      %reduce_max3A_389 = arith.constant dense<0xFF800000> : vector<128xf32>
      %reduce_max3A_390 = vector.multi_reduction <maximumf>, %select_n3A, %reduce_max3A_389 [0] : vector<1000x128xf32> to vector<128xf32>
      %broadcast_in_dim3A_391 = vector.shape_cast %reduce_max3A_390 : vector<128xf32> to vector<1x128xf32>
      %get3A_392 = arith.constant 3 : index
      %get3A_393 = arith.constant 0 : index
      %get3A_394 = vector.load %arg13[%get3A_392, %get3A_393] : memref<32x128xf32, #tpu.memory_space<vmem>>, vector<1x128xf32>
      %max3A_395 = arith.maximumf %get3A_394, %broadcast_in_dim3A_391 : vector<1x128xf32>
      %swap3A_396 = arith.constant 3 : index
      %swap3A_397 = arith.constant 0 : index
      %swap3A_398 = vector.load %arg13[%swap3A_396, %swap3A_397] : memref<32x128xf32, #tpu.memory_space<vmem>>, vector<1x128xf32>
      tpu.vector_store %arg13[%swap3A_396, %swap3A_397], %max3A_395 {strides = array<i32>} : memref<32x128xf32, #tpu.memory_space<vmem>>, vector<1x128xf32>,
    } else {
    }
    %le3A_99 = arith.constant 4 : i32
    %le3A_100 = arith.cmpi sle, %reduce_min3A_61, %le3A_99 : i32
    %ge3A_101 = arith.constant 4 : i32
    %ge3A_102 = arith.cmpi sge, %reduce_max3A_65, %ge3A_101 : i32
    %and3A_103 = arith.andi %le3A_100, %ge3A_102 : i1
    %convert_element_type3A_104 = arith.extui %and3A_103 : i1 to i32
    %cond3A_105 = arith.constant 0xFF800000 : f32
    %cond3A_106 = arith.constant 0 : i32
    %cond3A_107 = arith.cmpi ne, %convert_element_type3A_104, %cond3A_106 : i32
    scf.if %cond3A_107 {
      %eq3A_383 = arith.constant 4 : i32
      %eq3A_384 = vector.broadcast %eq3A_383 : i32 to vector<1000x1xi32>
      %eq3A_385 = arith.cmpi eq, %get3A_57, %eq3A_384 : vector<1000x1xi32>
      %broadcast_in_dim3A_386 = vector.shape_cast %eq3A_385 : vector<1000x1xi1> to vector<1000x1xi1>
      %broadcast_in_dim3A_387 = vector.broadcast %broadcast_in_dim3A_386 : vector<1000x1xi1> to vector<1000x128xi1>
      %broadcast_in_dim3A_388 = vector.broadcast %cond3A_105 : f32 to vector<1000x128xf32>
      %select_n3A = arith.select %broadcast_in_dim3A_387, %max3A_28, %broadcast_in_dim3A_388 : vector<1000x128xi1>, vector<1000x128xf32>
      %reduce_max3A_389 = arith.constant dense<0xFF800000> : vector<128xf32>
      %reduce_max3A_390 = vector.multi_reduction <maximumf>, %select_n3A, %reduce_max3A_389 [0] : vector<1000x128xf32> to vector<128xf32>
      %broadcast_in_dim3A_391 = vector.shape_cast %reduce_max3A_390 : vector<128xf32> to vector<1x128xf32>
      %get3A_392 = arith.constant 4 : index
      %get3A_393 = arith.constant 0 : index
      %get3A_394 = vector.load %arg13[%get3A_392, %get3A_393] : memref<32x128xf32, #tpu.memory_space<vmem>>, vector<1x128xf32>
      %max3A_395 = arith.maximumf %get3A_394, %broadcast_in_dim3A_391 : vector<1x128xf32>
      %swap3A_396 = arith.constant 4 : index
      %swap3A_397 = arith.constant 0 : index
      %swap3A_398 = vector.load %arg13[%swap3A_396, %swap3A_397] : memref<32x128xf32, #tpu.memory_space<vmem>>, vector<1x128xf32>
      tpu.vector_store %arg13[%swap3A_396, %swap3A_397], %max3A_395 {strides = array<i32>} : memref<32x128xf32, #tpu.memory_space<vmem>>, vector<1x128xf32>,
    } else {
    }
    %le3A_108 = arith.constant 5 : i32
    %le3A_109 = arith.cmpi sle, %reduce_min3A_61, %le3A_108 : i32
    %ge3A_110 = arith.constant 5 : i32
    %ge3A_111 = arith.cmpi sge, %reduce_max3A_65, %ge3A_110 : i32
    %and3A_112 = arith.andi %le3A_109, %ge3A_111 : i1
    %convert_element_type3A_113 = arith.extui %and3A_112 : i1 to i32
    %cond3A_114 = arith.constant 0xFF800000 : f32
    %cond3A_115 = arith.constant 0 : i32
    %cond3A_116 = arith.cmpi ne, %convert_element_type3A_113, %cond3A_115 : i32
    scf.if %cond3A_116 {
      %eq3A_383 = arith.constant 5 : i32
      %eq3A_384 = vector.broadcast %eq3A_383 : i32 to vector<1000x1xi32>
      %eq3A_385 = arith.cmpi eq, %get3A_57, %eq3A_384 : vector<1000x1xi32>
      %broadcast_in_dim3A_386 = vector.shape_cast %eq3A_385 : vector<1000x1xi1> to vector<1000x1xi1>
      %broadcast_in_dim3A_387 = vector.broadcast %broadcast_in_dim3A_386 : vector<1000x1xi1> to vector<1000x128xi1>
      %broadcast_in_dim3A_388 = vector.broadcast %cond3A_114 : f32 to vector<1000x128xf32>
      %select_n3A = arith.select %broadcast_in_dim3A_387, %max3A_28, %broadcast_in_dim3A_388 : vector<1000x128xi1>, vector<1000x128xf32>
      %reduce_max3A_389 = arith.constant dense<0xFF800000> : vector<128xf32>
      %reduce_max3A_390 = vector.multi_reduction <maximumf>, %select_n3A, %reduce_max3A_389 [0] : vector<1000x128xf32> to vector<128xf32>
      %broadcast_in_dim3A_391 = vector.shape_cast %reduce_max3A_390 : vector<128xf32> to vector<1x128xf32>
      %get3A_392 = arith.constant 5 : index
      %get3A_393 = arith.constant 0 : index
      %get3A_394 = vector.load %arg13[%get3A_392, %get3A_393] : memref<32x128xf32, #tpu.memory_space<vmem>>, vector<1x128xf32>
      %max3A_395 = arith.maximumf %get3A_394, %broadcast_in_dim3A_391 : vector<1x128xf32>
      %swap3A_396 = arith.constant 5 : index
      %swap3A_397 = arith.constant 0 : index
      %swap3A_398 = vector.load %arg13[%swap3A_396, %swap3A_397] : memref<32x128xf32, #tpu.memory_space<vmem>>, vector<1x128xf32>
      tpu.vector_store %arg13[%swap3A_396, %swap3A_397], %max3A_395 {strides = array<i32>} : memref<32x128xf32, #tpu.memory_space<vmem>>, vector<1x128xf32>,
    } else {
    }
    %le3A_117 = arith.constant 6 : i32
    %le3A_118 = arith.cmpi sle, %reduce_min3A_61, %le3A_117 : i32
    %ge3A_119 = arith.constant 6 : i32
    %ge3A_120 = arith.cmpi sge, %reduce_max3A_65, %ge3A_119 : i32
    %and3A_121 = arith.andi %le3A_118, %ge3A_120 : i1
    %convert_element_type3A_122 = arith.extui %and3A_121 : i1 to i32
    %cond3A_123 = arith.constant 0xFF800000 : f32
    %cond3A_124 = arith.constant 0 : i32
    %cond3A_125 = arith.cmpi ne, %convert_element_type3A_122, %cond3A_124 : i32
    scf.if %cond3A_125 {
      %eq3A_383 = arith.constant 6 : i32
      %eq3A_384 = vector.broadcast %eq3A_383 : i32 to vector<1000x1xi32>
      %eq3A_385 = arith.cmpi eq, %get3A_57, %eq3A_384 : vector<1000x1xi32>
      %broadcast_in_dim3A_386 = vector.shape_cast %eq3A_385 : vector<1000x1xi1> to vector<1000x1xi1>
      %broadcast_in_dim3A_387 = vector.broadcast %broadcast_in_dim3A_386 : vector<1000x1xi1> to vector<1000x128xi1>
      %broadcast_in_dim3A_388 = vector.broadcast %cond3A_123 : f32 to vector<1000x128xf32>
      %select_n3A = arith.select %broadcast_in_dim3A_387, %max3A_28, %broadcast_in_dim3A_388 : vector<1000x128xi1>, vector<1000x128xf32>
      %reduce_max3A_389 = arith.constant dense<0xFF800000> : vector<128xf32>
      %reduce_max3A_390 = vector.multi_reduction <maximumf>, %select_n3A, %reduce_max3A_389 [0] : vector<1000x128xf32> to vector<128xf32>
      %broadcast_in_dim3A_391 = vector.shape_cast %reduce_max3A_390 : vector<128xf32> to vector<1x128xf32>
      %get3A_392 = arith.constant 6 : index
      %get3A_393 = arith.constant 0 : index
      %get3A_394 = vector.load %arg13[%get3A_392, %get3A_393] : memref<32x128xf32, #tpu.memory_space<vmem>>, vector<1x128xf32>
      %max3A_395 = arith.maximumf %get3A_394, %broadcast_in_dim3A_391 : vector<1x128xf32>
      %swap3A_396 = arith.constant 6 : index
      %swap3A_397 = arith.constant 0 : index
      %swap3A_398 = vector.load %arg13[%swap3A_396, %swap3A_397] : memref<32x128xf32, #tpu.memory_space<vmem>>, vector<1x128xf32>
      tpu.vector_store %arg13[%swap3A_396, %swap3A_397], %max3A_395 {strides = array<i32>} : memref<32x128xf32, #tpu.memory_space<vmem>>, vector<1x128xf32>,
    } else {
    }
    %le3A_126 = arith.constant 7 : i32
    %le3A_127 = arith.cmpi sle, %reduce_min3A_61, %le3A_126 : i32
    %ge3A_128 = arith.constant 7 : i32
    %ge3A_129 = arith.cmpi sge, %reduce_max3A_65, %ge3A_128 : i32
    %and3A_130 = arith.andi %le3A_127, %ge3A_129 : i1
    %convert_element_type3A_131 = arith.extui %and3A_130 : i1 to i32
    %cond3A_132 = arith.constant 0xFF800000 : f32
    %cond3A_133 = arith.constant 0 : i32
    %cond3A_134 = arith.cmpi ne, %convert_element_type3A_131, %cond3A_133 : i32
    scf.if %cond3A_134 {
      %eq3A_383 = arith.constant 7 : i32
      %eq3A_384 = vector.broadcast %eq3A_383 : i32 to vector<1000x1xi32>
      %eq3A_385 = arith.cmpi eq, %get3A_57, %eq3A_384 : vector<1000x1xi32>
      %broadcast_in_dim3A_386 = vector.shape_cast %eq3A_385 : vector<1000x1xi1> to vector<1000x1xi1>
      %broadcast_in_dim3A_387 = vector.broadcast %broadcast_in_dim3A_386 : vector<1000x1xi1> to vector<1000x128xi1>
      %broadcast_in_dim3A_388 = vector.broadcast %cond3A_132 : f32 to vector<1000x128xf32>
      %select_n3A = arith.select %broadcast_in_dim3A_387, %max3A_28, %broadcast_in_dim3A_388 : vector<1000x128xi1>, vector<1000x128xf32>
      %reduce_max3A_389 = arith.constant dense<0xFF800000> : vector<128xf32>
      %reduce_max3A_390 = vector.multi_reduction <maximumf>, %select_n3A, %reduce_max3A_389 [0] : vector<1000x128xf32> to vector<128xf32>
      %broadcast_in_dim3A_391 = vector.shape_cast %reduce_max3A_390 : vector<128xf32> to vector<1x128xf32>
      %get3A_392 = arith.constant 7 : index
      %get3A_393 = arith.constant 0 : index
      %get3A_394 = vector.load %arg13[%get3A_392, %get3A_393] : memref<32x128xf32, #tpu.memory_space<vmem>>, vector<1x128xf32>
      %max3A_395 = arith.maximumf %get3A_394, %broadcast_in_dim3A_391 : vector<1x128xf32>
      %swap3A_396 = arith.constant 7 : index
      %swap3A_397 = arith.constant 0 : index
      %swap3A_398 = vector.load %arg13[%swap3A_396, %swap3A_397] : memref<32x128xf32, #tpu.memory_space<vmem>>, vector<1x128xf32>
      tpu.vector_store %arg13[%swap3A_396, %swap3A_397], %max3A_395 {strides = array<i32>} : memref<32x128xf32, #tpu.memory_space<vmem>>, vector<1x128xf32>,
    } else {
    }
    %le3A_135 = arith.constant 8 : i32
    %le3A_136 = arith.cmpi sle, %reduce_min3A_61, %le3A_135 : i32
    %ge3A_137 = arith.constant 8 : i32
    %ge3A_138 = arith.cmpi sge, %reduce_max3A_65, %ge3A_137 : i32
    %and3A_139 = arith.andi %le3A_136, %ge3A_138 : i1
    %convert_element_type3A_140 = arith.extui %and3A_139 : i1 to i32
    %cond3A_141 = arith.constant 0xFF800000 : f32
    %cond3A_142 = arith.constant 0 : i32
    %cond3A_143 = arith.cmpi ne, %convert_element_type3A_140, %cond3A_142 : i32
    scf.if %cond3A_143 {
      %eq3A_383 = arith.constant 8 : i32
      %eq3A_384 = vector.broadcast %eq3A_383 : i32 to vector<1000x1xi32>
      %eq3A_385 = arith.cmpi eq, %get3A_57, %eq3A_384 : vector<1000x1xi32>
      %broadcast_in_dim3A_386 = vector.shape_cast %eq3A_385 : vector<1000x1xi1> to vector<1000x1xi1>
      %broadcast_in_dim3A_387 = vector.broadcast %broadcast_in_dim3A_386 : vector<1000x1xi1> to vector<1000x128xi1>
      %broadcast_in_dim3A_388 = vector.broadcast %cond3A_141 : f32 to vector<1000x128xf32>
      %select_n3A = arith.select %broadcast_in_dim3A_387, %max3A_28, %broadcast_in_dim3A_388 : vector<1000x128xi1>, vector<1000x128xf32>
      %reduce_max3A_389 = arith.constant dense<0xFF800000> : vector<128xf32>
      %reduce_max3A_390 = vector.multi_reduction <maximumf>, %select_n3A, %reduce_max3A_389 [0] : vector<1000x128xf32> to vector<128xf32>
      %broadcast_in_dim3A_391 = vector.shape_cast %reduce_max3A_390 : vector<128xf32> to vector<1x128xf32>
      %get3A_392 = arith.constant 8 : index
      %get3A_393 = arith.constant 0 : index
      %get3A_394 = vector.load %arg13[%get3A_392, %get3A_393] : memref<32x128xf32, #tpu.memory_space<vmem>>, vector<1x128xf32>
      %max3A_395 = arith.maximumf %get3A_394, %broadcast_in_dim3A_391 : vector<1x128xf32>
      %swap3A_396 = arith.constant 8 : index
      %swap3A_397 = arith.constant 0 : index
      %swap3A_398 = vector.load %arg13[%swap3A_396, %swap3A_397] : memref<32x128xf32, #tpu.memory_space<vmem>>, vector<1x128xf32>
      tpu.vector_store %arg13[%swap3A_396, %swap3A_397], %max3A_395 {strides = array<i32>} : memref<32x128xf32, #tpu.memory_space<vmem>>, vector<1x128xf32>,
    } else {
    }
    %le3A_144 = arith.constant 9 : i32
    %le3A_145 = arith.cmpi sle, %reduce_min3A_61, %le3A_144 : i32
    %ge3A_146 = arith.constant 9 : i32
    %ge3A_147 = arith.cmpi sge, %reduce_max3A_65, %ge3A_146 : i32
    %and3A_148 = arith.andi %le3A_145, %ge3A_147 : i1
    %convert_element_type3A_149 = arith.extui %and3A_148 : i1 to i32
    %cond3A_150 = arith.constant 0xFF800000 : f32
    %cond3A_151 = arith.constant 0 : i32
    %cond3A_152 = arith.cmpi ne, %convert_element_type3A_149, %cond3A_151 : i32
    scf.if %cond3A_152 {
      %eq3A_383 = arith.constant 9 : i32
      %eq3A_384 = vector.broadcast %eq3A_383 : i32 to vector<1000x1xi32>
      %eq3A_385 = arith.cmpi eq, %get3A_57, %eq3A_384 : vector<1000x1xi32>
      %broadcast_in_dim3A_386 = vector.shape_cast %eq3A_385 : vector<1000x1xi1> to vector<1000x1xi1>
      %broadcast_in_dim3A_387 = vector.broadcast %broadcast_in_dim3A_386 : vector<1000x1xi1> to vector<1000x128xi1>
      %broadcast_in_dim3A_388 = vector.broadcast %cond3A_150 : f32 to vector<1000x128xf32>
      %select_n3A = arith.select %broadcast_in_dim3A_387, %max3A_28, %broadcast_in_dim3A_388 : vector<1000x128xi1>, vector<1000x128xf32>
      %reduce_max3A_389 = arith.constant dense<0xFF800000> : vector<128xf32>
      %reduce_max3A_390 = vector.multi_reduction <maximumf>, %select_n3A, %reduce_max3A_389 [0] : vector<1000x128xf32> to vector<128xf32>
      %broadcast_in_dim3A_391 = vector.shape_cast %reduce_max3A_390 : vector<128xf32> to vector<1x128xf32>
      %get3A_392 = arith.constant 9 : index
      %get3A_393 = arith.constant 0 : index
      %get3A_394 = vector.load %arg13[%get3A_392, %get3A_393] : memref<32x128xf32, #tpu.memory_space<vmem>>, vector<1x128xf32>
      %max3A_395 = arith.maximumf %get3A_394, %broadcast_in_dim3A_391 : vector<1x128xf32>
      %swap3A_396 = arith.constant 9 : index
      %swap3A_397 = arith.constant 0 : index
      %swap3A_398 = vector.load %arg13[%swap3A_396, %swap3A_397] : memref<32x128xf32, #tpu.memory_space<vmem>>, vector<1x128xf32>
      tpu.vector_store %arg13[%swap3A_396, %swap3A_397], %max3A_395 {strides = array<i32>} : memref<32x128xf32, #tpu.memory_space<vmem>>, vector<1x128xf32>,
    } else {
    }
    %le3A_153 = arith.constant 10 : i32
    %le3A_154 = arith.cmpi sle, %reduce_min3A_61, %le3A_153 : i32
    %ge3A_155 = arith.constant 10 : i32
    %ge3A_156 = arith.cmpi sge, %reduce_max3A_65, %ge3A_155 : i32
    %and3A_157 = arith.andi %le3A_154, %ge3A_156 : i1
    %convert_element_type3A_158 = arith.extui %and3A_157 : i1 to i32
    %cond3A_159 = arith.constant 0xFF800000 : f32
    %cond3A_160 = arith.constant 0 : i32
    %cond3A_161 = arith.cmpi ne, %convert_element_type3A_158, %cond3A_160 : i32
    scf.if %cond3A_161 {
      %eq3A_383 = arith.constant 10 : i32
      %eq3A_384 = vector.broadcast %eq3A_383 : i32 to vector<1000x1xi32>
      %eq3A_385 = arith.cmpi eq, %get3A_57, %eq3A_384 : vector<1000x1xi32>
      %broadcast_in_dim3A_386 = vector.shape_cast %eq3A_385 : vector<1000x1xi1> to vector<1000x1xi1>
      %broadcast_in_dim3A_387 = vector.broadcast %broadcast_in_dim3A_386 : vector<1000x1xi1> to vector<1000x128xi1>
      %broadcast_in_dim3A_388 = vector.broadcast %cond3A_159 : f32 to vector<1000x128xf32>
      %select_n3A = arith.select %broadcast_in_dim3A_387, %max3A_28, %broadcast_in_dim3A_388 : vector<1000x128xi1>, vector<1000x128xf32>
      %reduce_max3A_389 = arith.constant dense<0xFF800000> : vector<128xf32>
      %reduce_max3A_390 = vector.multi_reduction <maximumf>, %select_n3A, %reduce_max3A_389 [0] : vector<1000x128xf32> to vector<128xf32>
      %broadcast_in_dim3A_391 = vector.shape_cast %reduce_max3A_390 : vector<128xf32> to vector<1x128xf32>
      %get3A_392 = arith.constant 10 : index
      %get3A_393 = arith.constant 0 : index
      %get3A_394 = vector.load %arg13[%get3A_392, %get3A_393] : memref<32x128xf32, #tpu.memory_space<vmem>>, vector<1x128xf32>
      %max3A_395 = arith.maximumf %get3A_394, %broadcast_in_dim3A_391 : vector<1x128xf32>
      %swap3A_396 = arith.constant 10 : index
      %swap3A_397 = arith.constant 0 : index
      %swap3A_398 = vector.load %arg13[%swap3A_396, %swap3A_397] : memref<32x128xf32, #tpu.memory_space<vmem>>, vector<1x128xf32>
      tpu.vector_store %arg13[%swap3A_396, %swap3A_397], %max3A_395 {strides = array<i32>} : memref<32x128xf32, #tpu.memory_space<vmem>>, vector<1x128xf32>,
    } else {
    }
    %le3A_162 = arith.constant 11 : i32
    %le3A_163 = arith.cmpi sle, %reduce_min3A_61, %le3A_162 : i32
    %ge3A_164 = arith.constant 11 : i32
    %ge3A_165 = arith.cmpi sge, %reduce_max3A_65, %ge3A_164 : i32
    %and3A_166 = arith.andi %le3A_163, %ge3A_165 : i1
    %convert_element_type3A_167 = arith.extui %and3A_166 : i1 to i32
    %cond3A_168 = arith.constant 0xFF800000 : f32
    %cond3A_169 = arith.constant 0 : i32
    %cond3A_170 = arith.cmpi ne, %convert_element_type3A_167, %cond3A_169 : i32
    scf.if %cond3A_170 {
      %eq3A_383 = arith.constant 11 : i32
      %eq3A_384 = vector.broadcast %eq3A_383 : i32 to vector<1000x1xi32>
      %eq3A_385 = arith.cmpi eq, %get3A_57, %eq3A_384 : vector<1000x1xi32>
      %broadcast_in_dim3A_386 = vector.shape_cast %eq3A_385 : vector<1000x1xi1> to vector<1000x1xi1>
      %broadcast_in_dim3A_387 = vector.broadcast %broadcast_in_dim3A_386 : vector<1000x1xi1> to vector<1000x128xi1>
      %broadcast_in_dim3A_388 = vector.broadcast %cond3A_168 : f32 to vector<1000x128xf32>
      %select_n3A = arith.select %broadcast_in_dim3A_387, %max3A_28, %broadcast_in_dim3A_388 : vector<1000x128xi1>, vector<1000x128xf32>
      %reduce_max3A_389 = arith.constant dense<0xFF800000> : vector<128xf32>
      %reduce_max3A_390 = vector.multi_reduction <maximumf>, %select_n3A, %reduce_max3A_389 [0] : vector<1000x128xf32> to vector<128xf32>
      %broadcast_in_dim3A_391 = vector.shape_cast %reduce_max3A_390 : vector<128xf32> to vector<1x128xf32>
      %get3A_392 = arith.constant 11 : index
      %get3A_393 = arith.constant 0 : index
      %get3A_394 = vector.load %arg13[%get3A_392, %get3A_393] : memref<32x128xf32, #tpu.memory_space<vmem>>, vector<1x128xf32>
      %max3A_395 = arith.maximumf %get3A_394, %broadcast_in_dim3A_391 : vector<1x128xf32>
      %swap3A_396 = arith.constant 11 : index
      %swap3A_397 = arith.constant 0 : index
      %swap3A_398 = vector.load %arg13[%swap3A_396, %swap3A_397] : memref<32x128xf32, #tpu.memory_space<vmem>>, vector<1x128xf32>
      tpu.vector_store %arg13[%swap3A_396, %swap3A_397], %max3A_395 {strides = array<i32>} : memref<32x128xf32, #tpu.memory_space<vmem>>, vector<1x128xf32>,
    } else {
    }
    %le3A_171 = arith.constant 12 : i32
    %le3A_172 = arith.cmpi sle, %reduce_min3A_61, %le3A_171 : i32
    %ge3A_173 = arith.constant 12 : i32
    %ge3A_174 = arith.cmpi sge, %reduce_max3A_65, %ge3A_173 : i32
    %and3A_175 = arith.andi %le3A_172, %ge3A_174 : i1
    %convert_element_type3A_176 = arith.extui %and3A_175 : i1 to i32
    %cond3A_177 = arith.constant 0xFF800000 : f32
    %cond3A_178 = arith.constant 0 : i32
    %cond3A_179 = arith.cmpi ne, %convert_element_type3A_176, %cond3A_178 : i32
    scf.if %cond3A_179 {
      %eq3A_383 = arith.constant 12 : i32
      %eq3A_384 = vector.broadcast %eq3A_383 : i32 to vector<1000x1xi32>
      %eq3A_385 = arith.cmpi eq, %get3A_57, %eq3A_384 : vector<1000x1xi32>
      %broadcast_in_dim3A_386 = vector.shape_cast %eq3A_385 : vector<1000x1xi1> to vector<1000x1xi1>
      %broadcast_in_dim3A_387 = vector.broadcast %broadcast_in_dim3A_386 : vector<1000x1xi1> to vector<1000x128xi1>
      %broadcast_in_dim3A_388 = vector.broadcast %cond3A_177 : f32 to vector<1000x128xf32>
      %select_n3A = arith.select %broadcast_in_dim3A_387, %max3A_28, %broadcast_in_dim3A_388 : vector<1000x128xi1>, vector<1000x128xf32>
      %reduce_max3A_389 = arith.constant dense<0xFF800000> : vector<128xf32>
      %reduce_max3A_390 = vector.multi_reduction <maximumf>, %select_n3A, %reduce_max3A_389 [0] : vector<1000x128xf32> to vector<128xf32>
      %broadcast_in_dim3A_391 = vector.shape_cast %reduce_max3A_390 : vector<128xf32> to vector<1x128xf32>
      %get3A_392 = arith.constant 12 : index
      %get3A_393 = arith.constant 0 : index
      %get3A_394 = vector.load %arg13[%get3A_392, %get3A_393] : memref<32x128xf32, #tpu.memory_space<vmem>>, vector<1x128xf32>
      %max3A_395 = arith.maximumf %get3A_394, %broadcast_in_dim3A_391 : vector<1x128xf32>
      %swap3A_396 = arith.constant 12 : index
      %swap3A_397 = arith.constant 0 : index
      %swap3A_398 = vector.load %arg13[%swap3A_396, %swap3A_397] : memref<32x128xf32, #tpu.memory_space<vmem>>, vector<1x128xf32>
      tpu.vector_store %arg13[%swap3A_396, %swap3A_397], %max3A_395 {strides = array<i32>} : memref<32x128xf32, #tpu.memory_space<vmem>>, vector<1x128xf32>,
    } else {
    }
    %le3A_180 = arith.constant 13 : i32
    %le3A_181 = arith.cmpi sle, %reduce_min3A_61, %le3A_180 : i32
    %ge3A_182 = arith.constant 13 : i32
    %ge3A_183 = arith.cmpi sge, %reduce_max3A_65, %ge3A_182 : i32
    %and3A_184 = arith.andi %le3A_181, %ge3A_183 : i1
    %convert_element_type3A_185 = arith.extui %and3A_184 : i1 to i32
    %cond3A_186 = arith.constant 0xFF800000 : f32
    %cond3A_187 = arith.constant 0 : i32
    %cond3A_188 = arith.cmpi ne, %convert_element_type3A_185, %cond3A_187 : i32
    scf.if %cond3A_188 {
      %eq3A_383 = arith.constant 13 : i32
      %eq3A_384 = vector.broadcast %eq3A_383 : i32 to vector<1000x1xi32>
      %eq3A_385 = arith.cmpi eq, %get3A_57, %eq3A_384 : vector<1000x1xi32>
      %broadcast_in_dim3A_386 = vector.shape_cast %eq3A_385 : vector<1000x1xi1> to vector<1000x1xi1>
      %broadcast_in_dim3A_387 = vector.broadcast %broadcast_in_dim3A_386 : vector<1000x1xi1> to vector<1000x128xi1>
      %broadcast_in_dim3A_388 = vector.broadcast %cond3A_186 : f32 to vector<1000x128xf32>
      %select_n3A = arith.select %broadcast_in_dim3A_387, %max3A_28, %broadcast_in_dim3A_388 : vector<1000x128xi1>, vector<1000x128xf32>
      %reduce_max3A_389 = arith.constant dense<0xFF800000> : vector<128xf32>
      %reduce_max3A_390 = vector.multi_reduction <maximumf>, %select_n3A, %reduce_max3A_389 [0] : vector<1000x128xf32> to vector<128xf32>
      %broadcast_in_dim3A_391 = vector.shape_cast %reduce_max3A_390 : vector<128xf32> to vector<1x128xf32>
      %get3A_392 = arith.constant 13 : index
      %get3A_393 = arith.constant 0 : index
      %get3A_394 = vector.load %arg13[%get3A_392, %get3A_393] : memref<32x128xf32, #tpu.memory_space<vmem>>, vector<1x128xf32>
      %max3A_395 = arith.maximumf %get3A_394, %broadcast_in_dim3A_391 : vector<1x128xf32>
      %swap3A_396 = arith.constant 13 : index
      %swap3A_397 = arith.constant 0 : index
      %swap3A_398 = vector.load %arg13[%swap3A_396, %swap3A_397] : memref<32x128xf32, #tpu.memory_space<vmem>>, vector<1x128xf32>
      tpu.vector_store %arg13[%swap3A_396, %swap3A_397], %max3A_395 {strides = array<i32>} : memref<32x128xf32, #tpu.memory_space<vmem>>, vector<1x128xf32>,
    } else {
    }
    %le3A_189 = arith.constant 14 : i32
    %le3A_190 = arith.cmpi sle, %reduce_min3A_61, %le3A_189 : i32
    %ge3A_191 = arith.constant 14 : i32
    %ge3A_192 = arith.cmpi sge, %reduce_max3A_65, %ge3A_191 : i32
    %and3A_193 = arith.andi %le3A_190, %ge3A_192 : i1
    %convert_element_type3A_194 = arith.extui %and3A_193 : i1 to i32
    %cond3A_195 = arith.constant 0xFF800000 : f32
    %cond3A_196 = arith.constant 0 : i32
    %cond3A_197 = arith.cmpi ne, %convert_element_type3A_194, %cond3A_196 : i32
    scf.if %cond3A_197 {
      %eq3A_383 = arith.constant 14 : i32
      %eq3A_384 = vector.broadcast %eq3A_383 : i32 to vector<1000x1xi32>
      %eq3A_385 = arith.cmpi eq, %get3A_57, %eq3A_384 : vector<1000x1xi32>
      %broadcast_in_dim3A_386 = vector.shape_cast %eq3A_385 : vector<1000x1xi1> to vector<1000x1xi1>
      %broadcast_in_dim3A_387 = vector.broadcast %broadcast_in_dim3A_386 : vector<1000x1xi1> to vector<1000x128xi1>
      %broadcast_in_dim3A_388 = vector.broadcast %cond3A_195 : f32 to vector<1000x128xf32>
      %select_n3A = arith.select %broadcast_in_dim3A_387, %max3A_28, %broadcast_in_dim3A_388 : vector<1000x128xi1>, vector<1000x128xf32>
      %reduce_max3A_389 = arith.constant dense<0xFF800000> : vector<128xf32>
      %reduce_max3A_390 = vector.multi_reduction <maximumf>, %select_n3A, %reduce_max3A_389 [0] : vector<1000x128xf32> to vector<128xf32>
      %broadcast_in_dim3A_391 = vector.shape_cast %reduce_max3A_390 : vector<128xf32> to vector<1x128xf32>
      %get3A_392 = arith.constant 14 : index
      %get3A_393 = arith.constant 0 : index
      %get3A_394 = vector.load %arg13[%get3A_392, %get3A_393] : memref<32x128xf32, #tpu.memory_space<vmem>>, vector<1x128xf32>
      %max3A_395 = arith.maximumf %get3A_394, %broadcast_in_dim3A_391 : vector<1x128xf32>
      %swap3A_396 = arith.constant 14 : index
      %swap3A_397 = arith.constant 0 : index
      %swap3A_398 = vector.load %arg13[%swap3A_396, %swap3A_397] : memref<32x128xf32, #tpu.memory_space<vmem>>, vector<1x128xf32>
      tpu.vector_store %arg13[%swap3A_396, %swap3A_397], %max3A_395 {strides = array<i32>} : memref<32x128xf32, #tpu.memory_space<vmem>>, vector<1x128xf32>,
    } else {
    }
    %le3A_198 = arith.constant 15 : i32
    %le3A_199 = arith.cmpi sle, %reduce_min3A_61, %le3A_198 : i32
    %ge3A_200 = arith.constant 15 : i32
    %ge3A_201 = arith.cmpi sge, %reduce_max3A_65, %ge3A_200 : i32
    %and3A_202 = arith.andi %le3A_199, %ge3A_201 : i1
    %convert_element_type3A_203 = arith.extui %and3A_202 : i1 to i32
    %cond3A_204 = arith.constant 0xFF800000 : f32
    %cond3A_205 = arith.constant 0 : i32
    %cond3A_206 = arith.cmpi ne, %convert_element_type3A_203, %cond3A_205 : i32
    scf.if %cond3A_206 {
      %eq3A_383 = arith.constant 15 : i32
      %eq3A_384 = vector.broadcast %eq3A_383 : i32 to vector<1000x1xi32>
      %eq3A_385 = arith.cmpi eq, %get3A_57, %eq3A_384 : vector<1000x1xi32>
      %broadcast_in_dim3A_386 = vector.shape_cast %eq3A_385 : vector<1000x1xi1> to vector<1000x1xi1>
      %broadcast_in_dim3A_387 = vector.broadcast %broadcast_in_dim3A_386 : vector<1000x1xi1> to vector<1000x128xi1>
      %broadcast_in_dim3A_388 = vector.broadcast %cond3A_204 : f32 to vector<1000x128xf32>
      %select_n3A = arith.select %broadcast_in_dim3A_387, %max3A_28, %broadcast_in_dim3A_388 : vector<1000x128xi1>, vector<1000x128xf32>
      %reduce_max3A_389 = arith.constant dense<0xFF800000> : vector<128xf32>
      %reduce_max3A_390 = vector.multi_reduction <maximumf>, %select_n3A, %reduce_max3A_389 [0] : vector<1000x128xf32> to vector<128xf32>
      %broadcast_in_dim3A_391 = vector.shape_cast %reduce_max3A_390 : vector<128xf32> to vector<1x128xf32>
      %get3A_392 = arith.constant 15 : index
      %get3A_393 = arith.constant 0 : index
      %get3A_394 = vector.load %arg13[%get3A_392, %get3A_393] : memref<32x128xf32, #tpu.memory_space<vmem>>, vector<1x128xf32>
      %max3A_395 = arith.maximumf %get3A_394, %broadcast_in_dim3A_391 : vector<1x128xf32>
      %swap3A_396 = arith.constant 15 : index
      %swap3A_397 = arith.constant 0 : index
      %swap3A_398 = vector.load %arg13[%swap3A_396, %swap3A_397] : memref<32x128xf32, #tpu.memory_space<vmem>>, vector<1x128xf32>
      tpu.vector_store %arg13[%swap3A_396, %swap3A_397], %max3A_395 {strides = array<i32>} : memref<32x128xf32, #tpu.memory_space<vmem>>, vector<1x128xf32>,
    } else {
    }
    %le3A_207 = arith.constant 16 : i32
    %le3A_208 = arith.cmpi sle, %reduce_min3A_61, %le3A_207 : i32
    %ge3A_209 = arith.constant 16 : i32
    %ge3A_210 = arith.cmpi sge, %reduce_max3A_65, %ge3A_209 : i32
    %and3A_211 = arith.andi %le3A_208, %ge3A_210 : i1
    %convert_element_type3A_212 = arith.extui %and3A_211 : i1 to i32
    %cond3A_213 = arith.constant 0xFF800000 : f32
    %cond3A_214 = arith.constant 0 : i32
    %cond3A_215 = arith.cmpi ne, %convert_element_type3A_212, %cond3A_214 : i32
    scf.if %cond3A_215 {
      %eq3A_383 = arith.constant 16 : i32
      %eq3A_384 = vector.broadcast %eq3A_383 : i32 to vector<1000x1xi32>
      %eq3A_385 = arith.cmpi eq, %get3A_57, %eq3A_384 : vector<1000x1xi32>
      %broadcast_in_dim3A_386 = vector.shape_cast %eq3A_385 : vector<1000x1xi1> to vector<1000x1xi1>
      %broadcast_in_dim3A_387 = vector.broadcast %broadcast_in_dim3A_386 : vector<1000x1xi1> to vector<1000x128xi1>
      %broadcast_in_dim3A_388 = vector.broadcast %cond3A_213 : f32 to vector<1000x128xf32>
      %select_n3A = arith.select %broadcast_in_dim3A_387, %max3A_28, %broadcast_in_dim3A_388 : vector<1000x128xi1>, vector<1000x128xf32>
      %reduce_max3A_389 = arith.constant dense<0xFF800000> : vector<128xf32>
      %reduce_max3A_390 = vector.multi_reduction <maximumf>, %select_n3A, %reduce_max3A_389 [0] : vector<1000x128xf32> to vector<128xf32>
      %broadcast_in_dim3A_391 = vector.shape_cast %reduce_max3A_390 : vector<128xf32> to vector<1x128xf32>
      %get3A_392 = arith.constant 16 : index
      %get3A_393 = arith.constant 0 : index
      %get3A_394 = vector.load %arg13[%get3A_392, %get3A_393] : memref<32x128xf32, #tpu.memory_space<vmem>>, vector<1x128xf32>
      %max3A_395 = arith.maximumf %get3A_394, %broadcast_in_dim3A_391 : vector<1x128xf32>
      %swap3A_396 = arith.constant 16 : index
      %swap3A_397 = arith.constant 0 : index
      %swap3A_398 = vector.load %arg13[%swap3A_396, %swap3A_397] : memref<32x128xf32, #tpu.memory_space<vmem>>, vector<1x128xf32>
      tpu.vector_store %arg13[%swap3A_396, %swap3A_397], %max3A_395 {strides = array<i32>} : memref<32x128xf32, #tpu.memory_space<vmem>>, vector<1x128xf32>,
    } else {
    }
    %le3A_216 = arith.constant 17 : i32
    %le3A_217 = arith.cmpi sle, %reduce_min3A_61, %le3A_216 : i32
    %ge3A_218 = arith.constant 17 : i32
    %ge3A_219 = arith.cmpi sge, %reduce_max3A_65, %ge3A_218 : i32
    %and3A_220 = arith.andi %le3A_217, %ge3A_219 : i1
    %convert_element_type3A_221 = arith.extui %and3A_220 : i1 to i32
    %cond3A_222 = arith.constant 0xFF800000 : f32
    %cond3A_223 = arith.constant 0 : i32
    %cond3A_224 = arith.cmpi ne, %convert_element_type3A_221, %cond3A_223 : i32
    scf.if %cond3A_224 {
      %eq3A_383 = arith.constant 17 : i32
      %eq3A_384 = vector.broadcast %eq3A_383 : i32 to vector<1000x1xi32>
      %eq3A_385 = arith.cmpi eq, %get3A_57, %eq3A_384 : vector<1000x1xi32>
      %broadcast_in_dim3A_386 = vector.shape_cast %eq3A_385 : vector<1000x1xi1> to vector<1000x1xi1>
      %broadcast_in_dim3A_387 = vector.broadcast %broadcast_in_dim3A_386 : vector<1000x1xi1> to vector<1000x128xi1>
      %broadcast_in_dim3A_388 = vector.broadcast %cond3A_222 : f32 to vector<1000x128xf32>
      %select_n3A = arith.select %broadcast_in_dim3A_387, %max3A_28, %broadcast_in_dim3A_388 : vector<1000x128xi1>, vector<1000x128xf32>
      %reduce_max3A_389 = arith.constant dense<0xFF800000> : vector<128xf32>
      %reduce_max3A_390 = vector.multi_reduction <maximumf>, %select_n3A, %reduce_max3A_389 [0] : vector<1000x128xf32> to vector<128xf32>
      %broadcast_in_dim3A_391 = vector.shape_cast %reduce_max3A_390 : vector<128xf32> to vector<1x128xf32>
      %get3A_392 = arith.constant 17 : index
      %get3A_393 = arith.constant 0 : index
      %get3A_394 = vector.load %arg13[%get3A_392, %get3A_393] : memref<32x128xf32, #tpu.memory_space<vmem>>, vector<1x128xf32>
      %max3A_395 = arith.maximumf %get3A_394, %broadcast_in_dim3A_391 : vector<1x128xf32>
      %swap3A_396 = arith.constant 17 : index
      %swap3A_397 = arith.constant 0 : index
      %swap3A_398 = vector.load %arg13[%swap3A_396, %swap3A_397] : memref<32x128xf32, #tpu.memory_space<vmem>>, vector<1x128xf32>
      tpu.vector_store %arg13[%swap3A_396, %swap3A_397], %max3A_395 {strides = array<i32>} : memref<32x128xf32, #tpu.memory_space<vmem>>, vector<1x128xf32>,
    } else {
    }
    %le3A_225 = arith.constant 18 : i32
    %le3A_226 = arith.cmpi sle, %reduce_min3A_61, %le3A_225 : i32
    %ge3A_227 = arith.constant 18 : i32
    %ge3A_228 = arith.cmpi sge, %reduce_max3A_65, %ge3A_227 : i32
    %and3A_229 = arith.andi %le3A_226, %ge3A_228 : i1
    %convert_element_type3A_230 = arith.extui %and3A_229 : i1 to i32
    %cond3A_231 = arith.constant 0xFF800000 : f32
    %cond3A_232 = arith.constant 0 : i32
    %cond3A_233 = arith.cmpi ne, %convert_element_type3A_230, %cond3A_232 : i32
    scf.if %cond3A_233 {
      %eq3A_383 = arith.constant 18 : i32
      %eq3A_384 = vector.broadcast %eq3A_383 : i32 to vector<1000x1xi32>
      %eq3A_385 = arith.cmpi eq, %get3A_57, %eq3A_384 : vector<1000x1xi32>
      %broadcast_in_dim3A_386 = vector.shape_cast %eq3A_385 : vector<1000x1xi1> to vector<1000x1xi1>
      %broadcast_in_dim3A_387 = vector.broadcast %broadcast_in_dim3A_386 : vector<1000x1xi1> to vector<1000x128xi1>
      %broadcast_in_dim3A_388 = vector.broadcast %cond3A_231 : f32 to vector<1000x128xf32>
      %select_n3A = arith.select %broadcast_in_dim3A_387, %max3A_28, %broadcast_in_dim3A_388 : vector<1000x128xi1>, vector<1000x128xf32>
      %reduce_max3A_389 = arith.constant dense<0xFF800000> : vector<128xf32>
      %reduce_max3A_390 = vector.multi_reduction <maximumf>, %select_n3A, %reduce_max3A_389 [0] : vector<1000x128xf32> to vector<128xf32>
      %broadcast_in_dim3A_391 = vector.shape_cast %reduce_max3A_390 : vector<128xf32> to vector<1x128xf32>
      %get3A_392 = arith.constant 18 : index
      %get3A_393 = arith.constant 0 : index
      %get3A_394 = vector.load %arg13[%get3A_392, %get3A_393] : memref<32x128xf32, #tpu.memory_space<vmem>>, vector<1x128xf32>
      %max3A_395 = arith.maximumf %get3A_394, %broadcast_in_dim3A_391 : vector<1x128xf32>
      %swap3A_396 = arith.constant 18 : index
      %swap3A_397 = arith.constant 0 : index
      %swap3A_398 = vector.load %arg13[%swap3A_396, %swap3A_397] : memref<32x128xf32, #tpu.memory_space<vmem>>, vector<1x128xf32>
      tpu.vector_store %arg13[%swap3A_396, %swap3A_397], %max3A_395 {strides = array<i32>} : memref<32x128xf32, #tpu.memory_space<vmem>>, vector<1x128xf32>,
    } else {
    }
    %le3A_234 = arith.constant 19 : i32
    %le3A_235 = arith.cmpi sle, %reduce_min3A_61, %le3A_234 : i32
    %ge3A_236 = arith.constant 19 : i32
    %ge3A_237 = arith.cmpi sge, %reduce_max3A_65, %ge3A_236 : i32
    %and3A_238 = arith.andi %le3A_235, %ge3A_237 : i1
    %convert_element_type3A_239 = arith.extui %and3A_238 : i1 to i32
    %cond3A_240 = arith.constant 0xFF800000 : f32
    %cond3A_241 = arith.constant 0 : i32
    %cond3A_242 = arith.cmpi ne, %convert_element_type3A_239, %cond3A_241 : i32
    scf.if %cond3A_242 {
      %eq3A_383 = arith.constant 19 : i32
      %eq3A_384 = vector.broadcast %eq3A_383 : i32 to vector<1000x1xi32>
      %eq3A_385 = arith.cmpi eq, %get3A_57, %eq3A_384 : vector<1000x1xi32>
      %broadcast_in_dim3A_386 = vector.shape_cast %eq3A_385 : vector<1000x1xi1> to vector<1000x1xi1>
      %broadcast_in_dim3A_387 = vector.broadcast %broadcast_in_dim3A_386 : vector<1000x1xi1> to vector<1000x128xi1>
      %broadcast_in_dim3A_388 = vector.broadcast %cond3A_240 : f32 to vector<1000x128xf32>
      %select_n3A = arith.select %broadcast_in_dim3A_387, %max3A_28, %broadcast_in_dim3A_388 : vector<1000x128xi1>, vector<1000x128xf32>
      %reduce_max3A_389 = arith.constant dense<0xFF800000> : vector<128xf32>
      %reduce_max3A_390 = vector.multi_reduction <maximumf>, %select_n3A, %reduce_max3A_389 [0] : vector<1000x128xf32> to vector<128xf32>
      %broadcast_in_dim3A_391 = vector.shape_cast %reduce_max3A_390 : vector<128xf32> to vector<1x128xf32>
      %get3A_392 = arith.constant 19 : index
      %get3A_393 = arith.constant 0 : index
      %get3A_394 = vector.load %arg13[%get3A_392, %get3A_393] : memref<32x128xf32, #tpu.memory_space<vmem>>, vector<1x128xf32>
      %max3A_395 = arith.maximumf %get3A_394, %broadcast_in_dim3A_391 : vector<1x128xf32>
      %swap3A_396 = arith.constant 19 : index
      %swap3A_397 = arith.constant 0 : index
      %swap3A_398 = vector.load %arg13[%swap3A_396, %swap3A_397] : memref<32x128xf32, #tpu.memory_space<vmem>>, vector<1x128xf32>
      tpu.vector_store %arg13[%swap3A_396, %swap3A_397], %max3A_395 {strides = array<i32>} : memref<32x128xf32, #tpu.memory_space<vmem>>, vector<1x128xf32>,
    } else {
    }
    %le3A_243 = arith.constant 20 : i32
    %le3A_244 = arith.cmpi sle, %reduce_min3A_61, %le3A_243 : i32
    %ge3A_245 = arith.constant 20 : i32
    %ge3A_246 = arith.cmpi sge, %reduce_max3A_65, %ge3A_245 : i32
    %and3A_247 = arith.andi %le3A_244, %ge3A_246 : i1
    %convert_element_type3A_248 = arith.extui %and3A_247 : i1 to i32
    %cond3A_249 = arith.constant 0xFF800000 : f32
    %cond3A_250 = arith.constant 0 : i32
    %cond3A_251 = arith.cmpi ne, %convert_element_type3A_248, %cond3A_250 : i32
    scf.if %cond3A_251 {
      %eq3A_383 = arith.constant 20 : i32
      %eq3A_384 = vector.broadcast %eq3A_383 : i32 to vector<1000x1xi32>
      %eq3A_385 = arith.cmpi eq, %get3A_57, %eq3A_384 : vector<1000x1xi32>
      %broadcast_in_dim3A_386 = vector.shape_cast %eq3A_385 : vector<1000x1xi1> to vector<1000x1xi1>
      %broadcast_in_dim3A_387 = vector.broadcast %broadcast_in_dim3A_386 : vector<1000x1xi1> to vector<1000x128xi1>
      %broadcast_in_dim3A_388 = vector.broadcast %cond3A_249 : f32 to vector<1000x128xf32>
      %select_n3A = arith.select %broadcast_in_dim3A_387, %max3A_28, %broadcast_in_dim3A_388 : vector<1000x128xi1>, vector<1000x128xf32>
      %reduce_max3A_389 = arith.constant dense<0xFF800000> : vector<128xf32>
      %reduce_max3A_390 = vector.multi_reduction <maximumf>, %select_n3A, %reduce_max3A_389 [0] : vector<1000x128xf32> to vector<128xf32>
      %broadcast_in_dim3A_391 = vector.shape_cast %reduce_max3A_390 : vector<128xf32> to vector<1x128xf32>
      %get3A_392 = arith.constant 20 : index
      %get3A_393 = arith.constant 0 : index
      %get3A_394 = vector.load %arg13[%get3A_392, %get3A_393] : memref<32x128xf32, #tpu.memory_space<vmem>>, vector<1x128xf32>
      %max3A_395 = arith.maximumf %get3A_394, %broadcast_in_dim3A_391 : vector<1x128xf32>
      %swap3A_396 = arith.constant 20 : index
      %swap3A_397 = arith.constant 0 : index
      %swap3A_398 = vector.load %arg13[%swap3A_396, %swap3A_397] : memref<32x128xf32, #tpu.memory_space<vmem>>, vector<1x128xf32>
      tpu.vector_store %arg13[%swap3A_396, %swap3A_397], %max3A_395 {strides = array<i32>} : memref<32x128xf32, #tpu.memory_space<vmem>>, vector<1x128xf32>,
    } else {
    }
    %le3A_252 = arith.constant 21 : i32
    %le3A_253 = arith.cmpi sle, %reduce_min3A_61, %le3A_252 : i32
    %ge3A_254 = arith.constant 21 : i32
    %ge3A_255 = arith.cmpi sge, %reduce_max3A_65, %ge3A_254 : i32
    %and3A_256 = arith.andi %le3A_253, %ge3A_255 : i1
    %convert_element_type3A_257 = arith.extui %and3A_256 : i1 to i32
    %cond3A_258 = arith.constant 0xFF800000 : f32
    %cond3A_259 = arith.constant 0 : i32
    %cond3A_260 = arith.cmpi ne, %convert_element_type3A_257, %cond3A_259 : i32
    scf.if %cond3A_260 {
      %eq3A_383 = arith.constant 21 : i32
      %eq3A_384 = vector.broadcast %eq3A_383 : i32 to vector<1000x1xi32>
      %eq3A_385 = arith.cmpi eq, %get3A_57, %eq3A_384 : vector<1000x1xi32>
      %broadcast_in_dim3A_386 = vector.shape_cast %eq3A_385 : vector<1000x1xi1> to vector<1000x1xi1>
      %broadcast_in_dim3A_387 = vector.broadcast %broadcast_in_dim3A_386 : vector<1000x1xi1> to vector<1000x128xi1>
      %broadcast_in_dim3A_388 = vector.broadcast %cond3A_258 : f32 to vector<1000x128xf32>
      %select_n3A = arith.select %broadcast_in_dim3A_387, %max3A_28, %broadcast_in_dim3A_388 : vector<1000x128xi1>, vector<1000x128xf32>
      %reduce_max3A_389 = arith.constant dense<0xFF800000> : vector<128xf32>
      %reduce_max3A_390 = vector.multi_reduction <maximumf>, %select_n3A, %reduce_max3A_389 [0] : vector<1000x128xf32> to vector<128xf32>
      %broadcast_in_dim3A_391 = vector.shape_cast %reduce_max3A_390 : vector<128xf32> to vector<1x128xf32>
      %get3A_392 = arith.constant 21 : index
      %get3A_393 = arith.constant 0 : index
      %get3A_394 = vector.load %arg13[%get3A_392, %get3A_393] : memref<32x128xf32, #tpu.memory_space<vmem>>, vector<1x128xf32>
      %max3A_395 = arith.maximumf %get3A_394, %broadcast_in_dim3A_391 : vector<1x128xf32>
      %swap3A_396 = arith.constant 21 : index
      %swap3A_397 = arith.constant 0 : index
      %swap3A_398 = vector.load %arg13[%swap3A_396, %swap3A_397] : memref<32x128xf32, #tpu.memory_space<vmem>>, vector<1x128xf32>
      tpu.vector_store %arg13[%swap3A_396, %swap3A_397], %max3A_395 {strides = array<i32>} : memref<32x128xf32, #tpu.memory_space<vmem>>, vector<1x128xf32>,
    } else {
    }
    %le3A_261 = arith.constant 22 : i32
    %le3A_262 = arith.cmpi sle, %reduce_min3A_61, %le3A_261 : i32
    %ge3A_263 = arith.constant 22 : i32
    %ge3A_264 = arith.cmpi sge, %reduce_max3A_65, %ge3A_263 : i32
    %and3A_265 = arith.andi %le3A_262, %ge3A_264 : i1
    %convert_element_type3A_266 = arith.extui %and3A_265 : i1 to i32
    %cond3A_267 = arith.constant 0xFF800000 : f32
    %cond3A_268 = arith.constant 0 : i32
    %cond3A_269 = arith.cmpi ne, %convert_element_type3A_266, %cond3A_268 : i32
    scf.if %cond3A_269 {
      %eq3A_383 = arith.constant 22 : i32
      %eq3A_384 = vector.broadcast %eq3A_383 : i32 to vector<1000x1xi32>
      %eq3A_385 = arith.cmpi eq, %get3A_57, %eq3A_384 : vector<1000x1xi32>
      %broadcast_in_dim3A_386 = vector.shape_cast %eq3A_385 : vector<1000x1xi1> to vector<1000x1xi1>
      %broadcast_in_dim3A_387 = vector.broadcast %broadcast_in_dim3A_386 : vector<1000x1xi1> to vector<1000x128xi1>
      %broadcast_in_dim3A_388 = vector.broadcast %cond3A_267 : f32 to vector<1000x128xf32>
      %select_n3A = arith.select %broadcast_in_dim3A_387, %max3A_28, %broadcast_in_dim3A_388 : vector<1000x128xi1>, vector<1000x128xf32>
      %reduce_max3A_389 = arith.constant dense<0xFF800000> : vector<128xf32>
      %reduce_max3A_390 = vector.multi_reduction <maximumf>, %select_n3A, %reduce_max3A_389 [0] : vector<1000x128xf32> to vector<128xf32>
      %broadcast_in_dim3A_391 = vector.shape_cast %reduce_max3A_390 : vector<128xf32> to vector<1x128xf32>
      %get3A_392 = arith.constant 22 : index
      %get3A_393 = arith.constant 0 : index
      %get3A_394 = vector.load %arg13[%get3A_392, %get3A_393] : memref<32x128xf32, #tpu.memory_space<vmem>>, vector<1x128xf32>
      %max3A_395 = arith.maximumf %get3A_394, %broadcast_in_dim3A_391 : vector<1x128xf32>
      %swap3A_396 = arith.constant 22 : index
      %swap3A_397 = arith.constant 0 : index
      %swap3A_398 = vector.load %arg13[%swap3A_396, %swap3A_397] : memref<32x128xf32, #tpu.memory_space<vmem>>, vector<1x128xf32>
      tpu.vector_store %arg13[%swap3A_396, %swap3A_397], %max3A_395 {strides = array<i32>} : memref<32x128xf32, #tpu.memory_space<vmem>>, vector<1x128xf32>,
    } else {
    }
    %le3A_270 = arith.constant 23 : i32
    %le3A_271 = arith.cmpi sle, %reduce_min3A_61, %le3A_270 : i32
    %ge3A_272 = arith.constant 23 : i32
    %ge3A_273 = arith.cmpi sge, %reduce_max3A_65, %ge3A_272 : i32
    %and3A_274 = arith.andi %le3A_271, %ge3A_273 : i1
    %convert_element_type3A_275 = arith.extui %and3A_274 : i1 to i32
    %cond3A_276 = arith.constant 0xFF800000 : f32
    %cond3A_277 = arith.constant 0 : i32
    %cond3A_278 = arith.cmpi ne, %convert_element_type3A_275, %cond3A_277 : i32
    scf.if %cond3A_278 {
      %eq3A_383 = arith.constant 23 : i32
      %eq3A_384 = vector.broadcast %eq3A_383 : i32 to vector<1000x1xi32>
      %eq3A_385 = arith.cmpi eq, %get3A_57, %eq3A_384 : vector<1000x1xi32>
      %broadcast_in_dim3A_386 = vector.shape_cast %eq3A_385 : vector<1000x1xi1> to vector<1000x1xi1>
      %broadcast_in_dim3A_387 = vector.broadcast %broadcast_in_dim3A_386 : vector<1000x1xi1> to vector<1000x128xi1>
      %broadcast_in_dim3A_388 = vector.broadcast %cond3A_276 : f32 to vector<1000x128xf32>
      %select_n3A = arith.select %broadcast_in_dim3A_387, %max3A_28, %broadcast_in_dim3A_388 : vector<1000x128xi1>, vector<1000x128xf32>
      %reduce_max3A_389 = arith.constant dense<0xFF800000> : vector<128xf32>
      %reduce_max3A_390 = vector.multi_reduction <maximumf>, %select_n3A, %reduce_max3A_389 [0] : vector<1000x128xf32> to vector<128xf32>
      %broadcast_in_dim3A_391 = vector.shape_cast %reduce_max3A_390 : vector<128xf32> to vector<1x128xf32>
      %get3A_392 = arith.constant 23 : index
      %get3A_393 = arith.constant 0 : index
      %get3A_394 = vector.load %arg13[%get3A_392, %get3A_393] : memref<32x128xf32, #tpu.memory_space<vmem>>, vector<1x128xf32>
      %max3A_395 = arith.maximumf %get3A_394, %broadcast_in_dim3A_391 : vector<1x128xf32>
      %swap3A_396 = arith.constant 23 : index
      %swap3A_397 = arith.constant 0 : index
      %swap3A_398 = vector.load %arg13[%swap3A_396, %swap3A_397] : memref<32x128xf32, #tpu.memory_space<vmem>>, vector<1x128xf32>
      tpu.vector_store %arg13[%swap3A_396, %swap3A_397], %max3A_395 {strides = array<i32>} : memref<32x128xf32, #tpu.memory_space<vmem>>, vector<1x128xf32>,
    } else {
    }
    %le3A_279 = arith.constant 24 : i32
    %le3A_280 = arith.cmpi sle, %reduce_min3A_61, %le3A_279 : i32
    %ge3A_281 = arith.constant 24 : i32
    %ge3A_282 = arith.cmpi sge, %reduce_max3A_65, %ge3A_281 : i32
    %and3A_283 = arith.andi %le3A_280, %ge3A_282 : i1
    %convert_element_type3A_284 = arith.extui %and3A_283 : i1 to i32
    %cond3A_285 = arith.constant 0xFF800000 : f32
    %cond3A_286 = arith.constant 0 : i32
    %cond3A_287 = arith.cmpi ne, %convert_element_type3A_284, %cond3A_286 : i32
    scf.if %cond3A_287 {
      %eq3A_383 = arith.constant 24 : i32
      %eq3A_384 = vector.broadcast %eq3A_383 : i32 to vector<1000x1xi32>
      %eq3A_385 = arith.cmpi eq, %get3A_57, %eq3A_384 : vector<1000x1xi32>
      %broadcast_in_dim3A_386 = vector.shape_cast %eq3A_385 : vector<1000x1xi1> to vector<1000x1xi1>
      %broadcast_in_dim3A_387 = vector.broadcast %broadcast_in_dim3A_386 : vector<1000x1xi1> to vector<1000x128xi1>
      %broadcast_in_dim3A_388 = vector.broadcast %cond3A_285 : f32 to vector<1000x128xf32>
      %select_n3A = arith.select %broadcast_in_dim3A_387, %max3A_28, %broadcast_in_dim3A_388 : vector<1000x128xi1>, vector<1000x128xf32>
      %reduce_max3A_389 = arith.constant dense<0xFF800000> : vector<128xf32>
      %reduce_max3A_390 = vector.multi_reduction <maximumf>, %select_n3A, %reduce_max3A_389 [0] : vector<1000x128xf32> to vector<128xf32>
      %broadcast_in_dim3A_391 = vector.shape_cast %reduce_max3A_390 : vector<128xf32> to vector<1x128xf32>
      %get3A_392 = arith.constant 24 : index
      %get3A_393 = arith.constant 0 : index
      %get3A_394 = vector.load %arg13[%get3A_392, %get3A_393] : memref<32x128xf32, #tpu.memory_space<vmem>>, vector<1x128xf32>
      %max3A_395 = arith.maximumf %get3A_394, %broadcast_in_dim3A_391 : vector<1x128xf32>
      %swap3A_396 = arith.constant 24 : index
      %swap3A_397 = arith.constant 0 : index
      %swap3A_398 = vector.load %arg13[%swap3A_396, %swap3A_397] : memref<32x128xf32, #tpu.memory_space<vmem>>, vector<1x128xf32>
      tpu.vector_store %arg13[%swap3A_396, %swap3A_397], %max3A_395 {strides = array<i32>} : memref<32x128xf32, #tpu.memory_space<vmem>>, vector<1x128xf32>,
    } else {
    }
    %le3A_288 = arith.constant 25 : i32
    %le3A_289 = arith.cmpi sle, %reduce_min3A_61, %le3A_288 : i32
    %ge3A_290 = arith.constant 25 : i32
    %ge3A_291 = arith.cmpi sge, %reduce_max3A_65, %ge3A_290 : i32
    %and3A_292 = arith.andi %le3A_289, %ge3A_291 : i1
    %convert_element_type3A_293 = arith.extui %and3A_292 : i1 to i32
    %cond3A_294 = arith.constant 0xFF800000 : f32
    %cond3A_295 = arith.constant 0 : i32
    %cond3A_296 = arith.cmpi ne, %convert_element_type3A_293, %cond3A_295 : i32
    scf.if %cond3A_296 {
      %eq3A_383 = arith.constant 25 : i32
      %eq3A_384 = vector.broadcast %eq3A_383 : i32 to vector<1000x1xi32>
      %eq3A_385 = arith.cmpi eq, %get3A_57, %eq3A_384 : vector<1000x1xi32>
      %broadcast_in_dim3A_386 = vector.shape_cast %eq3A_385 : vector<1000x1xi1> to vector<1000x1xi1>
      %broadcast_in_dim3A_387 = vector.broadcast %broadcast_in_dim3A_386 : vector<1000x1xi1> to vector<1000x128xi1>
      %broadcast_in_dim3A_388 = vector.broadcast %cond3A_294 : f32 to vector<1000x128xf32>
      %select_n3A = arith.select %broadcast_in_dim3A_387, %max3A_28, %broadcast_in_dim3A_388 : vector<1000x128xi1>, vector<1000x128xf32>
      %reduce_max3A_389 = arith.constant dense<0xFF800000> : vector<128xf32>
      %reduce_max3A_390 = vector.multi_reduction <maximumf>, %select_n3A, %reduce_max3A_389 [0] : vector<1000x128xf32> to vector<128xf32>
      %broadcast_in_dim3A_391 = vector.shape_cast %reduce_max3A_390 : vector<128xf32> to vector<1x128xf32>
      %get3A_392 = arith.constant 25 : index
      %get3A_393 = arith.constant 0 : index
      %get3A_394 = vector.load %arg13[%get3A_392, %get3A_393] : memref<32x128xf32, #tpu.memory_space<vmem>>, vector<1x128xf32>
      %max3A_395 = arith.maximumf %get3A_394, %broadcast_in_dim3A_391 : vector<1x128xf32>
      %swap3A_396 = arith.constant 25 : index
      %swap3A_397 = arith.constant 0 : index
      %swap3A_398 = vector.load %arg13[%swap3A_396, %swap3A_397] : memref<32x128xf32, #tpu.memory_space<vmem>>, vector<1x128xf32>
      tpu.vector_store %arg13[%swap3A_396, %swap3A_397], %max3A_395 {strides = array<i32>} : memref<32x128xf32, #tpu.memory_space<vmem>>, vector<1x128xf32>,
    } else {
    }
    %le3A_297 = arith.constant 26 : i32
    %le3A_298 = arith.cmpi sle, %reduce_min3A_61, %le3A_297 : i32
    %ge3A_299 = arith.constant 26 : i32
    %ge3A_300 = arith.cmpi sge, %reduce_max3A_65, %ge3A_299 : i32
    %and3A_301 = arith.andi %le3A_298, %ge3A_300 : i1
    %convert_element_type3A_302 = arith.extui %and3A_301 : i1 to i32
    %cond3A_303 = arith.constant 0xFF800000 : f32
    %cond3A_304 = arith.constant 0 : i32
    %cond3A_305 = arith.cmpi ne, %convert_element_type3A_302, %cond3A_304 : i32
    scf.if %cond3A_305 {
      %eq3A_383 = arith.constant 26 : i32
      %eq3A_384 = vector.broadcast %eq3A_383 : i32 to vector<1000x1xi32>
      %eq3A_385 = arith.cmpi eq, %get3A_57, %eq3A_384 : vector<1000x1xi32>
      %broadcast_in_dim3A_386 = vector.shape_cast %eq3A_385 : vector<1000x1xi1> to vector<1000x1xi1>
      %broadcast_in_dim3A_387 = vector.broadcast %broadcast_in_dim3A_386 : vector<1000x1xi1> to vector<1000x128xi1>
      %broadcast_in_dim3A_388 = vector.broadcast %cond3A_303 : f32 to vector<1000x128xf32>
      %select_n3A = arith.select %broadcast_in_dim3A_387, %max3A_28, %broadcast_in_dim3A_388 : vector<1000x128xi1>, vector<1000x128xf32>
      %reduce_max3A_389 = arith.constant dense<0xFF800000> : vector<128xf32>
      %reduce_max3A_390 = vector.multi_reduction <maximumf>, %select_n3A, %reduce_max3A_389 [0] : vector<1000x128xf32> to vector<128xf32>
      %broadcast_in_dim3A_391 = vector.shape_cast %reduce_max3A_390 : vector<128xf32> to vector<1x128xf32>
      %get3A_392 = arith.constant 26 : index
      %get3A_393 = arith.constant 0 : index
      %get3A_394 = vector.load %arg13[%get3A_392, %get3A_393] : memref<32x128xf32, #tpu.memory_space<vmem>>, vector<1x128xf32>
      %max3A_395 = arith.maximumf %get3A_394, %broadcast_in_dim3A_391 : vector<1x128xf32>
      %swap3A_396 = arith.constant 26 : index
      %swap3A_397 = arith.constant 0 : index
      %swap3A_398 = vector.load %arg13[%swap3A_396, %swap3A_397] : memref<32x128xf32, #tpu.memory_space<vmem>>, vector<1x128xf32>
      tpu.vector_store %arg13[%swap3A_396, %swap3A_397], %max3A_395 {strides = array<i32>} : memref<32x128xf32, #tpu.memory_space<vmem>>, vector<1x128xf32>,
    } else {
    }
    %le3A_306 = arith.constant 27 : i32
    %le3A_307 = arith.cmpi sle, %reduce_min3A_61, %le3A_306 : i32
    %ge3A_308 = arith.constant 27 : i32
    %ge3A_309 = arith.cmpi sge, %reduce_max3A_65, %ge3A_308 : i32
    %and3A_310 = arith.andi %le3A_307, %ge3A_309 : i1
    %convert_element_type3A_311 = arith.extui %and3A_310 : i1 to i32
    %cond3A_312 = arith.constant 0xFF800000 : f32
    %cond3A_313 = arith.constant 0 : i32
    %cond3A_314 = arith.cmpi ne, %convert_element_type3A_311, %cond3A_313 : i32
    scf.if %cond3A_314 {
      %eq3A_383 = arith.constant 27 : i32
      %eq3A_384 = vector.broadcast %eq3A_383 : i32 to vector<1000x1xi32>
      %eq3A_385 = arith.cmpi eq, %get3A_57, %eq3A_384 : vector<1000x1xi32>
      %broadcast_in_dim3A_386 = vector.shape_cast %eq3A_385 : vector<1000x1xi1> to vector<1000x1xi1>
      %broadcast_in_dim3A_387 = vector.broadcast %broadcast_in_dim3A_386 : vector<1000x1xi1> to vector<1000x128xi1>
      %broadcast_in_dim3A_388 = vector.broadcast %cond3A_312 : f32 to vector<1000x128xf32>
      %select_n3A = arith.select %broadcast_in_dim3A_387, %max3A_28, %broadcast_in_dim3A_388 : vector<1000x128xi1>, vector<1000x128xf32>
      %reduce_max3A_389 = arith.constant dense<0xFF800000> : vector<128xf32>
      %reduce_max3A_390 = vector.multi_reduction <maximumf>, %select_n3A, %reduce_max3A_389 [0] : vector<1000x128xf32> to vector<128xf32>
      %broadcast_in_dim3A_391 = vector.shape_cast %reduce_max3A_390 : vector<128xf32> to vector<1x128xf32>
      %get3A_392 = arith.constant 27 : index
      %get3A_393 = arith.constant 0 : index
      %get3A_394 = vector.load %arg13[%get3A_392, %get3A_393] : memref<32x128xf32, #tpu.memory_space<vmem>>, vector<1x128xf32>
      %max3A_395 = arith.maximumf %get3A_394, %broadcast_in_dim3A_391 : vector<1x128xf32>
      %swap3A_396 = arith.constant 27 : index
      %swap3A_397 = arith.constant 0 : index
      %swap3A_398 = vector.load %arg13[%swap3A_396, %swap3A_397] : memref<32x128xf32, #tpu.memory_space<vmem>>, vector<1x128xf32>
      tpu.vector_store %arg13[%swap3A_396, %swap3A_397], %max3A_395 {strides = array<i32>} : memref<32x128xf32, #tpu.memory_space<vmem>>, vector<1x128xf32>,
    } else {
    }
    %le3A_315 = arith.constant 28 : i32
    %le3A_316 = arith.cmpi sle, %reduce_min3A_61, %le3A_315 : i32
    %ge3A_317 = arith.constant 28 : i32
    %ge3A_318 = arith.cmpi sge, %reduce_max3A_65, %ge3A_317 : i32
    %and3A_319 = arith.andi %le3A_316, %ge3A_318 : i1
    %convert_element_type3A_320 = arith.extui %and3A_319 : i1 to i32
    %cond3A_321 = arith.constant 0xFF800000 : f32
    %cond3A_322 = arith.constant 0 : i32
    %cond3A_323 = arith.cmpi ne, %convert_element_type3A_320, %cond3A_322 : i32
    scf.if %cond3A_323 {
      %eq3A_383 = arith.constant 28 : i32
      %eq3A_384 = vector.broadcast %eq3A_383 : i32 to vector<1000x1xi32>
      %eq3A_385 = arith.cmpi eq, %get3A_57, %eq3A_384 : vector<1000x1xi32>
      %broadcast_in_dim3A_386 = vector.shape_cast %eq3A_385 : vector<1000x1xi1> to vector<1000x1xi1>
      %broadcast_in_dim3A_387 = vector.broadcast %broadcast_in_dim3A_386 : vector<1000x1xi1> to vector<1000x128xi1>
      %broadcast_in_dim3A_388 = vector.broadcast %cond3A_321 : f32 to vector<1000x128xf32>
      %select_n3A = arith.select %broadcast_in_dim3A_387, %max3A_28, %broadcast_in_dim3A_388 : vector<1000x128xi1>, vector<1000x128xf32>
      %reduce_max3A_389 = arith.constant dense<0xFF800000> : vector<128xf32>
      %reduce_max3A_390 = vector.multi_reduction <maximumf>, %select_n3A, %reduce_max3A_389 [0] : vector<1000x128xf32> to vector<128xf32>
      %broadcast_in_dim3A_391 = vector.shape_cast %reduce_max3A_390 : vector<128xf32> to vector<1x128xf32>
      %get3A_392 = arith.constant 28 : index
      %get3A_393 = arith.constant 0 : index
      %get3A_394 = vector.load %arg13[%get3A_392, %get3A_393] : memref<32x128xf32, #tpu.memory_space<vmem>>, vector<1x128xf32>
      %max3A_395 = arith.maximumf %get3A_394, %broadcast_in_dim3A_391 : vector<1x128xf32>
      %swap3A_396 = arith.constant 28 : index
      %swap3A_397 = arith.constant 0 : index
      %swap3A_398 = vector.load %arg13[%swap3A_396, %swap3A_397] : memref<32x128xf32, #tpu.memory_space<vmem>>, vector<1x128xf32>
      tpu.vector_store %arg13[%swap3A_396, %swap3A_397], %max3A_395 {strides = array<i32>} : memref<32x128xf32, #tpu.memory_space<vmem>>, vector<1x128xf32>,
    } else {
    }
    %le3A_324 = arith.constant 29 : i32
    %le3A_325 = arith.cmpi sle, %reduce_min3A_61, %le3A_324 : i32
    %ge3A_326 = arith.constant 29 : i32
    %ge3A_327 = arith.cmpi sge, %reduce_max3A_65, %ge3A_326 : i32
    %and3A_328 = arith.andi %le3A_325, %ge3A_327 : i1
    %convert_element_type3A_329 = arith.extui %and3A_328 : i1 to i32
    %cond3A_330 = arith.constant 0xFF800000 : f32
    %cond3A_331 = arith.constant 0 : i32
    %cond3A_332 = arith.cmpi ne, %convert_element_type3A_329, %cond3A_331 : i32
    scf.if %cond3A_332 {
      %eq3A_383 = arith.constant 29 : i32
      %eq3A_384 = vector.broadcast %eq3A_383 : i32 to vector<1000x1xi32>
      %eq3A_385 = arith.cmpi eq, %get3A_57, %eq3A_384 : vector<1000x1xi32>
      %broadcast_in_dim3A_386 = vector.shape_cast %eq3A_385 : vector<1000x1xi1> to vector<1000x1xi1>
      %broadcast_in_dim3A_387 = vector.broadcast %broadcast_in_dim3A_386 : vector<1000x1xi1> to vector<1000x128xi1>
      %broadcast_in_dim3A_388 = vector.broadcast %cond3A_330 : f32 to vector<1000x128xf32>
      %select_n3A = arith.select %broadcast_in_dim3A_387, %max3A_28, %broadcast_in_dim3A_388 : vector<1000x128xi1>, vector<1000x128xf32>
      %reduce_max3A_389 = arith.constant dense<0xFF800000> : vector<128xf32>
      %reduce_max3A_390 = vector.multi_reduction <maximumf>, %select_n3A, %reduce_max3A_389 [0] : vector<1000x128xf32> to vector<128xf32>
      %broadcast_in_dim3A_391 = vector.shape_cast %reduce_max3A_390 : vector<128xf32> to vector<1x128xf32>
      %get3A_392 = arith.constant 29 : index
      %get3A_393 = arith.constant 0 : index
      %get3A_394 = vector.load %arg13[%get3A_392, %get3A_393] : memref<32x128xf32, #tpu.memory_space<vmem>>, vector<1x128xf32>
      %max3A_395 = arith.maximumf %get3A_394, %broadcast_in_dim3A_391 : vector<1x128xf32>
      %swap3A_396 = arith.constant 29 : index
      %swap3A_397 = arith.constant 0 : index
      %swap3A_398 = vector.load %arg13[%swap3A_396, %swap3A_397] : memref<32x128xf32, #tpu.memory_space<vmem>>, vector<1x128xf32>
      tpu.vector_store %arg13[%swap3A_396, %swap3A_397], %max3A_395 {strides = array<i32>} : memref<32x128xf32, #tpu.memory_space<vmem>>, vector<1x128xf32>,
    } else {
    }
    %le3A_333 = arith.constant 30 : i32
    %le3A_334 = arith.cmpi sle, %reduce_min3A_61, %le3A_333 : i32
    %ge3A_335 = arith.constant 30 : i32
    %ge3A_336 = arith.cmpi sge, %reduce_max3A_65, %ge3A_335 : i32
    %and3A_337 = arith.andi %le3A_334, %ge3A_336 : i1
    %convert_element_type3A_338 = arith.extui %and3A_337 : i1 to i32
    %cond3A_339 = arith.constant 0xFF800000 : f32
    %cond3A_340 = arith.constant 0 : i32
    %cond3A_341 = arith.cmpi ne, %convert_element_type3A_338, %cond3A_340 : i32
    scf.if %cond3A_341 {
      %eq3A_383 = arith.constant 30 : i32
      %eq3A_384 = vector.broadcast %eq3A_383 : i32 to vector<1000x1xi32>
      %eq3A_385 = arith.cmpi eq, %get3A_57, %eq3A_384 : vector<1000x1xi32>
      %broadcast_in_dim3A_386 = vector.shape_cast %eq3A_385 : vector<1000x1xi1> to vector<1000x1xi1>
      %broadcast_in_dim3A_387 = vector.broadcast %broadcast_in_dim3A_386 : vector<1000x1xi1> to vector<1000x128xi1>
      %broadcast_in_dim3A_388 = vector.broadcast %cond3A_339 : f32 to vector<1000x128xf32>
      %select_n3A = arith.select %broadcast_in_dim3A_387, %max3A_28, %broadcast_in_dim3A_388 : vector<1000x128xi1>, vector<1000x128xf32>
      %reduce_max3A_389 = arith.constant dense<0xFF800000> : vector<128xf32>
      %reduce_max3A_390 = vector.multi_reduction <maximumf>, %select_n3A, %reduce_max3A_389 [0] : vector<1000x128xf32> to vector<128xf32>
      %broadcast_in_dim3A_391 = vector.shape_cast %reduce_max3A_390 : vector<128xf32> to vector<1x128xf32>
      %get3A_392 = arith.constant 30 : index
      %get3A_393 = arith.constant 0 : index
      %get3A_394 = vector.load %arg13[%get3A_392, %get3A_393] : memref<32x128xf32, #tpu.memory_space<vmem>>, vector<1x128xf32>
      %max3A_395 = arith.maximumf %get3A_394, %broadcast_in_dim3A_391 : vector<1x128xf32>
      %swap3A_396 = arith.constant 30 : index
      %swap3A_397 = arith.constant 0 : index
      %swap3A_398 = vector.load %arg13[%swap3A_396, %swap3A_397] : memref<32x128xf32, #tpu.memory_space<vmem>>, vector<1x128xf32>
      tpu.vector_store %arg13[%swap3A_396, %swap3A_397], %max3A_395 {strides = array<i32>} : memref<32x128xf32, #tpu.memory_space<vmem>>, vector<1x128xf32>,
    } else {
    }
    %le3A_342 = arith.constant 31 : i32
    %le3A_343 = arith.cmpi sle, %reduce_min3A_61, %le3A_342 : i32
    %ge3A_344 = arith.constant 31 : i32
    %ge3A_345 = arith.cmpi sge, %reduce_max3A_65, %ge3A_344 : i32
    %and3A_346 = arith.andi %le3A_343, %ge3A_345 : i1
    %convert_element_type3A_347 = arith.extui %and3A_346 : i1 to i32
    %cond3A_348 = arith.constant 0xFF800000 : f32
    %cond3A_349 = arith.constant 0 : i32
    %cond3A_350 = arith.cmpi ne, %convert_element_type3A_347, %cond3A_349 : i32
    scf.if %cond3A_350 {
      %eq3A_383 = arith.constant 31 : i32
      %eq3A_384 = vector.broadcast %eq3A_383 : i32 to vector<1000x1xi32>
      %eq3A_385 = arith.cmpi eq, %get3A_57, %eq3A_384 : vector<1000x1xi32>
      %broadcast_in_dim3A_386 = vector.shape_cast %eq3A_385 : vector<1000x1xi1> to vector<1000x1xi1>
      %broadcast_in_dim3A_387 = vector.broadcast %broadcast_in_dim3A_386 : vector<1000x1xi1> to vector<1000x128xi1>
      %broadcast_in_dim3A_388 = vector.broadcast %cond3A_348 : f32 to vector<1000x128xf32>
      %select_n3A = arith.select %broadcast_in_dim3A_387, %max3A_28, %broadcast_in_dim3A_388 : vector<1000x128xi1>, vector<1000x128xf32>
      %reduce_max3A_389 = arith.constant dense<0xFF800000> : vector<128xf32>
      %reduce_max3A_390 = vector.multi_reduction <maximumf>, %select_n3A, %reduce_max3A_389 [0] : vector<1000x128xf32> to vector<128xf32>
      %broadcast_in_dim3A_391 = vector.shape_cast %reduce_max3A_390 : vector<128xf32> to vector<1x128xf32>
      %get3A_392 = arith.constant 31 : index
      %get3A_393 = arith.constant 0 : index
      %get3A_394 = vector.load %arg13[%get3A_392, %get3A_393] : memref<32x128xf32, #tpu.memory_space<vmem>>, vector<1x128xf32>
      %max3A_395 = arith.maximumf %get3A_394, %broadcast_in_dim3A_391 : vector<1x128xf32>
      %swap3A_396 = arith.constant 31 : index
      %swap3A_397 = arith.constant 0 : index
      %swap3A_398 = vector.load %arg13[%swap3A_396, %swap3A_397] : memref<32x128xf32, #tpu.memory_space<vmem>>, vector<1x128xf32>
      tpu.vector_store %arg13[%swap3A_396, %swap3A_397], %max3A_395 {strides = array<i32>} : memref<32x128xf32, #tpu.memory_space<vmem>>, vector<1x128xf32>,
    } else {
    }
    %get3A_351 = arith.constant 0 : index
    %get3A_352 = arith.constant 0 : index
    %get3A_353 = vector.load %arg9[%get3A_351, %get3A_352] : memref<1000x1xf32, #tpu.memory_space<vmem>>, vector<1000x1xf32>
    %get3A_354 = arith.constant 0 : index
    %get3A_355 = arith.constant 0 : index
    %get3A_356 = vector.load %arg10[%get3A_354, %get3A_355] : memref<1000x1xf32, #tpu.memory_space<vmem>>, vector<1000x1xf32>
    %add3A_357 = arith.addf %get3A_353, %get3A_356 : vector<1000x1xf32>
    %add3A_358 = arith.constant 1.000000e+00 : f32
    %add3A_359 = vector.broadcast %add3A_358 : f32 to vector<1000x1xf32>
    %add3A_360 = arith.addf %add3A_357, %add3A_359 : vector<1000x1xf32>
    %rsqrt3A_361 = math.rsqrt %add3A_360 : vector<1000x1xf32>
    %get3A_362 = arith.constant 0 : index
    %get3A_363 = arith.constant 0 : index
    %get3A_364 = vector.load %arg7[%get3A_362, %get3A_363] : memref<128x128xf32, #tpu.memory_space<vmem>>, vector<128x128xf32>
    %dot_general3A_365 = arith.constant dense<0.000000e+00> : vector<1000x128xf32>
    %dot_general3A_366 = tpu.matmul %max3A_28, %get3A_364, %dot_general3A_365 {dimension_numbers = #tpu.dot_dimension_numbers<[1], [0], [0], [1], [0, 0, 1, 1], [], []>, transpose_lhs_hint = false} : vector<1000x128xf32>, vector<128x128xf32>, vector<1000x128xf32> -> vector<1000x128xf32>
    %mul3A_367 = vector.broadcast %rsqrt3A_361 : vector<1000x1xf32> to vector<1000x128xf32>
    %mul3A_368 = arith.mulf %dot_general3A_366, %mul3A_367 : vector<1000x128xf32>
    %swap3A_369 = arith.constant 0 : index
    %swap3A_370 = arith.constant 0 : index
    %swap3A_371 = vector.load %arg11[%swap3A_369, %swap3A_370] : memref<1000x128xf32, #tpu.memory_space<vmem>>, vector<1000x128xf32>
    tpu.vector_store %arg11[%swap3A_369, %swap3A_370], %mul3A_368 {strides = array<i32>} : memref<1000x128xf32, #tpu.memory_space<vmem>>, vector<1000x128xf32>,
    %mul3A_372 = arith.mulf %rsqrt3A_361, %rsqrt3A_361 : vector<1000x1xf32>
    %mul3A_373 = vector.broadcast %mul3A_372 : vector<1000x1xf32> to vector<1000x128xf32>
    %mul3A_374 = arith.mulf %dot_general3A_366, %mul3A_373 : vector<1000x128xf32>
    %get3A_375 = arith.constant 0 : index
    %get3A_376 = arith.constant 0 : index
    %get3A_377 = vector.load %arg8[%get3A_375, %get3A_376] : memref<1x128xf32, #tpu.memory_space<vmem>>, vector<1x128xf32>
    %add3A_378 = vector.broadcast %get3A_377 : vector<1x128xf32> to vector<1000x128xf32>
    %add3A_379 = arith.addf %mul3A_374, %add3A_378 : vector<1000x128xf32>
    %swap3A_380 = arith.constant 0 : index
    %swap3A_381 = arith.constant 0 : index
    %swap3A_382 = vector.load %arg12[%swap3A_380, %swap3A_381] : memref<1000x128xf32, #tpu.memory_space<vmem>>, vector<1000x128xf32>
    tpu.vector_store %arg12[%swap3A_380, %swap3A_381], %add3A_379 {strides = array<i32>} : memref<1000x128xf32, #tpu.memory_space<vmem>>, vector<1000x128xf32>,
    return
  }
  func.func @transform_0(%arg0: i32) -> (i32, i32) {
    %c0_i32 = arith.constant 0 : i32
    %c0_i32_0 = arith.constant 0 : i32
    return %arg0, %c0_i32 : i32, i32
  }
  func.func @transform_1(%arg0: i32) -> (i32, i32) {
    %c0_i32 = arith.constant 0 : i32
    %c0_i32_0 = arith.constant 0 : i32
    %c0_i32_1 = arith.constant 0 : i32
    return %c0_i32, %c0_i32_0 : i32, i32
  }
  func.func @transform_2(%arg0: i32) -> (i32, i32) {
    %c0_i32 = arith.constant 0 : i32
    %c0_i32_0 = arith.constant 0 : i32
    %c0_i32_1 = arith.constant 0 : i32
    return %c0_i32, %c0_i32_0 : i32, i32
  }
  func.func @transform_3(%arg0: i32) -> (i32, i32) {
    %c0_i32 = arith.constant 0 : i32
    %c0_i32_0 = arith.constant 0 : i32
    %c0_i32_1 = arith.constant 0 : i32
    return %c0_i32, %c0_i32_0 : i32, i32
  }
  func.func @transform_4(%arg0: i32) -> (i32, i32) {
    %c0_i32 = arith.constant 0 : i32
    %c0_i32_0 = arith.constant 0 : i32
    return %arg0, %c0_i32 : i32, i32
  }
  func.func @transform_5(%arg0: i32) -> (i32, i32, i32) {
    %c0_i32 = arith.constant 0 : i32
    %c0_i32_0 = arith.constant 0 : i32
    %c0_i32_1 = arith.constant 0 : i32
    return %arg0, %c0_i32, %c0_i32_0 : i32, i32, i32
  }
  func.func @transform_6(%arg0: i32) -> (i32, i32) {
    %c0_i32 = arith.constant 0 : i32
    %c0_i32_0 = arith.constant 0 : i32
    %c0_i32_1 = arith.constant 0 : i32
    return %c0_i32, %c0_i32_0 : i32, i32
  }
  func.func @transform_7(%arg0: i32) -> (i32, i32) {
    %c0_i32 = arith.constant 0 : i32
    %c0_i32_0 = arith.constant 0 : i32
    %c0_i32_1 = arith.constant 0 : i32
    return %c0_i32, %c0_i32_0 : i32, i32
  }
  func.func @transform_8(%arg0: i32) -> (i32, i32) {
    %c0_i32 = arith.constant 0 : i32
    %c0_i32_0 = arith.constant 0 : i32
    return %arg0, %c0_i32 : i32, i32
  }
  func.func @transform_9(%arg0: i32) -> (i32, i32) {
    %c0_i32 = arith.constant 0 : i32
    %c0_i32_0 = arith.constant 0 : i32
    return %arg0, %c0_i32 : i32, i32
  }
  func.func @transform_10(%arg0: i32) -> (i32, i32) {
    %c0_i32 = arith.constant 0 : i32
    %c0_i32_0 = arith.constant 0 : i32
    return %arg0, %c0_i32 : i32, i32
  }
  func.func @transform_11(%arg0: i32) -> (i32, i32) {
    %c0_i32 = arith.constant 0 : i32
    %c0_i32_0 = arith.constant 0 : i32
    return %arg0, %c0_i32 : i32, i32
  }
  func.func @transform_12(%arg0: i32) -> (i32, i32) {
    %c0_i32 = arith.constant 0 : i32
    %c0_i32_0 = arith.constant 0 : i32
    %c0_i32_1 = arith.constant 0 : i32
    return %c0_i32, %c0_i32_0 : i32, i32
  }
  func.func @transform_13(%arg0: i32) -> (i32, i32) {
    %c0_i32 = arith.constant 0 : i32
    %c0_i32_0 = arith.constant 0 : i32
    %c0_i32_1 = arith.constant 0 : i32
    return %c0_i32, %c0_i32_0 : i32, i32
  }
  func.func @transform_14(%arg0: i32) -> (i32, i32) {
    %c0_i32 = arith.constant 0 : i32
    %c0_i32_0 = arith.constant 0 : i32
    %c0_i32_1 = arith.constant 0 : i32
    return %c0_i32, %c0_i32_0 : i32, i32
  }
}

module attributes {stable_mosaic.version = 14 : i64} {
  func.func @_pool_only_body(%arg0: i32, %arg1: memref<1000x128xf32, #tpu.memory_space<vmem>>, %arg2: memref<2x128xf32, #tpu.memory_space<vmem>>, %arg3: memref<1x128xf32, #tpu.memory_space<vmem>>, %arg4: memref<1x128xf32, #tpu.memory_space<vmem>>, %arg5: memref<1000x1xi32, #tpu.memory_space<vmem>>, %arg6: memref<1x1x1000xi32, #tpu.memory_space<vmem>>, %arg7: memref<32x128xf32, #tpu.memory_space<vmem>>, %arg8: memref<32x128xf32, #tpu.memory_space<vmem>>) attributes {dimension_semantics = [#tpu.dimension_semantics<arbitrary>], iteration_bounds = array<i64: 10>, scalar_prefetch = 0 : i64, scratch_operands = 0 : i64, tpu.core_type = #tpu.core_type<tc>, window_params = [{transform_indices = @transform_0, window_bounds = array<i64: 1000, 128>}, {pipeline_mode = #tpu.pipeline_mode<synchronous>, transform_indices = @transform_1, window_bounds = array<i64: 2, 128>}, {pipeline_mode = #tpu.pipeline_mode<synchronous>, transform_indices = @transform_2, window_bounds = array<i64: 1, 128>}, {pipeline_mode = #tpu.pipeline_mode<synchronous>, transform_indices = @transform_3, window_bounds = array<i64: 1, 128>}, {transform_indices = @transform_4, window_bounds = array<i64: 1000, 1>}, {transform_indices = @transform_5, window_bounds = array<i64: 1, 1, 1000>}, {pipeline_mode = #tpu.pipeline_mode<synchronous>, transform_indices = @transform_6, window_bounds = array<i64: 32, 128>}, {pipeline_mode = #tpu.pipeline_mode<synchronous>, transform_indices = @transform_7, window_bounds = array<i64: 32, 128>}]} {
    %get3A = arith.constant 0 : index
    %get3A_0 = arith.constant 0 : index
    %get3A_1 = vector.load %arg1[%get3A, %get3A_0] : memref<1000x128xf32, #tpu.memory_space<vmem>>, vector<1000x128xf32>
    %get3A_2 = arith.constant 0 : index
    %get3A_3 = arith.constant 0 : index
    %get3A_4 = vector.load %arg2[%get3A_2, %get3A_3] : memref<2x128xf32, #tpu.memory_space<vmem>>, vector<2x128xf32>
    %get3A_5 = arith.constant 0 : index
    %get3A_6 = arith.constant 0 : index
    %get3A_7 = vector.load %arg3[%get3A_5, %get3A_6] : memref<1x128xf32, #tpu.memory_space<vmem>>, vector<1x128xf32>
    %get3A_8 = arith.constant 0 : index
    %get3A_9 = arith.constant 0 : index
    %get3A_10 = vector.load %arg4[%get3A_8, %get3A_9] : memref<1x128xf32, #tpu.memory_space<vmem>>, vector<1x128xf32>
    %slice3A = vector.extract_strided_slice %get3A_4 {offsets = [0, 0], sizes = [1, 128], strides = [1, 1]} : vector<2x128xf32> to vector<1x128xf32>
    %mul3A = arith.constant 9.99999974E-5 : f32
    %mul3A_11 = vector.broadcast %mul3A : f32 to vector<1x128xf32>
    %mul3A_12 = arith.mulf %slice3A, %mul3A_11 : vector<1x128xf32>
    %slice3A_13 = vector.extract_strided_slice %get3A_4 {offsets = [1, 0], sizes = [1, 128], strides = [1, 1]} : vector<2x128xf32> to vector<1x128xf32>
    %mul3A_14 = arith.constant 9.99999974E-5 : f32
    %mul3A_15 = vector.broadcast %mul3A_14 : f32 to vector<1x128xf32>
    %mul3A_16 = arith.mulf %slice3A_13, %mul3A_15 : vector<1x128xf32>
    %mul3A_17 = arith.mulf %mul3A_12, %mul3A_12 : vector<1x128xf32>
    %sub3A = arith.subf %mul3A_16, %mul3A_17 : vector<1x128xf32>
    %add3A = arith.constant 9.99999974E-6 : f32
    %add3A_18 = vector.broadcast %add3A : f32 to vector<1x128xf32>
    %add3A_19 = arith.addf %sub3A, %add3A_18 : vector<1x128xf32>
    %rsqrt3A = math.rsqrt %add3A_19 : vector<1x128xf32>
    %mul3A_20 = arith.mulf %rsqrt3A, %get3A_7 : vector<1x128xf32>
    %sub3A_21 = vector.broadcast %mul3A_12 : vector<1x128xf32> to vector<1000x128xf32>
    %sub3A_22 = arith.subf %get3A_1, %sub3A_21 : vector<1000x128xf32>
    %mul3A_23 = vector.broadcast %mul3A_20 : vector<1x128xf32> to vector<1000x128xf32>
    %mul3A_24 = arith.mulf %sub3A_22, %mul3A_23 : vector<1000x128xf32>
    %add3A_25 = vector.broadcast %get3A_10 : vector<1x128xf32> to vector<1000x128xf32>
    %add3A_26 = arith.addf %mul3A_24, %add3A_25 : vector<1000x128xf32>
    %max3A = arith.constant 0.000000e+00 : f32
    %max3A_27 = vector.broadcast %max3A : f32 to vector<1000x128xf32>
    %max3A_28 = arith.maximumf %add3A_26, %max3A_27 : vector<1000x128xf32>
    %eq3A = arith.constant 0 : i32
    %eq3A_29 = arith.cmpi eq, %arg0, %eq3A : i32
    %convert_element_type3A = arith.extui %eq3A_29 : i1 to i32
    %cond3A = arith.constant 0xFF800000 : f32
    %cond3A_30 = arith.constant 0 : i32
    %cond3A_31 = arith.cmpi ne, %convert_element_type3A, %cond3A_30 : i32
    scf.if %cond3A_31 {
      %broadcast_in_dim3A = vector.broadcast %cond3A : f32 to vector<32x128xf32>
      %swap3A_343 = arith.constant 0 : index
      %swap3A_344 = arith.constant 0 : index
      %swap3A_345 = vector.load %arg7[%swap3A_343, %swap3A_344] : memref<32x128xf32, #tpu.memory_space<vmem>>, vector<32x128xf32>
      tpu.vector_store %arg7[%swap3A_343, %swap3A_344], %broadcast_in_dim3A {strides = array<i32>} : memref<32x128xf32, #tpu.memory_space<vmem>>, vector<32x128xf32>,
      %broadcast_in_dim3A_346 = arith.constant 0.000000e+00 : f32
      %broadcast_in_dim3A_347 = vector.broadcast %broadcast_in_dim3A_346 : f32 to vector<32x128xf32>
      %swap3A_348 = arith.constant 0 : index
      %swap3A_349 = arith.constant 0 : index
      %swap3A_350 = vector.load %arg8[%swap3A_348, %swap3A_349] : memref<32x128xf32, #tpu.memory_space<vmem>>, vector<32x128xf32>
      tpu.vector_store %arg8[%swap3A_348, %swap3A_349], %broadcast_in_dim3A_347 {strides = array<i32>} : memref<32x128xf32, #tpu.memory_space<vmem>>, vector<32x128xf32>,
    } else {
    }
    %get3A_32 = arith.constant 0 : index
    %get3A_33 = arith.constant 0 : index
    %get3A_34 = arith.constant 0 : index
    %get3A_35 = vector.load %arg6[%get3A_32, %get3A_33, %get3A_34] : memref<1x1x1000xi32, #tpu.memory_space<vmem>>, vector<1x1x1000xi32>
    %reshape3A = vector.shape_cast %get3A_35 : vector<1x1x1000xi32> to vector<1x1000xi32>
    %iota3A = tpu.iota {dimensions = array<i32: 0>} : vector<32x1000xi32>
    %eq3A_36 = vector.broadcast %reshape3A : vector<1x1000xi32> to vector<32x1000xi32>
    %eq3A_37 = arith.cmpi eq, %iota3A, %eq3A_36 : vector<32x1000xi32>
    %convert_element_type3A_38 = arith.extui %eq3A_37 : vector<32x1000xi1> to vector<32x1000xi32>
    %convert_element_type3A_39 = arith.sitofp %convert_element_type3A_38 : vector<32x1000xi32> to vector<32x1000xf32>
    %get3A_40 = arith.constant 0 : index
    %get3A_41 = arith.constant 0 : index
    %get3A_42 = vector.load %arg8[%get3A_40, %get3A_41] : memref<32x128xf32, #tpu.memory_space<vmem>>, vector<32x128xf32>
    %dot_general3A = arith.constant dense<0.000000e+00> : vector<32x128xf32>
    %dot_general3A_43 = tpu.matmul %convert_element_type3A_39, %max3A_28, %dot_general3A {dimension_numbers = #tpu.dot_dimension_numbers<[1], [0], [0], [1], [0, 0, 1, 1], [], []>, transpose_lhs_hint = false} : vector<32x1000xf32>, vector<1000x128xf32>, vector<32x128xf32> -> vector<32x128xf32>
    %add3A_44 = arith.addf %get3A_42, %dot_general3A_43 : vector<32x128xf32>
    %swap3A = arith.constant 0 : index
    %swap3A_45 = arith.constant 0 : index
    %swap3A_46 = vector.load %arg8[%swap3A, %swap3A_45] : memref<32x128xf32, #tpu.memory_space<vmem>>, vector<32x128xf32>
    tpu.vector_store %arg8[%swap3A, %swap3A_45], %add3A_44 {strides = array<i32>} : memref<32x128xf32, #tpu.memory_space<vmem>>, vector<32x128xf32>,
    %get3A_47 = arith.constant 0 : index
    %get3A_48 = arith.constant 0 : index
    %get3A_49 = vector.load %arg5[%get3A_47, %get3A_48] : memref<1000x1xi32, #tpu.memory_space<vmem>>, vector<1000x1xi32>
    %reduce_min3A = vector.shape_cast %get3A_49 : vector<1000x1xi32> to vector<1x1000x1xi32>
    %reduce_min3A_50 = arith.constant dense<2147483647> : vector<1xi32>
    %reduce_min3A_51 = vector.multi_reduction <minsi>, %reduce_min3A, %reduce_min3A_50 [1, 2] : vector<1x1000x1xi32> to vector<1xi32>
    %reduce_min3A_52 = vector.shape_cast %reduce_min3A_51 : vector<1xi32> to vector<1x1x1xi32>
    %reduce_min3A_53 = vector.extract %reduce_min3A_52[0, 0, 0] : i32 from vector<1x1x1xi32>
    %reduce_max3A = vector.shape_cast %get3A_49 : vector<1000x1xi32> to vector<1x1000x1xi32>
    %reduce_max3A_54 = arith.constant dense<-2147483648> : vector<1xi32>
    %reduce_max3A_55 = vector.multi_reduction <maxsi>, %reduce_max3A, %reduce_max3A_54 [1, 2] : vector<1x1000x1xi32> to vector<1xi32>
    %reduce_max3A_56 = vector.shape_cast %reduce_max3A_55 : vector<1xi32> to vector<1x1x1xi32>
    %reduce_max3A_57 = vector.extract %reduce_max3A_56[0, 0, 0] : i32 from vector<1x1x1xi32>
    %le3A = arith.constant 0 : i32
    %le3A_58 = arith.cmpi sle, %reduce_min3A_53, %le3A : i32
    %ge3A = arith.constant 0 : i32
    %ge3A_59 = arith.cmpi sge, %reduce_max3A_57, %ge3A : i32
    %and3A = arith.andi %le3A_58, %ge3A_59 : i1
    %convert_element_type3A_60 = arith.extui %and3A : i1 to i32
    %cond3A_61 = arith.constant 0xFF800000 : f32
    %cond3A_62 = arith.constant 0 : i32
    %cond3A_63 = arith.cmpi ne, %convert_element_type3A_60, %cond3A_62 : i32
    scf.if %cond3A_63 {
      %eq3A_343 = arith.constant 0 : i32
      %eq3A_344 = vector.broadcast %eq3A_343 : i32 to vector<1000x1xi32>
      %eq3A_345 = arith.cmpi eq, %get3A_49, %eq3A_344 : vector<1000x1xi32>
      %broadcast_in_dim3A = vector.shape_cast %eq3A_345 : vector<1000x1xi1> to vector<1000x1xi1>
      %broadcast_in_dim3A_346 = vector.broadcast %broadcast_in_dim3A : vector<1000x1xi1> to vector<1000x128xi1>
      %broadcast_in_dim3A_347 = vector.broadcast %cond3A_61 : f32 to vector<1000x128xf32>
      %select_n3A = arith.select %broadcast_in_dim3A_346, %max3A_28, %broadcast_in_dim3A_347 : vector<1000x128xi1>, vector<1000x128xf32>
      %reduce_max3A_348 = arith.constant dense<0xFF800000> : vector<128xf32>
      %reduce_max3A_349 = vector.multi_reduction <maximumf>, %select_n3A, %reduce_max3A_348 [0] : vector<1000x128xf32> to vector<128xf32>
      %broadcast_in_dim3A_350 = vector.shape_cast %reduce_max3A_349 : vector<128xf32> to vector<1x128xf32>
      %get3A_351 = arith.constant 0 : index
      %get3A_352 = arith.constant 0 : index
      %get3A_353 = vector.load %arg7[%get3A_351, %get3A_352] : memref<32x128xf32, #tpu.memory_space<vmem>>, vector<1x128xf32>
      %max3A_354 = arith.maximumf %get3A_353, %broadcast_in_dim3A_350 : vector<1x128xf32>
      %swap3A_355 = arith.constant 0 : index
      %swap3A_356 = arith.constant 0 : index
      %swap3A_357 = vector.load %arg7[%swap3A_355, %swap3A_356] : memref<32x128xf32, #tpu.memory_space<vmem>>, vector<1x128xf32>
      tpu.vector_store %arg7[%swap3A_355, %swap3A_356], %max3A_354 {strides = array<i32>} : memref<32x128xf32, #tpu.memory_space<vmem>>, vector<1x128xf32>,
    } else {
    }
    %le3A_64 = arith.constant 1 : i32
    %le3A_65 = arith.cmpi sle, %reduce_min3A_53, %le3A_64 : i32
    %ge3A_66 = arith.constant 1 : i32
    %ge3A_67 = arith.cmpi sge, %reduce_max3A_57, %ge3A_66 : i32
    %and3A_68 = arith.andi %le3A_65, %ge3A_67 : i1
    %convert_element_type3A_69 = arith.extui %and3A_68 : i1 to i32
    %cond3A_70 = arith.constant 0xFF800000 : f32
    %cond3A_71 = arith.constant 0 : i32
    %cond3A_72 = arith.cmpi ne, %convert_element_type3A_69, %cond3A_71 : i32
    scf.if %cond3A_72 {
      %eq3A_343 = arith.constant 1 : i32
      %eq3A_344 = vector.broadcast %eq3A_343 : i32 to vector<1000x1xi32>
      %eq3A_345 = arith.cmpi eq, %get3A_49, %eq3A_344 : vector<1000x1xi32>
      %broadcast_in_dim3A = vector.shape_cast %eq3A_345 : vector<1000x1xi1> to vector<1000x1xi1>
      %broadcast_in_dim3A_346 = vector.broadcast %broadcast_in_dim3A : vector<1000x1xi1> to vector<1000x128xi1>
      %broadcast_in_dim3A_347 = vector.broadcast %cond3A_70 : f32 to vector<1000x128xf32>
      %select_n3A = arith.select %broadcast_in_dim3A_346, %max3A_28, %broadcast_in_dim3A_347 : vector<1000x128xi1>, vector<1000x128xf32>
      %reduce_max3A_348 = arith.constant dense<0xFF800000> : vector<128xf32>
      %reduce_max3A_349 = vector.multi_reduction <maximumf>, %select_n3A, %reduce_max3A_348 [0] : vector<1000x128xf32> to vector<128xf32>
      %broadcast_in_dim3A_350 = vector.shape_cast %reduce_max3A_349 : vector<128xf32> to vector<1x128xf32>
      %get3A_351 = arith.constant 1 : index
      %get3A_352 = arith.constant 0 : index
      %get3A_353 = vector.load %arg7[%get3A_351, %get3A_352] : memref<32x128xf32, #tpu.memory_space<vmem>>, vector<1x128xf32>
      %max3A_354 = arith.maximumf %get3A_353, %broadcast_in_dim3A_350 : vector<1x128xf32>
      %swap3A_355 = arith.constant 1 : index
      %swap3A_356 = arith.constant 0 : index
      %swap3A_357 = vector.load %arg7[%swap3A_355, %swap3A_356] : memref<32x128xf32, #tpu.memory_space<vmem>>, vector<1x128xf32>
      tpu.vector_store %arg7[%swap3A_355, %swap3A_356], %max3A_354 {strides = array<i32>} : memref<32x128xf32, #tpu.memory_space<vmem>>, vector<1x128xf32>,
    } else {
    }
    %le3A_73 = arith.constant 2 : i32
    %le3A_74 = arith.cmpi sle, %reduce_min3A_53, %le3A_73 : i32
    %ge3A_75 = arith.constant 2 : i32
    %ge3A_76 = arith.cmpi sge, %reduce_max3A_57, %ge3A_75 : i32
    %and3A_77 = arith.andi %le3A_74, %ge3A_76 : i1
    %convert_element_type3A_78 = arith.extui %and3A_77 : i1 to i32
    %cond3A_79 = arith.constant 0xFF800000 : f32
    %cond3A_80 = arith.constant 0 : i32
    %cond3A_81 = arith.cmpi ne, %convert_element_type3A_78, %cond3A_80 : i32
    scf.if %cond3A_81 {
      %eq3A_343 = arith.constant 2 : i32
      %eq3A_344 = vector.broadcast %eq3A_343 : i32 to vector<1000x1xi32>
      %eq3A_345 = arith.cmpi eq, %get3A_49, %eq3A_344 : vector<1000x1xi32>
      %broadcast_in_dim3A = vector.shape_cast %eq3A_345 : vector<1000x1xi1> to vector<1000x1xi1>
      %broadcast_in_dim3A_346 = vector.broadcast %broadcast_in_dim3A : vector<1000x1xi1> to vector<1000x128xi1>
      %broadcast_in_dim3A_347 = vector.broadcast %cond3A_79 : f32 to vector<1000x128xf32>
      %select_n3A = arith.select %broadcast_in_dim3A_346, %max3A_28, %broadcast_in_dim3A_347 : vector<1000x128xi1>, vector<1000x128xf32>
      %reduce_max3A_348 = arith.constant dense<0xFF800000> : vector<128xf32>
      %reduce_max3A_349 = vector.multi_reduction <maximumf>, %select_n3A, %reduce_max3A_348 [0] : vector<1000x128xf32> to vector<128xf32>
      %broadcast_in_dim3A_350 = vector.shape_cast %reduce_max3A_349 : vector<128xf32> to vector<1x128xf32>
      %get3A_351 = arith.constant 2 : index
      %get3A_352 = arith.constant 0 : index
      %get3A_353 = vector.load %arg7[%get3A_351, %get3A_352] : memref<32x128xf32, #tpu.memory_space<vmem>>, vector<1x128xf32>
      %max3A_354 = arith.maximumf %get3A_353, %broadcast_in_dim3A_350 : vector<1x128xf32>
      %swap3A_355 = arith.constant 2 : index
      %swap3A_356 = arith.constant 0 : index
      %swap3A_357 = vector.load %arg7[%swap3A_355, %swap3A_356] : memref<32x128xf32, #tpu.memory_space<vmem>>, vector<1x128xf32>
      tpu.vector_store %arg7[%swap3A_355, %swap3A_356], %max3A_354 {strides = array<i32>} : memref<32x128xf32, #tpu.memory_space<vmem>>, vector<1x128xf32>,
    } else {
    }
    %le3A_82 = arith.constant 3 : i32
    %le3A_83 = arith.cmpi sle, %reduce_min3A_53, %le3A_82 : i32
    %ge3A_84 = arith.constant 3 : i32
    %ge3A_85 = arith.cmpi sge, %reduce_max3A_57, %ge3A_84 : i32
    %and3A_86 = arith.andi %le3A_83, %ge3A_85 : i1
    %convert_element_type3A_87 = arith.extui %and3A_86 : i1 to i32
    %cond3A_88 = arith.constant 0xFF800000 : f32
    %cond3A_89 = arith.constant 0 : i32
    %cond3A_90 = arith.cmpi ne, %convert_element_type3A_87, %cond3A_89 : i32
    scf.if %cond3A_90 {
      %eq3A_343 = arith.constant 3 : i32
      %eq3A_344 = vector.broadcast %eq3A_343 : i32 to vector<1000x1xi32>
      %eq3A_345 = arith.cmpi eq, %get3A_49, %eq3A_344 : vector<1000x1xi32>
      %broadcast_in_dim3A = vector.shape_cast %eq3A_345 : vector<1000x1xi1> to vector<1000x1xi1>
      %broadcast_in_dim3A_346 = vector.broadcast %broadcast_in_dim3A : vector<1000x1xi1> to vector<1000x128xi1>
      %broadcast_in_dim3A_347 = vector.broadcast %cond3A_88 : f32 to vector<1000x128xf32>
      %select_n3A = arith.select %broadcast_in_dim3A_346, %max3A_28, %broadcast_in_dim3A_347 : vector<1000x128xi1>, vector<1000x128xf32>
      %reduce_max3A_348 = arith.constant dense<0xFF800000> : vector<128xf32>
      %reduce_max3A_349 = vector.multi_reduction <maximumf>, %select_n3A, %reduce_max3A_348 [0] : vector<1000x128xf32> to vector<128xf32>
      %broadcast_in_dim3A_350 = vector.shape_cast %reduce_max3A_349 : vector<128xf32> to vector<1x128xf32>
      %get3A_351 = arith.constant 3 : index
      %get3A_352 = arith.constant 0 : index
      %get3A_353 = vector.load %arg7[%get3A_351, %get3A_352] : memref<32x128xf32, #tpu.memory_space<vmem>>, vector<1x128xf32>
      %max3A_354 = arith.maximumf %get3A_353, %broadcast_in_dim3A_350 : vector<1x128xf32>
      %swap3A_355 = arith.constant 3 : index
      %swap3A_356 = arith.constant 0 : index
      %swap3A_357 = vector.load %arg7[%swap3A_355, %swap3A_356] : memref<32x128xf32, #tpu.memory_space<vmem>>, vector<1x128xf32>
      tpu.vector_store %arg7[%swap3A_355, %swap3A_356], %max3A_354 {strides = array<i32>} : memref<32x128xf32, #tpu.memory_space<vmem>>, vector<1x128xf32>,
    } else {
    }
    %le3A_91 = arith.constant 4 : i32
    %le3A_92 = arith.cmpi sle, %reduce_min3A_53, %le3A_91 : i32
    %ge3A_93 = arith.constant 4 : i32
    %ge3A_94 = arith.cmpi sge, %reduce_max3A_57, %ge3A_93 : i32
    %and3A_95 = arith.andi %le3A_92, %ge3A_94 : i1
    %convert_element_type3A_96 = arith.extui %and3A_95 : i1 to i32
    %cond3A_97 = arith.constant 0xFF800000 : f32
    %cond3A_98 = arith.constant 0 : i32
    %cond3A_99 = arith.cmpi ne, %convert_element_type3A_96, %cond3A_98 : i32
    scf.if %cond3A_99 {
      %eq3A_343 = arith.constant 4 : i32
      %eq3A_344 = vector.broadcast %eq3A_343 : i32 to vector<1000x1xi32>
      %eq3A_345 = arith.cmpi eq, %get3A_49, %eq3A_344 : vector<1000x1xi32>
      %broadcast_in_dim3A = vector.shape_cast %eq3A_345 : vector<1000x1xi1> to vector<1000x1xi1>
      %broadcast_in_dim3A_346 = vector.broadcast %broadcast_in_dim3A : vector<1000x1xi1> to vector<1000x128xi1>
      %broadcast_in_dim3A_347 = vector.broadcast %cond3A_97 : f32 to vector<1000x128xf32>
      %select_n3A = arith.select %broadcast_in_dim3A_346, %max3A_28, %broadcast_in_dim3A_347 : vector<1000x128xi1>, vector<1000x128xf32>
      %reduce_max3A_348 = arith.constant dense<0xFF800000> : vector<128xf32>
      %reduce_max3A_349 = vector.multi_reduction <maximumf>, %select_n3A, %reduce_max3A_348 [0] : vector<1000x128xf32> to vector<128xf32>
      %broadcast_in_dim3A_350 = vector.shape_cast %reduce_max3A_349 : vector<128xf32> to vector<1x128xf32>
      %get3A_351 = arith.constant 4 : index
      %get3A_352 = arith.constant 0 : index
      %get3A_353 = vector.load %arg7[%get3A_351, %get3A_352] : memref<32x128xf32, #tpu.memory_space<vmem>>, vector<1x128xf32>
      %max3A_354 = arith.maximumf %get3A_353, %broadcast_in_dim3A_350 : vector<1x128xf32>
      %swap3A_355 = arith.constant 4 : index
      %swap3A_356 = arith.constant 0 : index
      %swap3A_357 = vector.load %arg7[%swap3A_355, %swap3A_356] : memref<32x128xf32, #tpu.memory_space<vmem>>, vector<1x128xf32>
      tpu.vector_store %arg7[%swap3A_355, %swap3A_356], %max3A_354 {strides = array<i32>} : memref<32x128xf32, #tpu.memory_space<vmem>>, vector<1x128xf32>,
    } else {
    }
    %le3A_100 = arith.constant 5 : i32
    %le3A_101 = arith.cmpi sle, %reduce_min3A_53, %le3A_100 : i32
    %ge3A_102 = arith.constant 5 : i32
    %ge3A_103 = arith.cmpi sge, %reduce_max3A_57, %ge3A_102 : i32
    %and3A_104 = arith.andi %le3A_101, %ge3A_103 : i1
    %convert_element_type3A_105 = arith.extui %and3A_104 : i1 to i32
    %cond3A_106 = arith.constant 0xFF800000 : f32
    %cond3A_107 = arith.constant 0 : i32
    %cond3A_108 = arith.cmpi ne, %convert_element_type3A_105, %cond3A_107 : i32
    scf.if %cond3A_108 {
      %eq3A_343 = arith.constant 5 : i32
      %eq3A_344 = vector.broadcast %eq3A_343 : i32 to vector<1000x1xi32>
      %eq3A_345 = arith.cmpi eq, %get3A_49, %eq3A_344 : vector<1000x1xi32>
      %broadcast_in_dim3A = vector.shape_cast %eq3A_345 : vector<1000x1xi1> to vector<1000x1xi1>
      %broadcast_in_dim3A_346 = vector.broadcast %broadcast_in_dim3A : vector<1000x1xi1> to vector<1000x128xi1>
      %broadcast_in_dim3A_347 = vector.broadcast %cond3A_106 : f32 to vector<1000x128xf32>
      %select_n3A = arith.select %broadcast_in_dim3A_346, %max3A_28, %broadcast_in_dim3A_347 : vector<1000x128xi1>, vector<1000x128xf32>
      %reduce_max3A_348 = arith.constant dense<0xFF800000> : vector<128xf32>
      %reduce_max3A_349 = vector.multi_reduction <maximumf>, %select_n3A, %reduce_max3A_348 [0] : vector<1000x128xf32> to vector<128xf32>
      %broadcast_in_dim3A_350 = vector.shape_cast %reduce_max3A_349 : vector<128xf32> to vector<1x128xf32>
      %get3A_351 = arith.constant 5 : index
      %get3A_352 = arith.constant 0 : index
      %get3A_353 = vector.load %arg7[%get3A_351, %get3A_352] : memref<32x128xf32, #tpu.memory_space<vmem>>, vector<1x128xf32>
      %max3A_354 = arith.maximumf %get3A_353, %broadcast_in_dim3A_350 : vector<1x128xf32>
      %swap3A_355 = arith.constant 5 : index
      %swap3A_356 = arith.constant 0 : index
      %swap3A_357 = vector.load %arg7[%swap3A_355, %swap3A_356] : memref<32x128xf32, #tpu.memory_space<vmem>>, vector<1x128xf32>
      tpu.vector_store %arg7[%swap3A_355, %swap3A_356], %max3A_354 {strides = array<i32>} : memref<32x128xf32, #tpu.memory_space<vmem>>, vector<1x128xf32>,
    } else {
    }
    %le3A_109 = arith.constant 6 : i32
    %le3A_110 = arith.cmpi sle, %reduce_min3A_53, %le3A_109 : i32
    %ge3A_111 = arith.constant 6 : i32
    %ge3A_112 = arith.cmpi sge, %reduce_max3A_57, %ge3A_111 : i32
    %and3A_113 = arith.andi %le3A_110, %ge3A_112 : i1
    %convert_element_type3A_114 = arith.extui %and3A_113 : i1 to i32
    %cond3A_115 = arith.constant 0xFF800000 : f32
    %cond3A_116 = arith.constant 0 : i32
    %cond3A_117 = arith.cmpi ne, %convert_element_type3A_114, %cond3A_116 : i32
    scf.if %cond3A_117 {
      %eq3A_343 = arith.constant 6 : i32
      %eq3A_344 = vector.broadcast %eq3A_343 : i32 to vector<1000x1xi32>
      %eq3A_345 = arith.cmpi eq, %get3A_49, %eq3A_344 : vector<1000x1xi32>
      %broadcast_in_dim3A = vector.shape_cast %eq3A_345 : vector<1000x1xi1> to vector<1000x1xi1>
      %broadcast_in_dim3A_346 = vector.broadcast %broadcast_in_dim3A : vector<1000x1xi1> to vector<1000x128xi1>
      %broadcast_in_dim3A_347 = vector.broadcast %cond3A_115 : f32 to vector<1000x128xf32>
      %select_n3A = arith.select %broadcast_in_dim3A_346, %max3A_28, %broadcast_in_dim3A_347 : vector<1000x128xi1>, vector<1000x128xf32>
      %reduce_max3A_348 = arith.constant dense<0xFF800000> : vector<128xf32>
      %reduce_max3A_349 = vector.multi_reduction <maximumf>, %select_n3A, %reduce_max3A_348 [0] : vector<1000x128xf32> to vector<128xf32>
      %broadcast_in_dim3A_350 = vector.shape_cast %reduce_max3A_349 : vector<128xf32> to vector<1x128xf32>
      %get3A_351 = arith.constant 6 : index
      %get3A_352 = arith.constant 0 : index
      %get3A_353 = vector.load %arg7[%get3A_351, %get3A_352] : memref<32x128xf32, #tpu.memory_space<vmem>>, vector<1x128xf32>
      %max3A_354 = arith.maximumf %get3A_353, %broadcast_in_dim3A_350 : vector<1x128xf32>
      %swap3A_355 = arith.constant 6 : index
      %swap3A_356 = arith.constant 0 : index
      %swap3A_357 = vector.load %arg7[%swap3A_355, %swap3A_356] : memref<32x128xf32, #tpu.memory_space<vmem>>, vector<1x128xf32>
      tpu.vector_store %arg7[%swap3A_355, %swap3A_356], %max3A_354 {strides = array<i32>} : memref<32x128xf32, #tpu.memory_space<vmem>>, vector<1x128xf32>,
    } else {
    }
    %le3A_118 = arith.constant 7 : i32
    %le3A_119 = arith.cmpi sle, %reduce_min3A_53, %le3A_118 : i32
    %ge3A_120 = arith.constant 7 : i32
    %ge3A_121 = arith.cmpi sge, %reduce_max3A_57, %ge3A_120 : i32
    %and3A_122 = arith.andi %le3A_119, %ge3A_121 : i1
    %convert_element_type3A_123 = arith.extui %and3A_122 : i1 to i32
    %cond3A_124 = arith.constant 0xFF800000 : f32
    %cond3A_125 = arith.constant 0 : i32
    %cond3A_126 = arith.cmpi ne, %convert_element_type3A_123, %cond3A_125 : i32
    scf.if %cond3A_126 {
      %eq3A_343 = arith.constant 7 : i32
      %eq3A_344 = vector.broadcast %eq3A_343 : i32 to vector<1000x1xi32>
      %eq3A_345 = arith.cmpi eq, %get3A_49, %eq3A_344 : vector<1000x1xi32>
      %broadcast_in_dim3A = vector.shape_cast %eq3A_345 : vector<1000x1xi1> to vector<1000x1xi1>
      %broadcast_in_dim3A_346 = vector.broadcast %broadcast_in_dim3A : vector<1000x1xi1> to vector<1000x128xi1>
      %broadcast_in_dim3A_347 = vector.broadcast %cond3A_124 : f32 to vector<1000x128xf32>
      %select_n3A = arith.select %broadcast_in_dim3A_346, %max3A_28, %broadcast_in_dim3A_347 : vector<1000x128xi1>, vector<1000x128xf32>
      %reduce_max3A_348 = arith.constant dense<0xFF800000> : vector<128xf32>
      %reduce_max3A_349 = vector.multi_reduction <maximumf>, %select_n3A, %reduce_max3A_348 [0] : vector<1000x128xf32> to vector<128xf32>
      %broadcast_in_dim3A_350 = vector.shape_cast %reduce_max3A_349 : vector<128xf32> to vector<1x128xf32>
      %get3A_351 = arith.constant 7 : index
      %get3A_352 = arith.constant 0 : index
      %get3A_353 = vector.load %arg7[%get3A_351, %get3A_352] : memref<32x128xf32, #tpu.memory_space<vmem>>, vector<1x128xf32>
      %max3A_354 = arith.maximumf %get3A_353, %broadcast_in_dim3A_350 : vector<1x128xf32>
      %swap3A_355 = arith.constant 7 : index
      %swap3A_356 = arith.constant 0 : index
      %swap3A_357 = vector.load %arg7[%swap3A_355, %swap3A_356] : memref<32x128xf32, #tpu.memory_space<vmem>>, vector<1x128xf32>
      tpu.vector_store %arg7[%swap3A_355, %swap3A_356], %max3A_354 {strides = array<i32>} : memref<32x128xf32, #tpu.memory_space<vmem>>, vector<1x128xf32>,
    } else {
    }
    %le3A_127 = arith.constant 8 : i32
    %le3A_128 = arith.cmpi sle, %reduce_min3A_53, %le3A_127 : i32
    %ge3A_129 = arith.constant 8 : i32
    %ge3A_130 = arith.cmpi sge, %reduce_max3A_57, %ge3A_129 : i32
    %and3A_131 = arith.andi %le3A_128, %ge3A_130 : i1
    %convert_element_type3A_132 = arith.extui %and3A_131 : i1 to i32
    %cond3A_133 = arith.constant 0xFF800000 : f32
    %cond3A_134 = arith.constant 0 : i32
    %cond3A_135 = arith.cmpi ne, %convert_element_type3A_132, %cond3A_134 : i32
    scf.if %cond3A_135 {
      %eq3A_343 = arith.constant 8 : i32
      %eq3A_344 = vector.broadcast %eq3A_343 : i32 to vector<1000x1xi32>
      %eq3A_345 = arith.cmpi eq, %get3A_49, %eq3A_344 : vector<1000x1xi32>
      %broadcast_in_dim3A = vector.shape_cast %eq3A_345 : vector<1000x1xi1> to vector<1000x1xi1>
      %broadcast_in_dim3A_346 = vector.broadcast %broadcast_in_dim3A : vector<1000x1xi1> to vector<1000x128xi1>
      %broadcast_in_dim3A_347 = vector.broadcast %cond3A_133 : f32 to vector<1000x128xf32>
      %select_n3A = arith.select %broadcast_in_dim3A_346, %max3A_28, %broadcast_in_dim3A_347 : vector<1000x128xi1>, vector<1000x128xf32>
      %reduce_max3A_348 = arith.constant dense<0xFF800000> : vector<128xf32>
      %reduce_max3A_349 = vector.multi_reduction <maximumf>, %select_n3A, %reduce_max3A_348 [0] : vector<1000x128xf32> to vector<128xf32>
      %broadcast_in_dim3A_350 = vector.shape_cast %reduce_max3A_349 : vector<128xf32> to vector<1x128xf32>
      %get3A_351 = arith.constant 8 : index
      %get3A_352 = arith.constant 0 : index
      %get3A_353 = vector.load %arg7[%get3A_351, %get3A_352] : memref<32x128xf32, #tpu.memory_space<vmem>>, vector<1x128xf32>
      %max3A_354 = arith.maximumf %get3A_353, %broadcast_in_dim3A_350 : vector<1x128xf32>
      %swap3A_355 = arith.constant 8 : index
      %swap3A_356 = arith.constant 0 : index
      %swap3A_357 = vector.load %arg7[%swap3A_355, %swap3A_356] : memref<32x128xf32, #tpu.memory_space<vmem>>, vector<1x128xf32>
      tpu.vector_store %arg7[%swap3A_355, %swap3A_356], %max3A_354 {strides = array<i32>} : memref<32x128xf32, #tpu.memory_space<vmem>>, vector<1x128xf32>,
    } else {
    }
    %le3A_136 = arith.constant 9 : i32
    %le3A_137 = arith.cmpi sle, %reduce_min3A_53, %le3A_136 : i32
    %ge3A_138 = arith.constant 9 : i32
    %ge3A_139 = arith.cmpi sge, %reduce_max3A_57, %ge3A_138 : i32
    %and3A_140 = arith.andi %le3A_137, %ge3A_139 : i1
    %convert_element_type3A_141 = arith.extui %and3A_140 : i1 to i32
    %cond3A_142 = arith.constant 0xFF800000 : f32
    %cond3A_143 = arith.constant 0 : i32
    %cond3A_144 = arith.cmpi ne, %convert_element_type3A_141, %cond3A_143 : i32
    scf.if %cond3A_144 {
      %eq3A_343 = arith.constant 9 : i32
      %eq3A_344 = vector.broadcast %eq3A_343 : i32 to vector<1000x1xi32>
      %eq3A_345 = arith.cmpi eq, %get3A_49, %eq3A_344 : vector<1000x1xi32>
      %broadcast_in_dim3A = vector.shape_cast %eq3A_345 : vector<1000x1xi1> to vector<1000x1xi1>
      %broadcast_in_dim3A_346 = vector.broadcast %broadcast_in_dim3A : vector<1000x1xi1> to vector<1000x128xi1>
      %broadcast_in_dim3A_347 = vector.broadcast %cond3A_142 : f32 to vector<1000x128xf32>
      %select_n3A = arith.select %broadcast_in_dim3A_346, %max3A_28, %broadcast_in_dim3A_347 : vector<1000x128xi1>, vector<1000x128xf32>
      %reduce_max3A_348 = arith.constant dense<0xFF800000> : vector<128xf32>
      %reduce_max3A_349 = vector.multi_reduction <maximumf>, %select_n3A, %reduce_max3A_348 [0] : vector<1000x128xf32> to vector<128xf32>
      %broadcast_in_dim3A_350 = vector.shape_cast %reduce_max3A_349 : vector<128xf32> to vector<1x128xf32>
      %get3A_351 = arith.constant 9 : index
      %get3A_352 = arith.constant 0 : index
      %get3A_353 = vector.load %arg7[%get3A_351, %get3A_352] : memref<32x128xf32, #tpu.memory_space<vmem>>, vector<1x128xf32>
      %max3A_354 = arith.maximumf %get3A_353, %broadcast_in_dim3A_350 : vector<1x128xf32>
      %swap3A_355 = arith.constant 9 : index
      %swap3A_356 = arith.constant 0 : index
      %swap3A_357 = vector.load %arg7[%swap3A_355, %swap3A_356] : memref<32x128xf32, #tpu.memory_space<vmem>>, vector<1x128xf32>
      tpu.vector_store %arg7[%swap3A_355, %swap3A_356], %max3A_354 {strides = array<i32>} : memref<32x128xf32, #tpu.memory_space<vmem>>, vector<1x128xf32>,
    } else {
    }
    %le3A_145 = arith.constant 10 : i32
    %le3A_146 = arith.cmpi sle, %reduce_min3A_53, %le3A_145 : i32
    %ge3A_147 = arith.constant 10 : i32
    %ge3A_148 = arith.cmpi sge, %reduce_max3A_57, %ge3A_147 : i32
    %and3A_149 = arith.andi %le3A_146, %ge3A_148 : i1
    %convert_element_type3A_150 = arith.extui %and3A_149 : i1 to i32
    %cond3A_151 = arith.constant 0xFF800000 : f32
    %cond3A_152 = arith.constant 0 : i32
    %cond3A_153 = arith.cmpi ne, %convert_element_type3A_150, %cond3A_152 : i32
    scf.if %cond3A_153 {
      %eq3A_343 = arith.constant 10 : i32
      %eq3A_344 = vector.broadcast %eq3A_343 : i32 to vector<1000x1xi32>
      %eq3A_345 = arith.cmpi eq, %get3A_49, %eq3A_344 : vector<1000x1xi32>
      %broadcast_in_dim3A = vector.shape_cast %eq3A_345 : vector<1000x1xi1> to vector<1000x1xi1>
      %broadcast_in_dim3A_346 = vector.broadcast %broadcast_in_dim3A : vector<1000x1xi1> to vector<1000x128xi1>
      %broadcast_in_dim3A_347 = vector.broadcast %cond3A_151 : f32 to vector<1000x128xf32>
      %select_n3A = arith.select %broadcast_in_dim3A_346, %max3A_28, %broadcast_in_dim3A_347 : vector<1000x128xi1>, vector<1000x128xf32>
      %reduce_max3A_348 = arith.constant dense<0xFF800000> : vector<128xf32>
      %reduce_max3A_349 = vector.multi_reduction <maximumf>, %select_n3A, %reduce_max3A_348 [0] : vector<1000x128xf32> to vector<128xf32>
      %broadcast_in_dim3A_350 = vector.shape_cast %reduce_max3A_349 : vector<128xf32> to vector<1x128xf32>
      %get3A_351 = arith.constant 10 : index
      %get3A_352 = arith.constant 0 : index
      %get3A_353 = vector.load %arg7[%get3A_351, %get3A_352] : memref<32x128xf32, #tpu.memory_space<vmem>>, vector<1x128xf32>
      %max3A_354 = arith.maximumf %get3A_353, %broadcast_in_dim3A_350 : vector<1x128xf32>
      %swap3A_355 = arith.constant 10 : index
      %swap3A_356 = arith.constant 0 : index
      %swap3A_357 = vector.load %arg7[%swap3A_355, %swap3A_356] : memref<32x128xf32, #tpu.memory_space<vmem>>, vector<1x128xf32>
      tpu.vector_store %arg7[%swap3A_355, %swap3A_356], %max3A_354 {strides = array<i32>} : memref<32x128xf32, #tpu.memory_space<vmem>>, vector<1x128xf32>,
    } else {
    }
    %le3A_154 = arith.constant 11 : i32
    %le3A_155 = arith.cmpi sle, %reduce_min3A_53, %le3A_154 : i32
    %ge3A_156 = arith.constant 11 : i32
    %ge3A_157 = arith.cmpi sge, %reduce_max3A_57, %ge3A_156 : i32
    %and3A_158 = arith.andi %le3A_155, %ge3A_157 : i1
    %convert_element_type3A_159 = arith.extui %and3A_158 : i1 to i32
    %cond3A_160 = arith.constant 0xFF800000 : f32
    %cond3A_161 = arith.constant 0 : i32
    %cond3A_162 = arith.cmpi ne, %convert_element_type3A_159, %cond3A_161 : i32
    scf.if %cond3A_162 {
      %eq3A_343 = arith.constant 11 : i32
      %eq3A_344 = vector.broadcast %eq3A_343 : i32 to vector<1000x1xi32>
      %eq3A_345 = arith.cmpi eq, %get3A_49, %eq3A_344 : vector<1000x1xi32>
      %broadcast_in_dim3A = vector.shape_cast %eq3A_345 : vector<1000x1xi1> to vector<1000x1xi1>
      %broadcast_in_dim3A_346 = vector.broadcast %broadcast_in_dim3A : vector<1000x1xi1> to vector<1000x128xi1>
      %broadcast_in_dim3A_347 = vector.broadcast %cond3A_160 : f32 to vector<1000x128xf32>
      %select_n3A = arith.select %broadcast_in_dim3A_346, %max3A_28, %broadcast_in_dim3A_347 : vector<1000x128xi1>, vector<1000x128xf32>
      %reduce_max3A_348 = arith.constant dense<0xFF800000> : vector<128xf32>
      %reduce_max3A_349 = vector.multi_reduction <maximumf>, %select_n3A, %reduce_max3A_348 [0] : vector<1000x128xf32> to vector<128xf32>
      %broadcast_in_dim3A_350 = vector.shape_cast %reduce_max3A_349 : vector<128xf32> to vector<1x128xf32>
      %get3A_351 = arith.constant 11 : index
      %get3A_352 = arith.constant 0 : index
      %get3A_353 = vector.load %arg7[%get3A_351, %get3A_352] : memref<32x128xf32, #tpu.memory_space<vmem>>, vector<1x128xf32>
      %max3A_354 = arith.maximumf %get3A_353, %broadcast_in_dim3A_350 : vector<1x128xf32>
      %swap3A_355 = arith.constant 11 : index
      %swap3A_356 = arith.constant 0 : index
      %swap3A_357 = vector.load %arg7[%swap3A_355, %swap3A_356] : memref<32x128xf32, #tpu.memory_space<vmem>>, vector<1x128xf32>
      tpu.vector_store %arg7[%swap3A_355, %swap3A_356], %max3A_354 {strides = array<i32>} : memref<32x128xf32, #tpu.memory_space<vmem>>, vector<1x128xf32>,
    } else {
    }
    %le3A_163 = arith.constant 12 : i32
    %le3A_164 = arith.cmpi sle, %reduce_min3A_53, %le3A_163 : i32
    %ge3A_165 = arith.constant 12 : i32
    %ge3A_166 = arith.cmpi sge, %reduce_max3A_57, %ge3A_165 : i32
    %and3A_167 = arith.andi %le3A_164, %ge3A_166 : i1
    %convert_element_type3A_168 = arith.extui %and3A_167 : i1 to i32
    %cond3A_169 = arith.constant 0xFF800000 : f32
    %cond3A_170 = arith.constant 0 : i32
    %cond3A_171 = arith.cmpi ne, %convert_element_type3A_168, %cond3A_170 : i32
    scf.if %cond3A_171 {
      %eq3A_343 = arith.constant 12 : i32
      %eq3A_344 = vector.broadcast %eq3A_343 : i32 to vector<1000x1xi32>
      %eq3A_345 = arith.cmpi eq, %get3A_49, %eq3A_344 : vector<1000x1xi32>
      %broadcast_in_dim3A = vector.shape_cast %eq3A_345 : vector<1000x1xi1> to vector<1000x1xi1>
      %broadcast_in_dim3A_346 = vector.broadcast %broadcast_in_dim3A : vector<1000x1xi1> to vector<1000x128xi1>
      %broadcast_in_dim3A_347 = vector.broadcast %cond3A_169 : f32 to vector<1000x128xf32>
      %select_n3A = arith.select %broadcast_in_dim3A_346, %max3A_28, %broadcast_in_dim3A_347 : vector<1000x128xi1>, vector<1000x128xf32>
      %reduce_max3A_348 = arith.constant dense<0xFF800000> : vector<128xf32>
      %reduce_max3A_349 = vector.multi_reduction <maximumf>, %select_n3A, %reduce_max3A_348 [0] : vector<1000x128xf32> to vector<128xf32>
      %broadcast_in_dim3A_350 = vector.shape_cast %reduce_max3A_349 : vector<128xf32> to vector<1x128xf32>
      %get3A_351 = arith.constant 12 : index
      %get3A_352 = arith.constant 0 : index
      %get3A_353 = vector.load %arg7[%get3A_351, %get3A_352] : memref<32x128xf32, #tpu.memory_space<vmem>>, vector<1x128xf32>
      %max3A_354 = arith.maximumf %get3A_353, %broadcast_in_dim3A_350 : vector<1x128xf32>
      %swap3A_355 = arith.constant 12 : index
      %swap3A_356 = arith.constant 0 : index
      %swap3A_357 = vector.load %arg7[%swap3A_355, %swap3A_356] : memref<32x128xf32, #tpu.memory_space<vmem>>, vector<1x128xf32>
      tpu.vector_store %arg7[%swap3A_355, %swap3A_356], %max3A_354 {strides = array<i32>} : memref<32x128xf32, #tpu.memory_space<vmem>>, vector<1x128xf32>,
    } else {
    }
    %le3A_172 = arith.constant 13 : i32
    %le3A_173 = arith.cmpi sle, %reduce_min3A_53, %le3A_172 : i32
    %ge3A_174 = arith.constant 13 : i32
    %ge3A_175 = arith.cmpi sge, %reduce_max3A_57, %ge3A_174 : i32
    %and3A_176 = arith.andi %le3A_173, %ge3A_175 : i1
    %convert_element_type3A_177 = arith.extui %and3A_176 : i1 to i32
    %cond3A_178 = arith.constant 0xFF800000 : f32
    %cond3A_179 = arith.constant 0 : i32
    %cond3A_180 = arith.cmpi ne, %convert_element_type3A_177, %cond3A_179 : i32
    scf.if %cond3A_180 {
      %eq3A_343 = arith.constant 13 : i32
      %eq3A_344 = vector.broadcast %eq3A_343 : i32 to vector<1000x1xi32>
      %eq3A_345 = arith.cmpi eq, %get3A_49, %eq3A_344 : vector<1000x1xi32>
      %broadcast_in_dim3A = vector.shape_cast %eq3A_345 : vector<1000x1xi1> to vector<1000x1xi1>
      %broadcast_in_dim3A_346 = vector.broadcast %broadcast_in_dim3A : vector<1000x1xi1> to vector<1000x128xi1>
      %broadcast_in_dim3A_347 = vector.broadcast %cond3A_178 : f32 to vector<1000x128xf32>
      %select_n3A = arith.select %broadcast_in_dim3A_346, %max3A_28, %broadcast_in_dim3A_347 : vector<1000x128xi1>, vector<1000x128xf32>
      %reduce_max3A_348 = arith.constant dense<0xFF800000> : vector<128xf32>
      %reduce_max3A_349 = vector.multi_reduction <maximumf>, %select_n3A, %reduce_max3A_348 [0] : vector<1000x128xf32> to vector<128xf32>
      %broadcast_in_dim3A_350 = vector.shape_cast %reduce_max3A_349 : vector<128xf32> to vector<1x128xf32>
      %get3A_351 = arith.constant 13 : index
      %get3A_352 = arith.constant 0 : index
      %get3A_353 = vector.load %arg7[%get3A_351, %get3A_352] : memref<32x128xf32, #tpu.memory_space<vmem>>, vector<1x128xf32>
      %max3A_354 = arith.maximumf %get3A_353, %broadcast_in_dim3A_350 : vector<1x128xf32>
      %swap3A_355 = arith.constant 13 : index
      %swap3A_356 = arith.constant 0 : index
      %swap3A_357 = vector.load %arg7[%swap3A_355, %swap3A_356] : memref<32x128xf32, #tpu.memory_space<vmem>>, vector<1x128xf32>
      tpu.vector_store %arg7[%swap3A_355, %swap3A_356], %max3A_354 {strides = array<i32>} : memref<32x128xf32, #tpu.memory_space<vmem>>, vector<1x128xf32>,
    } else {
    }
    %le3A_181 = arith.constant 14 : i32
    %le3A_182 = arith.cmpi sle, %reduce_min3A_53, %le3A_181 : i32
    %ge3A_183 = arith.constant 14 : i32
    %ge3A_184 = arith.cmpi sge, %reduce_max3A_57, %ge3A_183 : i32
    %and3A_185 = arith.andi %le3A_182, %ge3A_184 : i1
    %convert_element_type3A_186 = arith.extui %and3A_185 : i1 to i32
    %cond3A_187 = arith.constant 0xFF800000 : f32
    %cond3A_188 = arith.constant 0 : i32
    %cond3A_189 = arith.cmpi ne, %convert_element_type3A_186, %cond3A_188 : i32
    scf.if %cond3A_189 {
      %eq3A_343 = arith.constant 14 : i32
      %eq3A_344 = vector.broadcast %eq3A_343 : i32 to vector<1000x1xi32>
      %eq3A_345 = arith.cmpi eq, %get3A_49, %eq3A_344 : vector<1000x1xi32>
      %broadcast_in_dim3A = vector.shape_cast %eq3A_345 : vector<1000x1xi1> to vector<1000x1xi1>
      %broadcast_in_dim3A_346 = vector.broadcast %broadcast_in_dim3A : vector<1000x1xi1> to vector<1000x128xi1>
      %broadcast_in_dim3A_347 = vector.broadcast %cond3A_187 : f32 to vector<1000x128xf32>
      %select_n3A = arith.select %broadcast_in_dim3A_346, %max3A_28, %broadcast_in_dim3A_347 : vector<1000x128xi1>, vector<1000x128xf32>
      %reduce_max3A_348 = arith.constant dense<0xFF800000> : vector<128xf32>
      %reduce_max3A_349 = vector.multi_reduction <maximumf>, %select_n3A, %reduce_max3A_348 [0] : vector<1000x128xf32> to vector<128xf32>
      %broadcast_in_dim3A_350 = vector.shape_cast %reduce_max3A_349 : vector<128xf32> to vector<1x128xf32>
      %get3A_351 = arith.constant 14 : index
      %get3A_352 = arith.constant 0 : index
      %get3A_353 = vector.load %arg7[%get3A_351, %get3A_352] : memref<32x128xf32, #tpu.memory_space<vmem>>, vector<1x128xf32>
      %max3A_354 = arith.maximumf %get3A_353, %broadcast_in_dim3A_350 : vector<1x128xf32>
      %swap3A_355 = arith.constant 14 : index
      %swap3A_356 = arith.constant 0 : index
      %swap3A_357 = vector.load %arg7[%swap3A_355, %swap3A_356] : memref<32x128xf32, #tpu.memory_space<vmem>>, vector<1x128xf32>
      tpu.vector_store %arg7[%swap3A_355, %swap3A_356], %max3A_354 {strides = array<i32>} : memref<32x128xf32, #tpu.memory_space<vmem>>, vector<1x128xf32>,
    } else {
    }
    %le3A_190 = arith.constant 15 : i32
    %le3A_191 = arith.cmpi sle, %reduce_min3A_53, %le3A_190 : i32
    %ge3A_192 = arith.constant 15 : i32
    %ge3A_193 = arith.cmpi sge, %reduce_max3A_57, %ge3A_192 : i32
    %and3A_194 = arith.andi %le3A_191, %ge3A_193 : i1
    %convert_element_type3A_195 = arith.extui %and3A_194 : i1 to i32
    %cond3A_196 = arith.constant 0xFF800000 : f32
    %cond3A_197 = arith.constant 0 : i32
    %cond3A_198 = arith.cmpi ne, %convert_element_type3A_195, %cond3A_197 : i32
    scf.if %cond3A_198 {
      %eq3A_343 = arith.constant 15 : i32
      %eq3A_344 = vector.broadcast %eq3A_343 : i32 to vector<1000x1xi32>
      %eq3A_345 = arith.cmpi eq, %get3A_49, %eq3A_344 : vector<1000x1xi32>
      %broadcast_in_dim3A = vector.shape_cast %eq3A_345 : vector<1000x1xi1> to vector<1000x1xi1>
      %broadcast_in_dim3A_346 = vector.broadcast %broadcast_in_dim3A : vector<1000x1xi1> to vector<1000x128xi1>
      %broadcast_in_dim3A_347 = vector.broadcast %cond3A_196 : f32 to vector<1000x128xf32>
      %select_n3A = arith.select %broadcast_in_dim3A_346, %max3A_28, %broadcast_in_dim3A_347 : vector<1000x128xi1>, vector<1000x128xf32>
      %reduce_max3A_348 = arith.constant dense<0xFF800000> : vector<128xf32>
      %reduce_max3A_349 = vector.multi_reduction <maximumf>, %select_n3A, %reduce_max3A_348 [0] : vector<1000x128xf32> to vector<128xf32>
      %broadcast_in_dim3A_350 = vector.shape_cast %reduce_max3A_349 : vector<128xf32> to vector<1x128xf32>
      %get3A_351 = arith.constant 15 : index
      %get3A_352 = arith.constant 0 : index
      %get3A_353 = vector.load %arg7[%get3A_351, %get3A_352] : memref<32x128xf32, #tpu.memory_space<vmem>>, vector<1x128xf32>
      %max3A_354 = arith.maximumf %get3A_353, %broadcast_in_dim3A_350 : vector<1x128xf32>
      %swap3A_355 = arith.constant 15 : index
      %swap3A_356 = arith.constant 0 : index
      %swap3A_357 = vector.load %arg7[%swap3A_355, %swap3A_356] : memref<32x128xf32, #tpu.memory_space<vmem>>, vector<1x128xf32>
      tpu.vector_store %arg7[%swap3A_355, %swap3A_356], %max3A_354 {strides = array<i32>} : memref<32x128xf32, #tpu.memory_space<vmem>>, vector<1x128xf32>,
    } else {
    }
    %le3A_199 = arith.constant 16 : i32
    %le3A_200 = arith.cmpi sle, %reduce_min3A_53, %le3A_199 : i32
    %ge3A_201 = arith.constant 16 : i32
    %ge3A_202 = arith.cmpi sge, %reduce_max3A_57, %ge3A_201 : i32
    %and3A_203 = arith.andi %le3A_200, %ge3A_202 : i1
    %convert_element_type3A_204 = arith.extui %and3A_203 : i1 to i32
    %cond3A_205 = arith.constant 0xFF800000 : f32
    %cond3A_206 = arith.constant 0 : i32
    %cond3A_207 = arith.cmpi ne, %convert_element_type3A_204, %cond3A_206 : i32
    scf.if %cond3A_207 {
      %eq3A_343 = arith.constant 16 : i32
      %eq3A_344 = vector.broadcast %eq3A_343 : i32 to vector<1000x1xi32>
      %eq3A_345 = arith.cmpi eq, %get3A_49, %eq3A_344 : vector<1000x1xi32>
      %broadcast_in_dim3A = vector.shape_cast %eq3A_345 : vector<1000x1xi1> to vector<1000x1xi1>
      %broadcast_in_dim3A_346 = vector.broadcast %broadcast_in_dim3A : vector<1000x1xi1> to vector<1000x128xi1>
      %broadcast_in_dim3A_347 = vector.broadcast %cond3A_205 : f32 to vector<1000x128xf32>
      %select_n3A = arith.select %broadcast_in_dim3A_346, %max3A_28, %broadcast_in_dim3A_347 : vector<1000x128xi1>, vector<1000x128xf32>
      %reduce_max3A_348 = arith.constant dense<0xFF800000> : vector<128xf32>
      %reduce_max3A_349 = vector.multi_reduction <maximumf>, %select_n3A, %reduce_max3A_348 [0] : vector<1000x128xf32> to vector<128xf32>
      %broadcast_in_dim3A_350 = vector.shape_cast %reduce_max3A_349 : vector<128xf32> to vector<1x128xf32>
      %get3A_351 = arith.constant 16 : index
      %get3A_352 = arith.constant 0 : index
      %get3A_353 = vector.load %arg7[%get3A_351, %get3A_352] : memref<32x128xf32, #tpu.memory_space<vmem>>, vector<1x128xf32>
      %max3A_354 = arith.maximumf %get3A_353, %broadcast_in_dim3A_350 : vector<1x128xf32>
      %swap3A_355 = arith.constant 16 : index
      %swap3A_356 = arith.constant 0 : index
      %swap3A_357 = vector.load %arg7[%swap3A_355, %swap3A_356] : memref<32x128xf32, #tpu.memory_space<vmem>>, vector<1x128xf32>
      tpu.vector_store %arg7[%swap3A_355, %swap3A_356], %max3A_354 {strides = array<i32>} : memref<32x128xf32, #tpu.memory_space<vmem>>, vector<1x128xf32>,
    } else {
    }
    %le3A_208 = arith.constant 17 : i32
    %le3A_209 = arith.cmpi sle, %reduce_min3A_53, %le3A_208 : i32
    %ge3A_210 = arith.constant 17 : i32
    %ge3A_211 = arith.cmpi sge, %reduce_max3A_57, %ge3A_210 : i32
    %and3A_212 = arith.andi %le3A_209, %ge3A_211 : i1
    %convert_element_type3A_213 = arith.extui %and3A_212 : i1 to i32
    %cond3A_214 = arith.constant 0xFF800000 : f32
    %cond3A_215 = arith.constant 0 : i32
    %cond3A_216 = arith.cmpi ne, %convert_element_type3A_213, %cond3A_215 : i32
    scf.if %cond3A_216 {
      %eq3A_343 = arith.constant 17 : i32
      %eq3A_344 = vector.broadcast %eq3A_343 : i32 to vector<1000x1xi32>
      %eq3A_345 = arith.cmpi eq, %get3A_49, %eq3A_344 : vector<1000x1xi32>
      %broadcast_in_dim3A = vector.shape_cast %eq3A_345 : vector<1000x1xi1> to vector<1000x1xi1>
      %broadcast_in_dim3A_346 = vector.broadcast %broadcast_in_dim3A : vector<1000x1xi1> to vector<1000x128xi1>
      %broadcast_in_dim3A_347 = vector.broadcast %cond3A_214 : f32 to vector<1000x128xf32>
      %select_n3A = arith.select %broadcast_in_dim3A_346, %max3A_28, %broadcast_in_dim3A_347 : vector<1000x128xi1>, vector<1000x128xf32>
      %reduce_max3A_348 = arith.constant dense<0xFF800000> : vector<128xf32>
      %reduce_max3A_349 = vector.multi_reduction <maximumf>, %select_n3A, %reduce_max3A_348 [0] : vector<1000x128xf32> to vector<128xf32>
      %broadcast_in_dim3A_350 = vector.shape_cast %reduce_max3A_349 : vector<128xf32> to vector<1x128xf32>
      %get3A_351 = arith.constant 17 : index
      %get3A_352 = arith.constant 0 : index
      %get3A_353 = vector.load %arg7[%get3A_351, %get3A_352] : memref<32x128xf32, #tpu.memory_space<vmem>>, vector<1x128xf32>
      %max3A_354 = arith.maximumf %get3A_353, %broadcast_in_dim3A_350 : vector<1x128xf32>
      %swap3A_355 = arith.constant 17 : index
      %swap3A_356 = arith.constant 0 : index
      %swap3A_357 = vector.load %arg7[%swap3A_355, %swap3A_356] : memref<32x128xf32, #tpu.memory_space<vmem>>, vector<1x128xf32>
      tpu.vector_store %arg7[%swap3A_355, %swap3A_356], %max3A_354 {strides = array<i32>} : memref<32x128xf32, #tpu.memory_space<vmem>>, vector<1x128xf32>,
    } else {
    }
    %le3A_217 = arith.constant 18 : i32
    %le3A_218 = arith.cmpi sle, %reduce_min3A_53, %le3A_217 : i32
    %ge3A_219 = arith.constant 18 : i32
    %ge3A_220 = arith.cmpi sge, %reduce_max3A_57, %ge3A_219 : i32
    %and3A_221 = arith.andi %le3A_218, %ge3A_220 : i1
    %convert_element_type3A_222 = arith.extui %and3A_221 : i1 to i32
    %cond3A_223 = arith.constant 0xFF800000 : f32
    %cond3A_224 = arith.constant 0 : i32
    %cond3A_225 = arith.cmpi ne, %convert_element_type3A_222, %cond3A_224 : i32
    scf.if %cond3A_225 {
      %eq3A_343 = arith.constant 18 : i32
      %eq3A_344 = vector.broadcast %eq3A_343 : i32 to vector<1000x1xi32>
      %eq3A_345 = arith.cmpi eq, %get3A_49, %eq3A_344 : vector<1000x1xi32>
      %broadcast_in_dim3A = vector.shape_cast %eq3A_345 : vector<1000x1xi1> to vector<1000x1xi1>
      %broadcast_in_dim3A_346 = vector.broadcast %broadcast_in_dim3A : vector<1000x1xi1> to vector<1000x128xi1>
      %broadcast_in_dim3A_347 = vector.broadcast %cond3A_223 : f32 to vector<1000x128xf32>
      %select_n3A = arith.select %broadcast_in_dim3A_346, %max3A_28, %broadcast_in_dim3A_347 : vector<1000x128xi1>, vector<1000x128xf32>
      %reduce_max3A_348 = arith.constant dense<0xFF800000> : vector<128xf32>
      %reduce_max3A_349 = vector.multi_reduction <maximumf>, %select_n3A, %reduce_max3A_348 [0] : vector<1000x128xf32> to vector<128xf32>
      %broadcast_in_dim3A_350 = vector.shape_cast %reduce_max3A_349 : vector<128xf32> to vector<1x128xf32>
      %get3A_351 = arith.constant 18 : index
      %get3A_352 = arith.constant 0 : index
      %get3A_353 = vector.load %arg7[%get3A_351, %get3A_352] : memref<32x128xf32, #tpu.memory_space<vmem>>, vector<1x128xf32>
      %max3A_354 = arith.maximumf %get3A_353, %broadcast_in_dim3A_350 : vector<1x128xf32>
      %swap3A_355 = arith.constant 18 : index
      %swap3A_356 = arith.constant 0 : index
      %swap3A_357 = vector.load %arg7[%swap3A_355, %swap3A_356] : memref<32x128xf32, #tpu.memory_space<vmem>>, vector<1x128xf32>
      tpu.vector_store %arg7[%swap3A_355, %swap3A_356], %max3A_354 {strides = array<i32>} : memref<32x128xf32, #tpu.memory_space<vmem>>, vector<1x128xf32>,
    } else {
    }
    %le3A_226 = arith.constant 19 : i32
    %le3A_227 = arith.cmpi sle, %reduce_min3A_53, %le3A_226 : i32
    %ge3A_228 = arith.constant 19 : i32
    %ge3A_229 = arith.cmpi sge, %reduce_max3A_57, %ge3A_228 : i32
    %and3A_230 = arith.andi %le3A_227, %ge3A_229 : i1
    %convert_element_type3A_231 = arith.extui %and3A_230 : i1 to i32
    %cond3A_232 = arith.constant 0xFF800000 : f32
    %cond3A_233 = arith.constant 0 : i32
    %cond3A_234 = arith.cmpi ne, %convert_element_type3A_231, %cond3A_233 : i32
    scf.if %cond3A_234 {
      %eq3A_343 = arith.constant 19 : i32
      %eq3A_344 = vector.broadcast %eq3A_343 : i32 to vector<1000x1xi32>
      %eq3A_345 = arith.cmpi eq, %get3A_49, %eq3A_344 : vector<1000x1xi32>
      %broadcast_in_dim3A = vector.shape_cast %eq3A_345 : vector<1000x1xi1> to vector<1000x1xi1>
      %broadcast_in_dim3A_346 = vector.broadcast %broadcast_in_dim3A : vector<1000x1xi1> to vector<1000x128xi1>
      %broadcast_in_dim3A_347 = vector.broadcast %cond3A_232 : f32 to vector<1000x128xf32>
      %select_n3A = arith.select %broadcast_in_dim3A_346, %max3A_28, %broadcast_in_dim3A_347 : vector<1000x128xi1>, vector<1000x128xf32>
      %reduce_max3A_348 = arith.constant dense<0xFF800000> : vector<128xf32>
      %reduce_max3A_349 = vector.multi_reduction <maximumf>, %select_n3A, %reduce_max3A_348 [0] : vector<1000x128xf32> to vector<128xf32>
      %broadcast_in_dim3A_350 = vector.shape_cast %reduce_max3A_349 : vector<128xf32> to vector<1x128xf32>
      %get3A_351 = arith.constant 19 : index
      %get3A_352 = arith.constant 0 : index
      %get3A_353 = vector.load %arg7[%get3A_351, %get3A_352] : memref<32x128xf32, #tpu.memory_space<vmem>>, vector<1x128xf32>
      %max3A_354 = arith.maximumf %get3A_353, %broadcast_in_dim3A_350 : vector<1x128xf32>
      %swap3A_355 = arith.constant 19 : index
      %swap3A_356 = arith.constant 0 : index
      %swap3A_357 = vector.load %arg7[%swap3A_355, %swap3A_356] : memref<32x128xf32, #tpu.memory_space<vmem>>, vector<1x128xf32>
      tpu.vector_store %arg7[%swap3A_355, %swap3A_356], %max3A_354 {strides = array<i32>} : memref<32x128xf32, #tpu.memory_space<vmem>>, vector<1x128xf32>,
    } else {
    }
    %le3A_235 = arith.constant 20 : i32
    %le3A_236 = arith.cmpi sle, %reduce_min3A_53, %le3A_235 : i32
    %ge3A_237 = arith.constant 20 : i32
    %ge3A_238 = arith.cmpi sge, %reduce_max3A_57, %ge3A_237 : i32
    %and3A_239 = arith.andi %le3A_236, %ge3A_238 : i1
    %convert_element_type3A_240 = arith.extui %and3A_239 : i1 to i32
    %cond3A_241 = arith.constant 0xFF800000 : f32
    %cond3A_242 = arith.constant 0 : i32
    %cond3A_243 = arith.cmpi ne, %convert_element_type3A_240, %cond3A_242 : i32
    scf.if %cond3A_243 {
      %eq3A_343 = arith.constant 20 : i32
      %eq3A_344 = vector.broadcast %eq3A_343 : i32 to vector<1000x1xi32>
      %eq3A_345 = arith.cmpi eq, %get3A_49, %eq3A_344 : vector<1000x1xi32>
      %broadcast_in_dim3A = vector.shape_cast %eq3A_345 : vector<1000x1xi1> to vector<1000x1xi1>
      %broadcast_in_dim3A_346 = vector.broadcast %broadcast_in_dim3A : vector<1000x1xi1> to vector<1000x128xi1>
      %broadcast_in_dim3A_347 = vector.broadcast %cond3A_241 : f32 to vector<1000x128xf32>
      %select_n3A = arith.select %broadcast_in_dim3A_346, %max3A_28, %broadcast_in_dim3A_347 : vector<1000x128xi1>, vector<1000x128xf32>
      %reduce_max3A_348 = arith.constant dense<0xFF800000> : vector<128xf32>
      %reduce_max3A_349 = vector.multi_reduction <maximumf>, %select_n3A, %reduce_max3A_348 [0] : vector<1000x128xf32> to vector<128xf32>
      %broadcast_in_dim3A_350 = vector.shape_cast %reduce_max3A_349 : vector<128xf32> to vector<1x128xf32>
      %get3A_351 = arith.constant 20 : index
      %get3A_352 = arith.constant 0 : index
      %get3A_353 = vector.load %arg7[%get3A_351, %get3A_352] : memref<32x128xf32, #tpu.memory_space<vmem>>, vector<1x128xf32>
      %max3A_354 = arith.maximumf %get3A_353, %broadcast_in_dim3A_350 : vector<1x128xf32>
      %swap3A_355 = arith.constant 20 : index
      %swap3A_356 = arith.constant 0 : index
      %swap3A_357 = vector.load %arg7[%swap3A_355, %swap3A_356] : memref<32x128xf32, #tpu.memory_space<vmem>>, vector<1x128xf32>
      tpu.vector_store %arg7[%swap3A_355, %swap3A_356], %max3A_354 {strides = array<i32>} : memref<32x128xf32, #tpu.memory_space<vmem>>, vector<1x128xf32>,
    } else {
    }
    %le3A_244 = arith.constant 21 : i32
    %le3A_245 = arith.cmpi sle, %reduce_min3A_53, %le3A_244 : i32
    %ge3A_246 = arith.constant 21 : i32
    %ge3A_247 = arith.cmpi sge, %reduce_max3A_57, %ge3A_246 : i32
    %and3A_248 = arith.andi %le3A_245, %ge3A_247 : i1
    %convert_element_type3A_249 = arith.extui %and3A_248 : i1 to i32
    %cond3A_250 = arith.constant 0xFF800000 : f32
    %cond3A_251 = arith.constant 0 : i32
    %cond3A_252 = arith.cmpi ne, %convert_element_type3A_249, %cond3A_251 : i32
    scf.if %cond3A_252 {
      %eq3A_343 = arith.constant 21 : i32
      %eq3A_344 = vector.broadcast %eq3A_343 : i32 to vector<1000x1xi32>
      %eq3A_345 = arith.cmpi eq, %get3A_49, %eq3A_344 : vector<1000x1xi32>
      %broadcast_in_dim3A = vector.shape_cast %eq3A_345 : vector<1000x1xi1> to vector<1000x1xi1>
      %broadcast_in_dim3A_346 = vector.broadcast %broadcast_in_dim3A : vector<1000x1xi1> to vector<1000x128xi1>
      %broadcast_in_dim3A_347 = vector.broadcast %cond3A_250 : f32 to vector<1000x128xf32>
      %select_n3A = arith.select %broadcast_in_dim3A_346, %max3A_28, %broadcast_in_dim3A_347 : vector<1000x128xi1>, vector<1000x128xf32>
      %reduce_max3A_348 = arith.constant dense<0xFF800000> : vector<128xf32>
      %reduce_max3A_349 = vector.multi_reduction <maximumf>, %select_n3A, %reduce_max3A_348 [0] : vector<1000x128xf32> to vector<128xf32>
      %broadcast_in_dim3A_350 = vector.shape_cast %reduce_max3A_349 : vector<128xf32> to vector<1x128xf32>
      %get3A_351 = arith.constant 21 : index
      %get3A_352 = arith.constant 0 : index
      %get3A_353 = vector.load %arg7[%get3A_351, %get3A_352] : memref<32x128xf32, #tpu.memory_space<vmem>>, vector<1x128xf32>
      %max3A_354 = arith.maximumf %get3A_353, %broadcast_in_dim3A_350 : vector<1x128xf32>
      %swap3A_355 = arith.constant 21 : index
      %swap3A_356 = arith.constant 0 : index
      %swap3A_357 = vector.load %arg7[%swap3A_355, %swap3A_356] : memref<32x128xf32, #tpu.memory_space<vmem>>, vector<1x128xf32>
      tpu.vector_store %arg7[%swap3A_355, %swap3A_356], %max3A_354 {strides = array<i32>} : memref<32x128xf32, #tpu.memory_space<vmem>>, vector<1x128xf32>,
    } else {
    }
    %le3A_253 = arith.constant 22 : i32
    %le3A_254 = arith.cmpi sle, %reduce_min3A_53, %le3A_253 : i32
    %ge3A_255 = arith.constant 22 : i32
    %ge3A_256 = arith.cmpi sge, %reduce_max3A_57, %ge3A_255 : i32
    %and3A_257 = arith.andi %le3A_254, %ge3A_256 : i1
    %convert_element_type3A_258 = arith.extui %and3A_257 : i1 to i32
    %cond3A_259 = arith.constant 0xFF800000 : f32
    %cond3A_260 = arith.constant 0 : i32
    %cond3A_261 = arith.cmpi ne, %convert_element_type3A_258, %cond3A_260 : i32
    scf.if %cond3A_261 {
      %eq3A_343 = arith.constant 22 : i32
      %eq3A_344 = vector.broadcast %eq3A_343 : i32 to vector<1000x1xi32>
      %eq3A_345 = arith.cmpi eq, %get3A_49, %eq3A_344 : vector<1000x1xi32>
      %broadcast_in_dim3A = vector.shape_cast %eq3A_345 : vector<1000x1xi1> to vector<1000x1xi1>
      %broadcast_in_dim3A_346 = vector.broadcast %broadcast_in_dim3A : vector<1000x1xi1> to vector<1000x128xi1>
      %broadcast_in_dim3A_347 = vector.broadcast %cond3A_259 : f32 to vector<1000x128xf32>
      %select_n3A = arith.select %broadcast_in_dim3A_346, %max3A_28, %broadcast_in_dim3A_347 : vector<1000x128xi1>, vector<1000x128xf32>
      %reduce_max3A_348 = arith.constant dense<0xFF800000> : vector<128xf32>
      %reduce_max3A_349 = vector.multi_reduction <maximumf>, %select_n3A, %reduce_max3A_348 [0] : vector<1000x128xf32> to vector<128xf32>
      %broadcast_in_dim3A_350 = vector.shape_cast %reduce_max3A_349 : vector<128xf32> to vector<1x128xf32>
      %get3A_351 = arith.constant 22 : index
      %get3A_352 = arith.constant 0 : index
      %get3A_353 = vector.load %arg7[%get3A_351, %get3A_352] : memref<32x128xf32, #tpu.memory_space<vmem>>, vector<1x128xf32>
      %max3A_354 = arith.maximumf %get3A_353, %broadcast_in_dim3A_350 : vector<1x128xf32>
      %swap3A_355 = arith.constant 22 : index
      %swap3A_356 = arith.constant 0 : index
      %swap3A_357 = vector.load %arg7[%swap3A_355, %swap3A_356] : memref<32x128xf32, #tpu.memory_space<vmem>>, vector<1x128xf32>
      tpu.vector_store %arg7[%swap3A_355, %swap3A_356], %max3A_354 {strides = array<i32>} : memref<32x128xf32, #tpu.memory_space<vmem>>, vector<1x128xf32>,
    } else {
    }
    %le3A_262 = arith.constant 23 : i32
    %le3A_263 = arith.cmpi sle, %reduce_min3A_53, %le3A_262 : i32
    %ge3A_264 = arith.constant 23 : i32
    %ge3A_265 = arith.cmpi sge, %reduce_max3A_57, %ge3A_264 : i32
    %and3A_266 = arith.andi %le3A_263, %ge3A_265 : i1
    %convert_element_type3A_267 = arith.extui %and3A_266 : i1 to i32
    %cond3A_268 = arith.constant 0xFF800000 : f32
    %cond3A_269 = arith.constant 0 : i32
    %cond3A_270 = arith.cmpi ne, %convert_element_type3A_267, %cond3A_269 : i32
    scf.if %cond3A_270 {
      %eq3A_343 = arith.constant 23 : i32
      %eq3A_344 = vector.broadcast %eq3A_343 : i32 to vector<1000x1xi32>
      %eq3A_345 = arith.cmpi eq, %get3A_49, %eq3A_344 : vector<1000x1xi32>
      %broadcast_in_dim3A = vector.shape_cast %eq3A_345 : vector<1000x1xi1> to vector<1000x1xi1>
      %broadcast_in_dim3A_346 = vector.broadcast %broadcast_in_dim3A : vector<1000x1xi1> to vector<1000x128xi1>
      %broadcast_in_dim3A_347 = vector.broadcast %cond3A_268 : f32 to vector<1000x128xf32>
      %select_n3A = arith.select %broadcast_in_dim3A_346, %max3A_28, %broadcast_in_dim3A_347 : vector<1000x128xi1>, vector<1000x128xf32>
      %reduce_max3A_348 = arith.constant dense<0xFF800000> : vector<128xf32>
      %reduce_max3A_349 = vector.multi_reduction <maximumf>, %select_n3A, %reduce_max3A_348 [0] : vector<1000x128xf32> to vector<128xf32>
      %broadcast_in_dim3A_350 = vector.shape_cast %reduce_max3A_349 : vector<128xf32> to vector<1x128xf32>
      %get3A_351 = arith.constant 23 : index
      %get3A_352 = arith.constant 0 : index
      %get3A_353 = vector.load %arg7[%get3A_351, %get3A_352] : memref<32x128xf32, #tpu.memory_space<vmem>>, vector<1x128xf32>
      %max3A_354 = arith.maximumf %get3A_353, %broadcast_in_dim3A_350 : vector<1x128xf32>
      %swap3A_355 = arith.constant 23 : index
      %swap3A_356 = arith.constant 0 : index
      %swap3A_357 = vector.load %arg7[%swap3A_355, %swap3A_356] : memref<32x128xf32, #tpu.memory_space<vmem>>, vector<1x128xf32>
      tpu.vector_store %arg7[%swap3A_355, %swap3A_356], %max3A_354 {strides = array<i32>} : memref<32x128xf32, #tpu.memory_space<vmem>>, vector<1x128xf32>,
    } else {
    }
    %le3A_271 = arith.constant 24 : i32
    %le3A_272 = arith.cmpi sle, %reduce_min3A_53, %le3A_271 : i32
    %ge3A_273 = arith.constant 24 : i32
    %ge3A_274 = arith.cmpi sge, %reduce_max3A_57, %ge3A_273 : i32
    %and3A_275 = arith.andi %le3A_272, %ge3A_274 : i1
    %convert_element_type3A_276 = arith.extui %and3A_275 : i1 to i32
    %cond3A_277 = arith.constant 0xFF800000 : f32
    %cond3A_278 = arith.constant 0 : i32
    %cond3A_279 = arith.cmpi ne, %convert_element_type3A_276, %cond3A_278 : i32
    scf.if %cond3A_279 {
      %eq3A_343 = arith.constant 24 : i32
      %eq3A_344 = vector.broadcast %eq3A_343 : i32 to vector<1000x1xi32>
      %eq3A_345 = arith.cmpi eq, %get3A_49, %eq3A_344 : vector<1000x1xi32>
      %broadcast_in_dim3A = vector.shape_cast %eq3A_345 : vector<1000x1xi1> to vector<1000x1xi1>
      %broadcast_in_dim3A_346 = vector.broadcast %broadcast_in_dim3A : vector<1000x1xi1> to vector<1000x128xi1>
      %broadcast_in_dim3A_347 = vector.broadcast %cond3A_277 : f32 to vector<1000x128xf32>
      %select_n3A = arith.select %broadcast_in_dim3A_346, %max3A_28, %broadcast_in_dim3A_347 : vector<1000x128xi1>, vector<1000x128xf32>
      %reduce_max3A_348 = arith.constant dense<0xFF800000> : vector<128xf32>
      %reduce_max3A_349 = vector.multi_reduction <maximumf>, %select_n3A, %reduce_max3A_348 [0] : vector<1000x128xf32> to vector<128xf32>
      %broadcast_in_dim3A_350 = vector.shape_cast %reduce_max3A_349 : vector<128xf32> to vector<1x128xf32>
      %get3A_351 = arith.constant 24 : index
      %get3A_352 = arith.constant 0 : index
      %get3A_353 = vector.load %arg7[%get3A_351, %get3A_352] : memref<32x128xf32, #tpu.memory_space<vmem>>, vector<1x128xf32>
      %max3A_354 = arith.maximumf %get3A_353, %broadcast_in_dim3A_350 : vector<1x128xf32>
      %swap3A_355 = arith.constant 24 : index
      %swap3A_356 = arith.constant 0 : index
      %swap3A_357 = vector.load %arg7[%swap3A_355, %swap3A_356] : memref<32x128xf32, #tpu.memory_space<vmem>>, vector<1x128xf32>
      tpu.vector_store %arg7[%swap3A_355, %swap3A_356], %max3A_354 {strides = array<i32>} : memref<32x128xf32, #tpu.memory_space<vmem>>, vector<1x128xf32>,
    } else {
    }
    %le3A_280 = arith.constant 25 : i32
    %le3A_281 = arith.cmpi sle, %reduce_min3A_53, %le3A_280 : i32
    %ge3A_282 = arith.constant 25 : i32
    %ge3A_283 = arith.cmpi sge, %reduce_max3A_57, %ge3A_282 : i32
    %and3A_284 = arith.andi %le3A_281, %ge3A_283 : i1
    %convert_element_type3A_285 = arith.extui %and3A_284 : i1 to i32
    %cond3A_286 = arith.constant 0xFF800000 : f32
    %cond3A_287 = arith.constant 0 : i32
    %cond3A_288 = arith.cmpi ne, %convert_element_type3A_285, %cond3A_287 : i32
    scf.if %cond3A_288 {
      %eq3A_343 = arith.constant 25 : i32
      %eq3A_344 = vector.broadcast %eq3A_343 : i32 to vector<1000x1xi32>
      %eq3A_345 = arith.cmpi eq, %get3A_49, %eq3A_344 : vector<1000x1xi32>
      %broadcast_in_dim3A = vector.shape_cast %eq3A_345 : vector<1000x1xi1> to vector<1000x1xi1>
      %broadcast_in_dim3A_346 = vector.broadcast %broadcast_in_dim3A : vector<1000x1xi1> to vector<1000x128xi1>
      %broadcast_in_dim3A_347 = vector.broadcast %cond3A_286 : f32 to vector<1000x128xf32>
      %select_n3A = arith.select %broadcast_in_dim3A_346, %max3A_28, %broadcast_in_dim3A_347 : vector<1000x128xi1>, vector<1000x128xf32>
      %reduce_max3A_348 = arith.constant dense<0xFF800000> : vector<128xf32>
      %reduce_max3A_349 = vector.multi_reduction <maximumf>, %select_n3A, %reduce_max3A_348 [0] : vector<1000x128xf32> to vector<128xf32>
      %broadcast_in_dim3A_350 = vector.shape_cast %reduce_max3A_349 : vector<128xf32> to vector<1x128xf32>
      %get3A_351 = arith.constant 25 : index
      %get3A_352 = arith.constant 0 : index
      %get3A_353 = vector.load %arg7[%get3A_351, %get3A_352] : memref<32x128xf32, #tpu.memory_space<vmem>>, vector<1x128xf32>
      %max3A_354 = arith.maximumf %get3A_353, %broadcast_in_dim3A_350 : vector<1x128xf32>
      %swap3A_355 = arith.constant 25 : index
      %swap3A_356 = arith.constant 0 : index
      %swap3A_357 = vector.load %arg7[%swap3A_355, %swap3A_356] : memref<32x128xf32, #tpu.memory_space<vmem>>, vector<1x128xf32>
      tpu.vector_store %arg7[%swap3A_355, %swap3A_356], %max3A_354 {strides = array<i32>} : memref<32x128xf32, #tpu.memory_space<vmem>>, vector<1x128xf32>,
    } else {
    }
    %le3A_289 = arith.constant 26 : i32
    %le3A_290 = arith.cmpi sle, %reduce_min3A_53, %le3A_289 : i32
    %ge3A_291 = arith.constant 26 : i32
    %ge3A_292 = arith.cmpi sge, %reduce_max3A_57, %ge3A_291 : i32
    %and3A_293 = arith.andi %le3A_290, %ge3A_292 : i1
    %convert_element_type3A_294 = arith.extui %and3A_293 : i1 to i32
    %cond3A_295 = arith.constant 0xFF800000 : f32
    %cond3A_296 = arith.constant 0 : i32
    %cond3A_297 = arith.cmpi ne, %convert_element_type3A_294, %cond3A_296 : i32
    scf.if %cond3A_297 {
      %eq3A_343 = arith.constant 26 : i32
      %eq3A_344 = vector.broadcast %eq3A_343 : i32 to vector<1000x1xi32>
      %eq3A_345 = arith.cmpi eq, %get3A_49, %eq3A_344 : vector<1000x1xi32>
      %broadcast_in_dim3A = vector.shape_cast %eq3A_345 : vector<1000x1xi1> to vector<1000x1xi1>
      %broadcast_in_dim3A_346 = vector.broadcast %broadcast_in_dim3A : vector<1000x1xi1> to vector<1000x128xi1>
      %broadcast_in_dim3A_347 = vector.broadcast %cond3A_295 : f32 to vector<1000x128xf32>
      %select_n3A = arith.select %broadcast_in_dim3A_346, %max3A_28, %broadcast_in_dim3A_347 : vector<1000x128xi1>, vector<1000x128xf32>
      %reduce_max3A_348 = arith.constant dense<0xFF800000> : vector<128xf32>
      %reduce_max3A_349 = vector.multi_reduction <maximumf>, %select_n3A, %reduce_max3A_348 [0] : vector<1000x128xf32> to vector<128xf32>
      %broadcast_in_dim3A_350 = vector.shape_cast %reduce_max3A_349 : vector<128xf32> to vector<1x128xf32>
      %get3A_351 = arith.constant 26 : index
      %get3A_352 = arith.constant 0 : index
      %get3A_353 = vector.load %arg7[%get3A_351, %get3A_352] : memref<32x128xf32, #tpu.memory_space<vmem>>, vector<1x128xf32>
      %max3A_354 = arith.maximumf %get3A_353, %broadcast_in_dim3A_350 : vector<1x128xf32>
      %swap3A_355 = arith.constant 26 : index
      %swap3A_356 = arith.constant 0 : index
      %swap3A_357 = vector.load %arg7[%swap3A_355, %swap3A_356] : memref<32x128xf32, #tpu.memory_space<vmem>>, vector<1x128xf32>
      tpu.vector_store %arg7[%swap3A_355, %swap3A_356], %max3A_354 {strides = array<i32>} : memref<32x128xf32, #tpu.memory_space<vmem>>, vector<1x128xf32>,
    } else {
    }
    %le3A_298 = arith.constant 27 : i32
    %le3A_299 = arith.cmpi sle, %reduce_min3A_53, %le3A_298 : i32
    %ge3A_300 = arith.constant 27 : i32
    %ge3A_301 = arith.cmpi sge, %reduce_max3A_57, %ge3A_300 : i32
    %and3A_302 = arith.andi %le3A_299, %ge3A_301 : i1
    %convert_element_type3A_303 = arith.extui %and3A_302 : i1 to i32
    %cond3A_304 = arith.constant 0xFF800000 : f32
    %cond3A_305 = arith.constant 0 : i32
    %cond3A_306 = arith.cmpi ne, %convert_element_type3A_303, %cond3A_305 : i32
    scf.if %cond3A_306 {
      %eq3A_343 = arith.constant 27 : i32
      %eq3A_344 = vector.broadcast %eq3A_343 : i32 to vector<1000x1xi32>
      %eq3A_345 = arith.cmpi eq, %get3A_49, %eq3A_344 : vector<1000x1xi32>
      %broadcast_in_dim3A = vector.shape_cast %eq3A_345 : vector<1000x1xi1> to vector<1000x1xi1>
      %broadcast_in_dim3A_346 = vector.broadcast %broadcast_in_dim3A : vector<1000x1xi1> to vector<1000x128xi1>
      %broadcast_in_dim3A_347 = vector.broadcast %cond3A_304 : f32 to vector<1000x128xf32>
      %select_n3A = arith.select %broadcast_in_dim3A_346, %max3A_28, %broadcast_in_dim3A_347 : vector<1000x128xi1>, vector<1000x128xf32>
      %reduce_max3A_348 = arith.constant dense<0xFF800000> : vector<128xf32>
      %reduce_max3A_349 = vector.multi_reduction <maximumf>, %select_n3A, %reduce_max3A_348 [0] : vector<1000x128xf32> to vector<128xf32>
      %broadcast_in_dim3A_350 = vector.shape_cast %reduce_max3A_349 : vector<128xf32> to vector<1x128xf32>
      %get3A_351 = arith.constant 27 : index
      %get3A_352 = arith.constant 0 : index
      %get3A_353 = vector.load %arg7[%get3A_351, %get3A_352] : memref<32x128xf32, #tpu.memory_space<vmem>>, vector<1x128xf32>
      %max3A_354 = arith.maximumf %get3A_353, %broadcast_in_dim3A_350 : vector<1x128xf32>
      %swap3A_355 = arith.constant 27 : index
      %swap3A_356 = arith.constant 0 : index
      %swap3A_357 = vector.load %arg7[%swap3A_355, %swap3A_356] : memref<32x128xf32, #tpu.memory_space<vmem>>, vector<1x128xf32>
      tpu.vector_store %arg7[%swap3A_355, %swap3A_356], %max3A_354 {strides = array<i32>} : memref<32x128xf32, #tpu.memory_space<vmem>>, vector<1x128xf32>,
    } else {
    }
    %le3A_307 = arith.constant 28 : i32
    %le3A_308 = arith.cmpi sle, %reduce_min3A_53, %le3A_307 : i32
    %ge3A_309 = arith.constant 28 : i32
    %ge3A_310 = arith.cmpi sge, %reduce_max3A_57, %ge3A_309 : i32
    %and3A_311 = arith.andi %le3A_308, %ge3A_310 : i1
    %convert_element_type3A_312 = arith.extui %and3A_311 : i1 to i32
    %cond3A_313 = arith.constant 0xFF800000 : f32
    %cond3A_314 = arith.constant 0 : i32
    %cond3A_315 = arith.cmpi ne, %convert_element_type3A_312, %cond3A_314 : i32
    scf.if %cond3A_315 {
      %eq3A_343 = arith.constant 28 : i32
      %eq3A_344 = vector.broadcast %eq3A_343 : i32 to vector<1000x1xi32>
      %eq3A_345 = arith.cmpi eq, %get3A_49, %eq3A_344 : vector<1000x1xi32>
      %broadcast_in_dim3A = vector.shape_cast %eq3A_345 : vector<1000x1xi1> to vector<1000x1xi1>
      %broadcast_in_dim3A_346 = vector.broadcast %broadcast_in_dim3A : vector<1000x1xi1> to vector<1000x128xi1>
      %broadcast_in_dim3A_347 = vector.broadcast %cond3A_313 : f32 to vector<1000x128xf32>
      %select_n3A = arith.select %broadcast_in_dim3A_346, %max3A_28, %broadcast_in_dim3A_347 : vector<1000x128xi1>, vector<1000x128xf32>
      %reduce_max3A_348 = arith.constant dense<0xFF800000> : vector<128xf32>
      %reduce_max3A_349 = vector.multi_reduction <maximumf>, %select_n3A, %reduce_max3A_348 [0] : vector<1000x128xf32> to vector<128xf32>
      %broadcast_in_dim3A_350 = vector.shape_cast %reduce_max3A_349 : vector<128xf32> to vector<1x128xf32>
      %get3A_351 = arith.constant 28 : index
      %get3A_352 = arith.constant 0 : index
      %get3A_353 = vector.load %arg7[%get3A_351, %get3A_352] : memref<32x128xf32, #tpu.memory_space<vmem>>, vector<1x128xf32>
      %max3A_354 = arith.maximumf %get3A_353, %broadcast_in_dim3A_350 : vector<1x128xf32>
      %swap3A_355 = arith.constant 28 : index
      %swap3A_356 = arith.constant 0 : index
      %swap3A_357 = vector.load %arg7[%swap3A_355, %swap3A_356] : memref<32x128xf32, #tpu.memory_space<vmem>>, vector<1x128xf32>
      tpu.vector_store %arg7[%swap3A_355, %swap3A_356], %max3A_354 {strides = array<i32>} : memref<32x128xf32, #tpu.memory_space<vmem>>, vector<1x128xf32>,
    } else {
    }
    %le3A_316 = arith.constant 29 : i32
    %le3A_317 = arith.cmpi sle, %reduce_min3A_53, %le3A_316 : i32
    %ge3A_318 = arith.constant 29 : i32
    %ge3A_319 = arith.cmpi sge, %reduce_max3A_57, %ge3A_318 : i32
    %and3A_320 = arith.andi %le3A_317, %ge3A_319 : i1
    %convert_element_type3A_321 = arith.extui %and3A_320 : i1 to i32
    %cond3A_322 = arith.constant 0xFF800000 : f32
    %cond3A_323 = arith.constant 0 : i32
    %cond3A_324 = arith.cmpi ne, %convert_element_type3A_321, %cond3A_323 : i32
    scf.if %cond3A_324 {
      %eq3A_343 = arith.constant 29 : i32
      %eq3A_344 = vector.broadcast %eq3A_343 : i32 to vector<1000x1xi32>
      %eq3A_345 = arith.cmpi eq, %get3A_49, %eq3A_344 : vector<1000x1xi32>
      %broadcast_in_dim3A = vector.shape_cast %eq3A_345 : vector<1000x1xi1> to vector<1000x1xi1>
      %broadcast_in_dim3A_346 = vector.broadcast %broadcast_in_dim3A : vector<1000x1xi1> to vector<1000x128xi1>
      %broadcast_in_dim3A_347 = vector.broadcast %cond3A_322 : f32 to vector<1000x128xf32>
      %select_n3A = arith.select %broadcast_in_dim3A_346, %max3A_28, %broadcast_in_dim3A_347 : vector<1000x128xi1>, vector<1000x128xf32>
      %reduce_max3A_348 = arith.constant dense<0xFF800000> : vector<128xf32>
      %reduce_max3A_349 = vector.multi_reduction <maximumf>, %select_n3A, %reduce_max3A_348 [0] : vector<1000x128xf32> to vector<128xf32>
      %broadcast_in_dim3A_350 = vector.shape_cast %reduce_max3A_349 : vector<128xf32> to vector<1x128xf32>
      %get3A_351 = arith.constant 29 : index
      %get3A_352 = arith.constant 0 : index
      %get3A_353 = vector.load %arg7[%get3A_351, %get3A_352] : memref<32x128xf32, #tpu.memory_space<vmem>>, vector<1x128xf32>
      %max3A_354 = arith.maximumf %get3A_353, %broadcast_in_dim3A_350 : vector<1x128xf32>
      %swap3A_355 = arith.constant 29 : index
      %swap3A_356 = arith.constant 0 : index
      %swap3A_357 = vector.load %arg7[%swap3A_355, %swap3A_356] : memref<32x128xf32, #tpu.memory_space<vmem>>, vector<1x128xf32>
      tpu.vector_store %arg7[%swap3A_355, %swap3A_356], %max3A_354 {strides = array<i32>} : memref<32x128xf32, #tpu.memory_space<vmem>>, vector<1x128xf32>,
    } else {
    }
    %le3A_325 = arith.constant 30 : i32
    %le3A_326 = arith.cmpi sle, %reduce_min3A_53, %le3A_325 : i32
    %ge3A_327 = arith.constant 30 : i32
    %ge3A_328 = arith.cmpi sge, %reduce_max3A_57, %ge3A_327 : i32
    %and3A_329 = arith.andi %le3A_326, %ge3A_328 : i1
    %convert_element_type3A_330 = arith.extui %and3A_329 : i1 to i32
    %cond3A_331 = arith.constant 0xFF800000 : f32
    %cond3A_332 = arith.constant 0 : i32
    %cond3A_333 = arith.cmpi ne, %convert_element_type3A_330, %cond3A_332 : i32
    scf.if %cond3A_333 {
      %eq3A_343 = arith.constant 30 : i32
      %eq3A_344 = vector.broadcast %eq3A_343 : i32 to vector<1000x1xi32>
      %eq3A_345 = arith.cmpi eq, %get3A_49, %eq3A_344 : vector<1000x1xi32>
      %broadcast_in_dim3A = vector.shape_cast %eq3A_345 : vector<1000x1xi1> to vector<1000x1xi1>
      %broadcast_in_dim3A_346 = vector.broadcast %broadcast_in_dim3A : vector<1000x1xi1> to vector<1000x128xi1>
      %broadcast_in_dim3A_347 = vector.broadcast %cond3A_331 : f32 to vector<1000x128xf32>
      %select_n3A = arith.select %broadcast_in_dim3A_346, %max3A_28, %broadcast_in_dim3A_347 : vector<1000x128xi1>, vector<1000x128xf32>
      %reduce_max3A_348 = arith.constant dense<0xFF800000> : vector<128xf32>
      %reduce_max3A_349 = vector.multi_reduction <maximumf>, %select_n3A, %reduce_max3A_348 [0] : vector<1000x128xf32> to vector<128xf32>
      %broadcast_in_dim3A_350 = vector.shape_cast %reduce_max3A_349 : vector<128xf32> to vector<1x128xf32>
      %get3A_351 = arith.constant 30 : index
      %get3A_352 = arith.constant 0 : index
      %get3A_353 = vector.load %arg7[%get3A_351, %get3A_352] : memref<32x128xf32, #tpu.memory_space<vmem>>, vector<1x128xf32>
      %max3A_354 = arith.maximumf %get3A_353, %broadcast_in_dim3A_350 : vector<1x128xf32>
      %swap3A_355 = arith.constant 30 : index
      %swap3A_356 = arith.constant 0 : index
      %swap3A_357 = vector.load %arg7[%swap3A_355, %swap3A_356] : memref<32x128xf32, #tpu.memory_space<vmem>>, vector<1x128xf32>
      tpu.vector_store %arg7[%swap3A_355, %swap3A_356], %max3A_354 {strides = array<i32>} : memref<32x128xf32, #tpu.memory_space<vmem>>, vector<1x128xf32>,
    } else {
    }
    %le3A_334 = arith.constant 31 : i32
    %le3A_335 = arith.cmpi sle, %reduce_min3A_53, %le3A_334 : i32
    %ge3A_336 = arith.constant 31 : i32
    %ge3A_337 = arith.cmpi sge, %reduce_max3A_57, %ge3A_336 : i32
    %and3A_338 = arith.andi %le3A_335, %ge3A_337 : i1
    %convert_element_type3A_339 = arith.extui %and3A_338 : i1 to i32
    %cond3A_340 = arith.constant 0xFF800000 : f32
    %cond3A_341 = arith.constant 0 : i32
    %cond3A_342 = arith.cmpi ne, %convert_element_type3A_339, %cond3A_341 : i32
    scf.if %cond3A_342 {
      %eq3A_343 = arith.constant 31 : i32
      %eq3A_344 = vector.broadcast %eq3A_343 : i32 to vector<1000x1xi32>
      %eq3A_345 = arith.cmpi eq, %get3A_49, %eq3A_344 : vector<1000x1xi32>
      %broadcast_in_dim3A = vector.shape_cast %eq3A_345 : vector<1000x1xi1> to vector<1000x1xi1>
      %broadcast_in_dim3A_346 = vector.broadcast %broadcast_in_dim3A : vector<1000x1xi1> to vector<1000x128xi1>
      %broadcast_in_dim3A_347 = vector.broadcast %cond3A_340 : f32 to vector<1000x128xf32>
      %select_n3A = arith.select %broadcast_in_dim3A_346, %max3A_28, %broadcast_in_dim3A_347 : vector<1000x128xi1>, vector<1000x128xf32>
      %reduce_max3A_348 = arith.constant dense<0xFF800000> : vector<128xf32>
      %reduce_max3A_349 = vector.multi_reduction <maximumf>, %select_n3A, %reduce_max3A_348 [0] : vector<1000x128xf32> to vector<128xf32>
      %broadcast_in_dim3A_350 = vector.shape_cast %reduce_max3A_349 : vector<128xf32> to vector<1x128xf32>
      %get3A_351 = arith.constant 31 : index
      %get3A_352 = arith.constant 0 : index
      %get3A_353 = vector.load %arg7[%get3A_351, %get3A_352] : memref<32x128xf32, #tpu.memory_space<vmem>>, vector<1x128xf32>
      %max3A_354 = arith.maximumf %get3A_353, %broadcast_in_dim3A_350 : vector<1x128xf32>
      %swap3A_355 = arith.constant 31 : index
      %swap3A_356 = arith.constant 0 : index
      %swap3A_357 = vector.load %arg7[%swap3A_355, %swap3A_356] : memref<32x128xf32, #tpu.memory_space<vmem>>, vector<1x128xf32>
      tpu.vector_store %arg7[%swap3A_355, %swap3A_356], %max3A_354 {strides = array<i32>} : memref<32x128xf32, #tpu.memory_space<vmem>>, vector<1x128xf32>,
    } else {
    }
    return
  }
  func.func @transform_0(%arg0: i32) -> (i32, i32) {
    %c0_i32 = arith.constant 0 : i32
    %c0_i32_0 = arith.constant 0 : i32
    return %arg0, %c0_i32 : i32, i32
  }
  func.func @transform_1(%arg0: i32) -> (i32, i32) {
    %c0_i32 = arith.constant 0 : i32
    %c0_i32_0 = arith.constant 0 : i32
    %c0_i32_1 = arith.constant 0 : i32
    return %c0_i32, %c0_i32_0 : i32, i32
  }
  func.func @transform_2(%arg0: i32) -> (i32, i32) {
    %c0_i32 = arith.constant 0 : i32
    %c0_i32_0 = arith.constant 0 : i32
    %c0_i32_1 = arith.constant 0 : i32
    return %c0_i32, %c0_i32_0 : i32, i32
  }
  func.func @transform_3(%arg0: i32) -> (i32, i32) {
    %c0_i32 = arith.constant 0 : i32
    %c0_i32_0 = arith.constant 0 : i32
    %c0_i32_1 = arith.constant 0 : i32
    return %c0_i32, %c0_i32_0 : i32, i32
  }
  func.func @transform_4(%arg0: i32) -> (i32, i32) {
    %c0_i32 = arith.constant 0 : i32
    %c0_i32_0 = arith.constant 0 : i32
    return %arg0, %c0_i32 : i32, i32
  }
  func.func @transform_5(%arg0: i32) -> (i32, i32, i32) {
    %c0_i32 = arith.constant 0 : i32
    %c0_i32_0 = arith.constant 0 : i32
    %c0_i32_1 = arith.constant 0 : i32
    return %arg0, %c0_i32, %c0_i32_0 : i32, i32, i32
  }
  func.func @transform_6(%arg0: i32) -> (i32, i32) {
    %c0_i32 = arith.constant 0 : i32
    %c0_i32_0 = arith.constant 0 : i32
    %c0_i32_1 = arith.constant 0 : i32
    return %c0_i32, %c0_i32_0 : i32, i32
  }
  func.func @transform_7(%arg0: i32) -> (i32, i32) {
    %c0_i32 = arith.constant 0 : i32
    %c0_i32_0 = arith.constant 0 : i32
    %c0_i32_1 = arith.constant 0 : i32
    return %c0_i32, %c0_i32_0 : i32, i32
  }
}

module attributes {stable_mosaic.version = 14 : i64} {
  func.func @_fin_body(%arg0: memref<32x128xf32, #tpu.memory_space<vmem>>, %arg1: memref<32x128xf32, #tpu.memory_space<vmem>>, %arg2: memref<32x128xf32, #tpu.memory_space<vmem>>, %arg3: memref<32x128xf32, #tpu.memory_space<vmem>>, %arg4: memref<32x1xf32, #tpu.memory_space<vmem>>, %arg5: memref<256x10xf32, #tpu.memory_space<vmem>>, %arg6: memref<1x10xf32, #tpu.memory_space<vmem>>, %arg7: memref<32x10xf32, #tpu.memory_space<vmem>>) attributes {dimension_semantics = [], scalar_prefetch = 0 : i64, scratch_operands = 0 : i64, tpu.core_type = #tpu.core_type<tc>} {
    %get3A = arith.constant 0 : index
    %get3A_0 = arith.constant 0 : index
    %get3A_1 = vector.load %arg4[%get3A, %get3A_0] : memref<32x1xf32, #tpu.memory_space<vmem>>, vector<32x1xf32>
    %max3A = arith.constant 1.000000e+00 : f32
    %max3A_2 = vector.broadcast %max3A : f32 to vector<32x1xf32>
    %max3A_3 = arith.maximumf %get3A_1, %max3A_2 : vector<32x1xf32>
    %get3A_4 = arith.constant 0 : index
    %get3A_5 = arith.constant 0 : index
    %get3A_6 = vector.load %arg1[%get3A_4, %get3A_5] : memref<32x128xf32, #tpu.memory_space<vmem>>, vector<32x128xf32>
    %get3A_7 = arith.constant 0 : index
    %get3A_8 = arith.constant 0 : index
    %get3A_9 = vector.load %arg3[%get3A_7, %get3A_8] : memref<32x128xf32, #tpu.memory_space<vmem>>, vector<32x128xf32>
    %add3A = arith.addf %get3A_6, %get3A_9 : vector<32x128xf32>
    %div3A = vector.broadcast %max3A_3 : vector<32x1xf32> to vector<32x128xf32>
    %div3A_10 = arith.divf %add3A, %div3A : vector<32x128xf32>
    %get3A_11 = arith.constant 0 : index
    %get3A_12 = arith.constant 0 : index
    %get3A_13 = vector.load %arg0[%get3A_11, %get3A_12] : memref<32x128xf32, #tpu.memory_space<vmem>>, vector<32x128xf32>
    %get3A_14 = arith.constant 0 : index
    %get3A_15 = arith.constant 0 : index
    %get3A_16 = vector.load %arg2[%get3A_14, %get3A_15] : memref<32x128xf32, #tpu.memory_space<vmem>>, vector<32x128xf32>
    %add3A_17 = arith.addf %get3A_13, %get3A_16 : vector<32x128xf32>
    %concatenate3A = tpu.concatenate %add3A_17, %div3A_10 in 1 : vector<32x128xf32>, vector<32x128xf32> -> vector<32x256xf32>
    %get3A_18 = arith.constant 0 : index
    %get3A_19 = arith.constant 0 : index
    %get3A_20 = vector.load %arg5[%get3A_18, %get3A_19] : memref<256x10xf32, #tpu.memory_space<vmem>>, vector<256x10xf32>
    %dot_general3A = arith.constant dense<0.000000e+00> : vector<32x10xf32>
    %dot_general3A_21 = tpu.matmul %concatenate3A, %get3A_20, %dot_general3A {dimension_numbers = #tpu.dot_dimension_numbers<[1], [0], [0], [1], [0, 0, 1, 1], [], []>, transpose_lhs_hint = false} : vector<32x256xf32>, vector<256x10xf32>, vector<32x10xf32> -> vector<32x10xf32>
    %get3A_22 = arith.constant 0 : index
    %get3A_23 = arith.constant 0 : index
    %get3A_24 = vector.load %arg6[%get3A_22, %get3A_23] : memref<1x10xf32, #tpu.memory_space<vmem>>, vector<1x10xf32>
    %add3A_25 = vector.broadcast %get3A_24 : vector<1x10xf32> to vector<32x10xf32>
    %add3A_26 = arith.addf %dot_general3A_21, %add3A_25 : vector<32x10xf32>
    %swap3A = arith.constant 0 : index
    %swap3A_27 = arith.constant 0 : index
    %swap3A_28 = vector.load %arg7[%swap3A, %swap3A_27] : memref<32x10xf32, #tpu.memory_space<vmem>>, vector<32x10xf32>
    tpu.vector_store %arg7[%swap3A, %swap3A_27], %add3A_26 {strides = array<i32>} : memref<32x10xf32, #tpu.memory_space<vmem>>, vector<32x10xf32>,
    return
  }
}

</mosaic_0001>

<sc_bundles>
// kernel: kernel.11.cloned.1.call-start
scs
__scs_entry_jumppad:
0x0: {  	(pc) =	sbr.rel $0x88, $3  }
0x1: {  	(tag) =	ssettag $0x0;
	lr =	simm.s32 $0x1  }
0x2: {  	[smem:$0x3F94] =	sst lr;
	_ =	strace $0xD0000000  }
0x3: {  	_ = 	snop  }
0x4: {  	_ = 	snop  }
0x5: {  	_ = 	snop  }
0x6: {  	_ = 	snop  }
0x7: {  	_ = 	snop  }
__scs_overlays_trampoline_lowered:
0x8: {  	[smem:$0x3FA3] =	sst s0  }
0x9: {  	[smem:$0x3FA4] =	sst s1  }
0xa: {  	[smem:$0x3FA5] =	sst s2  }
0xb: {  	[smem:$0x3FA6] =	sst s3  }
0xc: {  	[smem:$0x3FA7] =	sst s4  }
0xd: {  	[smem:$0x3FA8] =	sst s5  }
0xe: {  	[smem:$0x3FA9] =	sst s6  }
0xf: {  	[smem:$0x3FAA] =	sst s7  }
0x10: {  	[smem:$0x3FAB] =	sst s8  }
0x11: {  	[smem:$0x3FAC] =	sst s9;
	s0 =	simm.s32 @!p0 $0x0  }
0x12: {  	s1 =	sld [smem:$0x3F92];
	s0 =	simm.s32 @p0 $0x1  }
0x13: {  	[smem:$0x3FAD] =	sst s0;
	s0 =	simm.s32 @!p1 $0x0  }
0x14: {  	s2 =	sld [smem:$0x3F91];
	s0 =	simm.s32 @p1 $0x1  }
0x15: {  	[smem:$0x3FAE] =	sst s0;
	s0 =	simm.s32 @!p2 $0x0  }
0x16: {  	s3 =	sld [smem:$0x3FDB];
	s0 =	simm.s32 @p2 $0x1  }
0x17: {  	s4 =	simm.s32 $0x1BF5;
	[smem:$0x3FB0] =	sst s0  }
0x18: {  	s0 =	sld [smem:$0x3F93];
	_ =	swait.ge [sflag:s4], $0x0  }
0x19: {  	s7 =	sld [smem:$0x3F94]  }
0x1a: {  	s8 =	sadd.s32 $0xFFFFE003, lr  }
0x1b: {  	s9 =	sadd.s32 $0xFFFFFEF7, lr;
	s5 =	simm.s32 $0xFFFFFFFF;
	p2 =	slt.u32 s8, $0xFFFFF086  }
0x1c: {  	p1 =	slt.u32 s9, $0xF7A;
	s5 =	simm.s32 @!p2 $0x0  }
0x1d: {  	s5 =	simm.s32 @p1 $0x1;
	p0 =	seq.s32 s7, s2  }
0x1e: {  	s7 =	smul.u32 @!p0 $0xF7A, s2;
	p2 =	seq.s32 @!p0 s5, $0x0  }
0x1f: {  	s9 =	smul.u32 $0xF7A, s1;
	s8 =	simm.s32 @!p0 $0x1BF5;
	p2 =	por !p2, p0  }
0x20: {  	[sflag:s8] =	ssyncset.s32 @!p0 $0xFFFFF086;
	s6 =	sadd.s32 @!p0 s3, s7;
	s7 =	simm.s32 @!p0 $0x108  }
0x21: {  	s3 =	sadd.s32 s3, s9;
	s6 =	sadd.s32 @!p0 $0x88, s6;
	s7 =	simm.s32 @p2 $0x1082  }
0x22: {  	[simem:s7], [sflag:s8] =	dma.local @!p0 [hbm:s6], $0xF7A  }
0x23: {  	s9 =	sor.u32 $0xD0000000, s2;
	s6 =	simm.s32 $0x108;
	_ =	swait.ge @!p0 [sflag:s8], $0x0  }
0x24: {  	s3 =	sadd.s32 $0x88, s3;
	s6 =	simm.s32 @!p1 $0x1082;
	[sflag:s4] =	ssyncset.s32 $0xFFFFF086  }
0x25: {  	[simem:s6], [sflag:s4] =	dma.local [hbm:s3], $0xF7A  }
0x26: {  	[smem:$0x3F94] =	sst s1;
	(tag) =	ssettag s2;
	_ =	strace s9  }
0x27: {  	s1 =	sld [smem:$0x3FA4]  }
0x28: {  	s2 =	sld [smem:$0x3FA5]  }
0x29: {  	s4 =	sld [smem:$0x3FA7]  }
0x2a: {  	p0 =	seq.s32 s5, $0x0;
	s5 =	sld [smem:$0x3FA8]  }
0x2b: {  	s6 =	sld [smem:$0x3FA9]  }
0x2c: {  	s7 =	sld [smem:$0x3FAA]  }
0x2d: {  	s3 =	simm.s32 $0x108;
	s8 =	sld [smem:$0x3FAB]  }
0x2e: {  	s3 =	simm.s32 @!p0 $0x1082;
	s9 =	sld [smem:$0x3FAC]  }
0x2f: {  	lr =	sadd.s32 s0, s3;
	s0 =	sld [smem:$0x3FA3]  }
0x30: {  	s3 =	sld [smem:$0x3FA6]  }
0x31: {  	[smem:$0x3FAF] =	sst s10  }
0x32: {  	s10 =	sld [smem:$0x3FAD];
	_ =	sdelay $0x3  }
0x33: {  	p0 =	seq.s32 s10, $0x1;
	s10 =	sld [smem:$0x3FAF];
	_ =	sdelay $0x3  }
0x34: {  	[smem:$0x3FAF] =	sst s10  }
0x35: {  	s10 =	sld [smem:$0x3FAE];
	_ =	sdelay $0x3  }
0x36: {  	p1 =	seq.s32 s10, $0x1;
	s10 =	sld [smem:$0x3FAF];
	_ =	sdelay $0x3  }
0x37: {  	[smem:$0x3FAF] =	sst s10  }
0x38: {  	s10 =	sld [smem:$0x3FB0]  }
0x39: {  	_ = 	snop;
	(pc) =	sbr.ind lr, $3  }
0x3a: {  	_ = 	snop  }
0x3b: {  	_ = 	snop  }
0x3c: {  	p2 =	seq.s32 s10, $0x1;
	s10 =	sld [smem:$0x3FAF]  }
0x3d: {  	_ =	shalt  }
0x3e: {  	_ =	shalt  }
0x3f: {  	_ =	shalt  }
0x40: {  	_ =	shalt  }
0x41: {  	_ =	shalt  }
0x42: {  	_ =	shalt  }
0x43: {  	_ =	shalt  }
0x44: {  	_ =	shalt  }
0x45: {  	_ =	shalt  }
0x46: {  	_ =	shalt  }
0x47: {  	_ =	shalt  }
0x48: {  	_ =	shalt  }
0x49: {  	_ =	shalt  }
0x4a: {  	_ =	shalt  }
0x4b: {  	_ =	shalt  }
0x4c: {  	_ =	shalt  }
0x4d: {  	_ =	shalt  }
0x4e: {  	_ =	shalt  }
0x4f: {  	_ =	shalt  }
0x50: {  	_ =	shalt  }
0x51: {  	_ =	shalt  }
0x52: {  	_ =	shalt  }
0x53: {  	_ =	shalt  }
0x54: {  	_ =	shalt  }
0x55: {  	_ =	shalt  }
0x56: {  	_ =	shalt  }
0x57: {  	_ =	shalt  }
0x58: {  	_ =	shalt  }
0x59: {  	_ =	shalt  }
0x5a: {  	_ =	shalt  }
0x5b: {  	_ =	shalt  }
0x5c: {  	_ =	shalt  }
0x5d: {  	_ =	shalt  }
0x5e: {  	_ =	shalt  }
0x5f: {  	_ =	shalt  }
0x60: {  	_ =	shalt  }
0x61: {  	_ =	shalt  }
0x62: {  	_ =	shalt  }
0x63: {  	_ =	shalt  }
0x64: {  	_ =	shalt  }
0x65: {  	_ =	shalt  }
0x66: {  	_ =	shalt  }
0x67: {  	_ =	shalt  }
0x68: {  	_ =	shalt  }
0x69: {  	_ =	shalt  }
0x6a: {  	_ =	shalt  }
0x6b: {  	_ =	shalt  }
0x6c: {  	_ =	shalt  }
0x6d: {  	_ =	shalt  }
0x6e: {  	_ =	shalt  }
0x6f: {  	_ =	shalt  }
0x70: {  	_ =	shalt  }
0x71: {  	_ =	shalt  }
0x72: {  	_ =	shalt  }
0x73: {  	_ =	shalt  }
0x74: {  	_ =	shalt  }
0x75: {  	_ =	shalt  }
0x76: {  	_ =	shalt  }
0x77: {  	_ =	shalt  }
0x78: {  	_ =	shalt  }
0x79: {  	_ =	shalt  }
0x7a: {  	_ =	shalt  }
0x7b: {  	_ =	shalt  }
0x7c: {  	_ =	shalt  }
0x7d: {  	_ =	shalt  }
0x7e: {  	_ =	shalt  }
0x7f: {  	_ =	shalt  }
0x80: {  	_ =	shalt  }
0x81: {  	_ =	shalt  }
0x82: {  	_ =	shalt  }
0x83: {  	_ =	shalt  }
0x84: {  	_ =	shalt  }
0x85: {  	_ =	shalt  }
0x86: {  	_ =	shalt  }
0x87: {  	_ =	shalt  }
.Lfunc_end0:
.L_simem_size_0:
called_computation_lowered:
.L_overlay_start_0:
0x88: {  	s2 =	sld [smem:$0x3FD9]  }
0x89: {  	s3 =	sld [smem:$0x3FFE];
	_ =	sdelay $0x1  }
0x8a: {  	s1 =	srdreg.scid  }
0x8b: {  	s0 =	sand.u32 $0x1, s1  }
0x8c: {  	s17 =	sshll.u32 s0, $0xA;
	s2 =	sadd.s32 s3, s2  }
0x8d: {  	s2 =	sadd.s32 s2, s17  }
0x8e: {  	[smem:$0x3FBB] =	sst s2  }
0x8f: {  	_ = 	snop  }
0x90: {  	s2 =	sld [smem:$0x3FD0];
	(tm) =	ssettm $0x1  }
0x91: {  	s18 =	sld [smem:$0x3FFB];
	_ =	sdelay $0x3  }
0x92: {  	_ =	strace s18  }
0x93: {  	s3 =	sld [smem:$0x3FFC];
	_ =	sdelay $0x3  }
0x94: {  	_ =	strace s3  }
0x95: {  	s3 =	sld [smem:$0x3FFD];
	_ =	sdelay $0x3  }
0x96: {  	_ =	strace s3  }
0x97: {  	_ =	strace $0x8FFFFFFF  }
0x98: {  	s19 =	sld [smem:$0x3FDB];
	_ =	sdelay $0x1  }
0x99: {  	s4 =	simm.s32 $_scs_section_size  }
0x9a: {  	s5 =	simm.s32 $_size__tile_overlayer_lowered;
	s6 =	simm.s32 $_tile_overlayer_lowered  }
0x9b: {  	s22 =	simm.s32 $0x1BFF;
	s21 =	sshll.u32 s6, $0x1;
	s3 =	sadd.s32 s4, s19  }
0x9c: {  	s7 =	simm.s32 $0x0;
	s20 =	sshll.u32 s5, $0x1;
	s5 =	sadd.s32 s21, s3  }
0x9d: {  	[timem:s7], [sflag:s22] =	dma.local [hbm:s5], s20  }
0x9e: {  	_ =	swait.ge [sflag:s22], s20  }
0x9f: {  	s4 =	ssub.s32 $0x0, s20;
	[sflag:s22] =	ssyncset.done $0x0  }
0xa0: {  	[sflag:s22] =	ssyncadd.s32 s4;
	_ =	sdelay $0x1  }
0xa1: {  	s23 =	simm.s32 $0x1B8B  }
0xa2: {  	_ =	swait.ge [sflag:s23], $0x1  }
0xa3: {  	[sflag:s23] =	ssyncset.done $0x0  }
0xa4: {  	s25 =	simm.s32 $0x1B8E;
	s24 =	sld [smem:$0x3FFE];
	[sflag:s23] =	ssyncadd.s32 $0xFFFFFFFF  }
0xa5: {  	s26 =	simm.s32 $execute0_lowered;
	[smem:$0x3FD2] =	sst s25  }
0xa6: {  	s5 =	sshll.u32 s26, $0x1;
	_ =	strace $0x80000046;
	[dreg:$0x1] =	wrdreg $0xFFFFFFFF  }
0xa7: {  	s28 =	simm.s32 $_size_execute0_lowered;
	s3 =	sadd.s32 s3, s5;
	[dreg:$0x0] =	wrdreg $0x0  }
0xa8: {  	s5 =	sshll.u32 s28, $0x1;
	[dreg:$0x2] =	wrdreg s3  }
0xa9: {  	[dreg:$0x3] =	wrdreg s5  }
0xaa: {  	[dreg:$0x4] =	wrdreg $0xC0  }
0xab: {  	_ =	task [dreg:s7], $0x5FFFF  }
0xac: {  	[dreg:$0x1] =	wrdreg $0xFFFFFFFF  }
0xad: {  	[dreg:$0x0] =	wrdreg $0x60  }
0xae: {  	[dreg:$0x2] =	wrdreg s24  }
0xaf: {  	[dreg:$0x3] =	wrdreg s2  }
0xb0: {  	[dreg:$0x4] =	wrdreg $0x28800  }
0xb1: {  	[dreg:$0x5] =	wrdreg $0x9  }
0xb2: {  	_ =	task.clear_ibuf [dreg:s7], $0x6FFFF;
	_ =	strace $0x90000046  }
0xb3: {  	s29 =	simm.s32 $0x9;
	_ =	strace $0x80000048  }
0xb4: {  	_ =	swait.ge [sflag:s29], $0x1  }
0xb5: {  	[sflag:s29] =	ssyncadd.s32 $0xFFFFFFFF  }
0xb6: {  	_ =	strace $0x90000048  }
0xb7: {  	_ =	sfence  }
0xb8: {  	s30 =	sld [smem:$0x0];
	_ =	sdelay $0x2  }
0xb9: {  	s31 =	sshll.u32 s1, $0xD;
	s1 =	sshrl.u32 s1, $0x2  }
0xba: {  	s3 =	sand.u32 $0x4000, s31;
	s1 =	sadd.s32 s1, s30  }
0xbb: {  	s0 =	sor.u32 s3, s0;
	s1 =	sshll.u32 s1, $0x11  }
0xbc: {  	s0 =	sor.u32 s1, s0  }
0xbd: {  	s0 =	sadd.s32 $0x8F2B, s0  }
0xbe: {  	[sflag:s0] =	ssyncadd.remote.s32 $0x1  }
0xbf: {  	_ =	sfence.sel $0xFFFF  }
0xc0: {  	[dreg:$0x0] =	wrdreg $0xFFFFFFFF;
	(pc) =	sbr.abs _section_cstart, $3  }
0xc1: {  	[dreg:$0x1] =	wrdreg $0xFFFFFFFF  }
0xc2: {  	_ =	task.clear_ibuf [dreg:s7], $0x2FFFF;
	_ =	strace $0x9FFFFFFF  }
0xc3: {  	(tm) =	ssettm $0x7FFFFFFF  }
tec
execute0_lowered:
.L_overlay_start_1:
0x0: {  	(tag) =	ssettag $0x1  }
0x1: {  	s5 =	rddreg [dreg:$0x0]  }
0x2: {  	s1 =	rddreg [dreg:$0x1]  }
0x3: {  	s2 =	rddreg [dreg:$0x2]  }
0x4: {  	s3 =	srdreg.scid;
	s0 =	rddreg [dreg:$0x3];
	s4 =	simm.s32 $0x0  }
0x5: {  	s12 =	simm.s32 $0x2800;
	s13 =	simm.s32 $0x0;
	s6 =	sand.u32 $0x1, s3  }
0x6: {  	s3 =	stileid.u32;
	[smem:$0x7FF] =	sst s4;
	s7 =	sshll.u32 s6, $0x4  }
0x7: {  	s8 =	sshll.u32 s3, $0xA;
	s9 =	sshll.u32 s6, $0xE;
	_ =	strace $0x80000047  }
0x8: {  	s6 =	ssub.s32 $0x2, s6;
	s31 =	sshll.u32 s3, $0x6;
	s7 =	sor.u32 s3, s7  }
0x9: {  	s9 =	sor.u32 s8, s9;
	s30 =	sshrl.u32 s6, $0x1;
	s7 =	smul.u32 $0x500, s7  }
0xa: {  	s11 =	sadd.s32 s8, s2;
	s8 =	simm.s32 $0x1;
	s9 =	sshrl.u32 s9, $0x3  }
0xb: {  	s10 =	ssub.s32 s6, s30;
	s9 =	sadd.s32 s9, s5;
	s7 =	sadd.s32 s7, s5  }
0xc: {  	s6 =	sadd.s32 $0x10A00, s9;
	s9 =	sor.u32 $0x1C01, s31;
	s5 =	sadd.s32 $0x6A00, s7  }
0xd: {  	v0 =	vimm.f32 $1.000000000e+00;
	s7 =	smax.u32 s10, $0x1;
	s10 =	sshrl.u32 s11, $0x3;
	s11 =	simm.s32 $0x80  }
.LBB2_1:
0xe: {  	[tilespmem:s4], [sflag:$0x1] =	stream.linear.gather [hbm4b:s5+s4], $0x2800, $0x38;
	[tilespmem:$0x2C80] =	vst v63  }
0xf: {  	_ =	swait.ge [sflag:s8], $0x2800  }
0x10: {  	[sflag:s8] =	ssyncset.done $0x0  }
0x11: {  	[sflag:s8] =	ssyncadd.s32 $0xFFFFD800  }
0x12: {  	[tilespmem:$0x2800] =	vst v0  }
0x13: {  	[tilespmem:$0x2810] =	vst v0  }
0x14: {  	[tilespmem:$0x2820] =	vst v0  }
0x15: {  	[tilespmem:$0x2830] =	vst v0  }
0x16: {  	[tilespmem:$0x2840] =	vst v0  }
0x17: {  	[tilespmem:$0x2850] =	vst v0  }
0x18: {  	[tilespmem:$0x2860] =	vst v0  }
0x19: {  	[tilespmem:$0x2870] =	vst v0  }
0x1a: {  	[spmem:s10], [sflag:s9] =	dma.local [hbm:s1], $0x80  }
0x1b: {  	_ =	swait.ge [sflag:s8], $0x80  }
0x1c: {  	[sflag:s8] =	ssyncset.done $0x0  }
0x1d: {  	[sflag:s8] =	ssyncadd.s32 $0xFFFFFF80  }
0x1e: {  	s14 =	simm.s32 $0x0;
	[bflag:$0x0] =	sbarrier.arrive $0xFFFF  }
0x1f: {  	[spmem:s2] =	stream.indirect.scatter.add.f32 [tilespmem:s12], [sflag:$0x1], $0x1, s14, s11, $0xb8;
	[tilespmem:$0x2C80] =	vst v63  }
0x20: {  	_ =	swait.ge [sflag:s8], $0x80  }
0x21: {  	s14 =	simm.s32 $0x200;
	[sflag:s8] =	ssyncset.done $0x0  }
.LBB2_2:
0x22: {  	s15 =	sshra.s32 s14, $0x2;
	[sflag:s8] =	ssyncadd.s32 $0xFFFFFF80;
	p0 =	sne.s32 s14, $0x9E00  }
0x23: {  	[spmem:s2] =	stream.indirect.scatter.add.f32 [tilespmem:s12], [sflag:$0x1], $0x1, s15, s11, $0xb8;
	[tilespmem:$0x2C80] =	vst v63  }
.Ltmp0:
0x24: {  	_ = 	snop;
	(pc) =	sbr.rel @p0 .LBB2_2-.Ltmp0, $4  }
0x25: {  	_ = 	snop  }
0x26: {  	s14 =	sadd.s32 $0x200, s14  }
0x27: {  	_ =	swait.ge [sflag:s8], $0x80  }
0x28: {  	[sflag:s8] =	ssyncset.done $0x0  }
0x29: {  	s13 =	sadd.s32 $0x1, s13  }
0x2a: {  	[sflag:s8] =	ssyncadd.s32 $0xFFFFFF80;
	p0 =	sne.s32 s13, s7  }
.Ltmp1:
0x2b: {  	[bflag:$0x0] =	sbarrier.arrive $0xFFFF;
	(pc) =	sbr.rel @p0 .LBB2_1-.Ltmp1, $4  }
0x2c: {  	[hbm:s6], [sflag:s9] =	dma.local [spmem:s10], $0x80  }
0x2d: {  	_ =	swait.ge [sflag:s8], $0x80  }
0x2e: {  	[sflag:s8] =	ssyncset.done $0x0  }
0x2f: {  	[sflag:s8] =	ssyncadd.s32 $0xFFFFFF80  }
0x30: {  	_ =	sfence.sel $0x180000  }
0x31: {  	[bflag:$0x0] =	sbarrier.arrive $0xFFFF  }
0x32: {  	p0 =	sne.s32 s3, $0x0;
	_ =	strace $0x90000047  }
0x33: {  	s0 =	sadd.s32 @!p0 $0x100000, s0;
	[bflag:$0x2] =	sbarrier.arrive $0xFFFF  }
0x34: {  	[sflag:s0] =	ssyncadd.tile.s32 @!p0 $0x1;
	_ =	shalt  }
.Lfunc_end2:
_tile_overlayer_lowered:
.L_overlay_start_2:
0x35: {  	(tag) =	ssettag $0x2  }
0x36: {  	s0 =	rddreg [dreg:$0x0];
	s2 =	stileid.u32  }
0x37: {  	s1 =	rddreg [dreg:$0x1];
	p0 =	sne.s32 s2, $0x0  }
0x38: {  	s3 =	rddreg [dreg:$0x2];
	[bflag:$0x3] =	sbarrier.arrive $0xFFFF;
	s2 =	simm.s32 @!p0 $0x1C01  }
0x39: {  	[timem:s3], [sflag:s2] =	dma.local @!p0 [hbm:s0], s1  }
0x3a: {  	s0 =	simm.s32 @!p0 $0x1  }
0x3b: {  	_ =	swait.ge @!p0 [sflag:s0], s1  }
0x3c: {  	s1 =	ssub.s32 @!p0 $0x0, s1;
	[sflag:s0] =	ssyncset.done @!p0 $0x0  }
0x3d: {  	[sflag:s0] =	ssyncadd.s32 @!p0 s1  }
0x3e: {  	[bflag:$0x3] =	sbarrier.arrive $0xFFFF  }
0x3f: {  	_ =	shalt  }

// kernel: kernel.14.cloned.1.call-start
scs
__scs_entry_jumppad:
0x0: {  	(pc) =	sbr.rel $0x88, $3  }
0x1: {  	(tag) =	ssettag $0x0;
	lr =	simm.s32 $0x1  }
0x2: {  	[smem:$0x3F94] =	sst lr;
	_ =	strace $0xD0000000  }
0x3: {  	_ = 	snop  }
0x4: {  	_ = 	snop  }
0x5: {  	_ = 	snop  }
0x6: {  	_ = 	snop  }
0x7: {  	_ = 	snop  }
__scs_overlays_trampoline_lowered:
0x8: {  	[smem:$0x3FA3] =	sst s0  }
0x9: {  	[smem:$0x3FA4] =	sst s1  }
0xa: {  	[smem:$0x3FA5] =	sst s2  }
0xb: {  	[smem:$0x3FA6] =	sst s3  }
0xc: {  	[smem:$0x3FA7] =	sst s4  }
0xd: {  	[smem:$0x3FA8] =	sst s5  }
0xe: {  	[smem:$0x3FA9] =	sst s6  }
0xf: {  	[smem:$0x3FAA] =	sst s7  }
0x10: {  	[smem:$0x3FAB] =	sst s8  }
0x11: {  	[smem:$0x3FAC] =	sst s9;
	s0 =	simm.s32 @!p0 $0x0  }
0x12: {  	s1 =	sld [smem:$0x3F92];
	s0 =	simm.s32 @p0 $0x1  }
0x13: {  	[smem:$0x3FAD] =	sst s0;
	s0 =	simm.s32 @!p1 $0x0  }
0x14: {  	s2 =	sld [smem:$0x3F91];
	s0 =	simm.s32 @p1 $0x1  }
0x15: {  	[smem:$0x3FAE] =	sst s0;
	s0 =	simm.s32 @!p2 $0x0  }
0x16: {  	s3 =	sld [smem:$0x3FDB];
	s0 =	simm.s32 @p2 $0x1  }
0x17: {  	s4 =	simm.s32 $0x1BF5;
	[smem:$0x3FB0] =	sst s0  }
0x18: {  	s0 =	sld [smem:$0x3F93];
	_ =	swait.ge [sflag:s4], $0x0  }
0x19: {  	s7 =	sld [smem:$0x3F94]  }
0x1a: {  	s8 =	sadd.s32 $0xFFFFE003, lr  }
0x1b: {  	s9 =	sadd.s32 $0xFFFFFEF7, lr;
	s5 =	simm.s32 $0xFFFFFFFF;
	p2 =	slt.u32 s8, $0xFFFFF086  }
0x1c: {  	p1 =	slt.u32 s9, $0xF7A;
	s5 =	simm.s32 @!p2 $0x0  }
0x1d: {  	s5 =	simm.s32 @p1 $0x1;
	p0 =	seq.s32 s7, s2  }
0x1e: {  	s7 =	smul.u32 @!p0 $0xF7A, s2;
	p2 =	seq.s32 @!p0 s5, $0x0  }
0x1f: {  	s9 =	smul.u32 $0xF7A, s1;
	s8 =	simm.s32 @!p0 $0x1BF5;
	p2 =	por !p2, p0  }
0x20: {  	[sflag:s8] =	ssyncset.s32 @!p0 $0xFFFFF086;
	s6 =	sadd.s32 @!p0 s3, s7;
	s7 =	simm.s32 @!p0 $0x108  }
0x21: {  	s3 =	sadd.s32 s3, s9;
	s6 =	sadd.s32 @!p0 $0x88, s6;
	s7 =	simm.s32 @p2 $0x1082  }
0x22: {  	[simem:s7], [sflag:s8] =	dma.local @!p0 [hbm:s6], $0xF7A  }
0x23: {  	s9 =	sor.u32 $0xD0000000, s2;
	s6 =	simm.s32 $0x108;
	_ =	swait.ge @!p0 [sflag:s8], $0x0  }
0x24: {  	s3 =	sadd.s32 $0x88, s3;
	s6 =	simm.s32 @!p1 $0x1082;
	[sflag:s4] =	ssyncset.s32 $0xFFFFF086  }
0x25: {  	[simem:s6], [sflag:s4] =	dma.local [hbm:s3], $0xF7A  }
0x26: {  	[smem:$0x3F94] =	sst s1;
	(tag) =	ssettag s2;
	_ =	strace s9  }
0x27: {  	s1 =	sld [smem:$0x3FA4]  }
0x28: {  	s2 =	sld [smem:$0x3FA5]  }
0x29: {  	s4 =	sld [smem:$0x3FA7]  }
0x2a: {  	p0 =	seq.s32 s5, $0x0;
	s5 =	sld [smem:$0x3FA8]  }
0x2b: {  	s6 =	sld [smem:$0x3FA9]  }
0x2c: {  	s7 =	sld [smem:$0x3FAA]  }
0x2d: {  	s3 =	simm.s32 $0x108;
	s8 =	sld [smem:$0x3FAB]  }
0x2e: {  	s3 =	simm.s32 @!p0 $0x1082;
	s9 =	sld [smem:$0x3FAC]  }
0x2f: {  	lr =	sadd.s32 s0, s3;
	s0 =	sld [smem:$0x3FA3]  }
0x30: {  	s3 =	sld [smem:$0x3FA6]  }
0x31: {  	[smem:$0x3FAF] =	sst s10  }
0x32: {  	s10 =	sld [smem:$0x3FAD];
	_ =	sdelay $0x3  }
0x33: {  	p0 =	seq.s32 s10, $0x1;
	s10 =	sld [smem:$0x3FAF];
	_ =	sdelay $0x3  }
0x34: {  	[smem:$0x3FAF] =	sst s10  }
0x35: {  	s10 =	sld [smem:$0x3FAE];
	_ =	sdelay $0x3  }
0x36: {  	p1 =	seq.s32 s10, $0x1;
	s10 =	sld [smem:$0x3FAF];
	_ =	sdelay $0x3  }
0x37: {  	[smem:$0x3FAF] =	sst s10  }
0x38: {  	s10 =	sld [smem:$0x3FB0]  }
0x39: {  	_ = 	snop;
	(pc) =	sbr.ind lr, $3  }
0x3a: {  	_ = 	snop  }
0x3b: {  	_ = 	snop  }
0x3c: {  	p2 =	seq.s32 s10, $0x1;
	s10 =	sld [smem:$0x3FAF]  }
0x3d: {  	_ =	shalt  }
0x3e: {  	_ =	shalt  }
0x3f: {  	_ =	shalt  }
0x40: {  	_ =	shalt  }
0x41: {  	_ =	shalt  }
0x42: {  	_ =	shalt  }
0x43: {  	_ =	shalt  }
0x44: {  	_ =	shalt  }
0x45: {  	_ =	shalt  }
0x46: {  	_ =	shalt  }
0x47: {  	_ =	shalt  }
0x48: {  	_ =	shalt  }
0x49: {  	_ =	shalt  }
0x4a: {  	_ =	shalt  }
0x4b: {  	_ =	shalt  }
0x4c: {  	_ =	shalt  }
0x4d: {  	_ =	shalt  }
0x4e: {  	_ =	shalt  }
0x4f: {  	_ =	shalt  }
0x50: {  	_ =	shalt  }
0x51: {  	_ =	shalt  }
0x52: {  	_ =	shalt  }
0x53: {  	_ =	shalt  }
0x54: {  	_ =	shalt  }
0x55: {  	_ =	shalt  }
0x56: {  	_ =	shalt  }
0x57: {  	_ =	shalt  }
0x58: {  	_ =	shalt  }
0x59: {  	_ =	shalt  }
0x5a: {  	_ =	shalt  }
0x5b: {  	_ =	shalt  }
0x5c: {  	_ =	shalt  }
0x5d: {  	_ =	shalt  }
0x5e: {  	_ =	shalt  }
0x5f: {  	_ =	shalt  }
0x60: {  	_ =	shalt  }
0x61: {  	_ =	shalt  }
0x62: {  	_ =	shalt  }
0x63: {  	_ =	shalt  }
0x64: {  	_ =	shalt  }
0x65: {  	_ =	shalt  }
0x66: {  	_ =	shalt  }
0x67: {  	_ =	shalt  }
0x68: {  	_ =	shalt  }
0x69: {  	_ =	shalt  }
0x6a: {  	_ =	shalt  }
0x6b: {  	_ =	shalt  }
0x6c: {  	_ =	shalt  }
0x6d: {  	_ =	shalt  }
0x6e: {  	_ =	shalt  }
0x6f: {  	_ =	shalt  }
0x70: {  	_ =	shalt  }
0x71: {  	_ =	shalt  }
0x72: {  	_ =	shalt  }
0x73: {  	_ =	shalt  }
0x74: {  	_ =	shalt  }
0x75: {  	_ =	shalt  }
0x76: {  	_ =	shalt  }
0x77: {  	_ =	shalt  }
0x78: {  	_ =	shalt  }
0x79: {  	_ =	shalt  }
0x7a: {  	_ =	shalt  }
0x7b: {  	_ =	shalt  }
0x7c: {  	_ =	shalt  }
0x7d: {  	_ =	shalt  }
0x7e: {  	_ =	shalt  }
0x7f: {  	_ =	shalt  }
0x80: {  	_ =	shalt  }
0x81: {  	_ =	shalt  }
0x82: {  	_ =	shalt  }
0x83: {  	_ =	shalt  }
0x84: {  	_ =	shalt  }
0x85: {  	_ =	shalt  }
0x86: {  	_ =	shalt  }
0x87: {  	_ =	shalt  }
.Lfunc_end0:
.L_simem_size_0:
called_computation.1_lowered:
.L_overlay_start_0:
0x88: {  	s2 =	sld [smem:$0x3FD9]  }
0x89: {  	s3 =	sld [smem:$0x3FFE];
	_ =	sdelay $0x1  }
0x8a: {  	s1 =	srdreg.scid  }
0x8b: {  	s0 =	sand.u32 $0x1, s1  }
0x8c: {  	s16 =	sshll.u32 s0, $0xA;
	s2 =	sadd.s32 s3, s2  }
0x8d: {  	s2 =	sadd.s32 s2, s16  }
0x8e: {  	[smem:$0x3FBB] =	sst s2  }
0x8f: {  	_ = 	snop  }
0x90: {  	(tm) =	ssettm $0x1  }
0x91: {  	s17 =	sld [smem:$0x3FFB];
	_ =	sdelay $0x3  }
0x92: {  	_ =	strace s17  }
0x93: {  	s2 =	sld [smem:$0x3FFC];
	_ =	sdelay $0x3  }
0x94: {  	_ =	strace s2  }
0x95: {  	s2 =	sld [smem:$0x3FFD];
	_ =	sdelay $0x3  }
0x96: {  	_ =	strace s2  }
0x97: {  	_ =	strace $0x8FFFFFFF  }
0x98: {  	s18 =	sld [smem:$0x3FDB];
	_ =	sdelay $0x1  }
0x99: {  	s19 =	simm.s32 $_scs_section_size  }
0x9a: {  	s4 =	simm.s32 $_size__tile_overlayer_lowered;
	s5 =	simm.s32 $_tile_overlayer_lowered  }
0x9b: {  	s22 =	simm.s32 $0x1BFF;
	s21 =	sshll.u32 s5, $0x1;
	s2 =	sadd.s32 s19, s18  }
0x9c: {  	s6 =	simm.s32 $0x0;
	s20 =	sshll.u32 s4, $0x1;
	s4 =	sadd.s32 s21, s2  }
0x9d: {  	[timem:s6], [sflag:s22] =	dma.local [hbm:s4], s20  }
0x9e: {  	_ =	swait.ge [sflag:s22], s20  }
0x9f: {  	s3 =	ssub.s32 $0x0, s20;
	[sflag:s22] =	ssyncset.done $0x0  }
0xa0: {  	[sflag:s22] =	ssyncadd.s32 s3;
	_ =	sdelay $0x1  }
0xa1: {  	s23 =	simm.s32 $0x1B8B  }
0xa2: {  	_ =	swait.ge [sflag:s23], $0x1  }
0xa3: {  	[sflag:s23] =	ssyncset.done $0x0  }
0xa4: {  	s25 =	simm.s32 $0x1B8E;
	s24 =	sld [smem:$0x3FFE];
	[sflag:s23] =	ssyncadd.s32 $0xFFFFFFFF  }
0xa5: {  	s26 =	simm.s32 $execute0_lowered;
	[smem:$0x3FD2] =	sst s25  }
0xa6: {  	s4 =	sshll.u32 s26, $0x1;
	_ =	strace $0x80000049;
	[dreg:$0x1] =	wrdreg $0xFFFFFFFF  }
0xa7: {  	s28 =	simm.s32 $_size_execute0_lowered;
	s2 =	sadd.s32 s2, s4;
	[dreg:$0x0] =	wrdreg $0x0  }
0xa8: {  	s4 =	sshll.u32 s28, $0x1;
	[dreg:$0x2] =	wrdreg s2  }
0xa9: {  	[dreg:$0x3] =	wrdreg s4  }
0xaa: {  	[dreg:$0x4] =	wrdreg $0xC0  }
0xab: {  	_ =	task [dreg:s6], $0x5FFFF  }
0xac: {  	[dreg:$0x1] =	wrdreg $0xFFFFFFFF  }
0xad: {  	[dreg:$0x0] =	wrdreg $0x60  }
0xae: {  	[dreg:$0x2] =	wrdreg s24  }
0xaf: {  	[dreg:$0x3] =	wrdreg $0x120000  }
0xb0: {  	[dreg:$0x4] =	wrdreg $0x9  }
0xb1: {  	_ =	task.clear_ibuf [dreg:s6], $0x5FFFF;
	_ =	strace $0x90000049  }
0xb2: {  	s29 =	simm.s32 $0x9;
	_ =	strace $0x8000004B  }
0xb3: {  	_ =	swait.ge [sflag:s29], $0x1  }
0xb4: {  	[sflag:s29] =	ssyncadd.s32 $0xFFFFFFFF  }
0xb5: {  	_ =	strace $0x9000004B  }
0xb6: {  	_ =	sfence  }
0xb7: {  	s30 =	sld [smem:$0x0];
	_ =	sdelay $0x2  }
0xb8: {  	s31 =	sshll.u32 s1, $0xD;
	s1 =	sshrl.u32 s1, $0x2  }
0xb9: {  	s3 =	sand.u32 $0x4000, s31;
	s1 =	sadd.s32 s1, s30  }
0xba: {  	s0 =	sor.u32 s3, s0;
	s1 =	sshll.u32 s1, $0x11  }
0xbb: {  	s0 =	sor.u32 s1, s0  }
0xbc: {  	s0 =	sadd.s32 $0x8F2B, s0  }
0xbd: {  	[sflag:s0] =	ssyncadd.remote.s32 $0x1  }
0xbe: {  	_ =	sfence.sel $0xFFFF  }
0xbf: {  	[dreg:$0x0] =	wrdreg $0xFFFFFFFF;
	(pc) =	sbr.abs _section_cstart, $3  }
0xc0: {  	[dreg:$0x1] =	wrdreg $0xFFFFFFFF  }
0xc1: {  	_ =	task.clear_ibuf [dreg:s6], $0x2FFFF;
	_ =	strace $0x9FFFFFFF  }
0xc2: {  	(tm) =	ssettm $0x7FFFFFFF  }
0xc3: {  	_ =	shalt  }
tec
execute0_lowered:
.L_overlay_start_1:
0x0: {  	(tag) =	ssettag $0x1  }
0x1: {  	s0 =	srdreg.scid  }
0x2: {  	s11 =	stileid.u32;
	s1 =	rddreg [dreg:$0x0]  }
0x3: {  	s2 =	rddreg [dreg:$0x1];
	s3 =	simm.s32 $0x0;
	s14 =	simm.s32 $0x80  }
0x4: {  	s15 =	simm.s32 $0xA000;
	s16 =	simm.s32 $0xC000;
	s17 =	simm.s32 $0x1  }
0x5: {  	s19 =	simm.s32 $0xE000;
	s20 =	simm.s32 $0x2;
	s22 =	simm.s32 $0x180  }
0x6: {  	s23 =	simm.s32 $0x10000;
	s24 =	simm.s32 $0x3;
	s25 =	simm.s32 $0x5100  }
0x7: {  	s28 =	simm.s32 $0x4;
	s29 =	simm.s32 $0x5180;
	s5 =	smul.u32 $0x5000, s11  }
0x8: {  	s30 =	simm.s32 $0x280;
	s0 =	sand.u32 $0x1, s0;
	s8 =	smul.u32 $0x9E00, s11  }
0x9: {  	s31 =	simm.s32 $0x0;
	[smem:$0x7FF] =	sst s3;
	s4 =	smul.u32 $0x50000, s0  }
0xa: {  	s26 =	sshll.u32 s11, $0x6;
	s11 =	simm.s32 $0x5000;
	s7 =	smul.u32 $0x9E000, s0  }
0xb: {  	_ =	strace $0x8000004A;
	s0 =	ssub.s32 $0x2, s0;
	s12 =	sor.u32 $0x1C05, s26  }
0xc: {  	s26 =	simm.s32 $0x200;
	s10 =	sshrl.u32 s0, $0x1;
	s13 =	sadd.s32 s8, s2  }
0xd: {  	s4 =	sadd.s32 s5, s4;
	s5 =	sshrl.u32 s5, $0x3;
	s7 =	sadd.s32 s8, s7  }
.Ltmp0:
0xe: {  	s0 =	ssub.s32 s0, s10;
	s10 =	simm.s32 $0x5;
	(pc) =	sbr.rel .LBB2_1-.Ltmp0, $4  }
0xf: {  	s13 =	sshrl.u32 s13, $0x3;
	s6 =	sshrl.u32 s4, $0x3;
	s4 =	sadd.s32 $0x73E00, s1  }
0x10: {  	s9 =	sadd.s32 s5, s1;
	s7 =	sshrl.u32 s7, $0x3;
	s5 =	sadd.s32 $0xC2200, s1  }
0x11: {  	s6 =	sadd.s32 s6, s1;
	s1 =	sadd.s32 s7, s1;
	s7 =	sadd.s32 $0x6A00, s9  }
0x12: {  	s9 =	smax.u32 s0, $0x1;
	s6 =	sadd.s32 $0x11A00, s6;
	s8 =	sadd.s32 $0xC3600, s1  }
.LBB2_4:
0x13: {  	_ =	swait.ge [sflag:s28], $0x2000  }
0x14: {  	[sflag:s28] =	ssyncset.done $0x0  }
0x15: {  	[sflag:s28] =	ssyncadd.s32 $0xFFFFE000  }
0x16: {  	[spmem:s2] =	stream.indirect.scatter.add.f32 [tilespmem:s23], [sflag:$0x4], $0x40, s18, s14, $0xb8;
	[tilespmem:$0x1BE00] =	vst v63  }
0x17: {  	_ =	swait.ge [sflag:s20], $0x2000  }
0x18: {  	[sflag:s20] =	ssyncset.done $0x0  }
0x19: {  	[sflag:s20] =	ssyncadd.s32 $0xFFFFE000  }
0x1a: {  	_ =	swait.ge [sflag:s24], $0x2000  }
0x1b: {  	[sflag:s24] =	ssyncset.done $0x0  }
0x1c: {  	[sflag:s24] =	ssyncadd.s32 $0xFFFFE000  }
0x1d: {  	_ =	swait.ge [sflag:s28], $0x2000  }
0x1e: {  	s31 =	sadd.s32 $0x1, s31;
	[sflag:s28] =	ssyncset.done $0x0  }
0x1f: {  	p0 =	sne.s32 s31, s9;
	[sflag:s28] =	ssyncadd.s32 $0xFFFFE000  }
.Ltmp1:
0x20: {  	[bflag:$0x0] =	sbarrier.arrive $0xFFFF;
	(pc) =	sbr.rel @!p0 .LBB2_5-.Ltmp1, $4  }
0x21: {  	[hbm:s8], [sflag:s12] =	dma.local [spmem:s13], $0x13C0  }
0x22: {  	_ =	swait.ge [sflag:s10], $0x13C0  }
0x23: {  	[sflag:s10] =	ssyncset.done $0x0  }
0x24: {  	[sflag:s10] =	ssyncadd.s32 $0xFFFFEC40  }
.LBB2_1:
0x25: {  	[tilespmem:s3], [sflag:$0x5] =	stream.linear.gather [hbm4b:s6+s3], $0x5000, $0x38;
	[tilespmem:$0x1BE00] =	vst v63  }
0x26: {  	_ =	swait.ge [sflag:s10], $0x5000  }
0x27: {  	[sflag:s10] =	ssyncset.done $0x0  }
0x28: {  	[sflag:s10] =	ssyncadd.s32 $0xFFFFB000  }
0x29: {  	[tilespmem:s11], [sflag:$0x5] =	stream.linear.gather [hbm4b:s7+s3], $0x5000, $0x38;
	[tilespmem:$0x1BE00] =	vst v63  }
0x2a: {  	_ =	swait.ge [sflag:s10], $0x5000  }
0x2b: {  	[sflag:s10] =	ssyncset.done $0x0  }
0x2c: {  	[sflag:s10] =	ssyncadd.s32 $0xFFFFB000  }
0x2d: {  	[spmem:s13], [sflag:s12] =	dma.local [hbm:s5], $0x13C0  }
0x2e: {  	_ =	swait.ge [sflag:s10], $0x13C0  }
0x2f: {  	[sflag:s10] =	ssyncset.done $0x0  }
0x30: {  	[sflag:s10] =	ssyncadd.s32 $0xFFFFEC40  }
0x31: {  	[bflag:$0x0] =	sbarrier.arrive $0xFFFF  }
0x32: {  	[tilespmem:s15], [sflag:$0x1] =	stream.indirect.gather [hbm4b:s4+s14], $0x40, s3, s14, $0xb8;
	[tilespmem:$0x1BE00] =	vst v63  }
0x33: {  	_ = 	snop  }
0x34: {  	[tilespmem:s16], [sflag:$0x2] =	stream.indirect.gather [hbm4b:s4+s14], $0x40, s14, s14, $0xb8;
	[tilespmem:$0x1BE00] =	vst v63  }
0x35: {  	_ =	swait.ge [sflag:s17], $0x2000  }
0x36: {  	[sflag:s17] =	ssyncset.done $0x0  }
0x37: {  	[sflag:s17] =	ssyncadd.s32 $0xFFFFE000  }
0x38: {  	[spmem:s2] =	stream.indirect.scatter.add.f32 [tilespmem:s15], [sflag:$0x1], $0x40, s11, s14, $0xb8;
	[tilespmem:$0x1BE00] =	vst v63  }
0x39: {  	s0 =	simm.s32 $0x100  }
0x3a: {  	[tilespmem:s19], [sflag:$0x3] =	stream.indirect.gather [hbm4b:s4+s14], $0x40, s0, s14, $0xb8;
	[tilespmem:$0x1BE00] =	vst v63  }
0x3b: {  	_ =	swait.ge [sflag:s20], $0x2000  }
0x3c: {  	[sflag:s20] =	ssyncset.done $0x0  }
0x3d: {  	s21 =	simm.s32 $0x5080;
	[sflag:s20] =	ssyncadd.s32 $0xFFFFE000  }
0x3e: {  	[spmem:s2] =	stream.indirect.scatter.add.f32 [tilespmem:s16], [sflag:$0x2], $0x40, s21, s14, $0xb8;
	[tilespmem:$0x1BE00] =	vst v63  }
0x3f: {  	_ = 	snop  }
0x40: {  	[tilespmem:s23], [sflag:$0x4] =	stream.indirect.gather [hbm4b:s4+s14], $0x40, s22, s14, $0xb8;
	[tilespmem:$0x1BE00] =	vst v63  }
0x41: {  	_ =	swait.ge [sflag:s24], $0x2000  }
0x42: {  	[sflag:s24] =	ssyncset.done $0x0  }
0x43: {  	[sflag:s24] =	ssyncadd.s32 $0xFFFFE000  }
0x44: {  	[spmem:s2] =	stream.indirect.scatter.add.f32 [tilespmem:s19], [sflag:$0x3], $0x40, s25, s14, $0xb8;
	[tilespmem:$0x1BE00] =	vst v63  }
0x45: {  	_ =	swait.ge [sflag:s17], $0x2000  }
0x46: {  	[sflag:s17] =	ssyncset.done $0x0  }
0x47: {  	[sflag:s17] =	ssyncadd.s32 $0xFFFFE000  }
0x48: {  	[tilespmem:s15], [sflag:$0x1] =	stream.indirect.gather [hbm4b:s4+s14], $0x40, s26, s14, $0xb8;
	[tilespmem:$0x1BE00] =	vst v63  }
0x49: {  	_ =	swait.ge [sflag:s28], $0x2000  }
0x4a: {  	[sflag:s28] =	ssyncset.done $0x0  }
0x4b: {  	[sflag:s28] =	ssyncadd.s32 $0xFFFFE000  }
0x4c: {  	[spmem:s2] =	stream.indirect.scatter.add.f32 [tilespmem:s23], [sflag:$0x4], $0x40, s29, s14, $0xb8;
	[tilespmem:$0x1BE00] =	vst v63  }
0x4d: {  	_ =	swait.ge [sflag:s20], $0x2000  }
0x4e: {  	[sflag:s20] =	ssyncset.done $0x0  }
0x4f: {  	s1 =	simm.s32 $0x0;
	[sflag:s20] =	ssyncadd.s32 $0xFFFFE000  }
0x50: {  	[tilespmem:s16], [sflag:$0x2] =	stream.indirect.gather [hbm4b:s4+s14], $0x40, s30, s14, $0xb8;
	[tilespmem:$0x1BE00] =	vst v63  }
.LBB2_2:
0x51: {  	_ =	swait.ge [sflag:s17], $0x2000  }
0x52: {  	s0 =	sshra.s32 s1, $0x2;
	[sflag:s17] =	ssyncset.done $0x0  }
0x53: {  	s18 =	sadd.s32 $0x5200, s0;
	[sflag:s17] =	ssyncadd.s32 $0xFFFFE000  }
0x54: {  	[spmem:s2] =	stream.indirect.scatter.add.f32 [tilespmem:s15], [sflag:$0x1], $0x40, s18, s14, $0xb8;
	[tilespmem:$0x1BE00] =	vst v63  }
0x55: {  	_ =	swait.ge [sflag:s24], $0x2000  }
0x56: {  	[sflag:s24] =	ssyncset.done $0x0  }
0x57: {  	s21 =	sadd.s32 $0x300, s0;
	[sflag:s24] =	ssyncadd.s32 $0xFFFFE000  }
0x58: {  	[tilespmem:s19], [sflag:$0x3] =	stream.indirect.gather [hbm4b:s4+s14], $0x40, s21, s14, $0xb8;
	[tilespmem:$0x1BE00] =	vst v63  }
0x59: {  	_ =	swait.ge [sflag:s20], $0x2000  }
0x5a: {  	[sflag:s20] =	ssyncset.done $0x0  }
0x5b: {  	s21 =	sadd.s32 $0x5280, s0;
	[sflag:s20] =	ssyncadd.s32 $0xFFFFE000  }
0x5c: {  	[spmem:s2] =	stream.indirect.scatter.add.f32 [tilespmem:s16], [sflag:$0x2], $0x40, s21, s14, $0xb8;
	[tilespmem:$0x1BE00] =	vst v63  }
0x5d: {  	_ =	swait.ge [sflag:s28], $0x2000  }
0x5e: {  	[sflag:s28] =	ssyncset.done $0x0  }
0x5f: {  	s21 =	sadd.s32 $0x380, s0;
	[sflag:s28] =	ssyncadd.s32 $0xFFFFE000  }
0x60: {  	[tilespmem:s23], [sflag:$0x4] =	stream.indirect.gather [hbm4b:s4+s14], $0x40, s21, s14, $0xb8;
	[tilespmem:$0x1BE00] =	vst v63  }
0x61: {  	_ =	swait.ge [sflag:s24], $0x2000  }
0x62: {  	p0 =	seq.s32 s1, $0x13000;
	[sflag:s24] =	ssyncset.done $0x0  }
.Ltmp2:
0x63: {  	s21 =	sadd.s32 $0x5300, s0;
	[sflag:s24] =	ssyncadd.s32 $0xFFFFE000;
	(pc) =	sbr.rel @p0 .LBB2_4-.Ltmp2, $4  }
0x64: {  	[spmem:s2] =	stream.indirect.scatter.add.f32 [tilespmem:s19], [sflag:$0x3], $0x40, s21, s14, $0xb8;
	[tilespmem:$0x1BE00] =	vst v63  }
0x65: {  	_ =	swait.ge [sflag:s17], $0x2000  }
0x66: {  	[sflag:s17] =	ssyncset.done $0x0  }
0x67: {  	s18 =	sadd.s32 $0x5380, s0;
	[sflag:s17] =	ssyncadd.s32 $0xFFFFE000  }
0x68: {  	s21 =	sadd.s32 $0x400, s0  }
0x69: {  	[tilespmem:s15], [sflag:$0x1] =	stream.indirect.gather [hbm4b:s4+s14], $0x40, s21, s14, $0xb8;
	[tilespmem:$0x1BE00] =	vst v63  }
0x6a: {  	_ =	swait.ge [sflag:s28], $0x2000  }
0x6b: {  	[sflag:s28] =	ssyncset.done $0x0  }
0x6c: {  	[sflag:s28] =	ssyncadd.s32 $0xFFFFE000  }
0x6d: {  	[spmem:s2] =	stream.indirect.scatter.add.f32 [tilespmem:s23], [sflag:$0x4], $0x40, s18, s14, $0xb8;
	[tilespmem:$0x1BE00] =	vst v63  }
.Ltmp3:
0x6e: {  	_ = 	snop;
	(pc) =	sbr.rel .LBB2_2-.Ltmp3, $4  }
0x6f: {  	_ =	swait.ge [sflag:s20], $0x2000  }
0x70: {  	[sflag:s20] =	ssyncset.done $0x0  }
0x71: {  	s1 =	sadd.s32 $0x800, s1;
	s21 =	sadd.s32 $0x480, s0;
	[sflag:s20] =	ssyncadd.s32 $0xFFFFE000  }
0x72: {  	[tilespmem:s16], [sflag:$0x2] =	stream.indirect.gather [hbm4b:s4+s14], $0x40, s21, s14, $0xb8;
	[tilespmem:$0x1BE00] =	vst v63  }
.LBB2_5:
0x73: {  	_ =	sfence.sel $0x180000  }
0x74: {  	[bflag:$0x0] =	sbarrier.arrive $0xFFFF  }
0x75: {  	_ =	strace $0x9000004A  }
0x76: {  	s0 =	stileid.u32;
	[bflag:$0x2] =	sbarrier.arrive $0xFFFF  }
0x77: {  	p0 =	sne.s32 s0, $0x0;
	s0 =	rddreg [dreg:$0x2]  }
0x78: {  	s0 =	sadd.s32 @!p0 $0x100000, s0  }
0x79: {  	[sflag:s0] =	ssyncadd.tile.s32 @!p0 $0x1;
	_ =	shalt  }
.Lfunc_end2:
_tile_overlayer_lowered:
.L_overlay_start_2:
0x7a: {  	(tag) =	ssettag $0x2  }
0x7b: {  	s0 =	rddreg [dreg:$0x0];
	s2 =	stileid.u32  }
0x7c: {  	s1 =	rddreg [dreg:$0x1];
	p0 =	sne.s32 s2, $0x0  }
0x7d: {  	s3 =	rddreg [dreg:$0x2];
	[bflag:$0x3] =	sbarrier.arrive $0xFFFF;
	s2 =	simm.s32 @!p0 $0x1C05  }
0x7e: {  	[timem:s3], [sflag:s2] =	dma.local @!p0 [hbm:s0], s1  }
0x7f: {  	s0 =	simm.s32 @!p0 $0x5  }
0x80: {  	_ =	swait.ge @!p0 [sflag:s0], s1  }
0x81: {  	s1 =	ssub.s32 @!p0 $0x0, s1;
	[sflag:s0] =	ssyncset.done @!p0 $0x0  }
0x82: {  	[sflag:s0] =	ssyncadd.s32 @!p0 s1  }
0x83: {  	[bflag:$0x3] =	sbarrier.arrive $0xFFFF  }
0x84: {  	_ =	shalt  }

// kernel: kernel.17.cloned.1.call-start
scs
__scs_entry_jumppad:
0x0: {  	(pc) =	sbr.rel $0x88, $3  }
0x1: {  	(tag) =	ssettag $0x0;
	lr =	simm.s32 $0x1  }
0x2: {  	[smem:$0x3F94] =	sst lr;
	_ =	strace $0xD0000000  }
0x3: {  	_ = 	snop  }
0x4: {  	_ = 	snop  }
0x5: {  	_ = 	snop  }
0x6: {  	_ = 	snop  }
0x7: {  	_ = 	snop  }
__scs_overlays_trampoline_lowered:
0x8: {  	[smem:$0x3FA3] =	sst s0  }
0x9: {  	[smem:$0x3FA4] =	sst s1  }
0xa: {  	[smem:$0x3FA5] =	sst s2  }
0xb: {  	[smem:$0x3FA6] =	sst s3  }
0xc: {  	[smem:$0x3FA7] =	sst s4  }
0xd: {  	[smem:$0x3FA8] =	sst s5  }
0xe: {  	[smem:$0x3FA9] =	sst s6  }
0xf: {  	[smem:$0x3FAA] =	sst s7  }
0x10: {  	[smem:$0x3FAB] =	sst s8  }
0x11: {  	[smem:$0x3FAC] =	sst s9;
	s0 =	simm.s32 @!p0 $0x0  }
0x12: {  	s1 =	sld [smem:$0x3F92];
	s0 =	simm.s32 @p0 $0x1  }
0x13: {  	[smem:$0x3FAD] =	sst s0;
	s0 =	simm.s32 @!p1 $0x0  }
0x14: {  	s2 =	sld [smem:$0x3F91];
	s0 =	simm.s32 @p1 $0x1  }
0x15: {  	[smem:$0x3FAE] =	sst s0;
	s0 =	simm.s32 @!p2 $0x0  }
0x16: {  	s3 =	sld [smem:$0x3FDB];
	s0 =	simm.s32 @p2 $0x1  }
0x17: {  	s4 =	simm.s32 $0x1BF5;
	[smem:$0x3FB0] =	sst s0  }
0x18: {  	s0 =	sld [smem:$0x3F93];
	_ =	swait.ge [sflag:s4], $0x0  }
0x19: {  	s7 =	sld [smem:$0x3F94]  }
0x1a: {  	s8 =	sadd.s32 $0xFFFFE003, lr  }
0x1b: {  	s9 =	sadd.s32 $0xFFFFFEF7, lr;
	s5 =	simm.s32 $0xFFFFFFFF;
	p2 =	slt.u32 s8, $0xFFFFF086  }
0x1c: {  	p1 =	slt.u32 s9, $0xF7A;
	s5 =	simm.s32 @!p2 $0x0  }
0x1d: {  	s5 =	simm.s32 @p1 $0x1;
	p0 =	seq.s32 s7, s2  }
0x1e: {  	s7 =	smul.u32 @!p0 $0xF7A, s2;
	p2 =	seq.s32 @!p0 s5, $0x0  }
0x1f: {  	s9 =	smul.u32 $0xF7A, s1;
	s8 =	simm.s32 @!p0 $0x1BF5;
	p2 =	por !p2, p0  }
0x20: {  	[sflag:s8] =	ssyncset.s32 @!p0 $0xFFFFF086;
	s6 =	sadd.s32 @!p0 s3, s7;
	s7 =	simm.s32 @!p0 $0x108  }
0x21: {  	s3 =	sadd.s32 s3, s9;
	s6 =	sadd.s32 @!p0 $0x88, s6;
	s7 =	simm.s32 @p2 $0x1082  }
0x22: {  	[simem:s7], [sflag:s8] =	dma.local @!p0 [hbm:s6], $0xF7A  }
0x23: {  	s9 =	sor.u32 $0xD0000000, s2;
	s6 =	simm.s32 $0x108;
	_ =	swait.ge @!p0 [sflag:s8], $0x0  }
0x24: {  	s3 =	sadd.s32 $0x88, s3;
	s6 =	simm.s32 @!p1 $0x1082;
	[sflag:s4] =	ssyncset.s32 $0xFFFFF086  }
0x25: {  	[simem:s6], [sflag:s4] =	dma.local [hbm:s3], $0xF7A  }
0x26: {  	[smem:$0x3F94] =	sst s1;
	(tag) =	ssettag s2;
	_ =	strace s9  }
0x27: {  	s1 =	sld [smem:$0x3FA4]  }
0x28: {  	s2 =	sld [smem:$0x3FA5]  }
0x29: {  	s4 =	sld [smem:$0x3FA7]  }
0x2a: {  	p0 =	seq.s32 s5, $0x0;
	s5 =	sld [smem:$0x3FA8]  }
0x2b: {  	s6 =	sld [smem:$0x3FA9]  }
0x2c: {  	s7 =	sld [smem:$0x3FAA]  }
0x2d: {  	s3 =	simm.s32 $0x108;
	s8 =	sld [smem:$0x3FAB]  }
0x2e: {  	s3 =	simm.s32 @!p0 $0x1082;
	s9 =	sld [smem:$0x3FAC]  }
0x2f: {  	lr =	sadd.s32 s0, s3;
	s0 =	sld [smem:$0x3FA3]  }
0x30: {  	s3 =	sld [smem:$0x3FA6]  }
0x31: {  	[smem:$0x3FAF] =	sst s10  }
0x32: {  	s10 =	sld [smem:$0x3FAD];
	_ =	sdelay $0x3  }
0x33: {  	p0 =	seq.s32 s10, $0x1;
	s10 =	sld [smem:$0x3FAF];
	_ =	sdelay $0x3  }
0x34: {  	[smem:$0x3FAF] =	sst s10  }
0x35: {  	s10 =	sld [smem:$0x3FAE];
	_ =	sdelay $0x3  }
0x36: {  	p1 =	seq.s32 s10, $0x1;
	s10 =	sld [smem:$0x3FAF];
	_ =	sdelay $0x3  }
0x37: {  	[smem:$0x3FAF] =	sst s10  }
0x38: {  	s10 =	sld [smem:$0x3FB0]  }
0x39: {  	_ = 	snop;
	(pc) =	sbr.ind lr, $3  }
0x3a: {  	_ = 	snop  }
0x3b: {  	_ = 	snop  }
0x3c: {  	p2 =	seq.s32 s10, $0x1;
	s10 =	sld [smem:$0x3FAF]  }
0x3d: {  	_ =	shalt  }
0x3e: {  	_ =	shalt  }
0x3f: {  	_ =	shalt  }
0x40: {  	_ =	shalt  }
0x41: {  	_ =	shalt  }
0x42: {  	_ =	shalt  }
0x43: {  	_ =	shalt  }
0x44: {  	_ =	shalt  }
0x45: {  	_ =	shalt  }
0x46: {  	_ =	shalt  }
0x47: {  	_ =	shalt  }
0x48: {  	_ =	shalt  }
0x49: {  	_ =	shalt  }
0x4a: {  	_ =	shalt  }
0x4b: {  	_ =	shalt  }
0x4c: {  	_ =	shalt  }
0x4d: {  	_ =	shalt  }
0x4e: {  	_ =	shalt  }
0x4f: {  	_ =	shalt  }
0x50: {  	_ =	shalt  }
0x51: {  	_ =	shalt  }
0x52: {  	_ =	shalt  }
0x53: {  	_ =	shalt  }
0x54: {  	_ =	shalt  }
0x55: {  	_ =	shalt  }
0x56: {  	_ =	shalt  }
0x57: {  	_ =	shalt  }
0x58: {  	_ =	shalt  }
0x59: {  	_ =	shalt  }
0x5a: {  	_ =	shalt  }
0x5b: {  	_ =	shalt  }
0x5c: {  	_ =	shalt  }
0x5d: {  	_ =	shalt  }
0x5e: {  	_ =	shalt  }
0x5f: {  	_ =	shalt  }
0x60: {  	_ =	shalt  }
0x61: {  	_ =	shalt  }
0x62: {  	_ =	shalt  }
0x63: {  	_ =	shalt  }
0x64: {  	_ =	shalt  }
0x65: {  	_ =	shalt  }
0x66: {  	_ =	shalt  }
0x67: {  	_ =	shalt  }
0x68: {  	_ =	shalt  }
0x69: {  	_ =	shalt  }
0x6a: {  	_ =	shalt  }
0x6b: {  	_ =	shalt  }
0x6c: {  	_ =	shalt  }
0x6d: {  	_ =	shalt  }
0x6e: {  	_ =	shalt  }
0x6f: {  	_ =	shalt  }
0x70: {  	_ =	shalt  }
0x71: {  	_ =	shalt  }
0x72: {  	_ =	shalt  }
0x73: {  	_ =	shalt  }
0x74: {  	_ =	shalt  }
0x75: {  	_ =	shalt  }
0x76: {  	_ =	shalt  }
0x77: {  	_ =	shalt  }
0x78: {  	_ =	shalt  }
0x79: {  	_ =	shalt  }
0x7a: {  	_ =	shalt  }
0x7b: {  	_ =	shalt  }
0x7c: {  	_ =	shalt  }
0x7d: {  	_ =	shalt  }
0x7e: {  	_ =	shalt  }
0x7f: {  	_ =	shalt  }
0x80: {  	_ =	shalt  }
0x81: {  	_ =	shalt  }
0x82: {  	_ =	shalt  }
0x83: {  	_ =	shalt  }
0x84: {  	_ =	shalt  }
0x85: {  	_ =	shalt  }
0x86: {  	_ =	shalt  }
0x87: {  	_ =	shalt  }
.Lfunc_end0:
.L_simem_size_0:
called_computation.2_lowered:
.L_overlay_start_0:
0x88: {  	s2 =	sld [smem:$0x3FD9]  }
0x89: {  	s3 =	sld [smem:$0x3FFE];
	_ =	sdelay $0x1  }
0x8a: {  	s1 =	srdreg.scid  }
0x8b: {  	s0 =	sand.u32 $0x1, s1  }
0x8c: {  	s16 =	sshll.u32 s0, $0xA;
	s2 =	sadd.s32 s3, s2  }
0x8d: {  	s2 =	sadd.s32 s2, s16  }
0x8e: {  	[smem:$0x3FBB] =	sst s2  }
0x8f: {  	_ = 	snop  }
0x90: {  	(tm) =	ssettm $0x1  }
0x91: {  	s17 =	sld [smem:$0x3FFB];
	_ =	sdelay $0x3  }
0x92: {  	_ =	strace s17  }
0x93: {  	s2 =	sld [smem:$0x3FFC];
	_ =	sdelay $0x3  }
0x94: {  	_ =	strace s2  }
0x95: {  	s2 =	sld [smem:$0x3FFD];
	_ =	sdelay $0x3  }
0x96: {  	_ =	strace s2  }
0x97: {  	_ =	strace $0x8FFFFFFF  }
0x98: {  	s18 =	sld [smem:$0x3FDB];
	_ =	sdelay $0x1  }
0x99: {  	s19 =	simm.s32 $_scs_section_size  }
0x9a: {  	s4 =	simm.s32 $_size__tile_overlayer_lowered;
	s5 =	simm.s32 $_tile_overlayer_lowered  }
0x9b: {  	s22 =	simm.s32 $0x1BFF;
	s21 =	sshll.u32 s5, $0x1;
	s2 =	sadd.s32 s19, s18  }
0x9c: {  	s6 =	simm.s32 $0x0;
	s20 =	sshll.u32 s4, $0x1;
	s4 =	sadd.s32 s21, s2  }
0x9d: {  	[timem:s6], [sflag:s22] =	dma.local [hbm:s4], s20  }
0x9e: {  	_ =	swait.ge [sflag:s22], s20  }
0x9f: {  	s3 =	ssub.s32 $0x0, s20;
	[sflag:s22] =	ssyncset.done $0x0  }
0xa0: {  	[sflag:s22] =	ssyncadd.s32 s3;
	_ =	sdelay $0x1  }
0xa1: {  	s23 =	simm.s32 $0x1B8B  }
0xa2: {  	_ =	swait.ge [sflag:s23], $0x1  }
0xa3: {  	[sflag:s23] =	ssyncset.done $0x0  }
0xa4: {  	s25 =	simm.s32 $0x1B8E;
	s24 =	sld [smem:$0x3FFE];
	[sflag:s23] =	ssyncadd.s32 $0xFFFFFFFF  }
0xa5: {  	s26 =	simm.s32 $execute0_lowered;
	[smem:$0x3FD2] =	sst s25  }
0xa6: {  	s4 =	sshll.u32 s26, $0x1;
	_ =	strace $0x8000004C;
	[dreg:$0x1] =	wrdreg $0xFFFFFFFF  }
0xa7: {  	s28 =	simm.s32 $_size_execute0_lowered;
	s2 =	sadd.s32 s2, s4;
	[dreg:$0x0] =	wrdreg $0x0  }
0xa8: {  	s4 =	sshll.u32 s28, $0x1;
	[dreg:$0x2] =	wrdreg s2  }
0xa9: {  	[dreg:$0x3] =	wrdreg s4  }
0xaa: {  	[dreg:$0x4] =	wrdreg $0xC0  }
0xab: {  	_ =	task [dreg:s6], $0x5FFFF  }
0xac: {  	[dreg:$0x1] =	wrdreg $0xFFFFFFFF  }
0xad: {  	[dreg:$0x0] =	wrdreg $0x60  }
0xae: {  	[dreg:$0x2] =	wrdreg s24  }
0xaf: {  	[dreg:$0x3] =	wrdreg $0x120000  }
0xb0: {  	[dreg:$0x4] =	wrdreg $0x9  }
0xb1: {  	_ =	task.clear_ibuf [dreg:s6], $0x5FFFF;
	_ =	strace $0x9000004C  }
0xb2: {  	s29 =	simm.s32 $0x9;
	_ =	strace $0x8000004E  }
0xb3: {  	_ =	swait.ge [sflag:s29], $0x1  }
0xb4: {  	[sflag:s29] =	ssyncadd.s32 $0xFFFFFFFF  }
0xb5: {  	_ =	strace $0x9000004E  }
0xb6: {  	_ =	sfence  }
0xb7: {  	s30 =	sld [smem:$0x0];
	_ =	sdelay $0x2  }
0xb8: {  	s31 =	sshll.u32 s1, $0xD;
	s1 =	sshrl.u32 s1, $0x2  }
0xb9: {  	s3 =	sand.u32 $0x4000, s31;
	s1 =	sadd.s32 s1, s30  }
0xba: {  	s0 =	sor.u32 s3, s0;
	s1 =	sshll.u32 s1, $0x11  }
0xbb: {  	s0 =	sor.u32 s1, s0  }
0xbc: {  	s0 =	sadd.s32 $0x8F2B, s0  }
0xbd: {  	[sflag:s0] =	ssyncadd.remote.s32 $0x1  }
0xbe: {  	_ =	sfence.sel $0xFFFF  }
0xbf: {  	[dreg:$0x0] =	wrdreg $0xFFFFFFFF;
	(pc) =	sbr.abs _section_cstart, $3  }
0xc0: {  	[dreg:$0x1] =	wrdreg $0xFFFFFFFF  }
0xc1: {  	_ =	task.clear_ibuf [dreg:s6], $0x2FFFF;
	_ =	strace $0x9FFFFFFF  }
0xc2: {  	(tm) =	ssettm $0x7FFFFFFF  }
0xc3: {  	_ =	shalt  }
tec
execute0_lowered:
.L_overlay_start_1:
0x0: {  	(tag) =	ssettag $0x1  }
0x1: {  	s0 =	srdreg.scid  }
0x2: {  	s11 =	stileid.u32;
	s1 =	rddreg [dreg:$0x0]  }
0x3: {  	s2 =	rddreg [dreg:$0x1];
	s3 =	simm.s32 $0x0;
	s14 =	simm.s32 $0x80  }
0x4: {  	s15 =	simm.s32 $0xA000;
	s16 =	simm.s32 $0xC000;
	s17 =	simm.s32 $0x1  }
0x5: {  	s19 =	simm.s32 $0xE000;
	s20 =	simm.s32 $0x2;
	s22 =	simm.s32 $0x180  }
0x6: {  	s23 =	simm.s32 $0x10000;
	s24 =	simm.s32 $0x3;
	s25 =	simm.s32 $0x5100  }
0x7: {  	s28 =	simm.s32 $0x4;
	s29 =	simm.s32 $0x5180;
	s5 =	smul.u32 $0x5000, s11  }
0x8: {  	s30 =	simm.s32 $0x280;
	s0 =	sand.u32 $0x1, s0;
	s8 =	smul.u32 $0x9E00, s11  }
0x9: {  	s31 =	simm.s32 $0x0;
	[smem:$0x7FF] =	sst s3;
	s4 =	smul.u32 $0x50000, s0  }
0xa: {  	s26 =	sshll.u32 s11, $0x6;
	s11 =	simm.s32 $0x5000;
	s7 =	smul.u32 $0x9E000, s0  }
0xb: {  	_ =	strace $0x8000004D;
	s0 =	ssub.s32 $0x2, s0;
	s12 =	sor.u32 $0x1C05, s26  }
0xc: {  	s26 =	simm.s32 $0x200;
	s10 =	sshrl.u32 s0, $0x1;
	s13 =	sadd.s32 s8, s2  }
0xd: {  	s4 =	sadd.s32 s5, s4;
	s5 =	sshrl.u32 s5, $0x3;
	s7 =	sadd.s32 s8, s7  }
.Ltmp0:
0xe: {  	s0 =	ssub.s32 s0, s10;
	s10 =	simm.s32 $0x5;
	(pc) =	sbr.rel .LBB2_1-.Ltmp0, $4  }
0xf: {  	s13 =	sshrl.u32 s13, $0x3;
	s6 =	sshrl.u32 s4, $0x3;
	s4 =	sadd.s32 $0xC3600, s1  }
0x10: {  	s9 =	sadd.s32 s5, s1;
	s7 =	sshrl.u32 s7, $0x3;
	s5 =	sadd.s32 $0xC2200, s1  }
0x11: {  	s6 =	sadd.s32 s6, s1;
	s1 =	sadd.s32 s7, s1;
	s7 =	sadd.s32 $0x6A00, s9  }
0x12: {  	s9 =	smax.u32 s0, $0x1;
	s6 =	sadd.s32 $0x11A00, s6;
	s8 =	sadd.s32 $0x112000, s1  }
.LBB2_4:
0x13: {  	_ =	swait.ge [sflag:s28], $0x2000  }
0x14: {  	[sflag:s28] =	ssyncset.done $0x0  }
0x15: {  	[sflag:s28] =	ssyncadd.s32 $0xFFFFE000  }
0x16: {  	[spmem:s2] =	stream.indirect.scatter.add.f32 [tilespmem:s23], [sflag:$0x4], $0x40, s18, s14, $0xb8;
	[tilespmem:$0x1BE00] =	vst v63  }
0x17: {  	_ =	swait.ge [sflag:s20], $0x2000  }
0x18: {  	[sflag:s20] =	ssyncset.done $0x0  }
0x19: {  	[sflag:s20] =	ssyncadd.s32 $0xFFFFE000  }
0x1a: {  	_ =	swait.ge [sflag:s24], $0x2000  }
0x1b: {  	[sflag:s24] =	ssyncset.done $0x0  }
0x1c: {  	[sflag:s24] =	ssyncadd.s32 $0xFFFFE000  }
0x1d: {  	_ =	swait.ge [sflag:s28], $0x2000  }
0x1e: {  	s31 =	sadd.s32 $0x1, s31;
	[sflag:s28] =	ssyncset.done $0x0  }
0x1f: {  	p0 =	sne.s32 s31, s9;
	[sflag:s28] =	ssyncadd.s32 $0xFFFFE000  }
.Ltmp1:
0x20: {  	[bflag:$0x0] =	sbarrier.arrive $0xFFFF;
	(pc) =	sbr.rel @!p0 .LBB2_5-.Ltmp1, $4  }
0x21: {  	[hbm:s8], [sflag:s12] =	dma.local [spmem:s13], $0x13C0  }
0x22: {  	_ =	swait.ge [sflag:s10], $0x13C0  }
0x23: {  	[sflag:s10] =	ssyncset.done $0x0  }
0x24: {  	[sflag:s10] =	ssyncadd.s32 $0xFFFFEC40  }
.LBB2_1:
0x25: {  	[tilespmem:s3], [sflag:$0x5] =	stream.linear.gather [hbm4b:s6+s3], $0x5000, $0x38;
	[tilespmem:$0x1BE00] =	vst v63  }
0x26: {  	_ =	swait.ge [sflag:s10], $0x5000  }
0x27: {  	[sflag:s10] =	ssyncset.done $0x0  }
0x28: {  	[sflag:s10] =	ssyncadd.s32 $0xFFFFB000  }
0x29: {  	[tilespmem:s11], [sflag:$0x5] =	stream.linear.gather [hbm4b:s7+s3], $0x5000, $0x38;
	[tilespmem:$0x1BE00] =	vst v63  }
0x2a: {  	_ =	swait.ge [sflag:s10], $0x5000  }
0x2b: {  	[sflag:s10] =	ssyncset.done $0x0  }
0x2c: {  	[sflag:s10] =	ssyncadd.s32 $0xFFFFB000  }
0x2d: {  	[spmem:s13], [sflag:s12] =	dma.local [hbm:s5], $0x13C0  }
0x2e: {  	_ =	swait.ge [sflag:s10], $0x13C0  }
0x2f: {  	[sflag:s10] =	ssyncset.done $0x0  }
0x30: {  	[sflag:s10] =	ssyncadd.s32 $0xFFFFEC40  }
0x31: {  	[bflag:$0x0] =	sbarrier.arrive $0xFFFF  }
0x32: {  	[tilespmem:s15], [sflag:$0x1] =	stream.indirect.gather [hbm4b:s4+s14], $0x40, s3, s14, $0xb8;
	[tilespmem:$0x1BE00] =	vst v63  }
0x33: {  	_ = 	snop  }
0x34: {  	[tilespmem:s16], [sflag:$0x2] =	stream.indirect.gather [hbm4b:s4+s14], $0x40, s14, s14, $0xb8;
	[tilespmem:$0x1BE00] =	vst v63  }
0x35: {  	_ =	swait.ge [sflag:s17], $0x2000  }
0x36: {  	[sflag:s17] =	ssyncset.done $0x0  }
0x37: {  	[sflag:s17] =	ssyncadd.s32 $0xFFFFE000  }
0x38: {  	[spmem:s2] =	stream.indirect.scatter.add.f32 [tilespmem:s15], [sflag:$0x1], $0x40, s11, s14, $0xb8;
	[tilespmem:$0x1BE00] =	vst v63  }
0x39: {  	s0 =	simm.s32 $0x100  }
0x3a: {  	[tilespmem:s19], [sflag:$0x3] =	stream.indirect.gather [hbm4b:s4+s14], $0x40, s0, s14, $0xb8;
	[tilespmem:$0x1BE00] =	vst v63  }
0x3b: {  	_ =	swait.ge [sflag:s20], $0x2000  }
0x3c: {  	[sflag:s20] =	ssyncset.done $0x0  }
0x3d: {  	s21 =	simm.s32 $0x5080;
	[sflag:s20] =	ssyncadd.s32 $0xFFFFE000  }
0x3e: {  	[spmem:s2] =	stream.indirect.scatter.add.f32 [tilespmem:s16], [sflag:$0x2], $0x40, s21, s14, $0xb8;
	[tilespmem:$0x1BE00] =	vst v63  }
0x3f: {  	_ = 	snop  }
0x40: {  	[tilespmem:s23], [sflag:$0x4] =	stream.indirect.gather [hbm4b:s4+s14], $0x40, s22, s14, $0xb8;
	[tilespmem:$0x1BE00] =	vst v63  }
0x41: {  	_ =	swait.ge [sflag:s24], $0x2000  }
0x42: {  	[sflag:s24] =	ssyncset.done $0x0  }
0x43: {  	[sflag:s24] =	ssyncadd.s32 $0xFFFFE000  }
0x44: {  	[spmem:s2] =	stream.indirect.scatter.add.f32 [tilespmem:s19], [sflag:$0x3], $0x40, s25, s14, $0xb8;
	[tilespmem:$0x1BE00] =	vst v63  }
0x45: {  	_ =	swait.ge [sflag:s17], $0x2000  }
0x46: {  	[sflag:s17] =	ssyncset.done $0x0  }
0x47: {  	[sflag:s17] =	ssyncadd.s32 $0xFFFFE000  }
0x48: {  	[tilespmem:s15], [sflag:$0x1] =	stream.indirect.gather [hbm4b:s4+s14], $0x40, s26, s14, $0xb8;
	[tilespmem:$0x1BE00] =	vst v63  }
0x49: {  	_ =	swait.ge [sflag:s28], $0x2000  }
0x4a: {  	[sflag:s28] =	ssyncset.done $0x0  }
0x4b: {  	[sflag:s28] =	ssyncadd.s32 $0xFFFFE000  }
0x4c: {  	[spmem:s2] =	stream.indirect.scatter.add.f32 [tilespmem:s23], [sflag:$0x4], $0x40, s29, s14, $0xb8;
	[tilespmem:$0x1BE00] =	vst v63  }
0x4d: {  	_ =	swait.ge [sflag:s20], $0x2000  }
0x4e: {  	[sflag:s20] =	ssyncset.done $0x0  }
0x4f: {  	s1 =	simm.s32 $0x0;
	[sflag:s20] =	ssyncadd.s32 $0xFFFFE000  }
0x50: {  	[tilespmem:s16], [sflag:$0x2] =	stream.indirect.gather [hbm4b:s4+s14], $0x40, s30, s14, $0xb8;
	[tilespmem:$0x1BE00] =	vst v63  }
.LBB2_2:
0x51: {  	_ =	swait.ge [sflag:s17], $0x2000  }
0x52: {  	s0 =	sshra.s32 s1, $0x2;
	[sflag:s17] =	ssyncset.done $0x0  }
0x53: {  	s18 =	sadd.s32 $0x5200, s0;
	[sflag:s17] =	ssyncadd.s32 $0xFFFFE000  }
0x54: {  	[spmem:s2] =	stream.indirect.scatter.add.f32 [tilespmem:s15], [sflag:$0x1], $0x40, s18, s14, $0xb8;
	[tilespmem:$0x1BE00] =	vst v63  }
0x55: {  	_ =	swait.ge [sflag:s24], $0x2000  }
0x56: {  	[sflag:s24] =	ssyncset.done $0x0  }
0x57: {  	s21 =	sadd.s32 $0x300, s0;
	[sflag:s24] =	ssyncadd.s32 $0xFFFFE000  }
0x58: {  	[tilespmem:s19], [sflag:$0x3] =	stream.indirect.gather [hbm4b:s4+s14], $0x40, s21, s14, $0xb8;
	[tilespmem:$0x1BE00] =	vst v63  }
0x59: {  	_ =	swait.ge [sflag:s20], $0x2000  }
0x5a: {  	[sflag:s20] =	ssyncset.done $0x0  }
0x5b: {  	s21 =	sadd.s32 $0x5280, s0;
	[sflag:s20] =	ssyncadd.s32 $0xFFFFE000  }
0x5c: {  	[spmem:s2] =	stream.indirect.scatter.add.f32 [tilespmem:s16], [sflag:$0x2], $0x40, s21, s14, $0xb8;
	[tilespmem:$0x1BE00] =	vst v63  }
0x5d: {  	_ =	swait.ge [sflag:s28], $0x2000  }
0x5e: {  	[sflag:s28] =	ssyncset.done $0x0  }
0x5f: {  	s21 =	sadd.s32 $0x380, s0;
	[sflag:s28] =	ssyncadd.s32 $0xFFFFE000  }
0x60: {  	[tilespmem:s23], [sflag:$0x4] =	stream.indirect.gather [hbm4b:s4+s14], $0x40, s21, s14, $0xb8;
	[tilespmem:$0x1BE00] =	vst v63  }
0x61: {  	_ =	swait.ge [sflag:s24], $0x2000  }
0x62: {  	p0 =	seq.s32 s1, $0x13000;
	[sflag:s24] =	ssyncset.done $0x0  }
.Ltmp2:
0x63: {  	s21 =	sadd.s32 $0x5300, s0;
	[sflag:s24] =	ssyncadd.s32 $0xFFFFE000;
	(pc) =	sbr.rel @p0 .LBB2_4-.Ltmp2, $4  }
0x64: {  	[spmem:s2] =	stream.indirect.scatter.add.f32 [tilespmem:s19], [sflag:$0x3], $0x40, s21, s14, $0xb8;
	[tilespmem:$0x1BE00] =	vst v63  }
0x65: {  	_ =	swait.ge [sflag:s17], $0x2000  }
0x66: {  	[sflag:s17] =	ssyncset.done $0x0  }
0x67: {  	s18 =	sadd.s32 $0x5380, s0;
	[sflag:s17] =	ssyncadd.s32 $0xFFFFE000  }
0x68: {  	s21 =	sadd.s32 $0x400, s0  }
0x69: {  	[tilespmem:s15], [sflag:$0x1] =	stream.indirect.gather [hbm4b:s4+s14], $0x40, s21, s14, $0xb8;
	[tilespmem:$0x1BE00] =	vst v63  }
0x6a: {  	_ =	swait.ge [sflag:s28], $0x2000  }
0x6b: {  	[sflag:s28] =	ssyncset.done $0x0  }
0x6c: {  	[sflag:s28] =	ssyncadd.s32 $0xFFFFE000  }
0x6d: {  	[spmem:s2] =	stream.indirect.scatter.add.f32 [tilespmem:s23], [sflag:$0x4], $0x40, s18, s14, $0xb8;
	[tilespmem:$0x1BE00] =	vst v63  }
.Ltmp3:
0x6e: {  	_ = 	snop;
	(pc) =	sbr.rel .LBB2_2-.Ltmp3, $4  }
0x6f: {  	_ =	swait.ge [sflag:s20], $0x2000  }
0x70: {  	[sflag:s20] =	ssyncset.done $0x0  }
0x71: {  	s1 =	sadd.s32 $0x800, s1;
	s21 =	sadd.s32 $0x480, s0;
	[sflag:s20] =	ssyncadd.s32 $0xFFFFE000  }
0x72: {  	[tilespmem:s16], [sflag:$0x2] =	stream.indirect.gather [hbm4b:s4+s14], $0x40, s21, s14, $0xb8;
	[tilespmem:$0x1BE00] =	vst v63  }
.LBB2_5:
0x73: {  	_ =	sfence.sel $0x180000  }
0x74: {  	[bflag:$0x0] =	sbarrier.arrive $0xFFFF  }
0x75: {  	_ =	strace $0x9000004D  }
0x76: {  	s0 =	stileid.u32;
	[bflag:$0x2] =	sbarrier.arrive $0xFFFF  }
0x77: {  	p0 =	sne.s32 s0, $0x0;
	s0 =	rddreg [dreg:$0x2]  }
0x78: {  	s0 =	sadd.s32 @!p0 $0x100000, s0  }
0x79: {  	[sflag:s0] =	ssyncadd.tile.s32 @!p0 $0x1;
	_ =	shalt  }
.Lfunc_end2:
_tile_overlayer_lowered:
.L_overlay_start_2:
0x7a: {  	(tag) =	ssettag $0x2  }
0x7b: {  	s0 =	rddreg [dreg:$0x0];
	s2 =	stileid.u32  }
0x7c: {  	s1 =	rddreg [dreg:$0x1];
	p0 =	sne.s32 s2, $0x0  }
0x7d: {  	s3 =	rddreg [dreg:$0x2];
	[bflag:$0x3] =	sbarrier.arrive $0xFFFF;
	s2 =	simm.s32 @!p0 $0x1C05  }
0x7e: {  	[timem:s3], [sflag:s2] =	dma.local @!p0 [hbm:s0], s1  }
0x7f: {  	s0 =	simm.s32 @!p0 $0x5  }
0x80: {  	_ =	swait.ge @!p0 [sflag:s0], s1  }
0x81: {  	s1 =	ssub.s32 @!p0 $0x0, s1;
	[sflag:s0] =	ssyncset.done @!p0 $0x0  }
0x82: {  	[sflag:s0] =	ssyncadd.s32 @!p0 s1  }
0x83: {  	[bflag:$0x3] =	sbarrier.arrive $0xFFFF  }
0x84: {  	_ =	shalt  }

</sc_bundles>
